<compile_context>
chip_gen: v7x
topology: tpu7x:2x2x1
jax: 0.10.2.dev20260603
libtpu: 0.0.44.dev20260713+nightly
codegen_flags: <defaults>
</compile_context>

<pallas_src>
import functools

import jax
import jax.numpy as jnp
from jax import lax
from jax.experimental import pallas as pl
from jax.experimental.pallas import tpu as pltpu, tpu_sc as plsc


def _leaky(x):
    return jnp.where(x > 0, x, 0.2 * x)


def _rowdot(a, b):
    return jax.lax.dot_general(a, b, (((1,), (1,)), ((), ())),
                               preferred_element_type=jnp.float32)


def _mm(a, b):
    return jnp.dot(a, b, preferred_element_type=jnp.float32)


def _split3(x):
    h1 = x.astype(jnp.bfloat16).astype(jnp.float32)
    r = x - h1
    h2 = r.astype(jnp.bfloat16).astype(jnp.float32)
    h3 = r - h2
    return h1, h2, h3


def _tree3(p0, p1, p2):
    return (p0 + p2) + p1


def _norm3(x):
    return _tree3(x[:, 0:1] * x[:, 0:1], x[:, 1:2] * x[:, 1:2],
                  x[:, 2:3] * x[:, 2:3])


def _lfa_tile(qxyz, rxyz, ftrans, Wn, bn, Wan, ba, k, cdim):
    tq = qxyz.shape[0]
    n = rxyz.shape[0]
    q2 = _norm3(qxyz)
    r2 = _norm3(rxyz)
    d = (q2 - 2.0 * _rowdot(qxyz, rxyz)) + r2.reshape(1, n)
    fp = _split3(ftrans)
    xp = _split3(rxyz)
    tab = jnp.concatenate(list(fp) + list(xp), axis=1).astype(jnp.bfloat16)
    xb = 3 * cdim
    col = jax.lax.broadcasted_iota(jnp.int32, (tq, n), 1)
    acc = jnp.full((tq, cdim), -jnp.inf, jnp.float32)
    for _ in range(k):
        m = jnp.min(d, axis=1, keepdims=True)
        cand = jnp.where(d == m, col, n)
        sel = jnp.min(cand, axis=1, keepdims=True)
        hit = col == sel
        onehot = hit.astype(jnp.bfloat16)
        d = jnp.where(hit, jnp.inf, d)
        g = jnp.dot(onehot, tab, preferred_element_type=jnp.float32)
        h = (g[:, :cdim] + g[:, cdim:2 * cdim]) + g[:, 2 * cdim:xb]
        nbr = (g[:, xb:xb + 3] + g[:, xb + 3:xb + 6]) + g[:, xb + 6:xb + 9]
        rel = nbr - qxyz
        dist = jnp.sqrt(_tree3(rel[:, 0:1] * rel[:, 0:1],
                               rel[:, 1:2] * rel[:, 1:2],
                               rel[:, 2:3] * rel[:, 2:3]) + 1e-12)
        geo = jnp.concatenate([rel, dist, qxyz, nbr], axis=1)
        nf = _leaky(_mm(geo, Wn) + bn)
        z = (h + _mm(nf, Wan)) + ba
        acc = jnp.maximum(acc, z)
    return _leaky(acc)


def kernel(xyz, feature, enc_xyz, enc_feature, Wn0, bn0, Wa0, ba0, Wc0, bc0,
           Wf0, bf0, Wn1, bn1, Wa1, ba1, Wc1, bc1):
    B, N, _ = xyz.shape
    N2 = 2 * N
    TQ0 = N // 4
    TQB = N2 // 8
    TQC = N2 // 8

    Wa0f, Wa0n = Wa0[:256], Wa0[256:]
    Wa1f, Wa1n = Wa1[:128], Wa1[128:]
    bn0r, ba0r = bn0.reshape(1, -1), ba0.reshape(1, -1)
    bn1r, ba1r = bn1.reshape(1, -1), ba1.reshape(1, -1)
    bc0r, bf0r, bc1r = bc0.reshape(1, -1), bf0.reshape(1, -1), bc1.reshape(1, -1)

    full = lambda shape: pl.BlockSpec(shape, lambda b, t, s=len(shape): (0,) * s)

    def stage_a(xyzt_ref, xyzf_ref, feat_ref, Wn_ref, bn_ref, Waf_ref,
                Wan_ref, ba_ref, Wc_ref, bc_ref, f0_ref, c6_ref):
        qxyz = xyzt_ref[0]
        rxyz = xyzf_ref[0]
        ftrans = _mm(feat_ref[0], Waf_ref[...])
        f0 = _lfa_tile(qxyz, rxyz, ftrans, Wn_ref[...], bn_ref[...],
                       Wan_ref[...], ba_ref[...], 8, 256)
        f0_ref[0] = f0
        offa = _mm(f0[:, :128], Wc_ref[...]) + bc_ref[...]
        offb = _mm(f0[:, 128:], Wc_ref[...]) + bc_ref[...]
        c6_ref[0] = jnp.concatenate([qxyz + offa, qxyz + offb], axis=1)

    na = N // TQ0
    f0, c6 = pl.pallas_call(
        stage_a,
        grid=(B, na),
        in_specs=[
            pl.BlockSpec((1, TQ0, 3), lambda b, t: (b, t, 0)),
            pl.BlockSpec((1, N, 3), lambda b, t: (b, 0, 0)),
            pl.BlockSpec((1, N, 256), lambda b, t: (b, 0, 0)),
            full((10, 32)), full((1, 32)), full((256, 256)), full((32, 256)),
            full((1, 256)), full((128, 3)), full((1, 3)),
        ],
        out_specs=[
            pl.BlockSpec((1, TQ0, 256), lambda b, t: (b, t, 0)),
            pl.BlockSpec((1, TQ0, 6), lambda b, t: (b, t, 0)),
        ],
        out_shape=[
            jax.ShapeDtypeStruct((B, N, 256), jnp.float32),
            jax.ShapeDtypeStruct((B, N, 6), jnp.float32),
        ],
    )(xyz, xyz, feature, Wn0, bn0r, Wa0f, Wa0n, ba0r, Wc0, bc0r)

    xyz1 = c6.reshape(B, N2, 3)
    f_up = f0.reshape(B, N2, 128)

    def stage_b1(x1_ref, ex_ref, idx_ref):
        qxyz = x1_ref[0]
        e = ex_ref[0]
        tq = qxyz.shape[0]
        ne = e.shape[0]
        q2 = _norm3(qxyz)
        e2 = _norm3(e)
        d = (q2 - 2.0 * _rowdot(qxyz, e)) + e2.reshape(1, ne)
        col = jax.lax.broadcasted_iota(jnp.int32, (tq, ne), 1)
        sels = []
        for _ in range(4):
            m = jnp.min(d, axis=1, keepdims=True)
            cand = jnp.where(d == m, col, ne)
            sel = jnp.min(cand, axis=1, keepdims=True)
            sels.append(sel)
            d = jnp.where(col == sel, jnp.inf, d)
        base = pl.program_id(0) * ne
        idx_ref[0] = jnp.concatenate(sels, axis=1) + base

    nb = N2 // TQB
    nc = N2 // TQC
    idx4 = pl.pallas_call(
        stage_b1,
        grid=(B, nb),
        in_specs=[
            pl.BlockSpec((1, TQB, 3), lambda b, t: (b, t, 0)),
            pl.BlockSpec((1, N2, 3), lambda b, t: (b, 0, 0)),
        ],
        out_specs=pl.BlockSpec((1, TQB, 4), lambda b, t: (b, t, 0)),
        out_shape=jax.ShapeDtypeStruct((B, N2, 4), jnp.int32),
    )(xyz1, enc_xyz)

    NG = B * N2 * 4
    NC_, NS_ = 2, 16
    NW = NC_ * NS_
    b_per_w = NG // NW
    CH = 128
    mesh = plsc.VectorSubcoreMesh(core_axis_name="c", subcore_axis_name="s")

    @functools.partial(
        pl.kernel, mesh=mesh,
        out_type=jax.ShapeDtypeStruct((NG, 128), jnp.float32),
        scratch_types=[
            pltpu.VMEM((CH,), jnp.int32),
            pltpu.VMEM((CH, 128), jnp.float32),
            pltpu.SemaphoreType.DMA,
        ],
    )
    def sc_gather(table_hbm, idx_hbm, out_hbm, idx_v, rows_v, sem):
        wid = lax.axis_index("s") * NC_ + lax.axis_index("c")
        base = wid * b_per_w
        for i in range(b_per_w // CH):
            off = base + i * CH
            pltpu.sync_copy(idx_hbm.at[pl.ds(off, CH)], idx_v)
            pltpu.async_copy(table_hbm.at[idx_v], rows_v, sem).wait()
            pltpu.sync_copy(rows_v, out_hbm.at[pl.ds(off, CH)])

    rows4 = sc_gather(enc_feature.reshape(B * N2, 128),
                      idx4.reshape(NG)).reshape(B, N2, 512)

    def stage_b2(r4_ref, f_ref, Wf_ref, bf_ref, Waf_ref, qt_ref, loss_ref):
        r4 = r4_ref[0]
        res = jnp.maximum(jnp.maximum(r4[:, :128], r4[:, 128:256]),
                          jnp.maximum(r4[:, 256:384], r4[:, 384:512]))
        pred = _mm(f_ref[0], Wf_ref[...]) + bf_ref[...]
        loc = pred[:, :128]
        log_b = pred[:, 128:]
        bb = jnp.exp(jnp.clip(log_b, -8.0, 8.0)) + 1e-6
        qv = jnp.round(res)

        def cdf(x):
            return 0.5 + 0.5 * jnp.sign(x - loc) * (
                1.0 - jnp.exp(-jnp.abs(x - loc) / bb))

        p = jnp.clip(cdf(qv + 0.5) - cdf(qv - 0.5), 1e-9, 1.0)
        tile_loss = jnp.sum(-jnp.log2(p), keepdims=True)

        @pl.when(jnp.logical_and(pl.program_id(0) == 0, pl.program_id(1) == 0))
        def _():
            loss_ref[...] = jnp.zeros((1, 1), jnp.float32)

        loss_ref[...] += tile_loss
        qt_ref[0] = _mm(qv, Waf_ref[...])

    qt, loss_sum = pl.pallas_call(
        stage_b2,
        grid=(B, nb),
        in_specs=[
            pl.BlockSpec((1, TQB, 512), lambda b, t: (b, t, 0)),
            pl.BlockSpec((1, TQB, 128), lambda b, t: (b, t, 0)),
            full((128, 256)), full((1, 256)), full((128, 128)),
        ],
        out_specs=[
            pl.BlockSpec((1, TQB, 128), lambda b, t: (b, t, 0)),
            pl.BlockSpec((1, 1), lambda b, t: (0, 0)),
        ],
        out_shape=[
            jax.ShapeDtypeStruct((B, N2, 128), jnp.float32),
            jax.ShapeDtypeStruct((1, 1), jnp.float32),
        ],
    )(rows4, f_up, Wf0, bf0r, Wa1f)

    loss = (loss_sum[0, 0] / (B * N2 * 128)).reshape(())

    def stage_c1(x1t_ref, x1f_ref, idx_ref, nbr_ref):
        qxyz = x1t_ref[0]
        rxyz = x1f_ref[0]
        tq = qxyz.shape[0]
        n = rxyz.shape[0]
        q2 = _norm3(qxyz)
        r2 = _norm3(rxyz)
        d = (q2 - 2.0 * _rowdot(qxyz, rxyz)) + r2.reshape(1, n)
        col = jax.lax.broadcasted_iota(jnp.int32, (tq, n), 1)
        xtab = jnp.concatenate(list(_split3(rxyz)), axis=1).astype(jnp.bfloat16)
        sels = []
        nbrs = []
        for _ in range(8):
            m = jnp.min(d, axis=1, keepdims=True)
            cand = jnp.where(d == m, col, n)
            sel = jnp.min(cand, axis=1, keepdims=True)
            sels.append(sel)
            hit = col == sel
            d = jnp.where(hit, jnp.inf, d)
            g = jnp.dot(hit.astype(jnp.bfloat16), xtab,
                        preferred_element_type=jnp.float32)
            nbrs.append((g[:, 0:3] + g[:, 3:6]) + g[:, 6:9])
        base = pl.program_id(0) * n
        idx_ref[0] = jnp.concatenate(sels, axis=1) + base
        nbr_ref[0] = jnp.concatenate(nbrs, axis=1)

    idx8, nbr24 = pl.pallas_call(
        stage_c1,
        grid=(B, nc),
        in_specs=[
            pl.BlockSpec((1, TQC, 3), lambda b, t: (b, t, 0)),
            pl.BlockSpec((1, N2, 3), lambda b, t: (b, 0, 0)),
        ],
        out_specs=[
            pl.BlockSpec((1, TQC, 8), lambda b, t: (b, t, 0)),
            pl.BlockSpec((1, TQC, 24), lambda b, t: (b, t, 0)),
        ],
        out_shape=[
            jax.ShapeDtypeStruct((B, N2, 8), jnp.int32),
            jax.ShapeDtypeStruct((B, N2, 24), jnp.float32),
        ],
    )(xyz1, xyz1)

    DC = 128
    NG2 = B * N2 * 8
    bw2 = NG2 // NW

    @functools.partial(
        pl.kernel, mesh=mesh,
        out_type=jax.ShapeDtypeStruct((NG2, DC), jnp.float32),
        scratch_types=[
            pltpu.VMEM((CH,), jnp.int32),
            pltpu.VMEM((CH, DC), jnp.float32),
            pltpu.SemaphoreType.DMA,
        ],
    )
    def sc_gather8(table_hbm, idx_hbm, out_hbm, idx_v, rows_v, sem):
        wid = lax.axis_index("s") * NC_ + lax.axis_index("c")
        base = wid * bw2
        for i in range(bw2 // CH):
            off = base + i * CH
            pltpu.sync_copy(idx_hbm.at[pl.ds(off, CH)], idx_v)
            pltpu.async_copy(table_hbm.at[idx_v], rows_v, sem).wait()
            pltpu.sync_copy(rows_v, out_hbm.at[pl.ds(off, CH)])

    rows8 = sc_gather8(qt.reshape(B * N2, DC),
                       idx8.reshape(NG2)).reshape(B, N2, 8 * DC)

    def stage_c2(x1t_ref, r8_ref, nbr_ref, Wn_ref, bn_ref, Wan_ref, ba_ref,
                 Wc_ref, bc_ref, c6_ref, fo_ref):
        qxyz = x1t_ref[0]
        r8 = r8_ref[0]
        nbr24 = nbr_ref[0]
        acc = jnp.full((qxyz.shape[0], 128), -jnp.inf, jnp.float32)
        for j in range(8):
            o = j * DC
            h = r8[:, o:o + 128]
            nbr = nbr24[:, 3 * j:3 * j + 3]
            rel = nbr - qxyz
            dist = jnp.sqrt(_tree3(rel[:, 0:1] * rel[:, 0:1],
                                   rel[:, 1:2] * rel[:, 1:2],
                                   rel[:, 2:3] * rel[:, 2:3]) + 1e-12)
            geo = jnp.concatenate([rel, dist, qxyz, nbr], axis=1)
            nf = _leaky(_mm(geo, Wn_ref[...]) + bn_ref[...])
            z = (h + _mm(nf, Wan_ref[...])) + ba_ref[...]
            acc = jnp.maximum(acc, z)
        f1 = _leaky(acc)
        fo_ref[0] = f1
        offa = _mm(f1[:, :64], Wc_ref[...]) + bc_ref[...]
        offb = _mm(f1[:, 64:], Wc_ref[...]) + bc_ref[...]
        c6_ref[0] = jnp.concatenate([qxyz + offa, qxyz + offb], axis=1)

    c6b, f1 = pl.pallas_call(
        stage_c2,
        grid=(B, nc),
        in_specs=[
            pl.BlockSpec((1, TQC, 3), lambda b, t: (b, t, 0)),
            pl.BlockSpec((1, TQC, 8 * DC), lambda b, t: (b, t, 0)),
            pl.BlockSpec((1, TQC, 24), lambda b, t: (b, t, 0)),
            full((10, 32)), full((1, 32)), full((32, 128)), full((1, 128)),
            full((64, 3)), full((1, 3)),
        ],
        out_specs=[
            pl.BlockSpec((1, TQC, 6), lambda b, t: (b, t, 0)),
            pl.BlockSpec((1, TQC, 128), lambda b, t: (b, t, 0)),
        ],
        out_shape=[
            jax.ShapeDtypeStruct((B, N2, 6), jnp.float32),
            jax.ShapeDtypeStruct((B, N2, 128), jnp.float32),
        ],
    )(xyz1, rows8, nbr24, Wn1, bn1r, Wa1n, ba1r, Wc1, bc1r)

    coord2 = c6b.reshape(B, 4 * N, 3)
    fout = f1.reshape(B, 4 * N, 64)
    return (coord2, fout, loss)

# --- scband reference (transcript-rebuilt; emitter-appended) ---
"""Pipeline reference for scband-decoder-77300821393463 (READ-ONLY COPY).

The authoritative reference and input builder live on the scoring server;
editing this copy changes nothing except your own understanding.
"""

import jax, jax.numpy as jnp
import numpy as np

def _leaky(x):
    return jnp.where(x > 0, x, 0.2 * x)

def _knn_idx(q, ref, k):
    # q: [B,Nq,3], ref: [B,Nk,3] -> [B,Nq,k] indices of k nearest refs (knn_points)
    d = jnp.sum(q * q, -1)[:, :, None] - 2.0 * jnp.einsum('bnd,bmd->bnm', q, ref) + jnp.sum(ref * ref, -1)[:, None, :]
    _, idx = jax.lax.top_k(-d, k)
    return idx

def _gather(f, idx):
    # index_points: f [B,M,C], idx [B,N,k] -> [B,N,k,C]
    return jax.vmap(lambda a, i: a[i])(f, idx)

def _lfa(xyz, feat, Wn, bn, Wa, ba, k=8):
    # RandLA-style local feature aggregation with self-kNN neighbor feature generator
    idx = _knn_idx(xyz, xyz, k)
    nbr = _gather(xyz, idx)
    ctr = xyz[:, :, None, :]
    rel = nbr - ctr
    dist = jnp.sqrt(jnp.sum(rel * rel, -1, keepdims=True) + 1e-12)
    geo = jnp.concatenate([rel, dist, jnp.broadcast_to(ctr, nbr.shape), nbr], -1)  # [B,N,k,10]
    nf = _leaky(geo @ Wn + bn)
    nfe = _gather(feat, idx)
    agg = _leaky(jnp.concatenate([nfe, nf], -1) @ Wa + ba)
    return jnp.max(agg, axis=2)

def setup_inputs(seed: int = 0):
    key = jax.random.key(seed)
    ks = jax.random.split(key, 16)
    B, N = 2, 2048
    def w(k, s):
        return jax.random.normal(k, s, jnp.float32) / np.sqrt(s[0])
    inp = {}
    inp['xyz'] = jax.random.normal(ks[0], (B, N, 3), jnp.float32)
    inp['feature'] = jax.random.normal(ks[1], (B, N, 256), jnp.float32)
    inp['enc_xyz'] = jax.random.normal(ks[2], (B, 2 * N, 3), jnp.float32)
    inp['enc_feature'] = jax.random.normal(ks[3], (B, 2 * N, 128), jnp.float32)
    inp['Wn0'] = w(ks[4], (10, 32)); inp['bn0'] = jnp.zeros((32,), jnp.float32)
    inp['Wa0'] = w(ks[5], (288, 256)); inp['ba0'] = jnp.zeros((256,), jnp.float32)
    inp['Wc0'] = w(ks[6], (128, 3)); inp['bc0'] = jnp.zeros((3,), jnp.float32)
    inp['Wf0'] = w(ks[7], (128, 256)); inp['bf0'] = jnp.zeros((256,), jnp.float32)
    inp['Wn1'] = w(ks[8], (10, 32)); inp['bn1'] = jnp.zeros((32,), jnp.float32)
    inp['Wa1'] = w(ks[9], (160, 128)); inp['ba1'] = jnp.zeros((128,), jnp.float32)
    inp['Wc1'] = w(ks[10], (64, 3)); inp['bc1'] = jnp.zeros((3,), jnp.float32)
    return inp

def reference(xyz, feature, enc_xyz, enc_feature, Wn0, bn0, Wa0, ba0, Wc0, bc0, Wf0, bf0, Wn1, bn1, Wa1, ba1, Wc1, bc1):
    B, N, _ = xyz.shape
    up = 2
    # ---- decoder block 0: LFA -> upsample -> coord pred ----
    f = _lfa(xyz, feature, Wn0, bn0, Wa0, ba0)              # [B,N,256]
    f = f.reshape(B, N, up, 256 // up)
    off = f @ Wc0 + bc0
    coord = (xyz[:, :, None, :] + off).reshape(B, N * up, 3)
    xyz1 = jax.lax.stop_gradient(coord)
    f = f.reshape(B, N * up, 128)
    # ---- residual feature via knn retrieval against encoder cache (knn_points k=4) ----
    idx = _knn_idx(xyz1, enc_xyz, 4)
    res = jnp.max(_gather(enc_feature, idx), axis=2)        # [B,2N,128]
    pred = f @ Wf0 + bf0                                    # [B,2N,256]
    loc, log_b = pred[..., :128], pred[..., 128:]
    b = jnp.exp(jnp.clip(log_b, -8.0, 8.0)) + 1e-6
    q = res + jax.lax.stop_gradient(jnp.round(res) - res)
    def lap_cdf(x):
        return 0.5 + 0.5 * jnp.sign(x - loc) * (1.0 - jnp.exp(-jnp.abs(x - loc) / b))
    p = jnp.clip(lap_cdf(q + 0.5) - lap_cdf(q - 0.5), 1e-9, 1.0)
    loss = jnp.mean(-jnp.log2(p))
    f = q
    # ---- decoder block 1 (last): LFA -> upsample -> coord pred ----
    f = _lfa(xyz1, f, Wn1, bn1, Wa1, ba1)                   # [B,2N,128]
    f = f.reshape(B, N * up, up, 64)
    off = f @ Wc1 + bc1
    coord2 = (xyz1[:, :, None, :] + off).reshape(B, N * up * up, 3)
    f = f.reshape(B, N * up * up, 64)
    return (coord2, f, loss)

if __name__ == "__main__":
    import jax
    _d = setup_inputs()
    print(jax.jit(kernel)(*tuple(_d.values())))

</pallas_src>

<mosaic_0001>
#map = affine_map<(d0, d1) -> (0, 0)>
#map1 = affine_map<(d0, d1) -> (0)>
module attributes {stable_mosaic.version = 14 : i64} {
  func.func @sc_gather(%arg0: i32, %arg1: i32, %arg2: memref<8192x128xf32, #tpu.memory_space<hbm>>, %arg3: memref<32768xi32, #tpu.memory_space<hbm>>, %arg4: memref<32768x128xf32, #tpu.memory_space<hbm>>, %arg5: memref<128xi32, #tpu.memory_space<vmem>>, %arg6: memref<128x128xf32, #tpu.memory_space<vmem>>, %arg7: memref<!tpu.dma_semaphore, #tpu.memory_space<semaphore_mem>>) attributes {dimension_semantics = [#tpu.dimension_semantics<core_parallel>, #tpu.dimension_semantics<subcore_parallel>], iteration_bounds = array<i64: 2, 16>, scalar_prefetch = 0 : i64, scratch_operands = 3 : i64, tpu.core_type = #tpu.core_type<sc_vector_subcore>, window_params = [{transform_indices = #map}, {transform_indices = #map1}, {transform_indices = #map}]} {
    %mul3A = arith.constant 2 : i32
    %mul3A_0 = arith.muli %arg1, %mul3A : i32
    %add3A = arith.addi %mul3A_0, %arg0 : i32
    %mul3A_1 = arith.constant 1024 : i32
    %mul3A_2 = arith.muli %add3A, %mul3A_1 : i32
    %add3A_3 = arith.constant 0 : i32
    %add3A_4 = arith.addi %mul3A_2, %add3A_3 : i32
    "tpu.region"() ({
      %run_scoped3A = tpu.sem_alloc : memref<!tpu.dma_semaphore, #tpu.memory_space<semaphore_mem>>
      %dma_start3A_65 = tpu.memref_slice %arg3[%add3A_4] : memref<32768xi32, #tpu.memory_space<hbm>> -> memref<128xi32, #tpu.memory_space<hbm>>
      %dma_start3A_66 = tpu.memref_slice %arg3[%add3A_4] : memref<32768xi32, #tpu.memory_space<hbm>> -> memref<128xi32, #tpu.memory_space<hbm>>
      tpu.enqueue_dma source(%dma_start3A_66 : memref<128xi32, #tpu.memory_space<hbm>>) target(%arg5 : memref<128xi32, #tpu.memory_space<vmem>>) target_semaphore(%run_scoped3A : memref<!tpu.dma_semaphore, #tpu.memory_space<semaphore_mem>>)
      %dma_wait3A_67 = tpu.memref_slice %arg3[%add3A_4] : memref<32768xi32, #tpu.memory_space<hbm>> -> memref<128xi32, #tpu.memory_space<hbm>>
      %dma_wait3A_68 = tpu.memref_slice %arg3[%add3A_4] : memref<32768xi32, #tpu.memory_space<hbm>> -> memref<128xi32, #tpu.memory_space<hbm>>
      tpu.wait_dma2 semaphore(%run_scoped3A : memref<!tpu.dma_semaphore, #tpu.memory_space<semaphore_mem>>) src(%dma_wait3A_68 : memref<128xi32, #tpu.memory_space<hbm>>) dst(%arg5 : memref<128xi32, #tpu.memory_space<vmem>>)
      tpu.yield
    }) : () -> ()
    %dma_start3A = arith.constant 0 : i32
    %dma_start3A_5 = arith.constant 0 : i32
    %dma_start3A_6 = tpu.memref_slice %arg2[%dma_start3A, %dma_start3A_5] : memref<8192x128xf32, #tpu.memory_space<hbm>> -> memref<8192x128xf32, #tpu.memory_space<hbm>>
    tpu.enqueue_indirect_dma source(%dma_start3A_6 : memref<8192x128xf32, #tpu.memory_space<hbm>>) target(%arg6 : memref<128x128xf32, #tpu.memory_space<vmem>>) offsets(%arg5 : memref<128xi32, #tpu.memory_space<vmem>>) semaphore(%arg7 : memref<!tpu.dma_semaphore, #tpu.memory_space<semaphore_mem>>)
    %dma_wait3A = arith.constant 0 : i32
    %dma_wait3A_7 = arith.constant 0 : i32
    %dma_wait3A_8 = tpu.memref_slice %arg2[%dma_wait3A, %dma_wait3A_7] : memref<8192x128xf32, #tpu.memory_space<hbm>> -> memref<8192x128xf32, #tpu.memory_space<hbm>>
    tpu.wait_indirect_dma semaphore(%arg7 : memref<!tpu.dma_semaphore, #tpu.memory_space<semaphore_mem>>) src(%dma_wait3A_8 : memref<8192x128xf32, #tpu.memory_space<hbm>>) dst(%arg6 : memref<128x128xf32, #tpu.memory_space<vmem>>)
    "tpu.region"() ({
      %run_scoped3A = tpu.sem_alloc : memref<!tpu.dma_semaphore, #tpu.memory_space<semaphore_mem>>
      %dma_start3A_65 = arith.constant 0 : i32
      %dma_start3A_66 = tpu.memref_slice %arg4[%add3A_4, %dma_start3A_65] : memref<32768x128xf32, #tpu.memory_space<hbm>> -> memref<128x128xf32, #tpu.memory_space<hbm>>
      %dma_start3A_67 = arith.constant 0 : i32
      %dma_start3A_68 = tpu.memref_slice %arg4[%add3A_4, %dma_start3A_67] : memref<32768x128xf32, #tpu.memory_space<hbm>> -> memref<128x128xf32, #tpu.memory_space<hbm>>
      tpu.enqueue_dma source(%arg6 : memref<128x128xf32, #tpu.memory_space<vmem>>) target(%dma_start3A_68 : memref<128x128xf32, #tpu.memory_space<hbm>>) target_semaphore(%run_scoped3A : memref<!tpu.dma_semaphore, #tpu.memory_space<semaphore_mem>>)
      %dma_wait3A_69 = arith.constant 0 : i32
      %dma_wait3A_70 = tpu.memref_slice %arg4[%add3A_4, %dma_wait3A_69] : memref<32768x128xf32, #tpu.memory_space<hbm>> -> memref<128x128xf32, #tpu.memory_space<hbm>>
      %dma_wait3A_71 = arith.constant 0 : i32
      %dma_wait3A_72 = tpu.memref_slice %arg4[%add3A_4, %dma_wait3A_71] : memref<32768x128xf32, #tpu.memory_space<hbm>> -> memref<128x128xf32, #tpu.memory_space<hbm>>
      tpu.wait_dma2 semaphore(%run_scoped3A : memref<!tpu.dma_semaphore, #tpu.memory_space<semaphore_mem>>) src(%arg6 : memref<128x128xf32, #tpu.memory_space<vmem>>) dst(%dma_wait3A_72 : memref<128x128xf32, #tpu.memory_space<hbm>>)
      tpu.yield
    }) : () -> ()
    %add3A_9 = arith.constant 128 : i32
    %add3A_10 = arith.addi %mul3A_2, %add3A_9 : i32
    "tpu.region"() ({
      %run_scoped3A = tpu.sem_alloc : memref<!tpu.dma_semaphore, #tpu.memory_space<semaphore_mem>>
      %dma_start3A_65 = tpu.memref_slice %arg3[%add3A_10] : memref<32768xi32, #tpu.memory_space<hbm>> -> memref<128xi32, #tpu.memory_space<hbm>>
      %dma_start3A_66 = tpu.memref_slice %arg3[%add3A_10] : memref<32768xi32, #tpu.memory_space<hbm>> -> memref<128xi32, #tpu.memory_space<hbm>>
      tpu.enqueue_dma source(%dma_start3A_66 : memref<128xi32, #tpu.memory_space<hbm>>) target(%arg5 : memref<128xi32, #tpu.memory_space<vmem>>) target_semaphore(%run_scoped3A : memref<!tpu.dma_semaphore, #tpu.memory_space<semaphore_mem>>)
      %dma_wait3A_67 = tpu.memref_slice %arg3[%add3A_10] : memref<32768xi32, #tpu.memory_space<hbm>> -> memref<128xi32, #tpu.memory_space<hbm>>
      %dma_wait3A_68 = tpu.memref_slice %arg3[%add3A_10] : memref<32768xi32, #tpu.memory_space<hbm>> -> memref<128xi32, #tpu.memory_space<hbm>>
      tpu.wait_dma2 semaphore(%run_scoped3A : memref<!tpu.dma_semaphore, #tpu.memory_space<semaphore_mem>>) src(%dma_wait3A_68 : memref<128xi32, #tpu.memory_space<hbm>>) dst(%arg5 : memref<128xi32, #tpu.memory_space<vmem>>)
      tpu.yield
    }) : () -> ()
    %dma_start3A_11 = arith.constant 0 : i32
    %dma_start3A_12 = arith.constant 0 : i32
    %dma_start3A_13 = tpu.memref_slice %arg2[%dma_start3A_11, %dma_start3A_12] : memref<8192x128xf32, #tpu.memory_space<hbm>> -> memref<8192x128xf32, #tpu.memory_space<hbm>>
    tpu.enqueue_indirect_dma source(%dma_start3A_13 : memref<8192x128xf32, #tpu.memory_space<hbm>>) target(%arg6 : memref<128x128xf32, #tpu.memory_space<vmem>>) offsets(%arg5 : memref<128xi32, #tpu.memory_space<vmem>>) semaphore(%arg7 : memref<!tpu.dma_semaphore, #tpu.memory_space<semaphore_mem>>)
    %dma_wait3A_14 = arith.constant 0 : i32
    %dma_wait3A_15 = arith.constant 0 : i32
    %dma_wait3A_16 = tpu.memref_slice %arg2[%dma_wait3A_14, %dma_wait3A_15] : memref<8192x128xf32, #tpu.memory_space<hbm>> -> memref<8192x128xf32, #tpu.memory_space<hbm>>
    tpu.wait_indirect_dma semaphore(%arg7 : memref<!tpu.dma_semaphore, #tpu.memory_space<semaphore_mem>>) src(%dma_wait3A_16 : memref<8192x128xf32, #tpu.memory_space<hbm>>) dst(%arg6 : memref<128x128xf32, #tpu.memory_space<vmem>>)
    "tpu.region"() ({
      %run_scoped3A = tpu.sem_alloc : memref<!tpu.dma_semaphore, #tpu.memory_space<semaphore_mem>>
      %dma_start3A_65 = arith.constant 0 : i32
      %dma_start3A_66 = tpu.memref_slice %arg4[%add3A_10, %dma_start3A_65] : memref<32768x128xf32, #tpu.memory_space<hbm>> -> memref<128x128xf32, #tpu.memory_space<hbm>>
      %dma_start3A_67 = arith.constant 0 : i32
      %dma_start3A_68 = tpu.memref_slice %arg4[%add3A_10, %dma_start3A_67] : memref<32768x128xf32, #tpu.memory_space<hbm>> -> memref<128x128xf32, #tpu.memory_space<hbm>>
      tpu.enqueue_dma source(%arg6 : memref<128x128xf32, #tpu.memory_space<vmem>>) target(%dma_start3A_68 : memref<128x128xf32, #tpu.memory_space<hbm>>) target_semaphore(%run_scoped3A : memref<!tpu.dma_semaphore, #tpu.memory_space<semaphore_mem>>)
      %dma_wait3A_69 = arith.constant 0 : i32
      %dma_wait3A_70 = tpu.memref_slice %arg4[%add3A_10, %dma_wait3A_69] : memref<32768x128xf32, #tpu.memory_space<hbm>> -> memref<128x128xf32, #tpu.memory_space<hbm>>
      %dma_wait3A_71 = arith.constant 0 : i32
      %dma_wait3A_72 = tpu.memref_slice %arg4[%add3A_10, %dma_wait3A_71] : memref<32768x128xf32, #tpu.memory_space<hbm>> -> memref<128x128xf32, #tpu.memory_space<hbm>>
      tpu.wait_dma2 semaphore(%run_scoped3A : memref<!tpu.dma_semaphore, #tpu.memory_space<semaphore_mem>>) src(%arg6 : memref<128x128xf32, #tpu.memory_space<vmem>>) dst(%dma_wait3A_72 : memref<128x128xf32, #tpu.memory_space<hbm>>)
      tpu.yield
    }) : () -> ()
    %add3A_17 = arith.constant 256 : i32
    %add3A_18 = arith.addi %mul3A_2, %add3A_17 : i32
    "tpu.region"() ({
      %run_scoped3A = tpu.sem_alloc : memref<!tpu.dma_semaphore, #tpu.memory_space<semaphore_mem>>
      %dma_start3A_65 = tpu.memref_slice %arg3[%add3A_18] : memref<32768xi32, #tpu.memory_space<hbm>> -> memref<128xi32, #tpu.memory_space<hbm>>
      %dma_start3A_66 = tpu.memref_slice %arg3[%add3A_18] : memref<32768xi32, #tpu.memory_space<hbm>> -> memref<128xi32, #tpu.memory_space<hbm>>
      tpu.enqueue_dma source(%dma_start3A_66 : memref<128xi32, #tpu.memory_space<hbm>>) target(%arg5 : memref<128xi32, #tpu.memory_space<vmem>>) target_semaphore(%run_scoped3A : memref<!tpu.dma_semaphore, #tpu.memory_space<semaphore_mem>>)
      %dma_wait3A_67 = tpu.memref_slice %arg3[%add3A_18] : memref<32768xi32, #tpu.memory_space<hbm>> -> memref<128xi32, #tpu.memory_space<hbm>>
      %dma_wait3A_68 = tpu.memref_slice %arg3[%add3A_18] : memref<32768xi32, #tpu.memory_space<hbm>> -> memref<128xi32, #tpu.memory_space<hbm>>
      tpu.wait_dma2 semaphore(%run_scoped3A : memref<!tpu.dma_semaphore, #tpu.memory_space<semaphore_mem>>) src(%dma_wait3A_68 : memref<128xi32, #tpu.memory_space<hbm>>) dst(%arg5 : memref<128xi32, #tpu.memory_space<vmem>>)
      tpu.yield
    }) : () -> ()
    %dma_start3A_19 = arith.constant 0 : i32
    %dma_start3A_20 = arith.constant 0 : i32
    %dma_start3A_21 = tpu.memref_slice %arg2[%dma_start3A_19, %dma_start3A_20] : memref<8192x128xf32, #tpu.memory_space<hbm>> -> memref<8192x128xf32, #tpu.memory_space<hbm>>
    tpu.enqueue_indirect_dma source(%dma_start3A_21 : memref<8192x128xf32, #tpu.memory_space<hbm>>) target(%arg6 : memref<128x128xf32, #tpu.memory_space<vmem>>) offsets(%arg5 : memref<128xi32, #tpu.memory_space<vmem>>) semaphore(%arg7 : memref<!tpu.dma_semaphore, #tpu.memory_space<semaphore_mem>>)
    %dma_wait3A_22 = arith.constant 0 : i32
    %dma_wait3A_23 = arith.constant 0 : i32
    %dma_wait3A_24 = tpu.memref_slice %arg2[%dma_wait3A_22, %dma_wait3A_23] : memref<8192x128xf32, #tpu.memory_space<hbm>> -> memref<8192x128xf32, #tpu.memory_space<hbm>>
    tpu.wait_indirect_dma semaphore(%arg7 : memref<!tpu.dma_semaphore, #tpu.memory_space<semaphore_mem>>) src(%dma_wait3A_24 : memref<8192x128xf32, #tpu.memory_space<hbm>>) dst(%arg6 : memref<128x128xf32, #tpu.memory_space<vmem>>)
    "tpu.region"() ({
      %run_scoped3A = tpu.sem_alloc : memref<!tpu.dma_semaphore, #tpu.memory_space<semaphore_mem>>
      %dma_start3A_65 = arith.constant 0 : i32
      %dma_start3A_66 = tpu.memref_slice %arg4[%add3A_18, %dma_start3A_65] : memref<32768x128xf32, #tpu.memory_space<hbm>> -> memref<128x128xf32, #tpu.memory_space<hbm>>
      %dma_start3A_67 = arith.constant 0 : i32
      %dma_start3A_68 = tpu.memref_slice %arg4[%add3A_18, %dma_start3A_67] : memref<32768x128xf32, #tpu.memory_space<hbm>> -> memref<128x128xf32, #tpu.memory_space<hbm>>
      tpu.enqueue_dma source(%arg6 : memref<128x128xf32, #tpu.memory_space<vmem>>) target(%dma_start3A_68 : memref<128x128xf32, #tpu.memory_space<hbm>>) target_semaphore(%run_scoped3A : memref<!tpu.dma_semaphore, #tpu.memory_space<semaphore_mem>>)
      %dma_wait3A_69 = arith.constant 0 : i32
      %dma_wait3A_70 = tpu.memref_slice %arg4[%add3A_18, %dma_wait3A_69] : memref<32768x128xf32, #tpu.memory_space<hbm>> -> memref<128x128xf32, #tpu.memory_space<hbm>>
      %dma_wait3A_71 = arith.constant 0 : i32
      %dma_wait3A_72 = tpu.memref_slice %arg4[%add3A_18, %dma_wait3A_71] : memref<32768x128xf32, #tpu.memory_space<hbm>> -> memref<128x128xf32, #tpu.memory_space<hbm>>
      tpu.wait_dma2 semaphore(%run_scoped3A : memref<!tpu.dma_semaphore, #tpu.memory_space<semaphore_mem>>) src(%arg6 : memref<128x128xf32, #tpu.memory_space<vmem>>) dst(%dma_wait3A_72 : memref<128x128xf32, #tpu.memory_space<hbm>>)
      tpu.yield
    }) : () -> ()
    %add3A_25 = arith.constant 384 : i32
    %add3A_26 = arith.addi %mul3A_2, %add3A_25 : i32
    "tpu.region"() ({
      %run_scoped3A = tpu.sem_alloc : memref<!tpu.dma_semaphore, #tpu.memory_space<semaphore_mem>>
      %dma_start3A_65 = tpu.memref_slice %arg3[%add3A_26] : memref<32768xi32, #tpu.memory_space<hbm>> -> memref<128xi32, #tpu.memory_space<hbm>>
      %dma_start3A_66 = tpu.memref_slice %arg3[%add3A_26] : memref<32768xi32, #tpu.memory_space<hbm>> -> memref<128xi32, #tpu.memory_space<hbm>>
      tpu.enqueue_dma source(%dma_start3A_66 : memref<128xi32, #tpu.memory_space<hbm>>) target(%arg5 : memref<128xi32, #tpu.memory_space<vmem>>) target_semaphore(%run_scoped3A : memref<!tpu.dma_semaphore, #tpu.memory_space<semaphore_mem>>)
      %dma_wait3A_67 = tpu.memref_slice %arg3[%add3A_26] : memref<32768xi32, #tpu.memory_space<hbm>> -> memref<128xi32, #tpu.memory_space<hbm>>
      %dma_wait3A_68 = tpu.memref_slice %arg3[%add3A_26] : memref<32768xi32, #tpu.memory_space<hbm>> -> memref<128xi32, #tpu.memory_space<hbm>>
      tpu.wait_dma2 semaphore(%run_scoped3A : memref<!tpu.dma_semaphore, #tpu.memory_space<semaphore_mem>>) src(%dma_wait3A_68 : memref<128xi32, #tpu.memory_space<hbm>>) dst(%arg5 : memref<128xi32, #tpu.memory_space<vmem>>)
      tpu.yield
    }) : () -> ()
    %dma_start3A_27 = arith.constant 0 : i32
    %dma_start3A_28 = arith.constant 0 : i32
    %dma_start3A_29 = tpu.memref_slice %arg2[%dma_start3A_27, %dma_start3A_28] : memref<8192x128xf32, #tpu.memory_space<hbm>> -> memref<8192x128xf32, #tpu.memory_space<hbm>>
    tpu.enqueue_indirect_dma source(%dma_start3A_29 : memref<8192x128xf32, #tpu.memory_space<hbm>>) target(%arg6 : memref<128x128xf32, #tpu.memory_space<vmem>>) offsets(%arg5 : memref<128xi32, #tpu.memory_space<vmem>>) semaphore(%arg7 : memref<!tpu.dma_semaphore, #tpu.memory_space<semaphore_mem>>)
    %dma_wait3A_30 = arith.constant 0 : i32
    %dma_wait3A_31 = arith.constant 0 : i32
    %dma_wait3A_32 = tpu.memref_slice %arg2[%dma_wait3A_30, %dma_wait3A_31] : memref<8192x128xf32, #tpu.memory_space<hbm>> -> memref<8192x128xf32, #tpu.memory_space<hbm>>
    tpu.wait_indirect_dma semaphore(%arg7 : memref<!tpu.dma_semaphore, #tpu.memory_space<semaphore_mem>>) src(%dma_wait3A_32 : memref<8192x128xf32, #tpu.memory_space<hbm>>) dst(%arg6 : memref<128x128xf32, #tpu.memory_space<vmem>>)
    "tpu.region"() ({
      %run_scoped3A = tpu.sem_alloc : memref<!tpu.dma_semaphore, #tpu.memory_space<semaphore_mem>>
      %dma_start3A_65 = arith.constant 0 : i32
      %dma_start3A_66 = tpu.memref_slice %arg4[%add3A_26, %dma_start3A_65] : memref<32768x128xf32, #tpu.memory_space<hbm>> -> memref<128x128xf32, #tpu.memory_space<hbm>>
      %dma_start3A_67 = arith.constant 0 : i32
      %dma_start3A_68 = tpu.memref_slice %arg4[%add3A_26, %dma_start3A_67] : memref<32768x128xf32, #tpu.memory_space<hbm>> -> memref<128x128xf32, #tpu.memory_space<hbm>>
      tpu.enqueue_dma source(%arg6 : memref<128x128xf32, #tpu.memory_space<vmem>>) target(%dma_start3A_68 : memref<128x128xf32, #tpu.memory_space<hbm>>) target_semaphore(%run_scoped3A : memref<!tpu.dma_semaphore, #tpu.memory_space<semaphore_mem>>)
      %dma_wait3A_69 = arith.constant 0 : i32
      %dma_wait3A_70 = tpu.memref_slice %arg4[%add3A_26, %dma_wait3A_69] : memref<32768x128xf32, #tpu.memory_space<hbm>> -> memref<128x128xf32, #tpu.memory_space<hbm>>
      %dma_wait3A_71 = arith.constant 0 : i32
      %dma_wait3A_72 = tpu.memref_slice %arg4[%add3A_26, %dma_wait3A_71] : memref<32768x128xf32, #tpu.memory_space<hbm>> -> memref<128x128xf32, #tpu.memory_space<hbm>>
      tpu.wait_dma2 semaphore(%run_scoped3A : memref<!tpu.dma_semaphore, #tpu.memory_space<semaphore_mem>>) src(%arg6 : memref<128x128xf32, #tpu.memory_space<vmem>>) dst(%dma_wait3A_72 : memref<128x128xf32, #tpu.memory_space<hbm>>)
      tpu.yield
    }) : () -> ()
    %add3A_33 = arith.constant 512 : i32
    %add3A_34 = arith.addi %mul3A_2, %add3A_33 : i32
    "tpu.region"() ({
      %run_scoped3A = tpu.sem_alloc : memref<!tpu.dma_semaphore, #tpu.memory_space<semaphore_mem>>
      %dma_start3A_65 = tpu.memref_slice %arg3[%add3A_34] : memref<32768xi32, #tpu.memory_space<hbm>> -> memref<128xi32, #tpu.memory_space<hbm>>
      %dma_start3A_66 = tpu.memref_slice %arg3[%add3A_34] : memref<32768xi32, #tpu.memory_space<hbm>> -> memref<128xi32, #tpu.memory_space<hbm>>
      tpu.enqueue_dma source(%dma_start3A_66 : memref<128xi32, #tpu.memory_space<hbm>>) target(%arg5 : memref<128xi32, #tpu.memory_space<vmem>>) target_semaphore(%run_scoped3A : memref<!tpu.dma_semaphore, #tpu.memory_space<semaphore_mem>>)
      %dma_wait3A_67 = tpu.memref_slice %arg3[%add3A_34] : memref<32768xi32, #tpu.memory_space<hbm>> -> memref<128xi32, #tpu.memory_space<hbm>>
      %dma_wait3A_68 = tpu.memref_slice %arg3[%add3A_34] : memref<32768xi32, #tpu.memory_space<hbm>> -> memref<128xi32, #tpu.memory_space<hbm>>
      tpu.wait_dma2 semaphore(%run_scoped3A : memref<!tpu.dma_semaphore, #tpu.memory_space<semaphore_mem>>) src(%dma_wait3A_68 : memref<128xi32, #tpu.memory_space<hbm>>) dst(%arg5 : memref<128xi32, #tpu.memory_space<vmem>>)
      tpu.yield
    }) : () -> ()
    %dma_start3A_35 = arith.constant 0 : i32
    %dma_start3A_36 = arith.constant 0 : i32
    %dma_start3A_37 = tpu.memref_slice %arg2[%dma_start3A_35, %dma_start3A_36] : memref<8192x128xf32, #tpu.memory_space<hbm>> -> memref<8192x128xf32, #tpu.memory_space<hbm>>
    tpu.enqueue_indirect_dma source(%dma_start3A_37 : memref<8192x128xf32, #tpu.memory_space<hbm>>) target(%arg6 : memref<128x128xf32, #tpu.memory_space<vmem>>) offsets(%arg5 : memref<128xi32, #tpu.memory_space<vmem>>) semaphore(%arg7 : memref<!tpu.dma_semaphore, #tpu.memory_space<semaphore_mem>>)
    %dma_wait3A_38 = arith.constant 0 : i32
    %dma_wait3A_39 = arith.constant 0 : i32
    %dma_wait3A_40 = tpu.memref_slice %arg2[%dma_wait3A_38, %dma_wait3A_39] : memref<8192x128xf32, #tpu.memory_space<hbm>> -> memref<8192x128xf32, #tpu.memory_space<hbm>>
    tpu.wait_indirect_dma semaphore(%arg7 : memref<!tpu.dma_semaphore, #tpu.memory_space<semaphore_mem>>) src(%dma_wait3A_40 : memref<8192x128xf32, #tpu.memory_space<hbm>>) dst(%arg6 : memref<128x128xf32, #tpu.memory_space<vmem>>)
    "tpu.region"() ({
      %run_scoped3A = tpu.sem_alloc : memref<!tpu.dma_semaphore, #tpu.memory_space<semaphore_mem>>
      %dma_start3A_65 = arith.constant 0 : i32
      %dma_start3A_66 = tpu.memref_slice %arg4[%add3A_34, %dma_start3A_65] : memref<32768x128xf32, #tpu.memory_space<hbm>> -> memref<128x128xf32, #tpu.memory_space<hbm>>
      %dma_start3A_67 = arith.constant 0 : i32
      %dma_start3A_68 = tpu.memref_slice %arg4[%add3A_34, %dma_start3A_67] : memref<32768x128xf32, #tpu.memory_space<hbm>> -> memref<128x128xf32, #tpu.memory_space<hbm>>
      tpu.enqueue_dma source(%arg6 : memref<128x128xf32, #tpu.memory_space<vmem>>) target(%dma_start3A_68 : memref<128x128xf32, #tpu.memory_space<hbm>>) target_semaphore(%run_scoped3A : memref<!tpu.dma_semaphore, #tpu.memory_space<semaphore_mem>>)
      %dma_wait3A_69 = arith.constant 0 : i32
      %dma_wait3A_70 = tpu.memref_slice %arg4[%add3A_34, %dma_wait3A_69] : memref<32768x128xf32, #tpu.memory_space<hbm>> -> memref<128x128xf32, #tpu.memory_space<hbm>>
      %dma_wait3A_71 = arith.constant 0 : i32
      %dma_wait3A_72 = tpu.memref_slice %arg4[%add3A_34, %dma_wait3A_71] : memref<32768x128xf32, #tpu.memory_space<hbm>> -> memref<128x128xf32, #tpu.memory_space<hbm>>
      tpu.wait_dma2 semaphore(%run_scoped3A : memref<!tpu.dma_semaphore, #tpu.memory_space<semaphore_mem>>) src(%arg6 : memref<128x128xf32, #tpu.memory_space<vmem>>) dst(%dma_wait3A_72 : memref<128x128xf32, #tpu.memory_space<hbm>>)
      tpu.yield
    }) : () -> ()
    %add3A_41 = arith.constant 640 : i32
    %add3A_42 = arith.addi %mul3A_2, %add3A_41 : i32
    "tpu.region"() ({
      %run_scoped3A = tpu.sem_alloc : memref<!tpu.dma_semaphore, #tpu.memory_space<semaphore_mem>>
      %dma_start3A_65 = tpu.memref_slice %arg3[%add3A_42] : memref<32768xi32, #tpu.memory_space<hbm>> -> memref<128xi32, #tpu.memory_space<hbm>>
      %dma_start3A_66 = tpu.memref_slice %arg3[%add3A_42] : memref<32768xi32, #tpu.memory_space<hbm>> -> memref<128xi32, #tpu.memory_space<hbm>>
      tpu.enqueue_dma source(%dma_start3A_66 : memref<128xi32, #tpu.memory_space<hbm>>) target(%arg5 : memref<128xi32, #tpu.memory_space<vmem>>) target_semaphore(%run_scoped3A : memref<!tpu.dma_semaphore, #tpu.memory_space<semaphore_mem>>)
      %dma_wait3A_67 = tpu.memref_slice %arg3[%add3A_42] : memref<32768xi32, #tpu.memory_space<hbm>> -> memref<128xi32, #tpu.memory_space<hbm>>
      %dma_wait3A_68 = tpu.memref_slice %arg3[%add3A_42] : memref<32768xi32, #tpu.memory_space<hbm>> -> memref<128xi32, #tpu.memory_space<hbm>>
      tpu.wait_dma2 semaphore(%run_scoped3A : memref<!tpu.dma_semaphore, #tpu.memory_space<semaphore_mem>>) src(%dma_wait3A_68 : memref<128xi32, #tpu.memory_space<hbm>>) dst(%arg5 : memref<128xi32, #tpu.memory_space<vmem>>)
      tpu.yield
    }) : () -> ()
    %dma_start3A_43 = arith.constant 0 : i32
    %dma_start3A_44 = arith.constant 0 : i32
    %dma_start3A_45 = tpu.memref_slice %arg2[%dma_start3A_43, %dma_start3A_44] : memref<8192x128xf32, #tpu.memory_space<hbm>> -> memref<8192x128xf32, #tpu.memory_space<hbm>>
    tpu.enqueue_indirect_dma source(%dma_start3A_45 : memref<8192x128xf32, #tpu.memory_space<hbm>>) target(%arg6 : memref<128x128xf32, #tpu.memory_space<vmem>>) offsets(%arg5 : memref<128xi32, #tpu.memory_space<vmem>>) semaphore(%arg7 : memref<!tpu.dma_semaphore, #tpu.memory_space<semaphore_mem>>)
    %dma_wait3A_46 = arith.constant 0 : i32
    %dma_wait3A_47 = arith.constant 0 : i32
    %dma_wait3A_48 = tpu.memref_slice %arg2[%dma_wait3A_46, %dma_wait3A_47] : memref<8192x128xf32, #tpu.memory_space<hbm>> -> memref<8192x128xf32, #tpu.memory_space<hbm>>
    tpu.wait_indirect_dma semaphore(%arg7 : memref<!tpu.dma_semaphore, #tpu.memory_space<semaphore_mem>>) src(%dma_wait3A_48 : memref<8192x128xf32, #tpu.memory_space<hbm>>) dst(%arg6 : memref<128x128xf32, #tpu.memory_space<vmem>>)
    "tpu.region"() ({
      %run_scoped3A = tpu.sem_alloc : memref<!tpu.dma_semaphore, #tpu.memory_space<semaphore_mem>>
      %dma_start3A_65 = arith.constant 0 : i32
      %dma_start3A_66 = tpu.memref_slice %arg4[%add3A_42, %dma_start3A_65] : memref<32768x128xf32, #tpu.memory_space<hbm>> -> memref<128x128xf32, #tpu.memory_space<hbm>>
      %dma_start3A_67 = arith.constant 0 : i32
      %dma_start3A_68 = tpu.memref_slice %arg4[%add3A_42, %dma_start3A_67] : memref<32768x128xf32, #tpu.memory_space<hbm>> -> memref<128x128xf32, #tpu.memory_space<hbm>>
      tpu.enqueue_dma source(%arg6 : memref<128x128xf32, #tpu.memory_space<vmem>>) target(%dma_start3A_68 : memref<128x128xf32, #tpu.memory_space<hbm>>) target_semaphore(%run_scoped3A : memref<!tpu.dma_semaphore, #tpu.memory_space<semaphore_mem>>)
      %dma_wait3A_69 = arith.constant 0 : i32
      %dma_wait3A_70 = tpu.memref_slice %arg4[%add3A_42, %dma_wait3A_69] : memref<32768x128xf32, #tpu.memory_space<hbm>> -> memref<128x128xf32, #tpu.memory_space<hbm>>
      %dma_wait3A_71 = arith.constant 0 : i32
      %dma_wait3A_72 = tpu.memref_slice %arg4[%add3A_42, %dma_wait3A_71] : memref<32768x128xf32, #tpu.memory_space<hbm>> -> memref<128x128xf32, #tpu.memory_space<hbm>>
      tpu.wait_dma2 semaphore(%run_scoped3A : memref<!tpu.dma_semaphore, #tpu.memory_space<semaphore_mem>>) src(%arg6 : memref<128x128xf32, #tpu.memory_space<vmem>>) dst(%dma_wait3A_72 : memref<128x128xf32, #tpu.memory_space<hbm>>)
      tpu.yield
    }) : () -> ()
    %add3A_49 = arith.constant 768 : i32
    %add3A_50 = arith.addi %mul3A_2, %add3A_49 : i32
    "tpu.region"() ({
      %run_scoped3A = tpu.sem_alloc : memref<!tpu.dma_semaphore, #tpu.memory_space<semaphore_mem>>
      %dma_start3A_65 = tpu.memref_slice %arg3[%add3A_50] : memref<32768xi32, #tpu.memory_space<hbm>> -> memref<128xi32, #tpu.memory_space<hbm>>
      %dma_start3A_66 = tpu.memref_slice %arg3[%add3A_50] : memref<32768xi32, #tpu.memory_space<hbm>> -> memref<128xi32, #tpu.memory_space<hbm>>
      tpu.enqueue_dma source(%dma_start3A_66 : memref<128xi32, #tpu.memory_space<hbm>>) target(%arg5 : memref<128xi32, #tpu.memory_space<vmem>>) target_semaphore(%run_scoped3A : memref<!tpu.dma_semaphore, #tpu.memory_space<semaphore_mem>>)
      %dma_wait3A_67 = tpu.memref_slice %arg3[%add3A_50] : memref<32768xi32, #tpu.memory_space<hbm>> -> memref<128xi32, #tpu.memory_space<hbm>>
      %dma_wait3A_68 = tpu.memref_slice %arg3[%add3A_50] : memref<32768xi32, #tpu.memory_space<hbm>> -> memref<128xi32, #tpu.memory_space<hbm>>
      tpu.wait_dma2 semaphore(%run_scoped3A : memref<!tpu.dma_semaphore, #tpu.memory_space<semaphore_mem>>) src(%dma_wait3A_68 : memref<128xi32, #tpu.memory_space<hbm>>) dst(%arg5 : memref<128xi32, #tpu.memory_space<vmem>>)
      tpu.yield
    }) : () -> ()
    %dma_start3A_51 = arith.constant 0 : i32
    %dma_start3A_52 = arith.constant 0 : i32
    %dma_start3A_53 = tpu.memref_slice %arg2[%dma_start3A_51, %dma_start3A_52] : memref<8192x128xf32, #tpu.memory_space<hbm>> -> memref<8192x128xf32, #tpu.memory_space<hbm>>
    tpu.enqueue_indirect_dma source(%dma_start3A_53 : memref<8192x128xf32, #tpu.memory_space<hbm>>) target(%arg6 : memref<128x128xf32, #tpu.memory_space<vmem>>) offsets(%arg5 : memref<128xi32, #tpu.memory_space<vmem>>) semaphore(%arg7 : memref<!tpu.dma_semaphore, #tpu.memory_space<semaphore_mem>>)
    %dma_wait3A_54 = arith.constant 0 : i32
    %dma_wait3A_55 = arith.constant 0 : i32
    %dma_wait3A_56 = tpu.memref_slice %arg2[%dma_wait3A_54, %dma_wait3A_55] : memref<8192x128xf32, #tpu.memory_space<hbm>> -> memref<8192x128xf32, #tpu.memory_space<hbm>>
    tpu.wait_indirect_dma semaphore(%arg7 : memref<!tpu.dma_semaphore, #tpu.memory_space<semaphore_mem>>) src(%dma_wait3A_56 : memref<8192x128xf32, #tpu.memory_space<hbm>>) dst(%arg6 : memref<128x128xf32, #tpu.memory_space<vmem>>)
    "tpu.region"() ({
      %run_scoped3A = tpu.sem_alloc : memref<!tpu.dma_semaphore, #tpu.memory_space<semaphore_mem>>
      %dma_start3A_65 = arith.constant 0 : i32
      %dma_start3A_66 = tpu.memref_slice %arg4[%add3A_50, %dma_start3A_65] : memref<32768x128xf32, #tpu.memory_space<hbm>> -> memref<128x128xf32, #tpu.memory_space<hbm>>
      %dma_start3A_67 = arith.constant 0 : i32
      %dma_start3A_68 = tpu.memref_slice %arg4[%add3A_50, %dma_start3A_67] : memref<32768x128xf32, #tpu.memory_space<hbm>> -> memref<128x128xf32, #tpu.memory_space<hbm>>
      tpu.enqueue_dma source(%arg6 : memref<128x128xf32, #tpu.memory_space<vmem>>) target(%dma_start3A_68 : memref<128x128xf32, #tpu.memory_space<hbm>>) target_semaphore(%run_scoped3A : memref<!tpu.dma_semaphore, #tpu.memory_space<semaphore_mem>>)
      %dma_wait3A_69 = arith.constant 0 : i32
      %dma_wait3A_70 = tpu.memref_slice %arg4[%add3A_50, %dma_wait3A_69] : memref<32768x128xf32, #tpu.memory_space<hbm>> -> memref<128x128xf32, #tpu.memory_space<hbm>>
      %dma_wait3A_71 = arith.constant 0 : i32
      %dma_wait3A_72 = tpu.memref_slice %arg4[%add3A_50, %dma_wait3A_71] : memref<32768x128xf32, #tpu.memory_space<hbm>> -> memref<128x128xf32, #tpu.memory_space<hbm>>
      tpu.wait_dma2 semaphore(%run_scoped3A : memref<!tpu.dma_semaphore, #tpu.memory_space<semaphore_mem>>) src(%arg6 : memref<128x128xf32, #tpu.memory_space<vmem>>) dst(%dma_wait3A_72 : memref<128x128xf32, #tpu.memory_space<hbm>>)
      tpu.yield
    }) : () -> ()
    %add3A_57 = arith.constant 896 : i32
    %add3A_58 = arith.addi %mul3A_2, %add3A_57 : i32
    "tpu.region"() ({
      %run_scoped3A = tpu.sem_alloc : memref<!tpu.dma_semaphore, #tpu.memory_space<semaphore_mem>>
      %dma_start3A_65 = tpu.memref_slice %arg3[%add3A_58] : memref<32768xi32, #tpu.memory_space<hbm>> -> memref<128xi32, #tpu.memory_space<hbm>>
      %dma_start3A_66 = tpu.memref_slice %arg3[%add3A_58] : memref<32768xi32, #tpu.memory_space<hbm>> -> memref<128xi32, #tpu.memory_space<hbm>>
      tpu.enqueue_dma source(%dma_start3A_66 : memref<128xi32, #tpu.memory_space<hbm>>) target(%arg5 : memref<128xi32, #tpu.memory_space<vmem>>) target_semaphore(%run_scoped3A : memref<!tpu.dma_semaphore, #tpu.memory_space<semaphore_mem>>)
      %dma_wait3A_67 = tpu.memref_slice %arg3[%add3A_58] : memref<32768xi32, #tpu.memory_space<hbm>> -> memref<128xi32, #tpu.memory_space<hbm>>
      %dma_wait3A_68 = tpu.memref_slice %arg3[%add3A_58] : memref<32768xi32, #tpu.memory_space<hbm>> -> memref<128xi32, #tpu.memory_space<hbm>>
      tpu.wait_dma2 semaphore(%run_scoped3A : memref<!tpu.dma_semaphore, #tpu.memory_space<semaphore_mem>>) src(%dma_wait3A_68 : memref<128xi32, #tpu.memory_space<hbm>>) dst(%arg5 : memref<128xi32, #tpu.memory_space<vmem>>)
      tpu.yield
    }) : () -> ()
    %dma_start3A_59 = arith.constant 0 : i32
    %dma_start3A_60 = arith.constant 0 : i32
    %dma_start3A_61 = tpu.memref_slice %arg2[%dma_start3A_59, %dma_start3A_60] : memref<8192x128xf32, #tpu.memory_space<hbm>> -> memref<8192x128xf32, #tpu.memory_space<hbm>>
    tpu.enqueue_indirect_dma source(%dma_start3A_61 : memref<8192x128xf32, #tpu.memory_space<hbm>>) target(%arg6 : memref<128x128xf32, #tpu.memory_space<vmem>>) offsets(%arg5 : memref<128xi32, #tpu.memory_space<vmem>>) semaphore(%arg7 : memref<!tpu.dma_semaphore, #tpu.memory_space<semaphore_mem>>)
    %dma_wait3A_62 = arith.constant 0 : i32
    %dma_wait3A_63 = arith.constant 0 : i32
    %dma_wait3A_64 = tpu.memref_slice %arg2[%dma_wait3A_62, %dma_wait3A_63] : memref<8192x128xf32, #tpu.memory_space<hbm>> -> memref<8192x128xf32, #tpu.memory_space<hbm>>
    tpu.wait_indirect_dma semaphore(%arg7 : memref<!tpu.dma_semaphore, #tpu.memory_space<semaphore_mem>>) src(%dma_wait3A_64 : memref<8192x128xf32, #tpu.memory_space<hbm>>) dst(%arg6 : memref<128x128xf32, #tpu.memory_space<vmem>>)
    "tpu.region"() ({
      %run_scoped3A = tpu.sem_alloc : memref<!tpu.dma_semaphore, #tpu.memory_space<semaphore_mem>>
      %dma_start3A_65 = arith.constant 0 : i32
      %dma_start3A_66 = tpu.memref_slice %arg4[%add3A_58, %dma_start3A_65] : memref<32768x128xf32, #tpu.memory_space<hbm>> -> memref<128x128xf32, #tpu.memory_space<hbm>>
      %dma_start3A_67 = arith.constant 0 : i32
      %dma_start3A_68 = tpu.memref_slice %arg4[%add3A_58, %dma_start3A_67] : memref<32768x128xf32, #tpu.memory_space<hbm>> -> memref<128x128xf32, #tpu.memory_space<hbm>>
      tpu.enqueue_dma source(%arg6 : memref<128x128xf32, #tpu.memory_space<vmem>>) target(%dma_start3A_68 : memref<128x128xf32, #tpu.memory_space<hbm>>) target_semaphore(%run_scoped3A : memref<!tpu.dma_semaphore, #tpu.memory_space<semaphore_mem>>)
      %dma_wait3A_69 = arith.constant 0 : i32
      %dma_wait3A_70 = tpu.memref_slice %arg4[%add3A_58, %dma_wait3A_69] : memref<32768x128xf32, #tpu.memory_space<hbm>> -> memref<128x128xf32, #tpu.memory_space<hbm>>
      %dma_wait3A_71 = arith.constant 0 : i32
      %dma_wait3A_72 = tpu.memref_slice %arg4[%add3A_58, %dma_wait3A_71] : memref<32768x128xf32, #tpu.memory_space<hbm>> -> memref<128x128xf32, #tpu.memory_space<hbm>>
      tpu.wait_dma2 semaphore(%run_scoped3A : memref<!tpu.dma_semaphore, #tpu.memory_space<semaphore_mem>>) src(%arg6 : memref<128x128xf32, #tpu.memory_space<vmem>>) dst(%dma_wait3A_72 : memref<128x128xf32, #tpu.memory_space<hbm>>)
      tpu.yield
    }) : () -> ()
    return
  }
}

#map = affine_map<(d0, d1) -> (0, 0)>
#map1 = affine_map<(d0, d1) -> (0)>
module attributes {stable_mosaic.version = 14 : i64} {
  func.func @sc_gather8(%arg0: i32, %arg1: i32, %arg2: memref<8192x128xf32, #tpu.memory_space<hbm>>, %arg3: memref<65536xi32, #tpu.memory_space<hbm>>, %arg4: memref<65536x128xf32, #tpu.memory_space<hbm>>, %arg5: memref<128xi32, #tpu.memory_space<vmem>>, %arg6: memref<128x128xf32, #tpu.memory_space<vmem>>, %arg7: memref<!tpu.dma_semaphore, #tpu.memory_space<semaphore_mem>>) attributes {dimension_semantics = [#tpu.dimension_semantics<core_parallel>, #tpu.dimension_semantics<subcore_parallel>], iteration_bounds = array<i64: 2, 16>, scalar_prefetch = 0 : i64, scratch_operands = 3 : i64, tpu.core_type = #tpu.core_type<sc_vector_subcore>, window_params = [{transform_indices = #map}, {transform_indices = #map1}, {transform_indices = #map}]} {
    %mul3A = arith.constant 2 : i32
    %mul3A_0 = arith.muli %arg1, %mul3A : i32
    %add3A = arith.addi %mul3A_0, %arg0 : i32
    %mul3A_1 = arith.constant 2048 : i32
    %mul3A_2 = arith.muli %add3A, %mul3A_1 : i32
    %add3A_3 = arith.constant 0 : i32
    %add3A_4 = arith.addi %mul3A_2, %add3A_3 : i32
    "tpu.region"() ({
      %run_scoped3A = tpu.sem_alloc : memref<!tpu.dma_semaphore, #tpu.memory_space<semaphore_mem>>
      %dma_start3A_129 = tpu.memref_slice %arg3[%add3A_4] : memref<65536xi32, #tpu.memory_space<hbm>> -> memref<128xi32, #tpu.memory_space<hbm>>
      %dma_start3A_130 = tpu.memref_slice %arg3[%add3A_4] : memref<65536xi32, #tpu.memory_space<hbm>> -> memref<128xi32, #tpu.memory_space<hbm>>
      tpu.enqueue_dma source(%dma_start3A_130 : memref<128xi32, #tpu.memory_space<hbm>>) target(%arg5 : memref<128xi32, #tpu.memory_space<vmem>>) target_semaphore(%run_scoped3A : memref<!tpu.dma_semaphore, #tpu.memory_space<semaphore_mem>>)
      %dma_wait3A_131 = tpu.memref_slice %arg3[%add3A_4] : memref<65536xi32, #tpu.memory_space<hbm>> -> memref<128xi32, #tpu.memory_space<hbm>>
      %dma_wait3A_132 = tpu.memref_slice %arg3[%add3A_4] : memref<65536xi32, #tpu.memory_space<hbm>> -> memref<128xi32, #tpu.memory_space<hbm>>
      tpu.wait_dma2 semaphore(%run_scoped3A : memref<!tpu.dma_semaphore, #tpu.memory_space<semaphore_mem>>) src(%dma_wait3A_132 : memref<128xi32, #tpu.memory_space<hbm>>) dst(%arg5 : memref<128xi32, #tpu.memory_space<vmem>>)
      tpu.yield
    }) : () -> ()
    %dma_start3A = arith.constant 0 : i32
    %dma_start3A_5 = arith.constant 0 : i32
    %dma_start3A_6 = tpu.memref_slice %arg2[%dma_start3A, %dma_start3A_5] : memref<8192x128xf32, #tpu.memory_space<hbm>> -> memref<8192x128xf32, #tpu.memory_space<hbm>>
    tpu.enqueue_indirect_dma source(%dma_start3A_6 : memref<8192x128xf32, #tpu.memory_space<hbm>>) target(%arg6 : memref<128x128xf32, #tpu.memory_space<vmem>>) offsets(%arg5 : memref<128xi32, #tpu.memory_space<vmem>>) semaphore(%arg7 : memref<!tpu.dma_semaphore, #tpu.memory_space<semaphore_mem>>)
    %dma_wait3A = arith.constant 0 : i32
    %dma_wait3A_7 = arith.constant 0 : i32
    %dma_wait3A_8 = tpu.memref_slice %arg2[%dma_wait3A, %dma_wait3A_7] : memref<8192x128xf32, #tpu.memory_space<hbm>> -> memref<8192x128xf32, #tpu.memory_space<hbm>>
    tpu.wait_indirect_dma semaphore(%arg7 : memref<!tpu.dma_semaphore, #tpu.memory_space<semaphore_mem>>) src(%dma_wait3A_8 : memref<8192x128xf32, #tpu.memory_space<hbm>>) dst(%arg6 : memref<128x128xf32, #tpu.memory_space<vmem>>)
    "tpu.region"() ({
      %run_scoped3A = tpu.sem_alloc : memref<!tpu.dma_semaphore, #tpu.memory_space<semaphore_mem>>
      %dma_start3A_129 = arith.constant 0 : i32
      %dma_start3A_130 = tpu.memref_slice %arg4[%add3A_4, %dma_start3A_129] : memref<65536x128xf32, #tpu.memory_space<hbm>> -> memref<128x128xf32, #tpu.memory_space<hbm>>
      %dma_start3A_131 = arith.constant 0 : i32
      %dma_start3A_132 = tpu.memref_slice %arg4[%add3A_4, %dma_start3A_131] : memref<65536x128xf32, #tpu.memory_space<hbm>> -> memref<128x128xf32, #tpu.memory_space<hbm>>
      tpu.enqueue_dma source(%arg6 : memref<128x128xf32, #tpu.memory_space<vmem>>) target(%dma_start3A_132 : memref<128x128xf32, #tpu.memory_space<hbm>>) target_semaphore(%run_scoped3A : memref<!tpu.dma_semaphore, #tpu.memory_space<semaphore_mem>>)
      %dma_wait3A_133 = arith.constant 0 : i32
      %dma_wait3A_134 = tpu.memref_slice %arg4[%add3A_4, %dma_wait3A_133] : memref<65536x128xf32, #tpu.memory_space<hbm>> -> memref<128x128xf32, #tpu.memory_space<hbm>>
      %dma_wait3A_135 = arith.constant 0 : i32
      %dma_wait3A_136 = tpu.memref_slice %arg4[%add3A_4, %dma_wait3A_135] : memref<65536x128xf32, #tpu.memory_space<hbm>> -> memref<128x128xf32, #tpu.memory_space<hbm>>
      tpu.wait_dma2 semaphore(%run_scoped3A : memref<!tpu.dma_semaphore, #tpu.memory_space<semaphore_mem>>) src(%arg6 : memref<128x128xf32, #tpu.memory_space<vmem>>) dst(%dma_wait3A_136 : memref<128x128xf32, #tpu.memory_space<hbm>>)
      tpu.yield
    }) : () -> ()
    %add3A_9 = arith.constant 128 : i32
    %add3A_10 = arith.addi %mul3A_2, %add3A_9 : i32
    "tpu.region"() ({
      %run_scoped3A = tpu.sem_alloc : memref<!tpu.dma_semaphore, #tpu.memory_space<semaphore_mem>>
      %dma_start3A_129 = tpu.memref_slice %arg3[%add3A_10] : memref<65536xi32, #tpu.memory_space<hbm>> -> memref<128xi32, #tpu.memory_space<hbm>>
      %dma_start3A_130 = tpu.memref_slice %arg3[%add3A_10] : memref<65536xi32, #tpu.memory_space<hbm>> -> memref<128xi32, #tpu.memory_space<hbm>>
      tpu.enqueue_dma source(%dma_start3A_130 : memref<128xi32, #tpu.memory_space<hbm>>) target(%arg5 : memref<128xi32, #tpu.memory_space<vmem>>) target_semaphore(%run_scoped3A : memref<!tpu.dma_semaphore, #tpu.memory_space<semaphore_mem>>)
      %dma_wait3A_131 = tpu.memref_slice %arg3[%add3A_10] : memref<65536xi32, #tpu.memory_space<hbm>> -> memref<128xi32, #tpu.memory_space<hbm>>
      %dma_wait3A_132 = tpu.memref_slice %arg3[%add3A_10] : memref<65536xi32, #tpu.memory_space<hbm>> -> memref<128xi32, #tpu.memory_space<hbm>>
      tpu.wait_dma2 semaphore(%run_scoped3A : memref<!tpu.dma_semaphore, #tpu.memory_space<semaphore_mem>>) src(%dma_wait3A_132 : memref<128xi32, #tpu.memory_space<hbm>>) dst(%arg5 : memref<128xi32, #tpu.memory_space<vmem>>)
      tpu.yield
    }) : () -> ()
    %dma_start3A_11 = arith.constant 0 : i32
    %dma_start3A_12 = arith.constant 0 : i32
    %dma_start3A_13 = tpu.memref_slice %arg2[%dma_start3A_11, %dma_start3A_12] : memref<8192x128xf32, #tpu.memory_space<hbm>> -> memref<8192x128xf32, #tpu.memory_space<hbm>>
    tpu.enqueue_indirect_dma source(%dma_start3A_13 : memref<8192x128xf32, #tpu.memory_space<hbm>>) target(%arg6 : memref<128x128xf32, #tpu.memory_space<vmem>>) offsets(%arg5 : memref<128xi32, #tpu.memory_space<vmem>>) semaphore(%arg7 : memref<!tpu.dma_semaphore, #tpu.memory_space<semaphore_mem>>)
    %dma_wait3A_14 = arith.constant 0 : i32
    %dma_wait3A_15 = arith.constant 0 : i32
    %dma_wait3A_16 = tpu.memref_slice %arg2[%dma_wait3A_14, %dma_wait3A_15] : memref<8192x128xf32, #tpu.memory_space<hbm>> -> memref<8192x128xf32, #tpu.memory_space<hbm>>
    tpu.wait_indirect_dma semaphore(%arg7 : memref<!tpu.dma_semaphore, #tpu.memory_space<semaphore_mem>>) src(%dma_wait3A_16 : memref<8192x128xf32, #tpu.memory_space<hbm>>) dst(%arg6 : memref<128x128xf32, #tpu.memory_space<vmem>>)
    "tpu.region"() ({
      %run_scoped3A = tpu.sem_alloc : memref<!tpu.dma_semaphore, #tpu.memory_space<semaphore_mem>>
      %dma_start3A_129 = arith.constant 0 : i32
      %dma_start3A_130 = tpu.memref_slice %arg4[%add3A_10, %dma_start3A_129] : memref<65536x128xf32, #tpu.memory_space<hbm>> -> memref<128x128xf32, #tpu.memory_space<hbm>>
      %dma_start3A_131 = arith.constant 0 : i32
      %dma_start3A_132 = tpu.memref_slice %arg4[%add3A_10, %dma_start3A_131] : memref<65536x128xf32, #tpu.memory_space<hbm>> -> memref<128x128xf32, #tpu.memory_space<hbm>>
      tpu.enqueue_dma source(%arg6 : memref<128x128xf32, #tpu.memory_space<vmem>>) target(%dma_start3A_132 : memref<128x128xf32, #tpu.memory_space<hbm>>) target_semaphore(%run_scoped3A : memref<!tpu.dma_semaphore, #tpu.memory_space<semaphore_mem>>)
      %dma_wait3A_133 = arith.constant 0 : i32
      %dma_wait3A_134 = tpu.memref_slice %arg4[%add3A_10, %dma_wait3A_133] : memref<65536x128xf32, #tpu.memory_space<hbm>> -> memref<128x128xf32, #tpu.memory_space<hbm>>
      %dma_wait3A_135 = arith.constant 0 : i32
      %dma_wait3A_136 = tpu.memref_slice %arg4[%add3A_10, %dma_wait3A_135] : memref<65536x128xf32, #tpu.memory_space<hbm>> -> memref<128x128xf32, #tpu.memory_space<hbm>>
      tpu.wait_dma2 semaphore(%run_scoped3A : memref<!tpu.dma_semaphore, #tpu.memory_space<semaphore_mem>>) src(%arg6 : memref<128x128xf32, #tpu.memory_space<vmem>>) dst(%dma_wait3A_136 : memref<128x128xf32, #tpu.memory_space<hbm>>)
      tpu.yield
    }) : () -> ()
    %add3A_17 = arith.constant 256 : i32
    %add3A_18 = arith.addi %mul3A_2, %add3A_17 : i32
    "tpu.region"() ({
      %run_scoped3A = tpu.sem_alloc : memref<!tpu.dma_semaphore, #tpu.memory_space<semaphore_mem>>
      %dma_start3A_129 = tpu.memref_slice %arg3[%add3A_18] : memref<65536xi32, #tpu.memory_space<hbm>> -> memref<128xi32, #tpu.memory_space<hbm>>
      %dma_start3A_130 = tpu.memref_slice %arg3[%add3A_18] : memref<65536xi32, #tpu.memory_space<hbm>> -> memref<128xi32, #tpu.memory_space<hbm>>
      tpu.enqueue_dma source(%dma_start3A_130 : memref<128xi32, #tpu.memory_space<hbm>>) target(%arg5 : memref<128xi32, #tpu.memory_space<vmem>>) target_semaphore(%run_scoped3A : memref<!tpu.dma_semaphore, #tpu.memory_space<semaphore_mem>>)
      %dma_wait3A_131 = tpu.memref_slice %arg3[%add3A_18] : memref<65536xi32, #tpu.memory_space<hbm>> -> memref<128xi32, #tpu.memory_space<hbm>>
      %dma_wait3A_132 = tpu.memref_slice %arg3[%add3A_18] : memref<65536xi32, #tpu.memory_space<hbm>> -> memref<128xi32, #tpu.memory_space<hbm>>
      tpu.wait_dma2 semaphore(%run_scoped3A : memref<!tpu.dma_semaphore, #tpu.memory_space<semaphore_mem>>) src(%dma_wait3A_132 : memref<128xi32, #tpu.memory_space<hbm>>) dst(%arg5 : memref<128xi32, #tpu.memory_space<vmem>>)
      tpu.yield
    }) : () -> ()
    %dma_start3A_19 = arith.constant 0 : i32
    %dma_start3A_20 = arith.constant 0 : i32
    %dma_start3A_21 = tpu.memref_slice %arg2[%dma_start3A_19, %dma_start3A_20] : memref<8192x128xf32, #tpu.memory_space<hbm>> -> memref<8192x128xf32, #tpu.memory_space<hbm>>
    tpu.enqueue_indirect_dma source(%dma_start3A_21 : memref<8192x128xf32, #tpu.memory_space<hbm>>) target(%arg6 : memref<128x128xf32, #tpu.memory_space<vmem>>) offsets(%arg5 : memref<128xi32, #tpu.memory_space<vmem>>) semaphore(%arg7 : memref<!tpu.dma_semaphore, #tpu.memory_space<semaphore_mem>>)
    %dma_wait3A_22 = arith.constant 0 : i32
    %dma_wait3A_23 = arith.constant 0 : i32
    %dma_wait3A_24 = tpu.memref_slice %arg2[%dma_wait3A_22, %dma_wait3A_23] : memref<8192x128xf32, #tpu.memory_space<hbm>> -> memref<8192x128xf32, #tpu.memory_space<hbm>>
    tpu.wait_indirect_dma semaphore(%arg7 : memref<!tpu.dma_semaphore, #tpu.memory_space<semaphore_mem>>) src(%dma_wait3A_24 : memref<8192x128xf32, #tpu.memory_space<hbm>>) dst(%arg6 : memref<128x128xf32, #tpu.memory_space<vmem>>)
    "tpu.region"() ({
      %run_scoped3A = tpu.sem_alloc : memref<!tpu.dma_semaphore, #tpu.memory_space<semaphore_mem>>
      %dma_start3A_129 = arith.constant 0 : i32
      %dma_start3A_130 = tpu.memref_slice %arg4[%add3A_18, %dma_start3A_129] : memref<65536x128xf32, #tpu.memory_space<hbm>> -> memref<128x128xf32, #tpu.memory_space<hbm>>
      %dma_start3A_131 = arith.constant 0 : i32
      %dma_start3A_132 = tpu.memref_slice %arg4[%add3A_18, %dma_start3A_131] : memref<65536x128xf32, #tpu.memory_space<hbm>> -> memref<128x128xf32, #tpu.memory_space<hbm>>
      tpu.enqueue_dma source(%arg6 : memref<128x128xf32, #tpu.memory_space<vmem>>) target(%dma_start3A_132 : memref<128x128xf32, #tpu.memory_space<hbm>>) target_semaphore(%run_scoped3A : memref<!tpu.dma_semaphore, #tpu.memory_space<semaphore_mem>>)
      %dma_wait3A_133 = arith.constant 0 : i32
      %dma_wait3A_134 = tpu.memref_slice %arg4[%add3A_18, %dma_wait3A_133] : memref<65536x128xf32, #tpu.memory_space<hbm>> -> memref<128x128xf32, #tpu.memory_space<hbm>>
      %dma_wait3A_135 = arith.constant 0 : i32
      %dma_wait3A_136 = tpu.memref_slice %arg4[%add3A_18, %dma_wait3A_135] : memref<65536x128xf32, #tpu.memory_space<hbm>> -> memref<128x128xf32, #tpu.memory_space<hbm>>
      tpu.wait_dma2 semaphore(%run_scoped3A : memref<!tpu.dma_semaphore, #tpu.memory_space<semaphore_mem>>) src(%arg6 : memref<128x128xf32, #tpu.memory_space<vmem>>) dst(%dma_wait3A_136 : memref<128x128xf32, #tpu.memory_space<hbm>>)
      tpu.yield
    }) : () -> ()
    %add3A_25 = arith.constant 384 : i32
    %add3A_26 = arith.addi %mul3A_2, %add3A_25 : i32
    "tpu.region"() ({
      %run_scoped3A = tpu.sem_alloc : memref<!tpu.dma_semaphore, #tpu.memory_space<semaphore_mem>>
      %dma_start3A_129 = tpu.memref_slice %arg3[%add3A_26] : memref<65536xi32, #tpu.memory_space<hbm>> -> memref<128xi32, #tpu.memory_space<hbm>>
      %dma_start3A_130 = tpu.memref_slice %arg3[%add3A_26] : memref<65536xi32, #tpu.memory_space<hbm>> -> memref<128xi32, #tpu.memory_space<hbm>>
      tpu.enqueue_dma source(%dma_start3A_130 : memref<128xi32, #tpu.memory_space<hbm>>) target(%arg5 : memref<128xi32, #tpu.memory_space<vmem>>) target_semaphore(%run_scoped3A : memref<!tpu.dma_semaphore, #tpu.memory_space<semaphore_mem>>)
      %dma_wait3A_131 = tpu.memref_slice %arg3[%add3A_26] : memref<65536xi32, #tpu.memory_space<hbm>> -> memref<128xi32, #tpu.memory_space<hbm>>
      %dma_wait3A_132 = tpu.memref_slice %arg3[%add3A_26] : memref<65536xi32, #tpu.memory_space<hbm>> -> memref<128xi32, #tpu.memory_space<hbm>>
      tpu.wait_dma2 semaphore(%run_scoped3A : memref<!tpu.dma_semaphore, #tpu.memory_space<semaphore_mem>>) src(%dma_wait3A_132 : memref<128xi32, #tpu.memory_space<hbm>>) dst(%arg5 : memref<128xi32, #tpu.memory_space<vmem>>)
      tpu.yield
    }) : () -> ()
    %dma_start3A_27 = arith.constant 0 : i32
    %dma_start3A_28 = arith.constant 0 : i32
    %dma_start3A_29 = tpu.memref_slice %arg2[%dma_start3A_27, %dma_start3A_28] : memref<8192x128xf32, #tpu.memory_space<hbm>> -> memref<8192x128xf32, #tpu.memory_space<hbm>>
    tpu.enqueue_indirect_dma source(%dma_start3A_29 : memref<8192x128xf32, #tpu.memory_space<hbm>>) target(%arg6 : memref<128x128xf32, #tpu.memory_space<vmem>>) offsets(%arg5 : memref<128xi32, #tpu.memory_space<vmem>>) semaphore(%arg7 : memref<!tpu.dma_semaphore, #tpu.memory_space<semaphore_mem>>)
    %dma_wait3A_30 = arith.constant 0 : i32
    %dma_wait3A_31 = arith.constant 0 : i32
    %dma_wait3A_32 = tpu.memref_slice %arg2[%dma_wait3A_30, %dma_wait3A_31] : memref<8192x128xf32, #tpu.memory_space<hbm>> -> memref<8192x128xf32, #tpu.memory_space<hbm>>
    tpu.wait_indirect_dma semaphore(%arg7 : memref<!tpu.dma_semaphore, #tpu.memory_space<semaphore_mem>>) src(%dma_wait3A_32 : memref<8192x128xf32, #tpu.memory_space<hbm>>) dst(%arg6 : memref<128x128xf32, #tpu.memory_space<vmem>>)
    "tpu.region"() ({
      %run_scoped3A = tpu.sem_alloc : memref<!tpu.dma_semaphore, #tpu.memory_space<semaphore_mem>>
      %dma_start3A_129 = arith.constant 0 : i32
      %dma_start3A_130 = tpu.memref_slice %arg4[%add3A_26, %dma_start3A_129] : memref<65536x128xf32, #tpu.memory_space<hbm>> -> memref<128x128xf32, #tpu.memory_space<hbm>>
      %dma_start3A_131 = arith.constant 0 : i32
      %dma_start3A_132 = tpu.memref_slice %arg4[%add3A_26, %dma_start3A_131] : memref<65536x128xf32, #tpu.memory_space<hbm>> -> memref<128x128xf32, #tpu.memory_space<hbm>>
      tpu.enqueue_dma source(%arg6 : memref<128x128xf32, #tpu.memory_space<vmem>>) target(%dma_start3A_132 : memref<128x128xf32, #tpu.memory_space<hbm>>) target_semaphore(%run_scoped3A : memref<!tpu.dma_semaphore, #tpu.memory_space<semaphore_mem>>)
      %dma_wait3A_133 = arith.constant 0 : i32
      %dma_wait3A_134 = tpu.memref_slice %arg4[%add3A_26, %dma_wait3A_133] : memref<65536x128xf32, #tpu.memory_space<hbm>> -> memref<128x128xf32, #tpu.memory_space<hbm>>
      %dma_wait3A_135 = arith.constant 0 : i32
      %dma_wait3A_136 = tpu.memref_slice %arg4[%add3A_26, %dma_wait3A_135] : memref<65536x128xf32, #tpu.memory_space<hbm>> -> memref<128x128xf32, #tpu.memory_space<hbm>>
      tpu.wait_dma2 semaphore(%run_scoped3A : memref<!tpu.dma_semaphore, #tpu.memory_space<semaphore_mem>>) src(%arg6 : memref<128x128xf32, #tpu.memory_space<vmem>>) dst(%dma_wait3A_136 : memref<128x128xf32, #tpu.memory_space<hbm>>)
      tpu.yield
    }) : () -> ()
    %add3A_33 = arith.constant 512 : i32
    %add3A_34 = arith.addi %mul3A_2, %add3A_33 : i32
    "tpu.region"() ({
      %run_scoped3A = tpu.sem_alloc : memref<!tpu.dma_semaphore, #tpu.memory_space<semaphore_mem>>
      %dma_start3A_129 = tpu.memref_slice %arg3[%add3A_34] : memref<65536xi32, #tpu.memory_space<hbm>> -> memref<128xi32, #tpu.memory_space<hbm>>
      %dma_start3A_130 = tpu.memref_slice %arg3[%add3A_34] : memref<65536xi32, #tpu.memory_space<hbm>> -> memref<128xi32, #tpu.memory_space<hbm>>
      tpu.enqueue_dma source(%dma_start3A_130 : memref<128xi32, #tpu.memory_space<hbm>>) target(%arg5 : memref<128xi32, #tpu.memory_space<vmem>>) target_semaphore(%run_scoped3A : memref<!tpu.dma_semaphore, #tpu.memory_space<semaphore_mem>>)
      %dma_wait3A_131 = tpu.memref_slice %arg3[%add3A_34] : memref<65536xi32, #tpu.memory_space<hbm>> -> memref<128xi32, #tpu.memory_space<hbm>>
      %dma_wait3A_132 = tpu.memref_slice %arg3[%add3A_34] : memref<65536xi32, #tpu.memory_space<hbm>> -> memref<128xi32, #tpu.memory_space<hbm>>
      tpu.wait_dma2 semaphore(%run_scoped3A : memref<!tpu.dma_semaphore, #tpu.memory_space<semaphore_mem>>) src(%dma_wait3A_132 : memref<128xi32, #tpu.memory_space<hbm>>) dst(%arg5 : memref<128xi32, #tpu.memory_space<vmem>>)
      tpu.yield
    }) : () -> ()
    %dma_start3A_35 = arith.constant 0 : i32
    %dma_start3A_36 = arith.constant 0 : i32
    %dma_start3A_37 = tpu.memref_slice %arg2[%dma_start3A_35, %dma_start3A_36] : memref<8192x128xf32, #tpu.memory_space<hbm>> -> memref<8192x128xf32, #tpu.memory_space<hbm>>
    tpu.enqueue_indirect_dma source(%dma_start3A_37 : memref<8192x128xf32, #tpu.memory_space<hbm>>) target(%arg6 : memref<128x128xf32, #tpu.memory_space<vmem>>) offsets(%arg5 : memref<128xi32, #tpu.memory_space<vmem>>) semaphore(%arg7 : memref<!tpu.dma_semaphore, #tpu.memory_space<semaphore_mem>>)
    %dma_wait3A_38 = arith.constant 0 : i32
    %dma_wait3A_39 = arith.constant 0 : i32
    %dma_wait3A_40 = tpu.memref_slice %arg2[%dma_wait3A_38, %dma_wait3A_39] : memref<8192x128xf32, #tpu.memory_space<hbm>> -> memref<8192x128xf32, #tpu.memory_space<hbm>>
    tpu.wait_indirect_dma semaphore(%arg7 : memref<!tpu.dma_semaphore, #tpu.memory_space<semaphore_mem>>) src(%dma_wait3A_40 : memref<8192x128xf32, #tpu.memory_space<hbm>>) dst(%arg6 : memref<128x128xf32, #tpu.memory_space<vmem>>)
    "tpu.region"() ({
      %run_scoped3A = tpu.sem_alloc : memref<!tpu.dma_semaphore, #tpu.memory_space<semaphore_mem>>
      %dma_start3A_129 = arith.constant 0 : i32
      %dma_start3A_130 = tpu.memref_slice %arg4[%add3A_34, %dma_start3A_129] : memref<65536x128xf32, #tpu.memory_space<hbm>> -> memref<128x128xf32, #tpu.memory_space<hbm>>
      %dma_start3A_131 = arith.constant 0 : i32
      %dma_start3A_132 = tpu.memref_slice %arg4[%add3A_34, %dma_start3A_131] : memref<65536x128xf32, #tpu.memory_space<hbm>> -> memref<128x128xf32, #tpu.memory_space<hbm>>
      tpu.enqueue_dma source(%arg6 : memref<128x128xf32, #tpu.memory_space<vmem>>) target(%dma_start3A_132 : memref<128x128xf32, #tpu.memory_space<hbm>>) target_semaphore(%run_scoped3A : memref<!tpu.dma_semaphore, #tpu.memory_space<semaphore_mem>>)
      %dma_wait3A_133 = arith.constant 0 : i32
      %dma_wait3A_134 = tpu.memref_slice %arg4[%add3A_34, %dma_wait3A_133] : memref<65536x128xf32, #tpu.memory_space<hbm>> -> memref<128x128xf32, #tpu.memory_space<hbm>>
      %dma_wait3A_135 = arith.constant 0 : i32
      %dma_wait3A_136 = tpu.memref_slice %arg4[%add3A_34, %dma_wait3A_135] : memref<65536x128xf32, #tpu.memory_space<hbm>> -> memref<128x128xf32, #tpu.memory_space<hbm>>
      tpu.wait_dma2 semaphore(%run_scoped3A : memref<!tpu.dma_semaphore, #tpu.memory_space<semaphore_mem>>) src(%arg6 : memref<128x128xf32, #tpu.memory_space<vmem>>) dst(%dma_wait3A_136 : memref<128x128xf32, #tpu.memory_space<hbm>>)
      tpu.yield
    }) : () -> ()
    %add3A_41 = arith.constant 640 : i32
    %add3A_42 = arith.addi %mul3A_2, %add3A_41 : i32
    "tpu.region"() ({
      %run_scoped3A = tpu.sem_alloc : memref<!tpu.dma_semaphore, #tpu.memory_space<semaphore_mem>>
      %dma_start3A_129 = tpu.memref_slice %arg3[%add3A_42] : memref<65536xi32, #tpu.memory_space<hbm>> -> memref<128xi32, #tpu.memory_space<hbm>>
      %dma_start3A_130 = tpu.memref_slice %arg3[%add3A_42] : memref<65536xi32, #tpu.memory_space<hbm>> -> memref<128xi32, #tpu.memory_space<hbm>>
      tpu.enqueue_dma source(%dma_start3A_130 : memref<128xi32, #tpu.memory_space<hbm>>) target(%arg5 : memref<128xi32, #tpu.memory_space<vmem>>) target_semaphore(%run_scoped3A : memref<!tpu.dma_semaphore, #tpu.memory_space<semaphore_mem>>)
      %dma_wait3A_131 = tpu.memref_slice %arg3[%add3A_42] : memref<65536xi32, #tpu.memory_space<hbm>> -> memref<128xi32, #tpu.memory_space<hbm>>
      %dma_wait3A_132 = tpu.memref_slice %arg3[%add3A_42] : memref<65536xi32, #tpu.memory_space<hbm>> -> memref<128xi32, #tpu.memory_space<hbm>>
      tpu.wait_dma2 semaphore(%run_scoped3A : memref<!tpu.dma_semaphore, #tpu.memory_space<semaphore_mem>>) src(%dma_wait3A_132 : memref<128xi32, #tpu.memory_space<hbm>>) dst(%arg5 : memref<128xi32, #tpu.memory_space<vmem>>)
      tpu.yield
    }) : () -> ()
    %dma_start3A_43 = arith.constant 0 : i32
    %dma_start3A_44 = arith.constant 0 : i32
    %dma_start3A_45 = tpu.memref_slice %arg2[%dma_start3A_43, %dma_start3A_44] : memref<8192x128xf32, #tpu.memory_space<hbm>> -> memref<8192x128xf32, #tpu.memory_space<hbm>>
    tpu.enqueue_indirect_dma source(%dma_start3A_45 : memref<8192x128xf32, #tpu.memory_space<hbm>>) target(%arg6 : memref<128x128xf32, #tpu.memory_space<vmem>>) offsets(%arg5 : memref<128xi32, #tpu.memory_space<vmem>>) semaphore(%arg7 : memref<!tpu.dma_semaphore, #tpu.memory_space<semaphore_mem>>)
    %dma_wait3A_46 = arith.constant 0 : i32
    %dma_wait3A_47 = arith.constant 0 : i32
    %dma_wait3A_48 = tpu.memref_slice %arg2[%dma_wait3A_46, %dma_wait3A_47] : memref<8192x128xf32, #tpu.memory_space<hbm>> -> memref<8192x128xf32, #tpu.memory_space<hbm>>
    tpu.wait_indirect_dma semaphore(%arg7 : memref<!tpu.dma_semaphore, #tpu.memory_space<semaphore_mem>>) src(%dma_wait3A_48 : memref<8192x128xf32, #tpu.memory_space<hbm>>) dst(%arg6 : memref<128x128xf32, #tpu.memory_space<vmem>>)
    "tpu.region"() ({
      %run_scoped3A = tpu.sem_alloc : memref<!tpu.dma_semaphore, #tpu.memory_space<semaphore_mem>>
      %dma_start3A_129 = arith.constant 0 : i32
      %dma_start3A_130 = tpu.memref_slice %arg4[%add3A_42, %dma_start3A_129] : memref<65536x128xf32, #tpu.memory_space<hbm>> -> memref<128x128xf32, #tpu.memory_space<hbm>>
      %dma_start3A_131 = arith.constant 0 : i32
      %dma_start3A_132 = tpu.memref_slice %arg4[%add3A_42, %dma_start3A_131] : memref<65536x128xf32, #tpu.memory_space<hbm>> -> memref<128x128xf32, #tpu.memory_space<hbm>>
      tpu.enqueue_dma source(%arg6 : memref<128x128xf32, #tpu.memory_space<vmem>>) target(%dma_start3A_132 : memref<128x128xf32, #tpu.memory_space<hbm>>) target_semaphore(%run_scoped3A : memref<!tpu.dma_semaphore, #tpu.memory_space<semaphore_mem>>)
      %dma_wait3A_133 = arith.constant 0 : i32
      %dma_wait3A_134 = tpu.memref_slice %arg4[%add3A_42, %dma_wait3A_133] : memref<65536x128xf32, #tpu.memory_space<hbm>> -> memref<128x128xf32, #tpu.memory_space<hbm>>
      %dma_wait3A_135 = arith.constant 0 : i32
      %dma_wait3A_136 = tpu.memref_slice %arg4[%add3A_42, %dma_wait3A_135] : memref<65536x128xf32, #tpu.memory_space<hbm>> -> memref<128x128xf32, #tpu.memory_space<hbm>>
      tpu.wait_dma2 semaphore(%run_scoped3A : memref<!tpu.dma_semaphore, #tpu.memory_space<semaphore_mem>>) src(%arg6 : memref<128x128xf32, #tpu.memory_space<vmem>>) dst(%dma_wait3A_136 : memref<128x128xf32, #tpu.memory_space<hbm>>)
      tpu.yield
    }) : () -> ()
    %add3A_49 = arith.constant 768 : i32
    %add3A_50 = arith.addi %mul3A_2, %add3A_49 : i32
    "tpu.region"() ({
      %run_scoped3A = tpu.sem_alloc : memref<!tpu.dma_semaphore, #tpu.memory_space<semaphore_mem>>
      %dma_start3A_129 = tpu.memref_slice %arg3[%add3A_50] : memref<65536xi32, #tpu.memory_space<hbm>> -> memref<128xi32, #tpu.memory_space<hbm>>
      %dma_start3A_130 = tpu.memref_slice %arg3[%add3A_50] : memref<65536xi32, #tpu.memory_space<hbm>> -> memref<128xi32, #tpu.memory_space<hbm>>
      tpu.enqueue_dma source(%dma_start3A_130 : memref<128xi32, #tpu.memory_space<hbm>>) target(%arg5 : memref<128xi32, #tpu.memory_space<vmem>>) target_semaphore(%run_scoped3A : memref<!tpu.dma_semaphore, #tpu.memory_space<semaphore_mem>>)
      %dma_wait3A_131 = tpu.memref_slice %arg3[%add3A_50] : memref<65536xi32, #tpu.memory_space<hbm>> -> memref<128xi32, #tpu.memory_space<hbm>>
      %dma_wait3A_132 = tpu.memref_slice %arg3[%add3A_50] : memref<65536xi32, #tpu.memory_space<hbm>> -> memref<128xi32, #tpu.memory_space<hbm>>
      tpu.wait_dma2 semaphore(%run_scoped3A : memref<!tpu.dma_semaphore, #tpu.memory_space<semaphore_mem>>) src(%dma_wait3A_132 : memref<128xi32, #tpu.memory_space<hbm>>) dst(%arg5 : memref<128xi32, #tpu.memory_space<vmem>>)
      tpu.yield
    }) : () -> ()
    %dma_start3A_51 = arith.constant 0 : i32
    %dma_start3A_52 = arith.constant 0 : i32
    %dma_start3A_53 = tpu.memref_slice %arg2[%dma_start3A_51, %dma_start3A_52] : memref<8192x128xf32, #tpu.memory_space<hbm>> -> memref<8192x128xf32, #tpu.memory_space<hbm>>
    tpu.enqueue_indirect_dma source(%dma_start3A_53 : memref<8192x128xf32, #tpu.memory_space<hbm>>) target(%arg6 : memref<128x128xf32, #tpu.memory_space<vmem>>) offsets(%arg5 : memref<128xi32, #tpu.memory_space<vmem>>) semaphore(%arg7 : memref<!tpu.dma_semaphore, #tpu.memory_space<semaphore_mem>>)
    %dma_wait3A_54 = arith.constant 0 : i32
    %dma_wait3A_55 = arith.constant 0 : i32
    %dma_wait3A_56 = tpu.memref_slice %arg2[%dma_wait3A_54, %dma_wait3A_55] : memref<8192x128xf32, #tpu.memory_space<hbm>> -> memref<8192x128xf32, #tpu.memory_space<hbm>>
    tpu.wait_indirect_dma semaphore(%arg7 : memref<!tpu.dma_semaphore, #tpu.memory_space<semaphore_mem>>) src(%dma_wait3A_56 : memref<8192x128xf32, #tpu.memory_space<hbm>>) dst(%arg6 : memref<128x128xf32, #tpu.memory_space<vmem>>)
    "tpu.region"() ({
      %run_scoped3A = tpu.sem_alloc : memref<!tpu.dma_semaphore, #tpu.memory_space<semaphore_mem>>
      %dma_start3A_129 = arith.constant 0 : i32
      %dma_start3A_130 = tpu.memref_slice %arg4[%add3A_50, %dma_start3A_129] : memref<65536x128xf32, #tpu.memory_space<hbm>> -> memref<128x128xf32, #tpu.memory_space<hbm>>
      %dma_start3A_131 = arith.constant 0 : i32
      %dma_start3A_132 = tpu.memref_slice %arg4[%add3A_50, %dma_start3A_131] : memref<65536x128xf32, #tpu.memory_space<hbm>> -> memref<128x128xf32, #tpu.memory_space<hbm>>
      tpu.enqueue_dma source(%arg6 : memref<128x128xf32, #tpu.memory_space<vmem>>) target(%dma_start3A_132 : memref<128x128xf32, #tpu.memory_space<hbm>>) target_semaphore(%run_scoped3A : memref<!tpu.dma_semaphore, #tpu.memory_space<semaphore_mem>>)
      %dma_wait3A_133 = arith.constant 0 : i32
      %dma_wait3A_134 = tpu.memref_slice %arg4[%add3A_50, %dma_wait3A_133] : memref<65536x128xf32, #tpu.memory_space<hbm>> -> memref<128x128xf32, #tpu.memory_space<hbm>>
      %dma_wait3A_135 = arith.constant 0 : i32
      %dma_wait3A_136 = tpu.memref_slice %arg4[%add3A_50, %dma_wait3A_135] : memref<65536x128xf32, #tpu.memory_space<hbm>> -> memref<128x128xf32, #tpu.memory_space<hbm>>
      tpu.wait_dma2 semaphore(%run_scoped3A : memref<!tpu.dma_semaphore, #tpu.memory_space<semaphore_mem>>) src(%arg6 : memref<128x128xf32, #tpu.memory_space<vmem>>) dst(%dma_wait3A_136 : memref<128x128xf32, #tpu.memory_space<hbm>>)
      tpu.yield
    }) : () -> ()
    %add3A_57 = arith.constant 896 : i32
    %add3A_58 = arith.addi %mul3A_2, %add3A_57 : i32
    "tpu.region"() ({
      %run_scoped3A = tpu.sem_alloc : memref<!tpu.dma_semaphore, #tpu.memory_space<semaphore_mem>>
      %dma_start3A_129 = tpu.memref_slice %arg3[%add3A_58] : memref<65536xi32, #tpu.memory_space<hbm>> -> memref<128xi32, #tpu.memory_space<hbm>>
      %dma_start3A_130 = tpu.memref_slice %arg3[%add3A_58] : memref<65536xi32, #tpu.memory_space<hbm>> -> memref<128xi32, #tpu.memory_space<hbm>>
      tpu.enqueue_dma source(%dma_start3A_130 : memref<128xi32, #tpu.memory_space<hbm>>) target(%arg5 : memref<128xi32, #tpu.memory_space<vmem>>) target_semaphore(%run_scoped3A : memref<!tpu.dma_semaphore, #tpu.memory_space<semaphore_mem>>)
      %dma_wait3A_131 = tpu.memref_slice %arg3[%add3A_58] : memref<65536xi32, #tpu.memory_space<hbm>> -> memref<128xi32, #tpu.memory_space<hbm>>
      %dma_wait3A_132 = tpu.memref_slice %arg3[%add3A_58] : memref<65536xi32, #tpu.memory_space<hbm>> -> memref<128xi32, #tpu.memory_space<hbm>>
      tpu.wait_dma2 semaphore(%run_scoped3A : memref<!tpu.dma_semaphore, #tpu.memory_space<semaphore_mem>>) src(%dma_wait3A_132 : memref<128xi32, #tpu.memory_space<hbm>>) dst(%arg5 : memref<128xi32, #tpu.memory_space<vmem>>)
      tpu.yield
    }) : () -> ()
    %dma_start3A_59 = arith.constant 0 : i32
    %dma_start3A_60 = arith.constant 0 : i32
    %dma_start3A_61 = tpu.memref_slice %arg2[%dma_start3A_59, %dma_start3A_60] : memref<8192x128xf32, #tpu.memory_space<hbm>> -> memref<8192x128xf32, #tpu.memory_space<hbm>>
    tpu.enqueue_indirect_dma source(%dma_start3A_61 : memref<8192x128xf32, #tpu.memory_space<hbm>>) target(%arg6 : memref<128x128xf32, #tpu.memory_space<vmem>>) offsets(%arg5 : memref<128xi32, #tpu.memory_space<vmem>>) semaphore(%arg7 : memref<!tpu.dma_semaphore, #tpu.memory_space<semaphore_mem>>)
    %dma_wait3A_62 = arith.constant 0 : i32
    %dma_wait3A_63 = arith.constant 0 : i32
    %dma_wait3A_64 = tpu.memref_slice %arg2[%dma_wait3A_62, %dma_wait3A_63] : memref<8192x128xf32, #tpu.memory_space<hbm>> -> memref<8192x128xf32, #tpu.memory_space<hbm>>
    tpu.wait_indirect_dma semaphore(%arg7 : memref<!tpu.dma_semaphore, #tpu.memory_space<semaphore_mem>>) src(%dma_wait3A_64 : memref<8192x128xf32, #tpu.memory_space<hbm>>) dst(%arg6 : memref<128x128xf32, #tpu.memory_space<vmem>>)
    "tpu.region"() ({
      %run_scoped3A = tpu.sem_alloc : memref<!tpu.dma_semaphore, #tpu.memory_space<semaphore_mem>>
      %dma_start3A_129 = arith.constant 0 : i32
      %dma_start3A_130 = tpu.memref_slice %arg4[%add3A_58, %dma_start3A_129] : memref<65536x128xf32, #tpu.memory_space<hbm>> -> memref<128x128xf32, #tpu.memory_space<hbm>>
      %dma_start3A_131 = arith.constant 0 : i32
      %dma_start3A_132 = tpu.memref_slice %arg4[%add3A_58, %dma_start3A_131] : memref<65536x128xf32, #tpu.memory_space<hbm>> -> memref<128x128xf32, #tpu.memory_space<hbm>>
      tpu.enqueue_dma source(%arg6 : memref<128x128xf32, #tpu.memory_space<vmem>>) target(%dma_start3A_132 : memref<128x128xf32, #tpu.memory_space<hbm>>) target_semaphore(%run_scoped3A : memref<!tpu.dma_semaphore, #tpu.memory_space<semaphore_mem>>)
      %dma_wait3A_133 = arith.constant 0 : i32
      %dma_wait3A_134 = tpu.memref_slice %arg4[%add3A_58, %dma_wait3A_133] : memref<65536x128xf32, #tpu.memory_space<hbm>> -> memref<128x128xf32, #tpu.memory_space<hbm>>
      %dma_wait3A_135 = arith.constant 0 : i32
      %dma_wait3A_136 = tpu.memref_slice %arg4[%add3A_58, %dma_wait3A_135] : memref<65536x128xf32, #tpu.memory_space<hbm>> -> memref<128x128xf32, #tpu.memory_space<hbm>>
      tpu.wait_dma2 semaphore(%run_scoped3A : memref<!tpu.dma_semaphore, #tpu.memory_space<semaphore_mem>>) src(%arg6 : memref<128x128xf32, #tpu.memory_space<vmem>>) dst(%dma_wait3A_136 : memref<128x128xf32, #tpu.memory_space<hbm>>)
      tpu.yield
    }) : () -> ()
    %add3A_65 = arith.constant 1024 : i32
    %add3A_66 = arith.addi %mul3A_2, %add3A_65 : i32
    "tpu.region"() ({
      %run_scoped3A = tpu.sem_alloc : memref<!tpu.dma_semaphore, #tpu.memory_space<semaphore_mem>>
      %dma_start3A_129 = tpu.memref_slice %arg3[%add3A_66] : memref<65536xi32, #tpu.memory_space<hbm>> -> memref<128xi32, #tpu.memory_space<hbm>>
      %dma_start3A_130 = tpu.memref_slice %arg3[%add3A_66] : memref<65536xi32, #tpu.memory_space<hbm>> -> memref<128xi32, #tpu.memory_space<hbm>>
      tpu.enqueue_dma source(%dma_start3A_130 : memref<128xi32, #tpu.memory_space<hbm>>) target(%arg5 : memref<128xi32, #tpu.memory_space<vmem>>) target_semaphore(%run_scoped3A : memref<!tpu.dma_semaphore, #tpu.memory_space<semaphore_mem>>)
      %dma_wait3A_131 = tpu.memref_slice %arg3[%add3A_66] : memref<65536xi32, #tpu.memory_space<hbm>> -> memref<128xi32, #tpu.memory_space<hbm>>
      %dma_wait3A_132 = tpu.memref_slice %arg3[%add3A_66] : memref<65536xi32, #tpu.memory_space<hbm>> -> memref<128xi32, #tpu.memory_space<hbm>>
      tpu.wait_dma2 semaphore(%run_scoped3A : memref<!tpu.dma_semaphore, #tpu.memory_space<semaphore_mem>>) src(%dma_wait3A_132 : memref<128xi32, #tpu.memory_space<hbm>>) dst(%arg5 : memref<128xi32, #tpu.memory_space<vmem>>)
      tpu.yield
    }) : () -> ()
    %dma_start3A_67 = arith.constant 0 : i32
    %dma_start3A_68 = arith.constant 0 : i32
    %dma_start3A_69 = tpu.memref_slice %arg2[%dma_start3A_67, %dma_start3A_68] : memref<8192x128xf32, #tpu.memory_space<hbm>> -> memref<8192x128xf32, #tpu.memory_space<hbm>>
    tpu.enqueue_indirect_dma source(%dma_start3A_69 : memref<8192x128xf32, #tpu.memory_space<hbm>>) target(%arg6 : memref<128x128xf32, #tpu.memory_space<vmem>>) offsets(%arg5 : memref<128xi32, #tpu.memory_space<vmem>>) semaphore(%arg7 : memref<!tpu.dma_semaphore, #tpu.memory_space<semaphore_mem>>)
    %dma_wait3A_70 = arith.constant 0 : i32
    %dma_wait3A_71 = arith.constant 0 : i32
    %dma_wait3A_72 = tpu.memref_slice %arg2[%dma_wait3A_70, %dma_wait3A_71] : memref<8192x128xf32, #tpu.memory_space<hbm>> -> memref<8192x128xf32, #tpu.memory_space<hbm>>
    tpu.wait_indirect_dma semaphore(%arg7 : memref<!tpu.dma_semaphore, #tpu.memory_space<semaphore_mem>>) src(%dma_wait3A_72 : memref<8192x128xf32, #tpu.memory_space<hbm>>) dst(%arg6 : memref<128x128xf32, #tpu.memory_space<vmem>>)
    "tpu.region"() ({
      %run_scoped3A = tpu.sem_alloc : memref<!tpu.dma_semaphore, #tpu.memory_space<semaphore_mem>>
      %dma_start3A_129 = arith.constant 0 : i32
      %dma_start3A_130 = tpu.memref_slice %arg4[%add3A_66, %dma_start3A_129] : memref<65536x128xf32, #tpu.memory_space<hbm>> -> memref<128x128xf32, #tpu.memory_space<hbm>>
      %dma_start3A_131 = arith.constant 0 : i32
      %dma_start3A_132 = tpu.memref_slice %arg4[%add3A_66, %dma_start3A_131] : memref<65536x128xf32, #tpu.memory_space<hbm>> -> memref<128x128xf32, #tpu.memory_space<hbm>>
      tpu.enqueue_dma source(%arg6 : memref<128x128xf32, #tpu.memory_space<vmem>>) target(%dma_start3A_132 : memref<128x128xf32, #tpu.memory_space<hbm>>) target_semaphore(%run_scoped3A : memref<!tpu.dma_semaphore, #tpu.memory_space<semaphore_mem>>)
      %dma_wait3A_133 = arith.constant 0 : i32
      %dma_wait3A_134 = tpu.memref_slice %arg4[%add3A_66, %dma_wait3A_133] : memref<65536x128xf32, #tpu.memory_space<hbm>> -> memref<128x128xf32, #tpu.memory_space<hbm>>
      %dma_wait3A_135 = arith.constant 0 : i32
      %dma_wait3A_136 = tpu.memref_slice %arg4[%add3A_66, %dma_wait3A_135] : memref<65536x128xf32, #tpu.memory_space<hbm>> -> memref<128x128xf32, #tpu.memory_space<hbm>>
      tpu.wait_dma2 semaphore(%run_scoped3A : memref<!tpu.dma_semaphore, #tpu.memory_space<semaphore_mem>>) src(%arg6 : memref<128x128xf32, #tpu.memory_space<vmem>>) dst(%dma_wait3A_136 : memref<128x128xf32, #tpu.memory_space<hbm>>)
      tpu.yield
    }) : () -> ()
    %add3A_73 = arith.constant 1152 : i32
    %add3A_74 = arith.addi %mul3A_2, %add3A_73 : i32
    "tpu.region"() ({
      %run_scoped3A = tpu.sem_alloc : memref<!tpu.dma_semaphore, #tpu.memory_space<semaphore_mem>>
      %dma_start3A_129 = tpu.memref_slice %arg3[%add3A_74] : memref<65536xi32, #tpu.memory_space<hbm>> -> memref<128xi32, #tpu.memory_space<hbm>>
      %dma_start3A_130 = tpu.memref_slice %arg3[%add3A_74] : memref<65536xi32, #tpu.memory_space<hbm>> -> memref<128xi32, #tpu.memory_space<hbm>>
      tpu.enqueue_dma source(%dma_start3A_130 : memref<128xi32, #tpu.memory_space<hbm>>) target(%arg5 : memref<128xi32, #tpu.memory_space<vmem>>) target_semaphore(%run_scoped3A : memref<!tpu.dma_semaphore, #tpu.memory_space<semaphore_mem>>)
      %dma_wait3A_131 = tpu.memref_slice %arg3[%add3A_74] : memref<65536xi32, #tpu.memory_space<hbm>> -> memref<128xi32, #tpu.memory_space<hbm>>
      %dma_wait3A_132 = tpu.memref_slice %arg3[%add3A_74] : memref<65536xi32, #tpu.memory_space<hbm>> -> memref<128xi32, #tpu.memory_space<hbm>>
      tpu.wait_dma2 semaphore(%run_scoped3A : memref<!tpu.dma_semaphore, #tpu.memory_space<semaphore_mem>>) src(%dma_wait3A_132 : memref<128xi32, #tpu.memory_space<hbm>>) dst(%arg5 : memref<128xi32, #tpu.memory_space<vmem>>)
      tpu.yield
    }) : () -> ()
    %dma_start3A_75 = arith.constant 0 : i32
    %dma_start3A_76 = arith.constant 0 : i32
    %dma_start3A_77 = tpu.memref_slice %arg2[%dma_start3A_75, %dma_start3A_76] : memref<8192x128xf32, #tpu.memory_space<hbm>> -> memref<8192x128xf32, #tpu.memory_space<hbm>>
    tpu.enqueue_indirect_dma source(%dma_start3A_77 : memref<8192x128xf32, #tpu.memory_space<hbm>>) target(%arg6 : memref<128x128xf32, #tpu.memory_space<vmem>>) offsets(%arg5 : memref<128xi32, #tpu.memory_space<vmem>>) semaphore(%arg7 : memref<!tpu.dma_semaphore, #tpu.memory_space<semaphore_mem>>)
    %dma_wait3A_78 = arith.constant 0 : i32
    %dma_wait3A_79 = arith.constant 0 : i32
    %dma_wait3A_80 = tpu.memref_slice %arg2[%dma_wait3A_78, %dma_wait3A_79] : memref<8192x128xf32, #tpu.memory_space<hbm>> -> memref<8192x128xf32, #tpu.memory_space<hbm>>
    tpu.wait_indirect_dma semaphore(%arg7 : memref<!tpu.dma_semaphore, #tpu.memory_space<semaphore_mem>>) src(%dma_wait3A_80 : memref<8192x128xf32, #tpu.memory_space<hbm>>) dst(%arg6 : memref<128x128xf32, #tpu.memory_space<vmem>>)
    "tpu.region"() ({
      %run_scoped3A = tpu.sem_alloc : memref<!tpu.dma_semaphore, #tpu.memory_space<semaphore_mem>>
      %dma_start3A_129 = arith.constant 0 : i32
      %dma_start3A_130 = tpu.memref_slice %arg4[%add3A_74, %dma_start3A_129] : memref<65536x128xf32, #tpu.memory_space<hbm>> -> memref<128x128xf32, #tpu.memory_space<hbm>>
      %dma_start3A_131 = arith.constant 0 : i32
      %dma_start3A_132 = tpu.memref_slice %arg4[%add3A_74, %dma_start3A_131] : memref<65536x128xf32, #tpu.memory_space<hbm>> -> memref<128x128xf32, #tpu.memory_space<hbm>>
      tpu.enqueue_dma source(%arg6 : memref<128x128xf32, #tpu.memory_space<vmem>>) target(%dma_start3A_132 : memref<128x128xf32, #tpu.memory_space<hbm>>) target_semaphore(%run_scoped3A : memref<!tpu.dma_semaphore, #tpu.memory_space<semaphore_mem>>)
      %dma_wait3A_133 = arith.constant 0 : i32
      %dma_wait3A_134 = tpu.memref_slice %arg4[%add3A_74, %dma_wait3A_133] : memref<65536x128xf32, #tpu.memory_space<hbm>> -> memref<128x128xf32, #tpu.memory_space<hbm>>
      %dma_wait3A_135 = arith.constant 0 : i32
      %dma_wait3A_136 = tpu.memref_slice %arg4[%add3A_74, %dma_wait3A_135] : memref<65536x128xf32, #tpu.memory_space<hbm>> -> memref<128x128xf32, #tpu.memory_space<hbm>>
      tpu.wait_dma2 semaphore(%run_scoped3A : memref<!tpu.dma_semaphore, #tpu.memory_space<semaphore_mem>>) src(%arg6 : memref<128x128xf32, #tpu.memory_space<vmem>>) dst(%dma_wait3A_136 : memref<128x128xf32, #tpu.memory_space<hbm>>)
      tpu.yield
    }) : () -> ()
    %add3A_81 = arith.constant 1280 : i32
    %add3A_82 = arith.addi %mul3A_2, %add3A_81 : i32
    "tpu.region"() ({
      %run_scoped3A = tpu.sem_alloc : memref<!tpu.dma_semaphore, #tpu.memory_space<semaphore_mem>>
      %dma_start3A_129 = tpu.memref_slice %arg3[%add3A_82] : memref<65536xi32, #tpu.memory_space<hbm>> -> memref<128xi32, #tpu.memory_space<hbm>>
      %dma_start3A_130 = tpu.memref_slice %arg3[%add3A_82] : memref<65536xi32, #tpu.memory_space<hbm>> -> memref<128xi32, #tpu.memory_space<hbm>>
      tpu.enqueue_dma source(%dma_start3A_130 : memref<128xi32, #tpu.memory_space<hbm>>) target(%arg5 : memref<128xi32, #tpu.memory_space<vmem>>) target_semaphore(%run_scoped3A : memref<!tpu.dma_semaphore, #tpu.memory_space<semaphore_mem>>)
      %dma_wait3A_131 = tpu.memref_slice %arg3[%add3A_82] : memref<65536xi32, #tpu.memory_space<hbm>> -> memref<128xi32, #tpu.memory_space<hbm>>
      %dma_wait3A_132 = tpu.memref_slice %arg3[%add3A_82] : memref<65536xi32, #tpu.memory_space<hbm>> -> memref<128xi32, #tpu.memory_space<hbm>>
      tpu.wait_dma2 semaphore(%run_scoped3A : memref<!tpu.dma_semaphore, #tpu.memory_space<semaphore_mem>>) src(%dma_wait3A_132 : memref<128xi32, #tpu.memory_space<hbm>>) dst(%arg5 : memref<128xi32, #tpu.memory_space<vmem>>)
      tpu.yield
    }) : () -> ()
    %dma_start3A_83 = arith.constant 0 : i32
    %dma_start3A_84 = arith.constant 0 : i32
    %dma_start3A_85 = tpu.memref_slice %arg2[%dma_start3A_83, %dma_start3A_84] : memref<8192x128xf32, #tpu.memory_space<hbm>> -> memref<8192x128xf32, #tpu.memory_space<hbm>>
    tpu.enqueue_indirect_dma source(%dma_start3A_85 : memref<8192x128xf32, #tpu.memory_space<hbm>>) target(%arg6 : memref<128x128xf32, #tpu.memory_space<vmem>>) offsets(%arg5 : memref<128xi32, #tpu.memory_space<vmem>>) semaphore(%arg7 : memref<!tpu.dma_semaphore, #tpu.memory_space<semaphore_mem>>)
    %dma_wait3A_86 = arith.constant 0 : i32
    %dma_wait3A_87 = arith.constant 0 : i32
    %dma_wait3A_88 = tpu.memref_slice %arg2[%dma_wait3A_86, %dma_wait3A_87] : memref<8192x128xf32, #tpu.memory_space<hbm>> -> memref<8192x128xf32, #tpu.memory_space<hbm>>
    tpu.wait_indirect_dma semaphore(%arg7 : memref<!tpu.dma_semaphore, #tpu.memory_space<semaphore_mem>>) src(%dma_wait3A_88 : memref<8192x128xf32, #tpu.memory_space<hbm>>) dst(%arg6 : memref<128x128xf32, #tpu.memory_space<vmem>>)
    "tpu.region"() ({
      %run_scoped3A = tpu.sem_alloc : memref<!tpu.dma_semaphore, #tpu.memory_space<semaphore_mem>>
      %dma_start3A_129 = arith.constant 0 : i32
      %dma_start3A_130 = tpu.memref_slice %arg4[%add3A_82, %dma_start3A_129] : memref<65536x128xf32, #tpu.memory_space<hbm>> -> memref<128x128xf32, #tpu.memory_space<hbm>>
      %dma_start3A_131 = arith.constant 0 : i32
      %dma_start3A_132 = tpu.memref_slice %arg4[%add3A_82, %dma_start3A_131] : memref<65536x128xf32, #tpu.memory_space<hbm>> -> memref<128x128xf32, #tpu.memory_space<hbm>>
      tpu.enqueue_dma source(%arg6 : memref<128x128xf32, #tpu.memory_space<vmem>>) target(%dma_start3A_132 : memref<128x128xf32, #tpu.memory_space<hbm>>) target_semaphore(%run_scoped3A : memref<!tpu.dma_semaphore, #tpu.memory_space<semaphore_mem>>)
      %dma_wait3A_133 = arith.constant 0 : i32
      %dma_wait3A_134 = tpu.memref_slice %arg4[%add3A_82, %dma_wait3A_133] : memref<65536x128xf32, #tpu.memory_space<hbm>> -> memref<128x128xf32, #tpu.memory_space<hbm>>
      %dma_wait3A_135 = arith.constant 0 : i32
      %dma_wait3A_136 = tpu.memref_slice %arg4[%add3A_82, %dma_wait3A_135] : memref<65536x128xf32, #tpu.memory_space<hbm>> -> memref<128x128xf32, #tpu.memory_space<hbm>>
      tpu.wait_dma2 semaphore(%run_scoped3A : memref<!tpu.dma_semaphore, #tpu.memory_space<semaphore_mem>>) src(%arg6 : memref<128x128xf32, #tpu.memory_space<vmem>>) dst(%dma_wait3A_136 : memref<128x128xf32, #tpu.memory_space<hbm>>)
      tpu.yield
    }) : () -> ()
    %add3A_89 = arith.constant 1408 : i32
    %add3A_90 = arith.addi %mul3A_2, %add3A_89 : i32
    "tpu.region"() ({
      %run_scoped3A = tpu.sem_alloc : memref<!tpu.dma_semaphore, #tpu.memory_space<semaphore_mem>>
      %dma_start3A_129 = tpu.memref_slice %arg3[%add3A_90] : memref<65536xi32, #tpu.memory_space<hbm>> -> memref<128xi32, #tpu.memory_space<hbm>>
      %dma_start3A_130 = tpu.memref_slice %arg3[%add3A_90] : memref<65536xi32, #tpu.memory_space<hbm>> -> memref<128xi32, #tpu.memory_space<hbm>>
      tpu.enqueue_dma source(%dma_start3A_130 : memref<128xi32, #tpu.memory_space<hbm>>) target(%arg5 : memref<128xi32, #tpu.memory_space<vmem>>) target_semaphore(%run_scoped3A : memref<!tpu.dma_semaphore, #tpu.memory_space<semaphore_mem>>)
      %dma_wait3A_131 = tpu.memref_slice %arg3[%add3A_90] : memref<65536xi32, #tpu.memory_space<hbm>> -> memref<128xi32, #tpu.memory_space<hbm>>
      %dma_wait3A_132 = tpu.memref_slice %arg3[%add3A_90] : memref<65536xi32, #tpu.memory_space<hbm>> -> memref<128xi32, #tpu.memory_space<hbm>>
      tpu.wait_dma2 semaphore(%run_scoped3A : memref<!tpu.dma_semaphore, #tpu.memory_space<semaphore_mem>>) src(%dma_wait3A_132 : memref<128xi32, #tpu.memory_space<hbm>>) dst(%arg5 : memref<128xi32, #tpu.memory_space<vmem>>)
      tpu.yield
    }) : () -> ()
    %dma_start3A_91 = arith.constant 0 : i32
    %dma_start3A_92 = arith.constant 0 : i32
    %dma_start3A_93 = tpu.memref_slice %arg2[%dma_start3A_91, %dma_start3A_92] : memref<8192x128xf32, #tpu.memory_space<hbm>> -> memref<8192x128xf32, #tpu.memory_space<hbm>>
    tpu.enqueue_indirect_dma source(%dma_start3A_93 : memref<8192x128xf32, #tpu.memory_space<hbm>>) target(%arg6 : memref<128x128xf32, #tpu.memory_space<vmem>>) offsets(%arg5 : memref<128xi32, #tpu.memory_space<vmem>>) semaphore(%arg7 : memref<!tpu.dma_semaphore, #tpu.memory_space<semaphore_mem>>)
    %dma_wait3A_94 = arith.constant 0 : i32
    %dma_wait3A_95 = arith.constant 0 : i32
    %dma_wait3A_96 = tpu.memref_slice %arg2[%dma_wait3A_94, %dma_wait3A_95] : memref<8192x128xf32, #tpu.memory_space<hbm>> -> memref<8192x128xf32, #tpu.memory_space<hbm>>
    tpu.wait_indirect_dma semaphore(%arg7 : memref<!tpu.dma_semaphore, #tpu.memory_space<semaphore_mem>>) src(%dma_wait3A_96 : memref<8192x128xf32, #tpu.memory_space<hbm>>) dst(%arg6 : memref<128x128xf32, #tpu.memory_space<vmem>>)
    "tpu.region"() ({
      %run_scoped3A = tpu.sem_alloc : memref<!tpu.dma_semaphore, #tpu.memory_space<semaphore_mem>>
      %dma_start3A_129 = arith.constant 0 : i32
      %dma_start3A_130 = tpu.memref_slice %arg4[%add3A_90, %dma_start3A_129] : memref<65536x128xf32, #tpu.memory_space<hbm>> -> memref<128x128xf32, #tpu.memory_space<hbm>>
      %dma_start3A_131 = arith.constant 0 : i32
      %dma_start3A_132 = tpu.memref_slice %arg4[%add3A_90, %dma_start3A_131] : memref<65536x128xf32, #tpu.memory_space<hbm>> -> memref<128x128xf32, #tpu.memory_space<hbm>>
      tpu.enqueue_dma source(%arg6 : memref<128x128xf32, #tpu.memory_space<vmem>>) target(%dma_start3A_132 : memref<128x128xf32, #tpu.memory_space<hbm>>) target_semaphore(%run_scoped3A : memref<!tpu.dma_semaphore, #tpu.memory_space<semaphore_mem>>)
      %dma_wait3A_133 = arith.constant 0 : i32
      %dma_wait3A_134 = tpu.memref_slice %arg4[%add3A_90, %dma_wait3A_133] : memref<65536x128xf32, #tpu.memory_space<hbm>> -> memref<128x128xf32, #tpu.memory_space<hbm>>
      %dma_wait3A_135 = arith.constant 0 : i32
      %dma_wait3A_136 = tpu.memref_slice %arg4[%add3A_90, %dma_wait3A_135] : memref<65536x128xf32, #tpu.memory_space<hbm>> -> memref<128x128xf32, #tpu.memory_space<hbm>>
      tpu.wait_dma2 semaphore(%run_scoped3A : memref<!tpu.dma_semaphore, #tpu.memory_space<semaphore_mem>>) src(%arg6 : memref<128x128xf32, #tpu.memory_space<vmem>>) dst(%dma_wait3A_136 : memref<128x128xf32, #tpu.memory_space<hbm>>)
      tpu.yield
    }) : () -> ()
    %add3A_97 = arith.constant 1536 : i32
    %add3A_98 = arith.addi %mul3A_2, %add3A_97 : i32
    "tpu.region"() ({
      %run_scoped3A = tpu.sem_alloc : memref<!tpu.dma_semaphore, #tpu.memory_space<semaphore_mem>>
      %dma_start3A_129 = tpu.memref_slice %arg3[%add3A_98] : memref<65536xi32, #tpu.memory_space<hbm>> -> memref<128xi32, #tpu.memory_space<hbm>>
      %dma_start3A_130 = tpu.memref_slice %arg3[%add3A_98] : memref<65536xi32, #tpu.memory_space<hbm>> -> memref<128xi32, #tpu.memory_space<hbm>>
      tpu.enqueue_dma source(%dma_start3A_130 : memref<128xi32, #tpu.memory_space<hbm>>) target(%arg5 : memref<128xi32, #tpu.memory_space<vmem>>) target_semaphore(%run_scoped3A : memref<!tpu.dma_semaphore, #tpu.memory_space<semaphore_mem>>)
      %dma_wait3A_131 = tpu.memref_slice %arg3[%add3A_98] : memref<65536xi32, #tpu.memory_space<hbm>> -> memref<128xi32, #tpu.memory_space<hbm>>
      %dma_wait3A_132 = tpu.memref_slice %arg3[%add3A_98] : memref<65536xi32, #tpu.memory_space<hbm>> -> memref<128xi32, #tpu.memory_space<hbm>>
      tpu.wait_dma2 semaphore(%run_scoped3A : memref<!tpu.dma_semaphore, #tpu.memory_space<semaphore_mem>>) src(%dma_wait3A_132 : memref<128xi32, #tpu.memory_space<hbm>>) dst(%arg5 : memref<128xi32, #tpu.memory_space<vmem>>)
      tpu.yield
    }) : () -> ()
    %dma_start3A_99 = arith.constant 0 : i32
    %dma_start3A_100 = arith.constant 0 : i32
    %dma_start3A_101 = tpu.memref_slice %arg2[%dma_start3A_99, %dma_start3A_100] : memref<8192x128xf32, #tpu.memory_space<hbm>> -> memref<8192x128xf32, #tpu.memory_space<hbm>>
    tpu.enqueue_indirect_dma source(%dma_start3A_101 : memref<8192x128xf32, #tpu.memory_space<hbm>>) target(%arg6 : memref<128x128xf32, #tpu.memory_space<vmem>>) offsets(%arg5 : memref<128xi32, #tpu.memory_space<vmem>>) semaphore(%arg7 : memref<!tpu.dma_semaphore, #tpu.memory_space<semaphore_mem>>)
    %dma_wait3A_102 = arith.constant 0 : i32
    %dma_wait3A_103 = arith.constant 0 : i32
    %dma_wait3A_104 = tpu.memref_slice %arg2[%dma_wait3A_102, %dma_wait3A_103] : memref<8192x128xf32, #tpu.memory_space<hbm>> -> memref<8192x128xf32, #tpu.memory_space<hbm>>
    tpu.wait_indirect_dma semaphore(%arg7 : memref<!tpu.dma_semaphore, #tpu.memory_space<semaphore_mem>>) src(%dma_wait3A_104 : memref<8192x128xf32, #tpu.memory_space<hbm>>) dst(%arg6 : memref<128x128xf32, #tpu.memory_space<vmem>>)
    "tpu.region"() ({
      %run_scoped3A = tpu.sem_alloc : memref<!tpu.dma_semaphore, #tpu.memory_space<semaphore_mem>>
      %dma_start3A_129 = arith.constant 0 : i32
      %dma_start3A_130 = tpu.memref_slice %arg4[%add3A_98, %dma_start3A_129] : memref<65536x128xf32, #tpu.memory_space<hbm>> -> memref<128x128xf32, #tpu.memory_space<hbm>>
      %dma_start3A_131 = arith.constant 0 : i32
      %dma_start3A_132 = tpu.memref_slice %arg4[%add3A_98, %dma_start3A_131] : memref<65536x128xf32, #tpu.memory_space<hbm>> -> memref<128x128xf32, #tpu.memory_space<hbm>>
      tpu.enqueue_dma source(%arg6 : memref<128x128xf32, #tpu.memory_space<vmem>>) target(%dma_start3A_132 : memref<128x128xf32, #tpu.memory_space<hbm>>) target_semaphore(%run_scoped3A : memref<!tpu.dma_semaphore, #tpu.memory_space<semaphore_mem>>)
      %dma_wait3A_133 = arith.constant 0 : i32
      %dma_wait3A_134 = tpu.memref_slice %arg4[%add3A_98, %dma_wait3A_133] : memref<65536x128xf32, #tpu.memory_space<hbm>> -> memref<128x128xf32, #tpu.memory_space<hbm>>
      %dma_wait3A_135 = arith.constant 0 : i32
      %dma_wait3A_136 = tpu.memref_slice %arg4[%add3A_98, %dma_wait3A_135] : memref<65536x128xf32, #tpu.memory_space<hbm>> -> memref<128x128xf32, #tpu.memory_space<hbm>>
      tpu.wait_dma2 semaphore(%run_scoped3A : memref<!tpu.dma_semaphore, #tpu.memory_space<semaphore_mem>>) src(%arg6 : memref<128x128xf32, #tpu.memory_space<vmem>>) dst(%dma_wait3A_136 : memref<128x128xf32, #tpu.memory_space<hbm>>)
      tpu.yield
    }) : () -> ()
    %add3A_105 = arith.constant 1664 : i32
    %add3A_106 = arith.addi %mul3A_2, %add3A_105 : i32
    "tpu.region"() ({
      %run_scoped3A = tpu.sem_alloc : memref<!tpu.dma_semaphore, #tpu.memory_space<semaphore_mem>>
      %dma_start3A_129 = tpu.memref_slice %arg3[%add3A_106] : memref<65536xi32, #tpu.memory_space<hbm>> -> memref<128xi32, #tpu.memory_space<hbm>>
      %dma_start3A_130 = tpu.memref_slice %arg3[%add3A_106] : memref<65536xi32, #tpu.memory_space<hbm>> -> memref<128xi32, #tpu.memory_space<hbm>>
      tpu.enqueue_dma source(%dma_start3A_130 : memref<128xi32, #tpu.memory_space<hbm>>) target(%arg5 : memref<128xi32, #tpu.memory_space<vmem>>) target_semaphore(%run_scoped3A : memref<!tpu.dma_semaphore, #tpu.memory_space<semaphore_mem>>)
      %dma_wait3A_131 = tpu.memref_slice %arg3[%add3A_106] : memref<65536xi32, #tpu.memory_space<hbm>> -> memref<128xi32, #tpu.memory_space<hbm>>
      %dma_wait3A_132 = tpu.memref_slice %arg3[%add3A_106] : memref<65536xi32, #tpu.memory_space<hbm>> -> memref<128xi32, #tpu.memory_space<hbm>>
      tpu.wait_dma2 semaphore(%run_scoped3A : memref<!tpu.dma_semaphore, #tpu.memory_space<semaphore_mem>>) src(%dma_wait3A_132 : memref<128xi32, #tpu.memory_space<hbm>>) dst(%arg5 : memref<128xi32, #tpu.memory_space<vmem>>)
      tpu.yield
    }) : () -> ()
    %dma_start3A_107 = arith.constant 0 : i32
    %dma_start3A_108 = arith.constant 0 : i32
    %dma_start3A_109 = tpu.memref_slice %arg2[%dma_start3A_107, %dma_start3A_108] : memref<8192x128xf32, #tpu.memory_space<hbm>> -> memref<8192x128xf32, #tpu.memory_space<hbm>>
    tpu.enqueue_indirect_dma source(%dma_start3A_109 : memref<8192x128xf32, #tpu.memory_space<hbm>>) target(%arg6 : memref<128x128xf32, #tpu.memory_space<vmem>>) offsets(%arg5 : memref<128xi32, #tpu.memory_space<vmem>>) semaphore(%arg7 : memref<!tpu.dma_semaphore, #tpu.memory_space<semaphore_mem>>)
    %dma_wait3A_110 = arith.constant 0 : i32
    %dma_wait3A_111 = arith.constant 0 : i32
    %dma_wait3A_112 = tpu.memref_slice %arg2[%dma_wait3A_110, %dma_wait3A_111] : memref<8192x128xf32, #tpu.memory_space<hbm>> -> memref<8192x128xf32, #tpu.memory_space<hbm>>
    tpu.wait_indirect_dma semaphore(%arg7 : memref<!tpu.dma_semaphore, #tpu.memory_space<semaphore_mem>>) src(%dma_wait3A_112 : memref<8192x128xf32, #tpu.memory_space<hbm>>) dst(%arg6 : memref<128x128xf32, #tpu.memory_space<vmem>>)
    "tpu.region"() ({
      %run_scoped3A = tpu.sem_alloc : memref<!tpu.dma_semaphore, #tpu.memory_space<semaphore_mem>>
      %dma_start3A_129 = arith.constant 0 : i32
      %dma_start3A_130 = tpu.memref_slice %arg4[%add3A_106, %dma_start3A_129] : memref<65536x128xf32, #tpu.memory_space<hbm>> -> memref<128x128xf32, #tpu.memory_space<hbm>>
      %dma_start3A_131 = arith.constant 0 : i32
      %dma_start3A_132 = tpu.memref_slice %arg4[%add3A_106, %dma_start3A_131] : memref<65536x128xf32, #tpu.memory_space<hbm>> -> memref<128x128xf32, #tpu.memory_space<hbm>>
      tpu.enqueue_dma source(%arg6 : memref<128x128xf32, #tpu.memory_space<vmem>>) target(%dma_start3A_132 : memref<128x128xf32, #tpu.memory_space<hbm>>) target_semaphore(%run_scoped3A : memref<!tpu.dma_semaphore, #tpu.memory_space<semaphore_mem>>)
      %dma_wait3A_133 = arith.constant 0 : i32
      %dma_wait3A_134 = tpu.memref_slice %arg4[%add3A_106, %dma_wait3A_133] : memref<65536x128xf32, #tpu.memory_space<hbm>> -> memref<128x128xf32, #tpu.memory_space<hbm>>
      %dma_wait3A_135 = arith.constant 0 : i32
      %dma_wait3A_136 = tpu.memref_slice %arg4[%add3A_106, %dma_wait3A_135] : memref<65536x128xf32, #tpu.memory_space<hbm>> -> memref<128x128xf32, #tpu.memory_space<hbm>>
      tpu.wait_dma2 semaphore(%run_scoped3A : memref<!tpu.dma_semaphore, #tpu.memory_space<semaphore_mem>>) src(%arg6 : memref<128x128xf32, #tpu.memory_space<vmem>>) dst(%dma_wait3A_136 : memref<128x128xf32, #tpu.memory_space<hbm>>)
      tpu.yield
    }) : () -> ()
    %add3A_113 = arith.constant 1792 : i32
    %add3A_114 = arith.addi %mul3A_2, %add3A_113 : i32
    "tpu.region"() ({
      %run_scoped3A = tpu.sem_alloc : memref<!tpu.dma_semaphore, #tpu.memory_space<semaphore_mem>>
      %dma_start3A_129 = tpu.memref_slice %arg3[%add3A_114] : memref<65536xi32, #tpu.memory_space<hbm>> -> memref<128xi32, #tpu.memory_space<hbm>>
      %dma_start3A_130 = tpu.memref_slice %arg3[%add3A_114] : memref<65536xi32, #tpu.memory_space<hbm>> -> memref<128xi32, #tpu.memory_space<hbm>>
      tpu.enqueue_dma source(%dma_start3A_130 : memref<128xi32, #tpu.memory_space<hbm>>) target(%arg5 : memref<128xi32, #tpu.memory_space<vmem>>) target_semaphore(%run_scoped3A : memref<!tpu.dma_semaphore, #tpu.memory_space<semaphore_mem>>)
      %dma_wait3A_131 = tpu.memref_slice %arg3[%add3A_114] : memref<65536xi32, #tpu.memory_space<hbm>> -> memref<128xi32, #tpu.memory_space<hbm>>
      %dma_wait3A_132 = tpu.memref_slice %arg3[%add3A_114] : memref<65536xi32, #tpu.memory_space<hbm>> -> memref<128xi32, #tpu.memory_space<hbm>>
      tpu.wait_dma2 semaphore(%run_scoped3A : memref<!tpu.dma_semaphore, #tpu.memory_space<semaphore_mem>>) src(%dma_wait3A_132 : memref<128xi32, #tpu.memory_space<hbm>>) dst(%arg5 : memref<128xi32, #tpu.memory_space<vmem>>)
      tpu.yield
    }) : () -> ()
    %dma_start3A_115 = arith.constant 0 : i32
    %dma_start3A_116 = arith.constant 0 : i32
    %dma_start3A_117 = tpu.memref_slice %arg2[%dma_start3A_115, %dma_start3A_116] : memref<8192x128xf32, #tpu.memory_space<hbm>> -> memref<8192x128xf32, #tpu.memory_space<hbm>>
    tpu.enqueue_indirect_dma source(%dma_start3A_117 : memref<8192x128xf32, #tpu.memory_space<hbm>>) target(%arg6 : memref<128x128xf32, #tpu.memory_space<vmem>>) offsets(%arg5 : memref<128xi32, #tpu.memory_space<vmem>>) semaphore(%arg7 : memref<!tpu.dma_semaphore, #tpu.memory_space<semaphore_mem>>)
    %dma_wait3A_118 = arith.constant 0 : i32
    %dma_wait3A_119 = arith.constant 0 : i32
    %dma_wait3A_120 = tpu.memref_slice %arg2[%dma_wait3A_118, %dma_wait3A_119] : memref<8192x128xf32, #tpu.memory_space<hbm>> -> memref<8192x128xf32, #tpu.memory_space<hbm>>
    tpu.wait_indirect_dma semaphore(%arg7 : memref<!tpu.dma_semaphore, #tpu.memory_space<semaphore_mem>>) src(%dma_wait3A_120 : memref<8192x128xf32, #tpu.memory_space<hbm>>) dst(%arg6 : memref<128x128xf32, #tpu.memory_space<vmem>>)
    "tpu.region"() ({
      %run_scoped3A = tpu.sem_alloc : memref<!tpu.dma_semaphore, #tpu.memory_space<semaphore_mem>>
      %dma_start3A_129 = arith.constant 0 : i32
      %dma_start3A_130 = tpu.memref_slice %arg4[%add3A_114, %dma_start3A_129] : memref<65536x128xf32, #tpu.memory_space<hbm>> -> memref<128x128xf32, #tpu.memory_space<hbm>>
      %dma_start3A_131 = arith.constant 0 : i32
      %dma_start3A_132 = tpu.memref_slice %arg4[%add3A_114, %dma_start3A_131] : memref<65536x128xf32, #tpu.memory_space<hbm>> -> memref<128x128xf32, #tpu.memory_space<hbm>>
      tpu.enqueue_dma source(%arg6 : memref<128x128xf32, #tpu.memory_space<vmem>>) target(%dma_start3A_132 : memref<128x128xf32, #tpu.memory_space<hbm>>) target_semaphore(%run_scoped3A : memref<!tpu.dma_semaphore, #tpu.memory_space<semaphore_mem>>)
      %dma_wait3A_133 = arith.constant 0 : i32
      %dma_wait3A_134 = tpu.memref_slice %arg4[%add3A_114, %dma_wait3A_133] : memref<65536x128xf32, #tpu.memory_space<hbm>> -> memref<128x128xf32, #tpu.memory_space<hbm>>
      %dma_wait3A_135 = arith.constant 0 : i32
      %dma_wait3A_136 = tpu.memref_slice %arg4[%add3A_114, %dma_wait3A_135] : memref<65536x128xf32, #tpu.memory_space<hbm>> -> memref<128x128xf32, #tpu.memory_space<hbm>>
      tpu.wait_dma2 semaphore(%run_scoped3A : memref<!tpu.dma_semaphore, #tpu.memory_space<semaphore_mem>>) src(%arg6 : memref<128x128xf32, #tpu.memory_space<vmem>>) dst(%dma_wait3A_136 : memref<128x128xf32, #tpu.memory_space<hbm>>)
      tpu.yield
    }) : () -> ()
    %add3A_121 = arith.constant 1920 : i32
    %add3A_122 = arith.addi %mul3A_2, %add3A_121 : i32
    "tpu.region"() ({
      %run_scoped3A = tpu.sem_alloc : memref<!tpu.dma_semaphore, #tpu.memory_space<semaphore_mem>>
      %dma_start3A_129 = tpu.memref_slice %arg3[%add3A_122] : memref<65536xi32, #tpu.memory_space<hbm>> -> memref<128xi32, #tpu.memory_space<hbm>>
      %dma_start3A_130 = tpu.memref_slice %arg3[%add3A_122] : memref<65536xi32, #tpu.memory_space<hbm>> -> memref<128xi32, #tpu.memory_space<hbm>>
      tpu.enqueue_dma source(%dma_start3A_130 : memref<128xi32, #tpu.memory_space<hbm>>) target(%arg5 : memref<128xi32, #tpu.memory_space<vmem>>) target_semaphore(%run_scoped3A : memref<!tpu.dma_semaphore, #tpu.memory_space<semaphore_mem>>)
      %dma_wait3A_131 = tpu.memref_slice %arg3[%add3A_122] : memref<65536xi32, #tpu.memory_space<hbm>> -> memref<128xi32, #tpu.memory_space<hbm>>
      %dma_wait3A_132 = tpu.memref_slice %arg3[%add3A_122] : memref<65536xi32, #tpu.memory_space<hbm>> -> memref<128xi32, #tpu.memory_space<hbm>>
      tpu.wait_dma2 semaphore(%run_scoped3A : memref<!tpu.dma_semaphore, #tpu.memory_space<semaphore_mem>>) src(%dma_wait3A_132 : memref<128xi32, #tpu.memory_space<hbm>>) dst(%arg5 : memref<128xi32, #tpu.memory_space<vmem>>)
      tpu.yield
    }) : () -> ()
    %dma_start3A_123 = arith.constant 0 : i32
    %dma_start3A_124 = arith.constant 0 : i32
    %dma_start3A_125 = tpu.memref_slice %arg2[%dma_start3A_123, %dma_start3A_124] : memref<8192x128xf32, #tpu.memory_space<hbm>> -> memref<8192x128xf32, #tpu.memory_space<hbm>>
    tpu.enqueue_indirect_dma source(%dma_start3A_125 : memref<8192x128xf32, #tpu.memory_space<hbm>>) target(%arg6 : memref<128x128xf32, #tpu.memory_space<vmem>>) offsets(%arg5 : memref<128xi32, #tpu.memory_space<vmem>>) semaphore(%arg7 : memref<!tpu.dma_semaphore, #tpu.memory_space<semaphore_mem>>)
    %dma_wait3A_126 = arith.constant 0 : i32
    %dma_wait3A_127 = arith.constant 0 : i32
    %dma_wait3A_128 = tpu.memref_slice %arg2[%dma_wait3A_126, %dma_wait3A_127] : memref<8192x128xf32, #tpu.memory_space<hbm>> -> memref<8192x128xf32, #tpu.memory_space<hbm>>
    tpu.wait_indirect_dma semaphore(%arg7 : memref<!tpu.dma_semaphore, #tpu.memory_space<semaphore_mem>>) src(%dma_wait3A_128 : memref<8192x128xf32, #tpu.memory_space<hbm>>) dst(%arg6 : memref<128x128xf32, #tpu.memory_space<vmem>>)
    "tpu.region"() ({
      %run_scoped3A = tpu.sem_alloc : memref<!tpu.dma_semaphore, #tpu.memory_space<semaphore_mem>>
      %dma_start3A_129 = arith.constant 0 : i32
      %dma_start3A_130 = tpu.memref_slice %arg4[%add3A_122, %dma_start3A_129] : memref<65536x128xf32, #tpu.memory_space<hbm>> -> memref<128x128xf32, #tpu.memory_space<hbm>>
      %dma_start3A_131 = arith.constant 0 : i32
      %dma_start3A_132 = tpu.memref_slice %arg4[%add3A_122, %dma_start3A_131] : memref<65536x128xf32, #tpu.memory_space<hbm>> -> memref<128x128xf32, #tpu.memory_space<hbm>>
      tpu.enqueue_dma source(%arg6 : memref<128x128xf32, #tpu.memory_space<vmem>>) target(%dma_start3A_132 : memref<128x128xf32, #tpu.memory_space<hbm>>) target_semaphore(%run_scoped3A : memref<!tpu.dma_semaphore, #tpu.memory_space<semaphore_mem>>)
      %dma_wait3A_133 = arith.constant 0 : i32
      %dma_wait3A_134 = tpu.memref_slice %arg4[%add3A_122, %dma_wait3A_133] : memref<65536x128xf32, #tpu.memory_space<hbm>> -> memref<128x128xf32, #tpu.memory_space<hbm>>
      %dma_wait3A_135 = arith.constant 0 : i32
      %dma_wait3A_136 = tpu.memref_slice %arg4[%add3A_122, %dma_wait3A_135] : memref<65536x128xf32, #tpu.memory_space<hbm>> -> memref<128x128xf32, #tpu.memory_space<hbm>>
      tpu.wait_dma2 semaphore(%run_scoped3A : memref<!tpu.dma_semaphore, #tpu.memory_space<semaphore_mem>>) src(%arg6 : memref<128x128xf32, #tpu.memory_space<vmem>>) dst(%dma_wait3A_136 : memref<128x128xf32, #tpu.memory_space<hbm>>)
      tpu.yield
    }) : () -> ()
    return
  }
}

module attributes {stable_mosaic.version = 14 : i64} {
  func.func @stage_a(%arg0: i32, %arg1: i32, %arg2: memref<1x512x3xf32, #tpu.memory_space<vmem>>, %arg3: memref<1x2048x3xf32, #tpu.memory_space<vmem>>, %arg4: memref<1x2048x256xf32, #tpu.memory_space<vmem>>, %arg5: memref<10x32xf32, #tpu.memory_space<vmem>>, %arg6: memref<1x32xf32, #tpu.memory_space<vmem>>, %arg7: memref<256x256xf32, #tpu.memory_space<vmem>>, %arg8: memref<32x256xf32, #tpu.memory_space<vmem>>, %arg9: memref<1x256xf32, #tpu.memory_space<vmem>>, %arg10: memref<128x3xf32, #tpu.memory_space<vmem>>, %arg11: memref<1x3xf32, #tpu.memory_space<vmem>>, %arg12: memref<1x512x256xf32, #tpu.memory_space<vmem>>, %arg13: memref<1x512x6xf32, #tpu.memory_space<vmem>>) attributes {dimension_semantics = [#tpu.dimension_semantics<arbitrary>, #tpu.dimension_semantics<arbitrary>], iteration_bounds = array<i64: 2, 4>, scalar_prefetch = 0 : i64, scratch_operands = 0 : i64, tpu.core_type = #tpu.core_type<tc>, window_params = [{transform_indices = @transform_0, window_bounds = array<i64: 1, 512, 3>}, {transform_indices = @transform_1, window_bounds = array<i64: 1, 2048, 3>}, {transform_indices = @transform_2, window_bounds = array<i64: 1, 2048, 256>}, {pipeline_mode = #tpu.pipeline_mode<synchronous>, transform_indices = @transform_3, window_bounds = array<i64: 10, 32>}, {pipeline_mode = #tpu.pipeline_mode<synchronous>, transform_indices = @transform_4, window_bounds = array<i64: 1, 32>}, {pipeline_mode = #tpu.pipeline_mode<synchronous>, transform_indices = @transform_5, window_bounds = array<i64: 256, 256>}, {pipeline_mode = #tpu.pipeline_mode<synchronous>, transform_indices = @transform_6, window_bounds = array<i64: 32, 256>}, {pipeline_mode = #tpu.pipeline_mode<synchronous>, transform_indices = @transform_7, window_bounds = array<i64: 1, 256>}, {pipeline_mode = #tpu.pipeline_mode<synchronous>, transform_indices = @transform_8, window_bounds = array<i64: 128, 3>}, {pipeline_mode = #tpu.pipeline_mode<synchronous>, transform_indices = @transform_9, window_bounds = array<i64: 1, 3>}, {transform_indices = @transform_10, window_bounds = array<i64: 1, 512, 256>}, {transform_indices = @transform_11, window_bounds = array<i64: 1, 512, 6>}]} {
    %get3A = arith.constant 0 : index
    %get3A_0 = arith.constant 0 : index
    %get3A_1 = arith.constant 0 : index
    %get3A_2 = vector.load %arg2[%get3A, %get3A_0, %get3A_1] : memref<1x512x3xf32, #tpu.memory_space<vmem>>, vector<1x512x3xf32>
    %get3A_3 = vector.shape_cast %get3A_2 : vector<1x512x3xf32> to vector<512x3xf32>
    %get3A_4 = arith.constant 0 : index
    %get3A_5 = arith.constant 0 : index
    %get3A_6 = arith.constant 0 : index
    %get3A_7 = vector.load %arg3[%get3A_4, %get3A_5, %get3A_6] : memref<1x2048x3xf32, #tpu.memory_space<vmem>>, vector<1x2048x3xf32>
    %get3A_8 = vector.shape_cast %get3A_7 : vector<1x2048x3xf32> to vector<2048x3xf32>
    %get3A_9 = arith.constant 0 : index
    %get3A_10 = arith.constant 0 : index
    %get3A_11 = arith.constant 0 : index
    %get3A_12 = vector.load %arg4[%get3A_9, %get3A_10, %get3A_11] : memref<1x2048x256xf32, #tpu.memory_space<vmem>>, vector<1x2048x256xf32>
    %get3A_13 = vector.shape_cast %get3A_12 : vector<1x2048x256xf32> to vector<2048x256xf32>
    %get3A_14 = arith.constant 0 : index
    %get3A_15 = arith.constant 0 : index
    %get3A_16 = vector.load %arg7[%get3A_14, %get3A_15] : memref<256x256xf32, #tpu.memory_space<vmem>>, vector<256x256xf32>
    %dot_general3A = arith.constant dense<0.000000e+00> : vector<2048x256xf32>
    %dot_general3A_17 = tpu.matmul %get3A_13, %get3A_16, %dot_general3A {dimension_numbers = #tpu.dot_dimension_numbers<[1], [0], [0], [1], [0, 0, 1, 1], [], []>, transpose_lhs_hint = false} : vector<2048x256xf32>, vector<256x256xf32>, vector<2048x256xf32> -> vector<2048x256xf32>
    %get3A_18 = arith.constant 0 : index
    %get3A_19 = arith.constant 0 : index
    %get3A_20 = vector.load %arg5[%get3A_18, %get3A_19] : memref<10x32xf32, #tpu.memory_space<vmem>>, vector<10x32xf32>
    %get3A_21 = arith.constant 0 : index
    %get3A_22 = arith.constant 0 : index
    %get3A_23 = vector.load %arg6[%get3A_21, %get3A_22] : memref<1x32xf32, #tpu.memory_space<vmem>>, vector<1x32xf32>
    %get3A_24 = arith.constant 0 : index
    %get3A_25 = arith.constant 0 : index
    %get3A_26 = vector.load %arg8[%get3A_24, %get3A_25] : memref<32x256xf32, #tpu.memory_space<vmem>>, vector<32x256xf32>
    %get3A_27 = arith.constant 0 : index
    %get3A_28 = arith.constant 0 : index
    %get3A_29 = vector.load %arg9[%get3A_27, %get3A_28] : memref<1x256xf32, #tpu.memory_space<vmem>>, vector<1x256xf32>
    %slice3A = vector.extract_strided_slice %get3A_3 {offsets = [0, 0], sizes = [512, 1], strides = [1, 1]} : vector<512x3xf32> to vector<512x1xf32>
    %slice3A_30 = vector.extract_strided_slice %get3A_3 {offsets = [0, 0], sizes = [512, 1], strides = [1, 1]} : vector<512x3xf32> to vector<512x1xf32>
    %mul3A = arith.mulf %slice3A, %slice3A_30 : vector<512x1xf32>
    %slice3A_31 = vector.extract_strided_slice %get3A_3 {offsets = [0, 1], sizes = [512, 1], strides = [1, 1]} : vector<512x3xf32> to vector<512x1xf32>
    %slice3A_32 = vector.extract_strided_slice %get3A_3 {offsets = [0, 1], sizes = [512, 1], strides = [1, 1]} : vector<512x3xf32> to vector<512x1xf32>
    %mul3A_33 = arith.mulf %slice3A_31, %slice3A_32 : vector<512x1xf32>
    %slice3A_34 = vector.extract_strided_slice %get3A_3 {offsets = [0, 2], sizes = [512, 1], strides = [1, 1]} : vector<512x3xf32> to vector<512x1xf32>
    %slice3A_35 = vector.extract_strided_slice %get3A_3 {offsets = [0, 2], sizes = [512, 1], strides = [1, 1]} : vector<512x3xf32> to vector<512x1xf32>
    %mul3A_36 = arith.mulf %slice3A_34, %slice3A_35 : vector<512x1xf32>
    %add3A = arith.addf %mul3A, %mul3A_36 : vector<512x1xf32>
    %add3A_37 = arith.addf %add3A, %mul3A_33 : vector<512x1xf32>
    %slice3A_38 = vector.extract_strided_slice %get3A_8 {offsets = [0, 0], sizes = [2048, 1], strides = [1, 1]} : vector<2048x3xf32> to vector<2048x1xf32>
    %slice3A_39 = vector.extract_strided_slice %get3A_8 {offsets = [0, 0], sizes = [2048, 1], strides = [1, 1]} : vector<2048x3xf32> to vector<2048x1xf32>
    %mul3A_40 = arith.mulf %slice3A_38, %slice3A_39 : vector<2048x1xf32>
    %slice3A_41 = vector.extract_strided_slice %get3A_8 {offsets = [0, 1], sizes = [2048, 1], strides = [1, 1]} : vector<2048x3xf32> to vector<2048x1xf32>
    %slice3A_42 = vector.extract_strided_slice %get3A_8 {offsets = [0, 1], sizes = [2048, 1], strides = [1, 1]} : vector<2048x3xf32> to vector<2048x1xf32>
    %mul3A_43 = arith.mulf %slice3A_41, %slice3A_42 : vector<2048x1xf32>
    %slice3A_44 = vector.extract_strided_slice %get3A_8 {offsets = [0, 2], sizes = [2048, 1], strides = [1, 1]} : vector<2048x3xf32> to vector<2048x1xf32>
    %slice3A_45 = vector.extract_strided_slice %get3A_8 {offsets = [0, 2], sizes = [2048, 1], strides = [1, 1]} : vector<2048x3xf32> to vector<2048x1xf32>
    %mul3A_46 = arith.mulf %slice3A_44, %slice3A_45 : vector<2048x1xf32>
    %add3A_47 = arith.addf %mul3A_40, %mul3A_46 : vector<2048x1xf32>
    %add3A_48 = arith.addf %add3A_47, %mul3A_43 : vector<2048x1xf32>
    %dot_general3A_49 = arith.constant dense<0.000000e+00> : vector<512x2048xf32>
    %dot_general3A_50 = tpu.matmul %get3A_3, %get3A_8, %dot_general3A_49 {dimension_numbers = #tpu.dot_dimension_numbers<[1], [1], [0], [0], [0, 0, 1, 0], [], []>, transpose_lhs_hint = false} : vector<512x3xf32>, vector<2048x3xf32>, vector<512x2048xf32> -> vector<512x2048xf32>
    %mul3A_51 = arith.constant 2.000000e+00 : f32
    %mul3A_52 = vector.broadcast %mul3A_51 : f32 to vector<512x2048xf32>
    %mul3A_53 = arith.mulf %mul3A_52, %dot_general3A_50 : vector<512x2048xf32>
    %sub3A = vector.broadcast %add3A_37 : vector<512x1xf32> to vector<512x2048xf32>
    %sub3A_54 = arith.subf %sub3A, %mul3A_53 : vector<512x2048xf32>
    %reshape3A = vector.shape_cast %add3A_48 : vector<2048x1xf32> to vector<1x2048xf32>
    %add3A_55 = vector.broadcast %reshape3A : vector<1x2048xf32> to vector<512x2048xf32>
    %add3A_56 = arith.addf %sub3A_54, %add3A_55 : vector<512x2048xf32>
    %convert_element_type3A = arith.truncf %dot_general3A_17 : vector<2048x256xf32> to vector<2048x256xbf16>
    %convert_element_type3A_57 = arith.extf %convert_element_type3A : vector<2048x256xbf16> to vector<2048x256xf32>
    %sub3A_58 = arith.subf %dot_general3A_17, %convert_element_type3A_57 : vector<2048x256xf32>
    %convert_element_type3A_59 = arith.truncf %sub3A_58 : vector<2048x256xf32> to vector<2048x256xbf16>
    %convert_element_type3A_60 = arith.extf %convert_element_type3A_59 : vector<2048x256xbf16> to vector<2048x256xf32>
    %sub3A_61 = arith.subf %sub3A_58, %convert_element_type3A_60 : vector<2048x256xf32>
    %convert_element_type3A_62 = arith.truncf %get3A_8 : vector<2048x3xf32> to vector<2048x3xbf16>
    %convert_element_type3A_63 = arith.extf %convert_element_type3A_62 : vector<2048x3xbf16> to vector<2048x3xf32>
    %sub3A_64 = arith.subf %get3A_8, %convert_element_type3A_63 : vector<2048x3xf32>
    %convert_element_type3A_65 = arith.truncf %sub3A_64 : vector<2048x3xf32> to vector<2048x3xbf16>
    %convert_element_type3A_66 = arith.extf %convert_element_type3A_65 : vector<2048x3xbf16> to vector<2048x3xf32>
    %sub3A_67 = arith.subf %sub3A_64, %convert_element_type3A_66 : vector<2048x3xf32>
    %concatenate3A = tpu.concatenate %convert_element_type3A_57, %convert_element_type3A_60, %sub3A_61, %convert_element_type3A_63, %convert_element_type3A_66, %sub3A_67 in 1 : vector<2048x256xf32>, vector<2048x256xf32>, vector<2048x256xf32>, vector<2048x3xf32>, vector<2048x3xf32>, vector<2048x3xf32> -> vector<2048x777xf32>
    %convert_element_type3A_68 = arith.truncf %concatenate3A : vector<2048x777xf32> to vector<2048x777xbf16>
    %iota3A = tpu.iota {dimensions = array<i32: 1>} : vector<512x2048xi32>
    %broadcast_in_dim3A = arith.constant 0xFF800000 : f32
    %broadcast_in_dim3A_69 = vector.broadcast %broadcast_in_dim3A : f32 to vector<512x256xf32>
    %reduce_min3A = arith.constant dense<0x7F800000> : vector<512xf32>
    %reduce_min3A_70 = vector.multi_reduction <minimumf>, %add3A_56, %reduce_min3A [1] : vector<512x2048xf32> to vector<512xf32>
    %broadcast_in_dim3A_71 = vector.shape_cast %reduce_min3A_70 : vector<512xf32> to vector<512x1xf32>
    %eq3A = vector.broadcast %broadcast_in_dim3A_71 : vector<512x1xf32> to vector<512x2048xf32>
    %eq3A_72 = arith.cmpf oeq, %add3A_56, %eq3A : vector<512x2048xf32>
    %jit3A = arith.constant 2048 : i32
    %broadcast_in_dim3A_73 = vector.broadcast %jit3A : i32 to vector<512x2048xi32>
    %select_n3A = arith.select %eq3A_72, %iota3A, %broadcast_in_dim3A_73 : vector<512x2048xi1>, vector<512x2048xi32>
    %reduce_min3A_74 = arith.constant dense<2147483647> : vector<512xi32>
    %reduce_min3A_75 = vector.multi_reduction <minsi>, %select_n3A, %reduce_min3A_74 [1] : vector<512x2048xi32> to vector<512xi32>
    %broadcast_in_dim3A_76 = vector.shape_cast %reduce_min3A_75 : vector<512xi32> to vector<512x1xi32>
    %eq3A_77 = vector.broadcast %broadcast_in_dim3A_76 : vector<512x1xi32> to vector<512x2048xi32>
    %eq3A_78 = arith.cmpi eq, %iota3A, %eq3A_77 : vector<512x2048xi32>
    %convert_element_type3A_79 = arith.extui %eq3A_78 : vector<512x2048xi1> to vector<512x2048xi32>
    %convert_element_type3A_80 = arith.sitofp %convert_element_type3A_79 : vector<512x2048xi32> to vector<512x2048xf32>
    %convert_element_type3A_81 = arith.truncf %convert_element_type3A_80 : vector<512x2048xf32> to vector<512x2048xbf16>
    %jit3A_82 = arith.constant 0x7F800000 : f32
    %broadcast_in_dim3A_83 = vector.broadcast %jit3A_82 : f32 to vector<512x2048xf32>
    %select_n3A_84 = arith.select %eq3A_78, %broadcast_in_dim3A_83, %add3A_56 : vector<512x2048xi1>, vector<512x2048xf32>
    %dot_general3A_85 = arith.constant dense<0.000000e+00> : vector<512x777xf32>
    %dot_general3A_86 = tpu.matmul %convert_element_type3A_81, %convert_element_type3A_68, %dot_general3A_85 {dimension_numbers = #tpu.dot_dimension_numbers<[1], [0], [0], [1], [0, 0, 1, 1], [], []>, transpose_lhs_hint = false} : vector<512x2048xbf16>, vector<2048x777xbf16>, vector<512x777xf32> -> vector<512x777xf32>
    %slice3A_87 = vector.extract_strided_slice %dot_general3A_86 {offsets = [0, 0], sizes = [512, 256], strides = [1, 1]} : vector<512x777xf32> to vector<512x256xf32>
    %slice3A_88 = vector.extract_strided_slice %dot_general3A_86 {offsets = [0, 256], sizes = [512, 256], strides = [1, 1]} : vector<512x777xf32> to vector<512x256xf32>
    %add3A_89 = arith.addf %slice3A_87, %slice3A_88 : vector<512x256xf32>
    %slice3A_90 = vector.extract_strided_slice %dot_general3A_86 {offsets = [0, 512], sizes = [512, 256], strides = [1, 1]} : vector<512x777xf32> to vector<512x256xf32>
    %add3A_91 = arith.addf %add3A_89, %slice3A_90 : vector<512x256xf32>
    %slice3A_92 = vector.extract_strided_slice %dot_general3A_86 {offsets = [0, 768], sizes = [512, 3], strides = [1, 1]} : vector<512x777xf32> to vector<512x3xf32>
    %slice3A_93 = vector.extract_strided_slice %dot_general3A_86 {offsets = [0, 771], sizes = [512, 3], strides = [1, 1]} : vector<512x777xf32> to vector<512x3xf32>
    %add3A_94 = arith.addf %slice3A_92, %slice3A_93 : vector<512x3xf32>
    %slice3A_95 = vector.extract_strided_slice %dot_general3A_86 {offsets = [0, 774], sizes = [512, 3], strides = [1, 1]} : vector<512x777xf32> to vector<512x3xf32>
    %add3A_96 = arith.addf %add3A_94, %slice3A_95 : vector<512x3xf32>
    %sub3A_97 = arith.subf %add3A_96, %get3A_3 : vector<512x3xf32>
    %slice3A_98 = vector.extract_strided_slice %sub3A_97 {offsets = [0, 0], sizes = [512, 1], strides = [1, 1]} : vector<512x3xf32> to vector<512x1xf32>
    %slice3A_99 = vector.extract_strided_slice %sub3A_97 {offsets = [0, 0], sizes = [512, 1], strides = [1, 1]} : vector<512x3xf32> to vector<512x1xf32>
    %mul3A_100 = arith.mulf %slice3A_98, %slice3A_99 : vector<512x1xf32>
    %slice3A_101 = vector.extract_strided_slice %sub3A_97 {offsets = [0, 1], sizes = [512, 1], strides = [1, 1]} : vector<512x3xf32> to vector<512x1xf32>
    %slice3A_102 = vector.extract_strided_slice %sub3A_97 {offsets = [0, 1], sizes = [512, 1], strides = [1, 1]} : vector<512x3xf32> to vector<512x1xf32>
    %mul3A_103 = arith.mulf %slice3A_101, %slice3A_102 : vector<512x1xf32>
    %slice3A_104 = vector.extract_strided_slice %sub3A_97 {offsets = [0, 2], sizes = [512, 1], strides = [1, 1]} : vector<512x3xf32> to vector<512x1xf32>
    %slice3A_105 = vector.extract_strided_slice %sub3A_97 {offsets = [0, 2], sizes = [512, 1], strides = [1, 1]} : vector<512x3xf32> to vector<512x1xf32>
    %mul3A_106 = arith.mulf %slice3A_104, %slice3A_105 : vector<512x1xf32>
    %add3A_107 = arith.addf %mul3A_100, %mul3A_106 : vector<512x1xf32>
    %add3A_108 = arith.addf %add3A_107, %mul3A_103 : vector<512x1xf32>
    %add3A_109 = arith.constant 9.99999996E-13 : f32
    %add3A_110 = vector.broadcast %add3A_109 : f32 to vector<512x1xf32>
    %add3A_111 = arith.addf %add3A_108, %add3A_110 : vector<512x1xf32>
    %sqrt3A = math.sqrt %add3A_111 : vector<512x1xf32>
    %concatenate3A_112 = tpu.concatenate %sub3A_97, %sqrt3A, %get3A_3, %add3A_96 in 1 : vector<512x3xf32>, vector<512x1xf32>, vector<512x3xf32>, vector<512x3xf32> -> vector<512x10xf32>
    %dot_general3A_113 = arith.constant dense<0.000000e+00> : vector<512x32xf32>
    %dot_general3A_114 = tpu.matmul %concatenate3A_112, %get3A_20, %dot_general3A_113 {dimension_numbers = #tpu.dot_dimension_numbers<[1], [0], [0], [1], [0, 0, 1, 1], [], []>, transpose_lhs_hint = false} : vector<512x10xf32>, vector<10x32xf32>, vector<512x32xf32> -> vector<512x32xf32>
    %add3A_115 = vector.broadcast %get3A_23 : vector<1x32xf32> to vector<512x32xf32>
    %add3A_116 = arith.addf %dot_general3A_114, %add3A_115 : vector<512x32xf32>
    %gt3A = arith.constant 0.000000e+00 : f32
    %gt3A_117 = vector.broadcast %gt3A : f32 to vector<512x32xf32>
    %gt3A_118 = arith.cmpf ogt, %add3A_116, %gt3A_117 : vector<512x32xf32>
    %mul3A_119 = arith.constant 2.000000e-01 : f32
    %mul3A_120 = vector.broadcast %mul3A_119 : f32 to vector<512x32xf32>
    %mul3A_121 = arith.mulf %mul3A_120, %add3A_116 : vector<512x32xf32>
    %select_n3A_122 = arith.select %gt3A_118, %add3A_116, %mul3A_121 : vector<512x32xi1>, vector<512x32xf32>
    %dot_general3A_123 = arith.constant dense<0.000000e+00> : vector<512x256xf32>
    %dot_general3A_124 = tpu.matmul %select_n3A_122, %get3A_26, %dot_general3A_123 {dimension_numbers = #tpu.dot_dimension_numbers<[1], [0], [0], [1], [0, 0, 1, 1], [], []>, transpose_lhs_hint = false} : vector<512x32xf32>, vector<32x256xf32>, vector<512x256xf32> -> vector<512x256xf32>
    %add3A_125 = arith.addf %add3A_91, %dot_general3A_124 : vector<512x256xf32>
    %add3A_126 = vector.broadcast %get3A_29 : vector<1x256xf32> to vector<512x256xf32>
    %add3A_127 = arith.addf %add3A_125, %add3A_126 : vector<512x256xf32>
    %max3A = arith.maximumf %broadcast_in_dim3A_69, %add3A_127 : vector<512x256xf32>
    %reduce_min3A_128 = arith.constant dense<0x7F800000> : vector<512xf32>
    %reduce_min3A_129 = vector.multi_reduction <minimumf>, %select_n3A_84, %reduce_min3A_128 [1] : vector<512x2048xf32> to vector<512xf32>
    %broadcast_in_dim3A_130 = vector.shape_cast %reduce_min3A_129 : vector<512xf32> to vector<512x1xf32>
    %eq3A_131 = vector.broadcast %broadcast_in_dim3A_130 : vector<512x1xf32> to vector<512x2048xf32>
    %eq3A_132 = arith.cmpf oeq, %select_n3A_84, %eq3A_131 : vector<512x2048xf32>
    %jit3A_133 = arith.constant 2048 : i32
    %broadcast_in_dim3A_134 = vector.broadcast %jit3A_133 : i32 to vector<512x2048xi32>
    %select_n3A_135 = arith.select %eq3A_132, %iota3A, %broadcast_in_dim3A_134 : vector<512x2048xi1>, vector<512x2048xi32>
    %reduce_min3A_136 = arith.constant dense<2147483647> : vector<512xi32>
    %reduce_min3A_137 = vector.multi_reduction <minsi>, %select_n3A_135, %reduce_min3A_136 [1] : vector<512x2048xi32> to vector<512xi32>
    %broadcast_in_dim3A_138 = vector.shape_cast %reduce_min3A_137 : vector<512xi32> to vector<512x1xi32>
    %eq3A_139 = vector.broadcast %broadcast_in_dim3A_138 : vector<512x1xi32> to vector<512x2048xi32>
    %eq3A_140 = arith.cmpi eq, %iota3A, %eq3A_139 : vector<512x2048xi32>
    %convert_element_type3A_141 = arith.extui %eq3A_140 : vector<512x2048xi1> to vector<512x2048xi32>
    %convert_element_type3A_142 = arith.sitofp %convert_element_type3A_141 : vector<512x2048xi32> to vector<512x2048xf32>
    %convert_element_type3A_143 = arith.truncf %convert_element_type3A_142 : vector<512x2048xf32> to vector<512x2048xbf16>
    %jit3A_144 = arith.constant 0x7F800000 : f32
    %broadcast_in_dim3A_145 = vector.broadcast %jit3A_144 : f32 to vector<512x2048xf32>
    %select_n3A_146 = arith.select %eq3A_140, %broadcast_in_dim3A_145, %select_n3A_84 : vector<512x2048xi1>, vector<512x2048xf32>
    %dot_general3A_147 = arith.constant dense<0.000000e+00> : vector<512x777xf32>
    %dot_general3A_148 = tpu.matmul %convert_element_type3A_143, %convert_element_type3A_68, %dot_general3A_147 {dimension_numbers = #tpu.dot_dimension_numbers<[1], [0], [0], [1], [0, 0, 1, 1], [], []>, transpose_lhs_hint = false} : vector<512x2048xbf16>, vector<2048x777xbf16>, vector<512x777xf32> -> vector<512x777xf32>
    %slice3A_149 = vector.extract_strided_slice %dot_general3A_148 {offsets = [0, 0], sizes = [512, 256], strides = [1, 1]} : vector<512x777xf32> to vector<512x256xf32>
    %slice3A_150 = vector.extract_strided_slice %dot_general3A_148 {offsets = [0, 256], sizes = [512, 256], strides = [1, 1]} : vector<512x777xf32> to vector<512x256xf32>
    %add3A_151 = arith.addf %slice3A_149, %slice3A_150 : vector<512x256xf32>
    %slice3A_152 = vector.extract_strided_slice %dot_general3A_148 {offsets = [0, 512], sizes = [512, 256], strides = [1, 1]} : vector<512x777xf32> to vector<512x256xf32>
    %add3A_153 = arith.addf %add3A_151, %slice3A_152 : vector<512x256xf32>
    %slice3A_154 = vector.extract_strided_slice %dot_general3A_148 {offsets = [0, 768], sizes = [512, 3], strides = [1, 1]} : vector<512x777xf32> to vector<512x3xf32>
    %slice3A_155 = vector.extract_strided_slice %dot_general3A_148 {offsets = [0, 771], sizes = [512, 3], strides = [1, 1]} : vector<512x777xf32> to vector<512x3xf32>
    %add3A_156 = arith.addf %slice3A_154, %slice3A_155 : vector<512x3xf32>
    %slice3A_157 = vector.extract_strided_slice %dot_general3A_148 {offsets = [0, 774], sizes = [512, 3], strides = [1, 1]} : vector<512x777xf32> to vector<512x3xf32>
    %add3A_158 = arith.addf %add3A_156, %slice3A_157 : vector<512x3xf32>
    %sub3A_159 = arith.subf %add3A_158, %get3A_3 : vector<512x3xf32>
    %slice3A_160 = vector.extract_strided_slice %sub3A_159 {offsets = [0, 0], sizes = [512, 1], strides = [1, 1]} : vector<512x3xf32> to vector<512x1xf32>
    %slice3A_161 = vector.extract_strided_slice %sub3A_159 {offsets = [0, 0], sizes = [512, 1], strides = [1, 1]} : vector<512x3xf32> to vector<512x1xf32>
    %mul3A_162 = arith.mulf %slice3A_160, %slice3A_161 : vector<512x1xf32>
    %slice3A_163 = vector.extract_strided_slice %sub3A_159 {offsets = [0, 1], sizes = [512, 1], strides = [1, 1]} : vector<512x3xf32> to vector<512x1xf32>
    %slice3A_164 = vector.extract_strided_slice %sub3A_159 {offsets = [0, 1], sizes = [512, 1], strides = [1, 1]} : vector<512x3xf32> to vector<512x1xf32>
    %mul3A_165 = arith.mulf %slice3A_163, %slice3A_164 : vector<512x1xf32>
    %slice3A_166 = vector.extract_strided_slice %sub3A_159 {offsets = [0, 2], sizes = [512, 1], strides = [1, 1]} : vector<512x3xf32> to vector<512x1xf32>
    %slice3A_167 = vector.extract_strided_slice %sub3A_159 {offsets = [0, 2], sizes = [512, 1], strides = [1, 1]} : vector<512x3xf32> to vector<512x1xf32>
    %mul3A_168 = arith.mulf %slice3A_166, %slice3A_167 : vector<512x1xf32>
    %add3A_169 = arith.addf %mul3A_162, %mul3A_168 : vector<512x1xf32>
    %add3A_170 = arith.addf %add3A_169, %mul3A_165 : vector<512x1xf32>
    %add3A_171 = arith.constant 9.99999996E-13 : f32
    %add3A_172 = vector.broadcast %add3A_171 : f32 to vector<512x1xf32>
    %add3A_173 = arith.addf %add3A_170, %add3A_172 : vector<512x1xf32>
    %sqrt3A_174 = math.sqrt %add3A_173 : vector<512x1xf32>
    %concatenate3A_175 = tpu.concatenate %sub3A_159, %sqrt3A_174, %get3A_3, %add3A_158 in 1 : vector<512x3xf32>, vector<512x1xf32>, vector<512x3xf32>, vector<512x3xf32> -> vector<512x10xf32>
    %dot_general3A_176 = arith.constant dense<0.000000e+00> : vector<512x32xf32>
    %dot_general3A_177 = tpu.matmul %concatenate3A_175, %get3A_20, %dot_general3A_176 {dimension_numbers = #tpu.dot_dimension_numbers<[1], [0], [0], [1], [0, 0, 1, 1], [], []>, transpose_lhs_hint = false} : vector<512x10xf32>, vector<10x32xf32>, vector<512x32xf32> -> vector<512x32xf32>
    %add3A_178 = vector.broadcast %get3A_23 : vector<1x32xf32> to vector<512x32xf32>
    %add3A_179 = arith.addf %dot_general3A_177, %add3A_178 : vector<512x32xf32>
    %gt3A_180 = arith.constant 0.000000e+00 : f32
    %gt3A_181 = vector.broadcast %gt3A_180 : f32 to vector<512x32xf32>
    %gt3A_182 = arith.cmpf ogt, %add3A_179, %gt3A_181 : vector<512x32xf32>
    %mul3A_183 = arith.constant 2.000000e-01 : f32
    %mul3A_184 = vector.broadcast %mul3A_183 : f32 to vector<512x32xf32>
    %mul3A_185 = arith.mulf %mul3A_184, %add3A_179 : vector<512x32xf32>
    %select_n3A_186 = arith.select %gt3A_182, %add3A_179, %mul3A_185 : vector<512x32xi1>, vector<512x32xf32>
    %dot_general3A_187 = arith.constant dense<0.000000e+00> : vector<512x256xf32>
    %dot_general3A_188 = tpu.matmul %select_n3A_186, %get3A_26, %dot_general3A_187 {dimension_numbers = #tpu.dot_dimension_numbers<[1], [0], [0], [1], [0, 0, 1, 1], [], []>, transpose_lhs_hint = false} : vector<512x32xf32>, vector<32x256xf32>, vector<512x256xf32> -> vector<512x256xf32>
    %add3A_189 = arith.addf %add3A_153, %dot_general3A_188 : vector<512x256xf32>
    %add3A_190 = vector.broadcast %get3A_29 : vector<1x256xf32> to vector<512x256xf32>
    %add3A_191 = arith.addf %add3A_189, %add3A_190 : vector<512x256xf32>
    %max3A_192 = arith.maximumf %max3A, %add3A_191 : vector<512x256xf32>
    %reduce_min3A_193 = arith.constant dense<0x7F800000> : vector<512xf32>
    %reduce_min3A_194 = vector.multi_reduction <minimumf>, %select_n3A_146, %reduce_min3A_193 [1] : vector<512x2048xf32> to vector<512xf32>
    %broadcast_in_dim3A_195 = vector.shape_cast %reduce_min3A_194 : vector<512xf32> to vector<512x1xf32>
    %eq3A_196 = vector.broadcast %broadcast_in_dim3A_195 : vector<512x1xf32> to vector<512x2048xf32>
    %eq3A_197 = arith.cmpf oeq, %select_n3A_146, %eq3A_196 : vector<512x2048xf32>
    %jit3A_198 = arith.constant 2048 : i32
    %broadcast_in_dim3A_199 = vector.broadcast %jit3A_198 : i32 to vector<512x2048xi32>
    %select_n3A_200 = arith.select %eq3A_197, %iota3A, %broadcast_in_dim3A_199 : vector<512x2048xi1>, vector<512x2048xi32>
    %reduce_min3A_201 = arith.constant dense<2147483647> : vector<512xi32>
    %reduce_min3A_202 = vector.multi_reduction <minsi>, %select_n3A_200, %reduce_min3A_201 [1] : vector<512x2048xi32> to vector<512xi32>
    %broadcast_in_dim3A_203 = vector.shape_cast %reduce_min3A_202 : vector<512xi32> to vector<512x1xi32>
    %eq3A_204 = vector.broadcast %broadcast_in_dim3A_203 : vector<512x1xi32> to vector<512x2048xi32>
    %eq3A_205 = arith.cmpi eq, %iota3A, %eq3A_204 : vector<512x2048xi32>
    %convert_element_type3A_206 = arith.extui %eq3A_205 : vector<512x2048xi1> to vector<512x2048xi32>
    %convert_element_type3A_207 = arith.sitofp %convert_element_type3A_206 : vector<512x2048xi32> to vector<512x2048xf32>
    %convert_element_type3A_208 = arith.truncf %convert_element_type3A_207 : vector<512x2048xf32> to vector<512x2048xbf16>
    %jit3A_209 = arith.constant 0x7F800000 : f32
    %broadcast_in_dim3A_210 = vector.broadcast %jit3A_209 : f32 to vector<512x2048xf32>
    %select_n3A_211 = arith.select %eq3A_205, %broadcast_in_dim3A_210, %select_n3A_146 : vector<512x2048xi1>, vector<512x2048xf32>
    %dot_general3A_212 = arith.constant dense<0.000000e+00> : vector<512x777xf32>
    %dot_general3A_213 = tpu.matmul %convert_element_type3A_208, %convert_element_type3A_68, %dot_general3A_212 {dimension_numbers = #tpu.dot_dimension_numbers<[1], [0], [0], [1], [0, 0, 1, 1], [], []>, transpose_lhs_hint = false} : vector<512x2048xbf16>, vector<2048x777xbf16>, vector<512x777xf32> -> vector<512x777xf32>
    %slice3A_214 = vector.extract_strided_slice %dot_general3A_213 {offsets = [0, 0], sizes = [512, 256], strides = [1, 1]} : vector<512x777xf32> to vector<512x256xf32>
    %slice3A_215 = vector.extract_strided_slice %dot_general3A_213 {offsets = [0, 256], sizes = [512, 256], strides = [1, 1]} : vector<512x777xf32> to vector<512x256xf32>
    %add3A_216 = arith.addf %slice3A_214, %slice3A_215 : vector<512x256xf32>
    %slice3A_217 = vector.extract_strided_slice %dot_general3A_213 {offsets = [0, 512], sizes = [512, 256], strides = [1, 1]} : vector<512x777xf32> to vector<512x256xf32>
    %add3A_218 = arith.addf %add3A_216, %slice3A_217 : vector<512x256xf32>
    %slice3A_219 = vector.extract_strided_slice %dot_general3A_213 {offsets = [0, 768], sizes = [512, 3], strides = [1, 1]} : vector<512x777xf32> to vector<512x3xf32>
    %slice3A_220 = vector.extract_strided_slice %dot_general3A_213 {offsets = [0, 771], sizes = [512, 3], strides = [1, 1]} : vector<512x777xf32> to vector<512x3xf32>
    %add3A_221 = arith.addf %slice3A_219, %slice3A_220 : vector<512x3xf32>
    %slice3A_222 = vector.extract_strided_slice %dot_general3A_213 {offsets = [0, 774], sizes = [512, 3], strides = [1, 1]} : vector<512x777xf32> to vector<512x3xf32>
    %add3A_223 = arith.addf %add3A_221, %slice3A_222 : vector<512x3xf32>
    %sub3A_224 = arith.subf %add3A_223, %get3A_3 : vector<512x3xf32>
    %slice3A_225 = vector.extract_strided_slice %sub3A_224 {offsets = [0, 0], sizes = [512, 1], strides = [1, 1]} : vector<512x3xf32> to vector<512x1xf32>
    %slice3A_226 = vector.extract_strided_slice %sub3A_224 {offsets = [0, 0], sizes = [512, 1], strides = [1, 1]} : vector<512x3xf32> to vector<512x1xf32>
    %mul3A_227 = arith.mulf %slice3A_225, %slice3A_226 : vector<512x1xf32>
    %slice3A_228 = vector.extract_strided_slice %sub3A_224 {offsets = [0, 1], sizes = [512, 1], strides = [1, 1]} : vector<512x3xf32> to vector<512x1xf32>
    %slice3A_229 = vector.extract_strided_slice %sub3A_224 {offsets = [0, 1], sizes = [512, 1], strides = [1, 1]} : vector<512x3xf32> to vector<512x1xf32>
    %mul3A_230 = arith.mulf %slice3A_228, %slice3A_229 : vector<512x1xf32>
    %slice3A_231 = vector.extract_strided_slice %sub3A_224 {offsets = [0, 2], sizes = [512, 1], strides = [1, 1]} : vector<512x3xf32> to vector<512x1xf32>
    %slice3A_232 = vector.extract_strided_slice %sub3A_224 {offsets = [0, 2], sizes = [512, 1], strides = [1, 1]} : vector<512x3xf32> to vector<512x1xf32>
    %mul3A_233 = arith.mulf %slice3A_231, %slice3A_232 : vector<512x1xf32>
    %add3A_234 = arith.addf %mul3A_227, %mul3A_233 : vector<512x1xf32>
    %add3A_235 = arith.addf %add3A_234, %mul3A_230 : vector<512x1xf32>
    %add3A_236 = arith.constant 9.99999996E-13 : f32
    %add3A_237 = vector.broadcast %add3A_236 : f32 to vector<512x1xf32>
    %add3A_238 = arith.addf %add3A_235, %add3A_237 : vector<512x1xf32>
    %sqrt3A_239 = math.sqrt %add3A_238 : vector<512x1xf32>
    %concatenate3A_240 = tpu.concatenate %sub3A_224, %sqrt3A_239, %get3A_3, %add3A_223 in 1 : vector<512x3xf32>, vector<512x1xf32>, vector<512x3xf32>, vector<512x3xf32> -> vector<512x10xf32>
    %dot_general3A_241 = arith.constant dense<0.000000e+00> : vector<512x32xf32>
    %dot_general3A_242 = tpu.matmul %concatenate3A_240, %get3A_20, %dot_general3A_241 {dimension_numbers = #tpu.dot_dimension_numbers<[1], [0], [0], [1], [0, 0, 1, 1], [], []>, transpose_lhs_hint = false} : vector<512x10xf32>, vector<10x32xf32>, vector<512x32xf32> -> vector<512x32xf32>
    %add3A_243 = vector.broadcast %get3A_23 : vector<1x32xf32> to vector<512x32xf32>
    %add3A_244 = arith.addf %dot_general3A_242, %add3A_243 : vector<512x32xf32>
    %gt3A_245 = arith.constant 0.000000e+00 : f32
    %gt3A_246 = vector.broadcast %gt3A_245 : f32 to vector<512x32xf32>
    %gt3A_247 = arith.cmpf ogt, %add3A_244, %gt3A_246 : vector<512x32xf32>
    %mul3A_248 = arith.constant 2.000000e-01 : f32
    %mul3A_249 = vector.broadcast %mul3A_248 : f32 to vector<512x32xf32>
    %mul3A_250 = arith.mulf %mul3A_249, %add3A_244 : vector<512x32xf32>
    %select_n3A_251 = arith.select %gt3A_247, %add3A_244, %mul3A_250 : vector<512x32xi1>, vector<512x32xf32>
    %dot_general3A_252 = arith.constant dense<0.000000e+00> : vector<512x256xf32>
    %dot_general3A_253 = tpu.matmul %select_n3A_251, %get3A_26, %dot_general3A_252 {dimension_numbers = #tpu.dot_dimension_numbers<[1], [0], [0], [1], [0, 0, 1, 1], [], []>, transpose_lhs_hint = false} : vector<512x32xf32>, vector<32x256xf32>, vector<512x256xf32> -> vector<512x256xf32>
    %add3A_254 = arith.addf %add3A_218, %dot_general3A_253 : vector<512x256xf32>
    %add3A_255 = vector.broadcast %get3A_29 : vector<1x256xf32> to vector<512x256xf32>
    %add3A_256 = arith.addf %add3A_254, %add3A_255 : vector<512x256xf32>
    %max3A_257 = arith.maximumf %max3A_192, %add3A_256 : vector<512x256xf32>
    %reduce_min3A_258 = arith.constant dense<0x7F800000> : vector<512xf32>
    %reduce_min3A_259 = vector.multi_reduction <minimumf>, %select_n3A_211, %reduce_min3A_258 [1] : vector<512x2048xf32> to vector<512xf32>
    %broadcast_in_dim3A_260 = vector.shape_cast %reduce_min3A_259 : vector<512xf32> to vector<512x1xf32>
    %eq3A_261 = vector.broadcast %broadcast_in_dim3A_260 : vector<512x1xf32> to vector<512x2048xf32>
    %eq3A_262 = arith.cmpf oeq, %select_n3A_211, %eq3A_261 : vector<512x2048xf32>
    %jit3A_263 = arith.constant 2048 : i32
    %broadcast_in_dim3A_264 = vector.broadcast %jit3A_263 : i32 to vector<512x2048xi32>
    %select_n3A_265 = arith.select %eq3A_262, %iota3A, %broadcast_in_dim3A_264 : vector<512x2048xi1>, vector<512x2048xi32>
    %reduce_min3A_266 = arith.constant dense<2147483647> : vector<512xi32>
    %reduce_min3A_267 = vector.multi_reduction <minsi>, %select_n3A_265, %reduce_min3A_266 [1] : vector<512x2048xi32> to vector<512xi32>
    %broadcast_in_dim3A_268 = vector.shape_cast %reduce_min3A_267 : vector<512xi32> to vector<512x1xi32>
    %eq3A_269 = vector.broadcast %broadcast_in_dim3A_268 : vector<512x1xi32> to vector<512x2048xi32>
    %eq3A_270 = arith.cmpi eq, %iota3A, %eq3A_269 : vector<512x2048xi32>
    %convert_element_type3A_271 = arith.extui %eq3A_270 : vector<512x2048xi1> to vector<512x2048xi32>
    %convert_element_type3A_272 = arith.sitofp %convert_element_type3A_271 : vector<512x2048xi32> to vector<512x2048xf32>
    %convert_element_type3A_273 = arith.truncf %convert_element_type3A_272 : vector<512x2048xf32> to vector<512x2048xbf16>
    %jit3A_274 = arith.constant 0x7F800000 : f32
    %broadcast_in_dim3A_275 = vector.broadcast %jit3A_274 : f32 to vector<512x2048xf32>
    %select_n3A_276 = arith.select %eq3A_270, %broadcast_in_dim3A_275, %select_n3A_211 : vector<512x2048xi1>, vector<512x2048xf32>
    %dot_general3A_277 = arith.constant dense<0.000000e+00> : vector<512x777xf32>
    %dot_general3A_278 = tpu.matmul %convert_element_type3A_273, %convert_element_type3A_68, %dot_general3A_277 {dimension_numbers = #tpu.dot_dimension_numbers<[1], [0], [0], [1], [0, 0, 1, 1], [], []>, transpose_lhs_hint = false} : vector<512x2048xbf16>, vector<2048x777xbf16>, vector<512x777xf32> -> vector<512x777xf32>
    %slice3A_279 = vector.extract_strided_slice %dot_general3A_278 {offsets = [0, 0], sizes = [512, 256], strides = [1, 1]} : vector<512x777xf32> to vector<512x256xf32>
    %slice3A_280 = vector.extract_strided_slice %dot_general3A_278 {offsets = [0, 256], sizes = [512, 256], strides = [1, 1]} : vector<512x777xf32> to vector<512x256xf32>
    %add3A_281 = arith.addf %slice3A_279, %slice3A_280 : vector<512x256xf32>
    %slice3A_282 = vector.extract_strided_slice %dot_general3A_278 {offsets = [0, 512], sizes = [512, 256], strides = [1, 1]} : vector<512x777xf32> to vector<512x256xf32>
    %add3A_283 = arith.addf %add3A_281, %slice3A_282 : vector<512x256xf32>
    %slice3A_284 = vector.extract_strided_slice %dot_general3A_278 {offsets = [0, 768], sizes = [512, 3], strides = [1, 1]} : vector<512x777xf32> to vector<512x3xf32>
    %slice3A_285 = vector.extract_strided_slice %dot_general3A_278 {offsets = [0, 771], sizes = [512, 3], strides = [1, 1]} : vector<512x777xf32> to vector<512x3xf32>
    %add3A_286 = arith.addf %slice3A_284, %slice3A_285 : vector<512x3xf32>
    %slice3A_287 = vector.extract_strided_slice %dot_general3A_278 {offsets = [0, 774], sizes = [512, 3], strides = [1, 1]} : vector<512x777xf32> to vector<512x3xf32>
    %add3A_288 = arith.addf %add3A_286, %slice3A_287 : vector<512x3xf32>
    %sub3A_289 = arith.subf %add3A_288, %get3A_3 : vector<512x3xf32>
    %slice3A_290 = vector.extract_strided_slice %sub3A_289 {offsets = [0, 0], sizes = [512, 1], strides = [1, 1]} : vector<512x3xf32> to vector<512x1xf32>
    %slice3A_291 = vector.extract_strided_slice %sub3A_289 {offsets = [0, 0], sizes = [512, 1], strides = [1, 1]} : vector<512x3xf32> to vector<512x1xf32>
    %mul3A_292 = arith.mulf %slice3A_290, %slice3A_291 : vector<512x1xf32>
    %slice3A_293 = vector.extract_strided_slice %sub3A_289 {offsets = [0, 1], sizes = [512, 1], strides = [1, 1]} : vector<512x3xf32> to vector<512x1xf32>
    %slice3A_294 = vector.extract_strided_slice %sub3A_289 {offsets = [0, 1], sizes = [512, 1], strides = [1, 1]} : vector<512x3xf32> to vector<512x1xf32>
    %mul3A_295 = arith.mulf %slice3A_293, %slice3A_294 : vector<512x1xf32>
    %slice3A_296 = vector.extract_strided_slice %sub3A_289 {offsets = [0, 2], sizes = [512, 1], strides = [1, 1]} : vector<512x3xf32> to vector<512x1xf32>
    %slice3A_297 = vector.extract_strided_slice %sub3A_289 {offsets = [0, 2], sizes = [512, 1], strides = [1, 1]} : vector<512x3xf32> to vector<512x1xf32>
    %mul3A_298 = arith.mulf %slice3A_296, %slice3A_297 : vector<512x1xf32>
    %add3A_299 = arith.addf %mul3A_292, %mul3A_298 : vector<512x1xf32>
    %add3A_300 = arith.addf %add3A_299, %mul3A_295 : vector<512x1xf32>
    %add3A_301 = arith.constant 9.99999996E-13 : f32
    %add3A_302 = vector.broadcast %add3A_301 : f32 to vector<512x1xf32>
    %add3A_303 = arith.addf %add3A_300, %add3A_302 : vector<512x1xf32>
    %sqrt3A_304 = math.sqrt %add3A_303 : vector<512x1xf32>
    %concatenate3A_305 = tpu.concatenate %sub3A_289, %sqrt3A_304, %get3A_3, %add3A_288 in 1 : vector<512x3xf32>, vector<512x1xf32>, vector<512x3xf32>, vector<512x3xf32> -> vector<512x10xf32>
    %dot_general3A_306 = arith.constant dense<0.000000e+00> : vector<512x32xf32>
    %dot_general3A_307 = tpu.matmul %concatenate3A_305, %get3A_20, %dot_general3A_306 {dimension_numbers = #tpu.dot_dimension_numbers<[1], [0], [0], [1], [0, 0, 1, 1], [], []>, transpose_lhs_hint = false} : vector<512x10xf32>, vector<10x32xf32>, vector<512x32xf32> -> vector<512x32xf32>
    %add3A_308 = vector.broadcast %get3A_23 : vector<1x32xf32> to vector<512x32xf32>
    %add3A_309 = arith.addf %dot_general3A_307, %add3A_308 : vector<512x32xf32>
    %gt3A_310 = arith.constant 0.000000e+00 : f32
    %gt3A_311 = vector.broadcast %gt3A_310 : f32 to vector<512x32xf32>
    %gt3A_312 = arith.cmpf ogt, %add3A_309, %gt3A_311 : vector<512x32xf32>
    %mul3A_313 = arith.constant 2.000000e-01 : f32
    %mul3A_314 = vector.broadcast %mul3A_313 : f32 to vector<512x32xf32>
    %mul3A_315 = arith.mulf %mul3A_314, %add3A_309 : vector<512x32xf32>
    %select_n3A_316 = arith.select %gt3A_312, %add3A_309, %mul3A_315 : vector<512x32xi1>, vector<512x32xf32>
    %dot_general3A_317 = arith.constant dense<0.000000e+00> : vector<512x256xf32>
    %dot_general3A_318 = tpu.matmul %select_n3A_316, %get3A_26, %dot_general3A_317 {dimension_numbers = #tpu.dot_dimension_numbers<[1], [0], [0], [1], [0, 0, 1, 1], [], []>, transpose_lhs_hint = false} : vector<512x32xf32>, vector<32x256xf32>, vector<512x256xf32> -> vector<512x256xf32>
    %add3A_319 = arith.addf %add3A_283, %dot_general3A_318 : vector<512x256xf32>
    %add3A_320 = vector.broadcast %get3A_29 : vector<1x256xf32> to vector<512x256xf32>
    %add3A_321 = arith.addf %add3A_319, %add3A_320 : vector<512x256xf32>
    %max3A_322 = arith.maximumf %max3A_257, %add3A_321 : vector<512x256xf32>
    %reduce_min3A_323 = arith.constant dense<0x7F800000> : vector<512xf32>
    %reduce_min3A_324 = vector.multi_reduction <minimumf>, %select_n3A_276, %reduce_min3A_323 [1] : vector<512x2048xf32> to vector<512xf32>
    %broadcast_in_dim3A_325 = vector.shape_cast %reduce_min3A_324 : vector<512xf32> to vector<512x1xf32>
    %eq3A_326 = vector.broadcast %broadcast_in_dim3A_325 : vector<512x1xf32> to vector<512x2048xf32>
    %eq3A_327 = arith.cmpf oeq, %select_n3A_276, %eq3A_326 : vector<512x2048xf32>
    %jit3A_328 = arith.constant 2048 : i32
    %broadcast_in_dim3A_329 = vector.broadcast %jit3A_328 : i32 to vector<512x2048xi32>
    %select_n3A_330 = arith.select %eq3A_327, %iota3A, %broadcast_in_dim3A_329 : vector<512x2048xi1>, vector<512x2048xi32>
    %reduce_min3A_331 = arith.constant dense<2147483647> : vector<512xi32>
    %reduce_min3A_332 = vector.multi_reduction <minsi>, %select_n3A_330, %reduce_min3A_331 [1] : vector<512x2048xi32> to vector<512xi32>
    %broadcast_in_dim3A_333 = vector.shape_cast %reduce_min3A_332 : vector<512xi32> to vector<512x1xi32>
    %eq3A_334 = vector.broadcast %broadcast_in_dim3A_333 : vector<512x1xi32> to vector<512x2048xi32>
    %eq3A_335 = arith.cmpi eq, %iota3A, %eq3A_334 : vector<512x2048xi32>
    %convert_element_type3A_336 = arith.extui %eq3A_335 : vector<512x2048xi1> to vector<512x2048xi32>
    %convert_element_type3A_337 = arith.sitofp %convert_element_type3A_336 : vector<512x2048xi32> to vector<512x2048xf32>
    %convert_element_type3A_338 = arith.truncf %convert_element_type3A_337 : vector<512x2048xf32> to vector<512x2048xbf16>
    %jit3A_339 = arith.constant 0x7F800000 : f32
    %broadcast_in_dim3A_340 = vector.broadcast %jit3A_339 : f32 to vector<512x2048xf32>
    %select_n3A_341 = arith.select %eq3A_335, %broadcast_in_dim3A_340, %select_n3A_276 : vector<512x2048xi1>, vector<512x2048xf32>
    %dot_general3A_342 = arith.constant dense<0.000000e+00> : vector<512x777xf32>
    %dot_general3A_343 = tpu.matmul %convert_element_type3A_338, %convert_element_type3A_68, %dot_general3A_342 {dimension_numbers = #tpu.dot_dimension_numbers<[1], [0], [0], [1], [0, 0, 1, 1], [], []>, transpose_lhs_hint = false} : vector<512x2048xbf16>, vector<2048x777xbf16>, vector<512x777xf32> -> vector<512x777xf32>
    %slice3A_344 = vector.extract_strided_slice %dot_general3A_343 {offsets = [0, 0], sizes = [512, 256], strides = [1, 1]} : vector<512x777xf32> to vector<512x256xf32>
    %slice3A_345 = vector.extract_strided_slice %dot_general3A_343 {offsets = [0, 256], sizes = [512, 256], strides = [1, 1]} : vector<512x777xf32> to vector<512x256xf32>
    %add3A_346 = arith.addf %slice3A_344, %slice3A_345 : vector<512x256xf32>
    %slice3A_347 = vector.extract_strided_slice %dot_general3A_343 {offsets = [0, 512], sizes = [512, 256], strides = [1, 1]} : vector<512x777xf32> to vector<512x256xf32>
    %add3A_348 = arith.addf %add3A_346, %slice3A_347 : vector<512x256xf32>
    %slice3A_349 = vector.extract_strided_slice %dot_general3A_343 {offsets = [0, 768], sizes = [512, 3], strides = [1, 1]} : vector<512x777xf32> to vector<512x3xf32>
    %slice3A_350 = vector.extract_strided_slice %dot_general3A_343 {offsets = [0, 771], sizes = [512, 3], strides = [1, 1]} : vector<512x777xf32> to vector<512x3xf32>
    %add3A_351 = arith.addf %slice3A_349, %slice3A_350 : vector<512x3xf32>
    %slice3A_352 = vector.extract_strided_slice %dot_general3A_343 {offsets = [0, 774], sizes = [512, 3], strides = [1, 1]} : vector<512x777xf32> to vector<512x3xf32>
    %add3A_353 = arith.addf %add3A_351, %slice3A_352 : vector<512x3xf32>
    %sub3A_354 = arith.subf %add3A_353, %get3A_3 : vector<512x3xf32>
    %slice3A_355 = vector.extract_strided_slice %sub3A_354 {offsets = [0, 0], sizes = [512, 1], strides = [1, 1]} : vector<512x3xf32> to vector<512x1xf32>
    %slice3A_356 = vector.extract_strided_slice %sub3A_354 {offsets = [0, 0], sizes = [512, 1], strides = [1, 1]} : vector<512x3xf32> to vector<512x1xf32>
    %mul3A_357 = arith.mulf %slice3A_355, %slice3A_356 : vector<512x1xf32>
    %slice3A_358 = vector.extract_strided_slice %sub3A_354 {offsets = [0, 1], sizes = [512, 1], strides = [1, 1]} : vector<512x3xf32> to vector<512x1xf32>
    %slice3A_359 = vector.extract_strided_slice %sub3A_354 {offsets = [0, 1], sizes = [512, 1], strides = [1, 1]} : vector<512x3xf32> to vector<512x1xf32>
    %mul3A_360 = arith.mulf %slice3A_358, %slice3A_359 : vector<512x1xf32>
    %slice3A_361 = vector.extract_strided_slice %sub3A_354 {offsets = [0, 2], sizes = [512, 1], strides = [1, 1]} : vector<512x3xf32> to vector<512x1xf32>
    %slice3A_362 = vector.extract_strided_slice %sub3A_354 {offsets = [0, 2], sizes = [512, 1], strides = [1, 1]} : vector<512x3xf32> to vector<512x1xf32>
    %mul3A_363 = arith.mulf %slice3A_361, %slice3A_362 : vector<512x1xf32>
    %add3A_364 = arith.addf %mul3A_357, %mul3A_363 : vector<512x1xf32>
    %add3A_365 = arith.addf %add3A_364, %mul3A_360 : vector<512x1xf32>
    %add3A_366 = arith.constant 9.99999996E-13 : f32
    %add3A_367 = vector.broadcast %add3A_366 : f32 to vector<512x1xf32>
    %add3A_368 = arith.addf %add3A_365, %add3A_367 : vector<512x1xf32>
    %sqrt3A_369 = math.sqrt %add3A_368 : vector<512x1xf32>
    %concatenate3A_370 = tpu.concatenate %sub3A_354, %sqrt3A_369, %get3A_3, %add3A_353 in 1 : vector<512x3xf32>, vector<512x1xf32>, vector<512x3xf32>, vector<512x3xf32> -> vector<512x10xf32>
    %dot_general3A_371 = arith.constant dense<0.000000e+00> : vector<512x32xf32>
    %dot_general3A_372 = tpu.matmul %concatenate3A_370, %get3A_20, %dot_general3A_371 {dimension_numbers = #tpu.dot_dimension_numbers<[1], [0], [0], [1], [0, 0, 1, 1], [], []>, transpose_lhs_hint = false} : vector<512x10xf32>, vector<10x32xf32>, vector<512x32xf32> -> vector<512x32xf32>
    %add3A_373 = vector.broadcast %get3A_23 : vector<1x32xf32> to vector<512x32xf32>
    %add3A_374 = arith.addf %dot_general3A_372, %add3A_373 : vector<512x32xf32>
    %gt3A_375 = arith.constant 0.000000e+00 : f32
    %gt3A_376 = vector.broadcast %gt3A_375 : f32 to vector<512x32xf32>
    %gt3A_377 = arith.cmpf ogt, %add3A_374, %gt3A_376 : vector<512x32xf32>
    %mul3A_378 = arith.constant 2.000000e-01 : f32
    %mul3A_379 = vector.broadcast %mul3A_378 : f32 to vector<512x32xf32>
    %mul3A_380 = arith.mulf %mul3A_379, %add3A_374 : vector<512x32xf32>
    %select_n3A_381 = arith.select %gt3A_377, %add3A_374, %mul3A_380 : vector<512x32xi1>, vector<512x32xf32>
    %dot_general3A_382 = arith.constant dense<0.000000e+00> : vector<512x256xf32>
    %dot_general3A_383 = tpu.matmul %select_n3A_381, %get3A_26, %dot_general3A_382 {dimension_numbers = #tpu.dot_dimension_numbers<[1], [0], [0], [1], [0, 0, 1, 1], [], []>, transpose_lhs_hint = false} : vector<512x32xf32>, vector<32x256xf32>, vector<512x256xf32> -> vector<512x256xf32>
    %add3A_384 = arith.addf %add3A_348, %dot_general3A_383 : vector<512x256xf32>
    %add3A_385 = vector.broadcast %get3A_29 : vector<1x256xf32> to vector<512x256xf32>
    %add3A_386 = arith.addf %add3A_384, %add3A_385 : vector<512x256xf32>
    %max3A_387 = arith.maximumf %max3A_322, %add3A_386 : vector<512x256xf32>
    %reduce_min3A_388 = arith.constant dense<0x7F800000> : vector<512xf32>
    %reduce_min3A_389 = vector.multi_reduction <minimumf>, %select_n3A_341, %reduce_min3A_388 [1] : vector<512x2048xf32> to vector<512xf32>
    %broadcast_in_dim3A_390 = vector.shape_cast %reduce_min3A_389 : vector<512xf32> to vector<512x1xf32>
    %eq3A_391 = vector.broadcast %broadcast_in_dim3A_390 : vector<512x1xf32> to vector<512x2048xf32>
    %eq3A_392 = arith.cmpf oeq, %select_n3A_341, %eq3A_391 : vector<512x2048xf32>
    %jit3A_393 = arith.constant 2048 : i32
    %broadcast_in_dim3A_394 = vector.broadcast %jit3A_393 : i32 to vector<512x2048xi32>
    %select_n3A_395 = arith.select %eq3A_392, %iota3A, %broadcast_in_dim3A_394 : vector<512x2048xi1>, vector<512x2048xi32>
    %reduce_min3A_396 = arith.constant dense<2147483647> : vector<512xi32>
    %reduce_min3A_397 = vector.multi_reduction <minsi>, %select_n3A_395, %reduce_min3A_396 [1] : vector<512x2048xi32> to vector<512xi32>
    %broadcast_in_dim3A_398 = vector.shape_cast %reduce_min3A_397 : vector<512xi32> to vector<512x1xi32>
    %eq3A_399 = vector.broadcast %broadcast_in_dim3A_398 : vector<512x1xi32> to vector<512x2048xi32>
    %eq3A_400 = arith.cmpi eq, %iota3A, %eq3A_399 : vector<512x2048xi32>
    %convert_element_type3A_401 = arith.extui %eq3A_400 : vector<512x2048xi1> to vector<512x2048xi32>
    %convert_element_type3A_402 = arith.sitofp %convert_element_type3A_401 : vector<512x2048xi32> to vector<512x2048xf32>
    %convert_element_type3A_403 = arith.truncf %convert_element_type3A_402 : vector<512x2048xf32> to vector<512x2048xbf16>
    %jit3A_404 = arith.constant 0x7F800000 : f32
    %broadcast_in_dim3A_405 = vector.broadcast %jit3A_404 : f32 to vector<512x2048xf32>
    %select_n3A_406 = arith.select %eq3A_400, %broadcast_in_dim3A_405, %select_n3A_341 : vector<512x2048xi1>, vector<512x2048xf32>
    %dot_general3A_407 = arith.constant dense<0.000000e+00> : vector<512x777xf32>
    %dot_general3A_408 = tpu.matmul %convert_element_type3A_403, %convert_element_type3A_68, %dot_general3A_407 {dimension_numbers = #tpu.dot_dimension_numbers<[1], [0], [0], [1], [0, 0, 1, 1], [], []>, transpose_lhs_hint = false} : vector<512x2048xbf16>, vector<2048x777xbf16>, vector<512x777xf32> -> vector<512x777xf32>
    %slice3A_409 = vector.extract_strided_slice %dot_general3A_408 {offsets = [0, 0], sizes = [512, 256], strides = [1, 1]} : vector<512x777xf32> to vector<512x256xf32>
    %slice3A_410 = vector.extract_strided_slice %dot_general3A_408 {offsets = [0, 256], sizes = [512, 256], strides = [1, 1]} : vector<512x777xf32> to vector<512x256xf32>
    %add3A_411 = arith.addf %slice3A_409, %slice3A_410 : vector<512x256xf32>
    %slice3A_412 = vector.extract_strided_slice %dot_general3A_408 {offsets = [0, 512], sizes = [512, 256], strides = [1, 1]} : vector<512x777xf32> to vector<512x256xf32>
    %add3A_413 = arith.addf %add3A_411, %slice3A_412 : vector<512x256xf32>
    %slice3A_414 = vector.extract_strided_slice %dot_general3A_408 {offsets = [0, 768], sizes = [512, 3], strides = [1, 1]} : vector<512x777xf32> to vector<512x3xf32>
    %slice3A_415 = vector.extract_strided_slice %dot_general3A_408 {offsets = [0, 771], sizes = [512, 3], strides = [1, 1]} : vector<512x777xf32> to vector<512x3xf32>
    %add3A_416 = arith.addf %slice3A_414, %slice3A_415 : vector<512x3xf32>
    %slice3A_417 = vector.extract_strided_slice %dot_general3A_408 {offsets = [0, 774], sizes = [512, 3], strides = [1, 1]} : vector<512x777xf32> to vector<512x3xf32>
    %add3A_418 = arith.addf %add3A_416, %slice3A_417 : vector<512x3xf32>
    %sub3A_419 = arith.subf %add3A_418, %get3A_3 : vector<512x3xf32>
    %slice3A_420 = vector.extract_strided_slice %sub3A_419 {offsets = [0, 0], sizes = [512, 1], strides = [1, 1]} : vector<512x3xf32> to vector<512x1xf32>
    %slice3A_421 = vector.extract_strided_slice %sub3A_419 {offsets = [0, 0], sizes = [512, 1], strides = [1, 1]} : vector<512x3xf32> to vector<512x1xf32>
    %mul3A_422 = arith.mulf %slice3A_420, %slice3A_421 : vector<512x1xf32>
    %slice3A_423 = vector.extract_strided_slice %sub3A_419 {offsets = [0, 1], sizes = [512, 1], strides = [1, 1]} : vector<512x3xf32> to vector<512x1xf32>
    %slice3A_424 = vector.extract_strided_slice %sub3A_419 {offsets = [0, 1], sizes = [512, 1], strides = [1, 1]} : vector<512x3xf32> to vector<512x1xf32>
    %mul3A_425 = arith.mulf %slice3A_423, %slice3A_424 : vector<512x1xf32>
    %slice3A_426 = vector.extract_strided_slice %sub3A_419 {offsets = [0, 2], sizes = [512, 1], strides = [1, 1]} : vector<512x3xf32> to vector<512x1xf32>
    %slice3A_427 = vector.extract_strided_slice %sub3A_419 {offsets = [0, 2], sizes = [512, 1], strides = [1, 1]} : vector<512x3xf32> to vector<512x1xf32>
    %mul3A_428 = arith.mulf %slice3A_426, %slice3A_427 : vector<512x1xf32>
    %add3A_429 = arith.addf %mul3A_422, %mul3A_428 : vector<512x1xf32>
    %add3A_430 = arith.addf %add3A_429, %mul3A_425 : vector<512x1xf32>
    %add3A_431 = arith.constant 9.99999996E-13 : f32
    %add3A_432 = vector.broadcast %add3A_431 : f32 to vector<512x1xf32>
    %add3A_433 = arith.addf %add3A_430, %add3A_432 : vector<512x1xf32>
    %sqrt3A_434 = math.sqrt %add3A_433 : vector<512x1xf32>
    %concatenate3A_435 = tpu.concatenate %sub3A_419, %sqrt3A_434, %get3A_3, %add3A_418 in 1 : vector<512x3xf32>, vector<512x1xf32>, vector<512x3xf32>, vector<512x3xf32> -> vector<512x10xf32>
    %dot_general3A_436 = arith.constant dense<0.000000e+00> : vector<512x32xf32>
    %dot_general3A_437 = tpu.matmul %concatenate3A_435, %get3A_20, %dot_general3A_436 {dimension_numbers = #tpu.dot_dimension_numbers<[1], [0], [0], [1], [0, 0, 1, 1], [], []>, transpose_lhs_hint = false} : vector<512x10xf32>, vector<10x32xf32>, vector<512x32xf32> -> vector<512x32xf32>
    %add3A_438 = vector.broadcast %get3A_23 : vector<1x32xf32> to vector<512x32xf32>
    %add3A_439 = arith.addf %dot_general3A_437, %add3A_438 : vector<512x32xf32>
    %gt3A_440 = arith.constant 0.000000e+00 : f32
    %gt3A_441 = vector.broadcast %gt3A_440 : f32 to vector<512x32xf32>
    %gt3A_442 = arith.cmpf ogt, %add3A_439, %gt3A_441 : vector<512x32xf32>
    %mul3A_443 = arith.constant 2.000000e-01 : f32
    %mul3A_444 = vector.broadcast %mul3A_443 : f32 to vector<512x32xf32>
    %mul3A_445 = arith.mulf %mul3A_444, %add3A_439 : vector<512x32xf32>
    %select_n3A_446 = arith.select %gt3A_442, %add3A_439, %mul3A_445 : vector<512x32xi1>, vector<512x32xf32>
    %dot_general3A_447 = arith.constant dense<0.000000e+00> : vector<512x256xf32>
    %dot_general3A_448 = tpu.matmul %select_n3A_446, %get3A_26, %dot_general3A_447 {dimension_numbers = #tpu.dot_dimension_numbers<[1], [0], [0], [1], [0, 0, 1, 1], [], []>, transpose_lhs_hint = false} : vector<512x32xf32>, vector<32x256xf32>, vector<512x256xf32> -> vector<512x256xf32>
    %add3A_449 = arith.addf %add3A_413, %dot_general3A_448 : vector<512x256xf32>
    %add3A_450 = vector.broadcast %get3A_29 : vector<1x256xf32> to vector<512x256xf32>
    %add3A_451 = arith.addf %add3A_449, %add3A_450 : vector<512x256xf32>
    %max3A_452 = arith.maximumf %max3A_387, %add3A_451 : vector<512x256xf32>
    %reduce_min3A_453 = arith.constant dense<0x7F800000> : vector<512xf32>
    %reduce_min3A_454 = vector.multi_reduction <minimumf>, %select_n3A_406, %reduce_min3A_453 [1] : vector<512x2048xf32> to vector<512xf32>
    %broadcast_in_dim3A_455 = vector.shape_cast %reduce_min3A_454 : vector<512xf32> to vector<512x1xf32>
    %eq3A_456 = vector.broadcast %broadcast_in_dim3A_455 : vector<512x1xf32> to vector<512x2048xf32>
    %eq3A_457 = arith.cmpf oeq, %select_n3A_406, %eq3A_456 : vector<512x2048xf32>
    %jit3A_458 = arith.constant 2048 : i32
    %broadcast_in_dim3A_459 = vector.broadcast %jit3A_458 : i32 to vector<512x2048xi32>
    %select_n3A_460 = arith.select %eq3A_457, %iota3A, %broadcast_in_dim3A_459 : vector<512x2048xi1>, vector<512x2048xi32>
    %reduce_min3A_461 = arith.constant dense<2147483647> : vector<512xi32>
    %reduce_min3A_462 = vector.multi_reduction <minsi>, %select_n3A_460, %reduce_min3A_461 [1] : vector<512x2048xi32> to vector<512xi32>
    %broadcast_in_dim3A_463 = vector.shape_cast %reduce_min3A_462 : vector<512xi32> to vector<512x1xi32>
    %eq3A_464 = vector.broadcast %broadcast_in_dim3A_463 : vector<512x1xi32> to vector<512x2048xi32>
    %eq3A_465 = arith.cmpi eq, %iota3A, %eq3A_464 : vector<512x2048xi32>
    %convert_element_type3A_466 = arith.extui %eq3A_465 : vector<512x2048xi1> to vector<512x2048xi32>
    %convert_element_type3A_467 = arith.sitofp %convert_element_type3A_466 : vector<512x2048xi32> to vector<512x2048xf32>
    %convert_element_type3A_468 = arith.truncf %convert_element_type3A_467 : vector<512x2048xf32> to vector<512x2048xbf16>
    %jit3A_469 = arith.constant 0x7F800000 : f32
    %broadcast_in_dim3A_470 = vector.broadcast %jit3A_469 : f32 to vector<512x2048xf32>
    %select_n3A_471 = arith.select %eq3A_465, %broadcast_in_dim3A_470, %select_n3A_406 : vector<512x2048xi1>, vector<512x2048xf32>
    %dot_general3A_472 = arith.constant dense<0.000000e+00> : vector<512x777xf32>
    %dot_general3A_473 = tpu.matmul %convert_element_type3A_468, %convert_element_type3A_68, %dot_general3A_472 {dimension_numbers = #tpu.dot_dimension_numbers<[1], [0], [0], [1], [0, 0, 1, 1], [], []>, transpose_lhs_hint = false} : vector<512x2048xbf16>, vector<2048x777xbf16>, vector<512x777xf32> -> vector<512x777xf32>
    %slice3A_474 = vector.extract_strided_slice %dot_general3A_473 {offsets = [0, 0], sizes = [512, 256], strides = [1, 1]} : vector<512x777xf32> to vector<512x256xf32>
    %slice3A_475 = vector.extract_strided_slice %dot_general3A_473 {offsets = [0, 256], sizes = [512, 256], strides = [1, 1]} : vector<512x777xf32> to vector<512x256xf32>
    %add3A_476 = arith.addf %slice3A_474, %slice3A_475 : vector<512x256xf32>
    %slice3A_477 = vector.extract_strided_slice %dot_general3A_473 {offsets = [0, 512], sizes = [512, 256], strides = [1, 1]} : vector<512x777xf32> to vector<512x256xf32>
    %add3A_478 = arith.addf %add3A_476, %slice3A_477 : vector<512x256xf32>
    %slice3A_479 = vector.extract_strided_slice %dot_general3A_473 {offsets = [0, 768], sizes = [512, 3], strides = [1, 1]} : vector<512x777xf32> to vector<512x3xf32>
    %slice3A_480 = vector.extract_strided_slice %dot_general3A_473 {offsets = [0, 771], sizes = [512, 3], strides = [1, 1]} : vector<512x777xf32> to vector<512x3xf32>
    %add3A_481 = arith.addf %slice3A_479, %slice3A_480 : vector<512x3xf32>
    %slice3A_482 = vector.extract_strided_slice %dot_general3A_473 {offsets = [0, 774], sizes = [512, 3], strides = [1, 1]} : vector<512x777xf32> to vector<512x3xf32>
    %add3A_483 = arith.addf %add3A_481, %slice3A_482 : vector<512x3xf32>
    %sub3A_484 = arith.subf %add3A_483, %get3A_3 : vector<512x3xf32>
    %slice3A_485 = vector.extract_strided_slice %sub3A_484 {offsets = [0, 0], sizes = [512, 1], strides = [1, 1]} : vector<512x3xf32> to vector<512x1xf32>
    %slice3A_486 = vector.extract_strided_slice %sub3A_484 {offsets = [0, 0], sizes = [512, 1], strides = [1, 1]} : vector<512x3xf32> to vector<512x1xf32>
    %mul3A_487 = arith.mulf %slice3A_485, %slice3A_486 : vector<512x1xf32>
    %slice3A_488 = vector.extract_strided_slice %sub3A_484 {offsets = [0, 1], sizes = [512, 1], strides = [1, 1]} : vector<512x3xf32> to vector<512x1xf32>
    %slice3A_489 = vector.extract_strided_slice %sub3A_484 {offsets = [0, 1], sizes = [512, 1], strides = [1, 1]} : vector<512x3xf32> to vector<512x1xf32>
    %mul3A_490 = arith.mulf %slice3A_488, %slice3A_489 : vector<512x1xf32>
    %slice3A_491 = vector.extract_strided_slice %sub3A_484 {offsets = [0, 2], sizes = [512, 1], strides = [1, 1]} : vector<512x3xf32> to vector<512x1xf32>
    %slice3A_492 = vector.extract_strided_slice %sub3A_484 {offsets = [0, 2], sizes = [512, 1], strides = [1, 1]} : vector<512x3xf32> to vector<512x1xf32>
    %mul3A_493 = arith.mulf %slice3A_491, %slice3A_492 : vector<512x1xf32>
    %add3A_494 = arith.addf %mul3A_487, %mul3A_493 : vector<512x1xf32>
    %add3A_495 = arith.addf %add3A_494, %mul3A_490 : vector<512x1xf32>
    %add3A_496 = arith.constant 9.99999996E-13 : f32
    %add3A_497 = vector.broadcast %add3A_496 : f32 to vector<512x1xf32>
    %add3A_498 = arith.addf %add3A_495, %add3A_497 : vector<512x1xf32>
    %sqrt3A_499 = math.sqrt %add3A_498 : vector<512x1xf32>
    %concatenate3A_500 = tpu.concatenate %sub3A_484, %sqrt3A_499, %get3A_3, %add3A_483 in 1 : vector<512x3xf32>, vector<512x1xf32>, vector<512x3xf32>, vector<512x3xf32> -> vector<512x10xf32>
    %dot_general3A_501 = arith.constant dense<0.000000e+00> : vector<512x32xf32>
    %dot_general3A_502 = tpu.matmul %concatenate3A_500, %get3A_20, %dot_general3A_501 {dimension_numbers = #tpu.dot_dimension_numbers<[1], [0], [0], [1], [0, 0, 1, 1], [], []>, transpose_lhs_hint = false} : vector<512x10xf32>, vector<10x32xf32>, vector<512x32xf32> -> vector<512x32xf32>
    %add3A_503 = vector.broadcast %get3A_23 : vector<1x32xf32> to vector<512x32xf32>
    %add3A_504 = arith.addf %dot_general3A_502, %add3A_503 : vector<512x32xf32>
    %gt3A_505 = arith.constant 0.000000e+00 : f32
    %gt3A_506 = vector.broadcast %gt3A_505 : f32 to vector<512x32xf32>
    %gt3A_507 = arith.cmpf ogt, %add3A_504, %gt3A_506 : vector<512x32xf32>
    %mul3A_508 = arith.constant 2.000000e-01 : f32
    %mul3A_509 = vector.broadcast %mul3A_508 : f32 to vector<512x32xf32>
    %mul3A_510 = arith.mulf %mul3A_509, %add3A_504 : vector<512x32xf32>
    %select_n3A_511 = arith.select %gt3A_507, %add3A_504, %mul3A_510 : vector<512x32xi1>, vector<512x32xf32>
    %dot_general3A_512 = arith.constant dense<0.000000e+00> : vector<512x256xf32>
    %dot_general3A_513 = tpu.matmul %select_n3A_511, %get3A_26, %dot_general3A_512 {dimension_numbers = #tpu.dot_dimension_numbers<[1], [0], [0], [1], [0, 0, 1, 1], [], []>, transpose_lhs_hint = false} : vector<512x32xf32>, vector<32x256xf32>, vector<512x256xf32> -> vector<512x256xf32>
    %add3A_514 = arith.addf %add3A_478, %dot_general3A_513 : vector<512x256xf32>
    %add3A_515 = vector.broadcast %get3A_29 : vector<1x256xf32> to vector<512x256xf32>
    %add3A_516 = arith.addf %add3A_514, %add3A_515 : vector<512x256xf32>
    %max3A_517 = arith.maximumf %max3A_452, %add3A_516 : vector<512x256xf32>
    %reduce_min3A_518 = arith.constant dense<0x7F800000> : vector<512xf32>
    %reduce_min3A_519 = vector.multi_reduction <minimumf>, %select_n3A_471, %reduce_min3A_518 [1] : vector<512x2048xf32> to vector<512xf32>
    %broadcast_in_dim3A_520 = vector.shape_cast %reduce_min3A_519 : vector<512xf32> to vector<512x1xf32>
    %eq3A_521 = vector.broadcast %broadcast_in_dim3A_520 : vector<512x1xf32> to vector<512x2048xf32>
    %eq3A_522 = arith.cmpf oeq, %select_n3A_471, %eq3A_521 : vector<512x2048xf32>
    %jit3A_523 = arith.constant 2048 : i32
    %broadcast_in_dim3A_524 = vector.broadcast %jit3A_523 : i32 to vector<512x2048xi32>
    %select_n3A_525 = arith.select %eq3A_522, %iota3A, %broadcast_in_dim3A_524 : vector<512x2048xi1>, vector<512x2048xi32>
    %reduce_min3A_526 = arith.constant dense<2147483647> : vector<512xi32>
    %reduce_min3A_527 = vector.multi_reduction <minsi>, %select_n3A_525, %reduce_min3A_526 [1] : vector<512x2048xi32> to vector<512xi32>
    %broadcast_in_dim3A_528 = vector.shape_cast %reduce_min3A_527 : vector<512xi32> to vector<512x1xi32>
    %eq3A_529 = vector.broadcast %broadcast_in_dim3A_528 : vector<512x1xi32> to vector<512x2048xi32>
    %eq3A_530 = arith.cmpi eq, %iota3A, %eq3A_529 : vector<512x2048xi32>
    %convert_element_type3A_531 = arith.extui %eq3A_530 : vector<512x2048xi1> to vector<512x2048xi32>
    %convert_element_type3A_532 = arith.sitofp %convert_element_type3A_531 : vector<512x2048xi32> to vector<512x2048xf32>
    %convert_element_type3A_533 = arith.truncf %convert_element_type3A_532 : vector<512x2048xf32> to vector<512x2048xbf16>
    %dot_general3A_534 = arith.constant dense<0.000000e+00> : vector<512x777xf32>
    %dot_general3A_535 = tpu.matmul %convert_element_type3A_533, %convert_element_type3A_68, %dot_general3A_534 {dimension_numbers = #tpu.dot_dimension_numbers<[1], [0], [0], [1], [0, 0, 1, 1], [], []>, transpose_lhs_hint = false} : vector<512x2048xbf16>, vector<2048x777xbf16>, vector<512x777xf32> -> vector<512x777xf32>
    %slice3A_536 = vector.extract_strided_slice %dot_general3A_535 {offsets = [0, 0], sizes = [512, 256], strides = [1, 1]} : vector<512x777xf32> to vector<512x256xf32>
    %slice3A_537 = vector.extract_strided_slice %dot_general3A_535 {offsets = [0, 256], sizes = [512, 256], strides = [1, 1]} : vector<512x777xf32> to vector<512x256xf32>
    %add3A_538 = arith.addf %slice3A_536, %slice3A_537 : vector<512x256xf32>
    %slice3A_539 = vector.extract_strided_slice %dot_general3A_535 {offsets = [0, 512], sizes = [512, 256], strides = [1, 1]} : vector<512x777xf32> to vector<512x256xf32>
    %add3A_540 = arith.addf %add3A_538, %slice3A_539 : vector<512x256xf32>
    %slice3A_541 = vector.extract_strided_slice %dot_general3A_535 {offsets = [0, 768], sizes = [512, 3], strides = [1, 1]} : vector<512x777xf32> to vector<512x3xf32>
    %slice3A_542 = vector.extract_strided_slice %dot_general3A_535 {offsets = [0, 771], sizes = [512, 3], strides = [1, 1]} : vector<512x777xf32> to vector<512x3xf32>
    %add3A_543 = arith.addf %slice3A_541, %slice3A_542 : vector<512x3xf32>
    %slice3A_544 = vector.extract_strided_slice %dot_general3A_535 {offsets = [0, 774], sizes = [512, 3], strides = [1, 1]} : vector<512x777xf32> to vector<512x3xf32>
    %add3A_545 = arith.addf %add3A_543, %slice3A_544 : vector<512x3xf32>
    %sub3A_546 = arith.subf %add3A_545, %get3A_3 : vector<512x3xf32>
    %slice3A_547 = vector.extract_strided_slice %sub3A_546 {offsets = [0, 0], sizes = [512, 1], strides = [1, 1]} : vector<512x3xf32> to vector<512x1xf32>
    %slice3A_548 = vector.extract_strided_slice %sub3A_546 {offsets = [0, 0], sizes = [512, 1], strides = [1, 1]} : vector<512x3xf32> to vector<512x1xf32>
    %mul3A_549 = arith.mulf %slice3A_547, %slice3A_548 : vector<512x1xf32>
    %slice3A_550 = vector.extract_strided_slice %sub3A_546 {offsets = [0, 1], sizes = [512, 1], strides = [1, 1]} : vector<512x3xf32> to vector<512x1xf32>
    %slice3A_551 = vector.extract_strided_slice %sub3A_546 {offsets = [0, 1], sizes = [512, 1], strides = [1, 1]} : vector<512x3xf32> to vector<512x1xf32>
    %mul3A_552 = arith.mulf %slice3A_550, %slice3A_551 : vector<512x1xf32>
    %slice3A_553 = vector.extract_strided_slice %sub3A_546 {offsets = [0, 2], sizes = [512, 1], strides = [1, 1]} : vector<512x3xf32> to vector<512x1xf32>
    %slice3A_554 = vector.extract_strided_slice %sub3A_546 {offsets = [0, 2], sizes = [512, 1], strides = [1, 1]} : vector<512x3xf32> to vector<512x1xf32>
    %mul3A_555 = arith.mulf %slice3A_553, %slice3A_554 : vector<512x1xf32>
    %add3A_556 = arith.addf %mul3A_549, %mul3A_555 : vector<512x1xf32>
    %add3A_557 = arith.addf %add3A_556, %mul3A_552 : vector<512x1xf32>
    %add3A_558 = arith.constant 9.99999996E-13 : f32
    %add3A_559 = vector.broadcast %add3A_558 : f32 to vector<512x1xf32>
    %add3A_560 = arith.addf %add3A_557, %add3A_559 : vector<512x1xf32>
    %sqrt3A_561 = math.sqrt %add3A_560 : vector<512x1xf32>
    %concatenate3A_562 = tpu.concatenate %sub3A_546, %sqrt3A_561, %get3A_3, %add3A_545 in 1 : vector<512x3xf32>, vector<512x1xf32>, vector<512x3xf32>, vector<512x3xf32> -> vector<512x10xf32>
    %dot_general3A_563 = arith.constant dense<0.000000e+00> : vector<512x32xf32>
    %dot_general3A_564 = tpu.matmul %concatenate3A_562, %get3A_20, %dot_general3A_563 {dimension_numbers = #tpu.dot_dimension_numbers<[1], [0], [0], [1], [0, 0, 1, 1], [], []>, transpose_lhs_hint = false} : vector<512x10xf32>, vector<10x32xf32>, vector<512x32xf32> -> vector<512x32xf32>
    %add3A_565 = vector.broadcast %get3A_23 : vector<1x32xf32> to vector<512x32xf32>
    %add3A_566 = arith.addf %dot_general3A_564, %add3A_565 : vector<512x32xf32>
    %gt3A_567 = arith.constant 0.000000e+00 : f32
    %gt3A_568 = vector.broadcast %gt3A_567 : f32 to vector<512x32xf32>
    %gt3A_569 = arith.cmpf ogt, %add3A_566, %gt3A_568 : vector<512x32xf32>
    %mul3A_570 = arith.constant 2.000000e-01 : f32
    %mul3A_571 = vector.broadcast %mul3A_570 : f32 to vector<512x32xf32>
    %mul3A_572 = arith.mulf %mul3A_571, %add3A_566 : vector<512x32xf32>
    %select_n3A_573 = arith.select %gt3A_569, %add3A_566, %mul3A_572 : vector<512x32xi1>, vector<512x32xf32>
    %dot_general3A_574 = arith.constant dense<0.000000e+00> : vector<512x256xf32>
    %dot_general3A_575 = tpu.matmul %select_n3A_573, %get3A_26, %dot_general3A_574 {dimension_numbers = #tpu.dot_dimension_numbers<[1], [0], [0], [1], [0, 0, 1, 1], [], []>, transpose_lhs_hint = false} : vector<512x32xf32>, vector<32x256xf32>, vector<512x256xf32> -> vector<512x256xf32>
    %add3A_576 = arith.addf %add3A_540, %dot_general3A_575 : vector<512x256xf32>
    %add3A_577 = vector.broadcast %get3A_29 : vector<1x256xf32> to vector<512x256xf32>
    %add3A_578 = arith.addf %add3A_576, %add3A_577 : vector<512x256xf32>
    %max3A_579 = arith.maximumf %max3A_517, %add3A_578 : vector<512x256xf32>
    %gt3A_580 = arith.constant 0.000000e+00 : f32
    %gt3A_581 = vector.broadcast %gt3A_580 : f32 to vector<512x256xf32>
    %gt3A_582 = arith.cmpf ogt, %max3A_579, %gt3A_581 : vector<512x256xf32>
    %mul3A_583 = arith.constant 2.000000e-01 : f32
    %mul3A_584 = vector.broadcast %mul3A_583 : f32 to vector<512x256xf32>
    %mul3A_585 = arith.mulf %mul3A_584, %max3A_579 : vector<512x256xf32>
    %select_n3A_586 = arith.select %gt3A_582, %max3A_579, %mul3A_585 : vector<512x256xi1>, vector<512x256xf32>
    %swap3A = arith.constant 0 : index
    %swap3A_587 = arith.constant 0 : index
    %swap3A_588 = arith.constant 0 : index
    %swap3A_589 = vector.load %arg12[%swap3A, %swap3A_587, %swap3A_588] : memref<1x512x256xf32, #tpu.memory_space<vmem>>, vector<1x512x256xf32>
    %swap3A_590 = vector.shape_cast %swap3A_589 : vector<1x512x256xf32> to vector<512x256xf32>
    %swap3A_591 = vector.shape_cast %select_n3A_586 : vector<512x256xf32> to vector<1x512x256xf32>
    tpu.vector_store %arg12[%swap3A, %swap3A_587, %swap3A_588], %swap3A_591 {strides = array<i32>} : memref<1x512x256xf32, #tpu.memory_space<vmem>>, vector<1x512x256xf32>,
    %slice3A_592 = vector.extract_strided_slice %select_n3A_586 {offsets = [0, 0], sizes = [512, 128], strides = [1, 1]} : vector<512x256xf32> to vector<512x128xf32>
    %get3A_593 = arith.constant 0 : index
    %get3A_594 = arith.constant 0 : index
    %get3A_595 = vector.load %arg10[%get3A_593, %get3A_594] : memref<128x3xf32, #tpu.memory_space<vmem>>, vector<128x3xf32>
    %dot_general3A_596 = arith.constant dense<0.000000e+00> : vector<512x3xf32>
    %dot_general3A_597 = tpu.matmul %slice3A_592, %get3A_595, %dot_general3A_596 {dimension_numbers = #tpu.dot_dimension_numbers<[1], [0], [0], [1], [0, 0, 1, 1], [], []>, transpose_lhs_hint = false} : vector<512x128xf32>, vector<128x3xf32>, vector<512x3xf32> -> vector<512x3xf32>
    %get3A_598 = arith.constant 0 : index
    %get3A_599 = arith.constant 0 : index
    %get3A_600 = vector.load %arg11[%get3A_598, %get3A_599] : memref<1x3xf32, #tpu.memory_space<vmem>>, vector<1x3xf32>
    %add3A_601 = vector.broadcast %get3A_600 : vector<1x3xf32> to vector<512x3xf32>
    %add3A_602 = arith.addf %dot_general3A_597, %add3A_601 : vector<512x3xf32>
    %slice3A_603 = vector.extract_strided_slice %select_n3A_586 {offsets = [0, 128], sizes = [512, 128], strides = [1, 1]} : vector<512x256xf32> to vector<512x128xf32>
    %get3A_604 = arith.constant 0 : index
    %get3A_605 = arith.constant 0 : index
    %get3A_606 = vector.load %arg10[%get3A_604, %get3A_605] : memref<128x3xf32, #tpu.memory_space<vmem>>, vector<128x3xf32>
    %dot_general3A_607 = arith.constant dense<0.000000e+00> : vector<512x3xf32>
    %dot_general3A_608 = tpu.matmul %slice3A_603, %get3A_606, %dot_general3A_607 {dimension_numbers = #tpu.dot_dimension_numbers<[1], [0], [0], [1], [0, 0, 1, 1], [], []>, transpose_lhs_hint = false} : vector<512x128xf32>, vector<128x3xf32>, vector<512x3xf32> -> vector<512x3xf32>
    %get3A_609 = arith.constant 0 : index
    %get3A_610 = arith.constant 0 : index
    %get3A_611 = vector.load %arg11[%get3A_609, %get3A_610] : memref<1x3xf32, #tpu.memory_space<vmem>>, vector<1x3xf32>
    %add3A_612 = vector.broadcast %get3A_611 : vector<1x3xf32> to vector<512x3xf32>
    %add3A_613 = arith.addf %dot_general3A_608, %add3A_612 : vector<512x3xf32>
    %add3A_614 = arith.addf %get3A_3, %add3A_602 : vector<512x3xf32>
    %add3A_615 = arith.addf %get3A_3, %add3A_613 : vector<512x3xf32>
    %concatenate3A_616 = tpu.concatenate %add3A_614, %add3A_615 in 1 : vector<512x3xf32>, vector<512x3xf32> -> vector<512x6xf32>
    %swap3A_617 = arith.constant 0 : index
    %swap3A_618 = arith.constant 0 : index
    %swap3A_619 = arith.constant 0 : index
    %swap3A_620 = vector.load %arg13[%swap3A_617, %swap3A_618, %swap3A_619] : memref<1x512x6xf32, #tpu.memory_space<vmem>>, vector<1x512x6xf32>
    %swap3A_621 = vector.shape_cast %swap3A_620 : vector<1x512x6xf32> to vector<512x6xf32>
    %swap3A_622 = vector.shape_cast %concatenate3A_616 : vector<512x6xf32> to vector<1x512x6xf32>
    tpu.vector_store %arg13[%swap3A_617, %swap3A_618, %swap3A_619], %swap3A_622 {strides = array<i32>} : memref<1x512x6xf32, #tpu.memory_space<vmem>>, vector<1x512x6xf32>,
    return
  }
  func.func @transform_0(%arg0: i32, %arg1: i32) -> (i32, i32, i32) {
    %c0_i32 = arith.constant 0 : i32
    %c0_i32_0 = arith.constant 0 : i32
    return %arg0, %arg1, %c0_i32 : i32, i32, i32
  }
  func.func @transform_1(%arg0: i32, %arg1: i32) -> (i32, i32, i32) {
    %c0_i32 = arith.constant 0 : i32
    %c0_i32_0 = arith.constant 0 : i32
    %c0_i32_1 = arith.constant 0 : i32
    return %arg0, %c0_i32, %c0_i32_0 : i32, i32, i32
  }
  func.func @transform_2(%arg0: i32, %arg1: i32) -> (i32, i32, i32) {
    %c0_i32 = arith.constant 0 : i32
    %c0_i32_0 = arith.constant 0 : i32
    %c0_i32_1 = arith.constant 0 : i32
    return %arg0, %c0_i32, %c0_i32_0 : i32, i32, i32
  }
  func.func @transform_3(%arg0: i32, %arg1: i32) -> (i32, i32) {
    %c0_i32 = arith.constant 0 : i32
    %c0_i32_0 = arith.constant 0 : i32
    %c0_i32_1 = arith.constant 0 : i32
    return %c0_i32, %c0_i32_0 : i32, i32
  }
  func.func @transform_4(%arg0: i32, %arg1: i32) -> (i32, i32) {
    %c0_i32 = arith.constant 0 : i32
    %c0_i32_0 = arith.constant 0 : i32
    %c0_i32_1 = arith.constant 0 : i32
    return %c0_i32, %c0_i32_0 : i32, i32
  }
  func.func @transform_5(%arg0: i32, %arg1: i32) -> (i32, i32) {
    %c0_i32 = arith.constant 0 : i32
    %c0_i32_0 = arith.constant 0 : i32
    %c0_i32_1 = arith.constant 0 : i32
    return %c0_i32, %c0_i32_0 : i32, i32
  }
  func.func @transform_6(%arg0: i32, %arg1: i32) -> (i32, i32) {
    %c0_i32 = arith.constant 0 : i32
    %c0_i32_0 = arith.constant 0 : i32
    %c0_i32_1 = arith.constant 0 : i32
    return %c0_i32, %c0_i32_0 : i32, i32
  }
  func.func @transform_7(%arg0: i32, %arg1: i32) -> (i32, i32) {
    %c0_i32 = arith.constant 0 : i32
    %c0_i32_0 = arith.constant 0 : i32
    %c0_i32_1 = arith.constant 0 : i32
    return %c0_i32, %c0_i32_0 : i32, i32
  }
  func.func @transform_8(%arg0: i32, %arg1: i32) -> (i32, i32) {
    %c0_i32 = arith.constant 0 : i32
    %c0_i32_0 = arith.constant 0 : i32
    %c0_i32_1 = arith.constant 0 : i32
    return %c0_i32, %c0_i32_0 : i32, i32
  }
  func.func @transform_9(%arg0: i32, %arg1: i32) -> (i32, i32) {
    %c0_i32 = arith.constant 0 : i32
    %c0_i32_0 = arith.constant 0 : i32
    %c0_i32_1 = arith.constant 0 : i32
    return %c0_i32, %c0_i32_0 : i32, i32
  }
  func.func @transform_10(%arg0: i32, %arg1: i32) -> (i32, i32, i32) {
    %c0_i32 = arith.constant 0 : i32
    %c0_i32_0 = arith.constant 0 : i32
    return %arg0, %arg1, %c0_i32 : i32, i32, i32
  }
  func.func @transform_11(%arg0: i32, %arg1: i32) -> (i32, i32, i32) {
    %c0_i32 = arith.constant 0 : i32
    %c0_i32_0 = arith.constant 0 : i32
    return %arg0, %arg1, %c0_i32 : i32, i32, i32
  }
}

module attributes {stable_mosaic.version = 14 : i64} {
  func.func @stage_b1(%arg0: i32, %arg1: i32, %arg2: memref<1x512x3xf32, #tpu.memory_space<vmem>>, %arg3: memref<1x4096x3xf32, #tpu.memory_space<vmem>>, %arg4: memref<1x512x4xi32, #tpu.memory_space<vmem>>) attributes {dimension_semantics = [#tpu.dimension_semantics<arbitrary>, #tpu.dimension_semantics<arbitrary>], iteration_bounds = array<i64: 2, 8>, scalar_prefetch = 0 : i64, scratch_operands = 0 : i64, tpu.core_type = #tpu.core_type<tc>, window_params = [{transform_indices = @transform_0, window_bounds = array<i64: 1, 512, 3>}, {transform_indices = @transform_1, window_bounds = array<i64: 1, 4096, 3>}, {transform_indices = @transform_2, window_bounds = array<i64: 1, 512, 4>}]} {
    %get3A = arith.constant 0 : index
    %get3A_0 = arith.constant 0 : index
    %get3A_1 = arith.constant 0 : index
    %get3A_2 = vector.load %arg2[%get3A, %get3A_0, %get3A_1] : memref<1x512x3xf32, #tpu.memory_space<vmem>>, vector<1x512x3xf32>
    %get3A_3 = vector.shape_cast %get3A_2 : vector<1x512x3xf32> to vector<512x3xf32>
    %get3A_4 = arith.constant 0 : index
    %get3A_5 = arith.constant 0 : index
    %get3A_6 = arith.constant 0 : index
    %get3A_7 = vector.load %arg3[%get3A_4, %get3A_5, %get3A_6] : memref<1x4096x3xf32, #tpu.memory_space<vmem>>, vector<1x4096x3xf32>
    %get3A_8 = vector.shape_cast %get3A_7 : vector<1x4096x3xf32> to vector<4096x3xf32>
    %slice3A = vector.extract_strided_slice %get3A_3 {offsets = [0, 0], sizes = [512, 1], strides = [1, 1]} : vector<512x3xf32> to vector<512x1xf32>
    %slice3A_9 = vector.extract_strided_slice %get3A_3 {offsets = [0, 0], sizes = [512, 1], strides = [1, 1]} : vector<512x3xf32> to vector<512x1xf32>
    %mul3A = arith.mulf %slice3A, %slice3A_9 : vector<512x1xf32>
    %slice3A_10 = vector.extract_strided_slice %get3A_3 {offsets = [0, 1], sizes = [512, 1], strides = [1, 1]} : vector<512x3xf32> to vector<512x1xf32>
    %slice3A_11 = vector.extract_strided_slice %get3A_3 {offsets = [0, 1], sizes = [512, 1], strides = [1, 1]} : vector<512x3xf32> to vector<512x1xf32>
    %mul3A_12 = arith.mulf %slice3A_10, %slice3A_11 : vector<512x1xf32>
    %slice3A_13 = vector.extract_strided_slice %get3A_3 {offsets = [0, 2], sizes = [512, 1], strides = [1, 1]} : vector<512x3xf32> to vector<512x1xf32>
    %slice3A_14 = vector.extract_strided_slice %get3A_3 {offsets = [0, 2], sizes = [512, 1], strides = [1, 1]} : vector<512x3xf32> to vector<512x1xf32>
    %mul3A_15 = arith.mulf %slice3A_13, %slice3A_14 : vector<512x1xf32>
    %add3A = arith.addf %mul3A, %mul3A_15 : vector<512x1xf32>
    %add3A_16 = arith.addf %add3A, %mul3A_12 : vector<512x1xf32>
    %slice3A_17 = vector.extract_strided_slice %get3A_8 {offsets = [0, 0], sizes = [4096, 1], strides = [1, 1]} : vector<4096x3xf32> to vector<4096x1xf32>
    %slice3A_18 = vector.extract_strided_slice %get3A_8 {offsets = [0, 0], sizes = [4096, 1], strides = [1, 1]} : vector<4096x3xf32> to vector<4096x1xf32>
    %mul3A_19 = arith.mulf %slice3A_17, %slice3A_18 : vector<4096x1xf32>
    %slice3A_20 = vector.extract_strided_slice %get3A_8 {offsets = [0, 1], sizes = [4096, 1], strides = [1, 1]} : vector<4096x3xf32> to vector<4096x1xf32>
    %slice3A_21 = vector.extract_strided_slice %get3A_8 {offsets = [0, 1], sizes = [4096, 1], strides = [1, 1]} : vector<4096x3xf32> to vector<4096x1xf32>
    %mul3A_22 = arith.mulf %slice3A_20, %slice3A_21 : vector<4096x1xf32>
    %slice3A_23 = vector.extract_strided_slice %get3A_8 {offsets = [0, 2], sizes = [4096, 1], strides = [1, 1]} : vector<4096x3xf32> to vector<4096x1xf32>
    %slice3A_24 = vector.extract_strided_slice %get3A_8 {offsets = [0, 2], sizes = [4096, 1], strides = [1, 1]} : vector<4096x3xf32> to vector<4096x1xf32>
    %mul3A_25 = arith.mulf %slice3A_23, %slice3A_24 : vector<4096x1xf32>
    %add3A_26 = arith.addf %mul3A_19, %mul3A_25 : vector<4096x1xf32>
    %add3A_27 = arith.addf %add3A_26, %mul3A_22 : vector<4096x1xf32>
    %dot_general3A = arith.constant dense<0.000000e+00> : vector<512x4096xf32>
    %dot_general3A_28 = tpu.matmul %get3A_3, %get3A_8, %dot_general3A {dimension_numbers = #tpu.dot_dimension_numbers<[1], [1], [0], [0], [0, 0, 1, 0], [], []>, transpose_lhs_hint = false} : vector<512x3xf32>, vector<4096x3xf32>, vector<512x4096xf32> -> vector<512x4096xf32>
    %mul3A_29 = arith.constant 2.000000e+00 : f32
    %mul3A_30 = vector.broadcast %mul3A_29 : f32 to vector<512x4096xf32>
    %mul3A_31 = arith.mulf %mul3A_30, %dot_general3A_28 : vector<512x4096xf32>
    %sub3A = vector.broadcast %add3A_16 : vector<512x1xf32> to vector<512x4096xf32>
    %sub3A_32 = arith.subf %sub3A, %mul3A_31 : vector<512x4096xf32>
    %reshape3A = vector.shape_cast %add3A_27 : vector<4096x1xf32> to vector<1x4096xf32>
    %add3A_33 = vector.broadcast %reshape3A : vector<1x4096xf32> to vector<512x4096xf32>
    %add3A_34 = arith.addf %sub3A_32, %add3A_33 : vector<512x4096xf32>
    %iota3A = tpu.iota {dimensions = array<i32: 1>} : vector<512x4096xi32>
    %reduce_min3A = arith.constant dense<0x7F800000> : vector<512xf32>
    %reduce_min3A_35 = vector.multi_reduction <minimumf>, %add3A_34, %reduce_min3A [1] : vector<512x4096xf32> to vector<512xf32>
    %broadcast_in_dim3A = vector.shape_cast %reduce_min3A_35 : vector<512xf32> to vector<512x1xf32>
    %eq3A = vector.broadcast %broadcast_in_dim3A : vector<512x1xf32> to vector<512x4096xf32>
    %eq3A_36 = arith.cmpf oeq, %add3A_34, %eq3A : vector<512x4096xf32>
    %jit3A = arith.constant 4096 : i32
    %broadcast_in_dim3A_37 = vector.broadcast %jit3A : i32 to vector<512x4096xi32>
    %select_n3A = arith.select %eq3A_36, %iota3A, %broadcast_in_dim3A_37 : vector<512x4096xi1>, vector<512x4096xi32>
    %reduce_min3A_38 = arith.constant dense<2147483647> : vector<512xi32>
    %reduce_min3A_39 = vector.multi_reduction <minsi>, %select_n3A, %reduce_min3A_38 [1] : vector<512x4096xi32> to vector<512xi32>
    %broadcast_in_dim3A_40 = vector.shape_cast %reduce_min3A_39 : vector<512xi32> to vector<512x1xi32>
    %eq3A_41 = vector.broadcast %broadcast_in_dim3A_40 : vector<512x1xi32> to vector<512x4096xi32>
    %eq3A_42 = arith.cmpi eq, %iota3A, %eq3A_41 : vector<512x4096xi32>
    %jit3A_43 = arith.constant 0x7F800000 : f32
    %broadcast_in_dim3A_44 = vector.broadcast %jit3A_43 : f32 to vector<512x4096xf32>
    %select_n3A_45 = arith.select %eq3A_42, %broadcast_in_dim3A_44, %add3A_34 : vector<512x4096xi1>, vector<512x4096xf32>
    %reduce_min3A_46 = arith.constant dense<0x7F800000> : vector<512xf32>
    %reduce_min3A_47 = vector.multi_reduction <minimumf>, %select_n3A_45, %reduce_min3A_46 [1] : vector<512x4096xf32> to vector<512xf32>
    %broadcast_in_dim3A_48 = vector.shape_cast %reduce_min3A_47 : vector<512xf32> to vector<512x1xf32>
    %eq3A_49 = vector.broadcast %broadcast_in_dim3A_48 : vector<512x1xf32> to vector<512x4096xf32>
    %eq3A_50 = arith.cmpf oeq, %select_n3A_45, %eq3A_49 : vector<512x4096xf32>
    %jit3A_51 = arith.constant 4096 : i32
    %broadcast_in_dim3A_52 = vector.broadcast %jit3A_51 : i32 to vector<512x4096xi32>
    %select_n3A_53 = arith.select %eq3A_50, %iota3A, %broadcast_in_dim3A_52 : vector<512x4096xi1>, vector<512x4096xi32>
    %reduce_min3A_54 = arith.constant dense<2147483647> : vector<512xi32>
    %reduce_min3A_55 = vector.multi_reduction <minsi>, %select_n3A_53, %reduce_min3A_54 [1] : vector<512x4096xi32> to vector<512xi32>
    %broadcast_in_dim3A_56 = vector.shape_cast %reduce_min3A_55 : vector<512xi32> to vector<512x1xi32>
    %eq3A_57 = vector.broadcast %broadcast_in_dim3A_56 : vector<512x1xi32> to vector<512x4096xi32>
    %eq3A_58 = arith.cmpi eq, %iota3A, %eq3A_57 : vector<512x4096xi32>
    %jit3A_59 = arith.constant 0x7F800000 : f32
    %broadcast_in_dim3A_60 = vector.broadcast %jit3A_59 : f32 to vector<512x4096xf32>
    %select_n3A_61 = arith.select %eq3A_58, %broadcast_in_dim3A_60, %select_n3A_45 : vector<512x4096xi1>, vector<512x4096xf32>
    %reduce_min3A_62 = arith.constant dense<0x7F800000> : vector<512xf32>
    %reduce_min3A_63 = vector.multi_reduction <minimumf>, %select_n3A_61, %reduce_min3A_62 [1] : vector<512x4096xf32> to vector<512xf32>
    %broadcast_in_dim3A_64 = vector.shape_cast %reduce_min3A_63 : vector<512xf32> to vector<512x1xf32>
    %eq3A_65 = vector.broadcast %broadcast_in_dim3A_64 : vector<512x1xf32> to vector<512x4096xf32>
    %eq3A_66 = arith.cmpf oeq, %select_n3A_61, %eq3A_65 : vector<512x4096xf32>
    %jit3A_67 = arith.constant 4096 : i32
    %broadcast_in_dim3A_68 = vector.broadcast %jit3A_67 : i32 to vector<512x4096xi32>
    %select_n3A_69 = arith.select %eq3A_66, %iota3A, %broadcast_in_dim3A_68 : vector<512x4096xi1>, vector<512x4096xi32>
    %reduce_min3A_70 = arith.constant dense<2147483647> : vector<512xi32>
    %reduce_min3A_71 = vector.multi_reduction <minsi>, %select_n3A_69, %reduce_min3A_70 [1] : vector<512x4096xi32> to vector<512xi32>
    %broadcast_in_dim3A_72 = vector.shape_cast %reduce_min3A_71 : vector<512xi32> to vector<512x1xi32>
    %eq3A_73 = vector.broadcast %broadcast_in_dim3A_72 : vector<512x1xi32> to vector<512x4096xi32>
    %eq3A_74 = arith.cmpi eq, %iota3A, %eq3A_73 : vector<512x4096xi32>
    %jit3A_75 = arith.constant 0x7F800000 : f32
    %broadcast_in_dim3A_76 = vector.broadcast %jit3A_75 : f32 to vector<512x4096xf32>
    %select_n3A_77 = arith.select %eq3A_74, %broadcast_in_dim3A_76, %select_n3A_61 : vector<512x4096xi1>, vector<512x4096xf32>
    %reduce_min3A_78 = arith.constant dense<0x7F800000> : vector<512xf32>
    %reduce_min3A_79 = vector.multi_reduction <minimumf>, %select_n3A_77, %reduce_min3A_78 [1] : vector<512x4096xf32> to vector<512xf32>
    %broadcast_in_dim3A_80 = vector.shape_cast %reduce_min3A_79 : vector<512xf32> to vector<512x1xf32>
    %eq3A_81 = vector.broadcast %broadcast_in_dim3A_80 : vector<512x1xf32> to vector<512x4096xf32>
    %eq3A_82 = arith.cmpf oeq, %select_n3A_77, %eq3A_81 : vector<512x4096xf32>
    %jit3A_83 = arith.constant 4096 : i32
    %broadcast_in_dim3A_84 = vector.broadcast %jit3A_83 : i32 to vector<512x4096xi32>
    %select_n3A_85 = arith.select %eq3A_82, %iota3A, %broadcast_in_dim3A_84 : vector<512x4096xi1>, vector<512x4096xi32>
    %reduce_min3A_86 = arith.constant dense<2147483647> : vector<512xi32>
    %reduce_min3A_87 = vector.multi_reduction <minsi>, %select_n3A_85, %reduce_min3A_86 [1] : vector<512x4096xi32> to vector<512xi32>
    %broadcast_in_dim3A_88 = vector.shape_cast %reduce_min3A_87 : vector<512xi32> to vector<512x1xi32>
    %mul3A_89 = arith.constant 4096 : i32
    %mul3A_90 = arith.muli %arg0, %mul3A_89 : i32
    %concatenate3A = tpu.concatenate %broadcast_in_dim3A_40, %broadcast_in_dim3A_56, %broadcast_in_dim3A_72, %broadcast_in_dim3A_88 in 1 : vector<512x1xi32>, vector<512x1xi32>, vector<512x1xi32>, vector<512x1xi32> -> vector<512x4xi32>
    %add3A_91 = vector.broadcast %mul3A_90 : i32 to vector<512x4xi32>
    %add3A_92 = arith.addi %concatenate3A, %add3A_91 : vector<512x4xi32>
    %swap3A = arith.constant 0 : index
    %swap3A_93 = arith.constant 0 : index
    %swap3A_94 = arith.constant 0 : index
    %swap3A_95 = vector.load %arg4[%swap3A, %swap3A_93, %swap3A_94] : memref<1x512x4xi32, #tpu.memory_space<vmem>>, vector<1x512x4xi32>
    %swap3A_96 = vector.shape_cast %swap3A_95 : vector<1x512x4xi32> to vector<512x4xi32>
    %swap3A_97 = vector.shape_cast %add3A_92 : vector<512x4xi32> to vector<1x512x4xi32>
    tpu.vector_store %arg4[%swap3A, %swap3A_93, %swap3A_94], %swap3A_97 {strides = array<i32>} : memref<1x512x4xi32, #tpu.memory_space<vmem>>, vector<1x512x4xi32>,
    return
  }
  func.func @transform_0(%arg0: i32, %arg1: i32) -> (i32, i32, i32) {
    %c0_i32 = arith.constant 0 : i32
    %c0_i32_0 = arith.constant 0 : i32
    return %arg0, %arg1, %c0_i32 : i32, i32, i32
  }
  func.func @transform_1(%arg0: i32, %arg1: i32) -> (i32, i32, i32) {
    %c0_i32 = arith.constant 0 : i32
    %c0_i32_0 = arith.constant 0 : i32
    %c0_i32_1 = arith.constant 0 : i32
    return %arg0, %c0_i32, %c0_i32_0 : i32, i32, i32
  }
  func.func @transform_2(%arg0: i32, %arg1: i32) -> (i32, i32, i32) {
    %c0_i32 = arith.constant 0 : i32
    %c0_i32_0 = arith.constant 0 : i32
    return %arg0, %arg1, %c0_i32 : i32, i32, i32
  }
}

module attributes {stable_mosaic.version = 14 : i64} {
  func.func @stage_c1(%arg0: i32, %arg1: i32, %arg2: memref<1x512x3xf32, #tpu.memory_space<vmem>>, %arg3: memref<1x4096x3xf32, #tpu.memory_space<vmem>>, %arg4: memref<1x512x8xi32, #tpu.memory_space<vmem>>, %arg5: memref<1x512x24xf32, #tpu.memory_space<vmem>>) attributes {dimension_semantics = [#tpu.dimension_semantics<arbitrary>, #tpu.dimension_semantics<arbitrary>], iteration_bounds = array<i64: 2, 8>, scalar_prefetch = 0 : i64, scratch_operands = 0 : i64, tpu.core_type = #tpu.core_type<tc>, window_params = [{transform_indices = @transform_0, window_bounds = array<i64: 1, 512, 3>}, {transform_indices = @transform_1, window_bounds = array<i64: 1, 4096, 3>}, {transform_indices = @transform_2, window_bounds = array<i64: 1, 512, 8>}, {transform_indices = @transform_3, window_bounds = array<i64: 1, 512, 24>}]} {
    %get3A = arith.constant 0 : index
    %get3A_0 = arith.constant 0 : index
    %get3A_1 = arith.constant 0 : index
    %get3A_2 = vector.load %arg2[%get3A, %get3A_0, %get3A_1] : memref<1x512x3xf32, #tpu.memory_space<vmem>>, vector<1x512x3xf32>
    %get3A_3 = vector.shape_cast %get3A_2 : vector<1x512x3xf32> to vector<512x3xf32>
    %get3A_4 = arith.constant 0 : index
    %get3A_5 = arith.constant 0 : index
    %get3A_6 = arith.constant 0 : index
    %get3A_7 = vector.load %arg3[%get3A_4, %get3A_5, %get3A_6] : memref<1x4096x3xf32, #tpu.memory_space<vmem>>, vector<1x4096x3xf32>
    %get3A_8 = vector.shape_cast %get3A_7 : vector<1x4096x3xf32> to vector<4096x3xf32>
    %slice3A = vector.extract_strided_slice %get3A_3 {offsets = [0, 0], sizes = [512, 1], strides = [1, 1]} : vector<512x3xf32> to vector<512x1xf32>
    %slice3A_9 = vector.extract_strided_slice %get3A_3 {offsets = [0, 0], sizes = [512, 1], strides = [1, 1]} : vector<512x3xf32> to vector<512x1xf32>
    %mul3A = arith.mulf %slice3A, %slice3A_9 : vector<512x1xf32>
    %slice3A_10 = vector.extract_strided_slice %get3A_3 {offsets = [0, 1], sizes = [512, 1], strides = [1, 1]} : vector<512x3xf32> to vector<512x1xf32>
    %slice3A_11 = vector.extract_strided_slice %get3A_3 {offsets = [0, 1], sizes = [512, 1], strides = [1, 1]} : vector<512x3xf32> to vector<512x1xf32>
    %mul3A_12 = arith.mulf %slice3A_10, %slice3A_11 : vector<512x1xf32>
    %slice3A_13 = vector.extract_strided_slice %get3A_3 {offsets = [0, 2], sizes = [512, 1], strides = [1, 1]} : vector<512x3xf32> to vector<512x1xf32>
    %slice3A_14 = vector.extract_strided_slice %get3A_3 {offsets = [0, 2], sizes = [512, 1], strides = [1, 1]} : vector<512x3xf32> to vector<512x1xf32>
    %mul3A_15 = arith.mulf %slice3A_13, %slice3A_14 : vector<512x1xf32>
    %add3A = arith.addf %mul3A, %mul3A_15 : vector<512x1xf32>
    %add3A_16 = arith.addf %add3A, %mul3A_12 : vector<512x1xf32>
    %slice3A_17 = vector.extract_strided_slice %get3A_8 {offsets = [0, 0], sizes = [4096, 1], strides = [1, 1]} : vector<4096x3xf32> to vector<4096x1xf32>
    %slice3A_18 = vector.extract_strided_slice %get3A_8 {offsets = [0, 0], sizes = [4096, 1], strides = [1, 1]} : vector<4096x3xf32> to vector<4096x1xf32>
    %mul3A_19 = arith.mulf %slice3A_17, %slice3A_18 : vector<4096x1xf32>
    %slice3A_20 = vector.extract_strided_slice %get3A_8 {offsets = [0, 1], sizes = [4096, 1], strides = [1, 1]} : vector<4096x3xf32> to vector<4096x1xf32>
    %slice3A_21 = vector.extract_strided_slice %get3A_8 {offsets = [0, 1], sizes = [4096, 1], strides = [1, 1]} : vector<4096x3xf32> to vector<4096x1xf32>
    %mul3A_22 = arith.mulf %slice3A_20, %slice3A_21 : vector<4096x1xf32>
    %slice3A_23 = vector.extract_strided_slice %get3A_8 {offsets = [0, 2], sizes = [4096, 1], strides = [1, 1]} : vector<4096x3xf32> to vector<4096x1xf32>
    %slice3A_24 = vector.extract_strided_slice %get3A_8 {offsets = [0, 2], sizes = [4096, 1], strides = [1, 1]} : vector<4096x3xf32> to vector<4096x1xf32>
    %mul3A_25 = arith.mulf %slice3A_23, %slice3A_24 : vector<4096x1xf32>
    %add3A_26 = arith.addf %mul3A_19, %mul3A_25 : vector<4096x1xf32>
    %add3A_27 = arith.addf %add3A_26, %mul3A_22 : vector<4096x1xf32>
    %dot_general3A = arith.constant dense<0.000000e+00> : vector<512x4096xf32>
    %dot_general3A_28 = tpu.matmul %get3A_3, %get3A_8, %dot_general3A {dimension_numbers = #tpu.dot_dimension_numbers<[1], [1], [0], [0], [0, 0, 1, 0], [], []>, transpose_lhs_hint = false} : vector<512x3xf32>, vector<4096x3xf32>, vector<512x4096xf32> -> vector<512x4096xf32>
    %mul3A_29 = arith.constant 2.000000e+00 : f32
    %mul3A_30 = vector.broadcast %mul3A_29 : f32 to vector<512x4096xf32>
    %mul3A_31 = arith.mulf %mul3A_30, %dot_general3A_28 : vector<512x4096xf32>
    %sub3A = vector.broadcast %add3A_16 : vector<512x1xf32> to vector<512x4096xf32>
    %sub3A_32 = arith.subf %sub3A, %mul3A_31 : vector<512x4096xf32>
    %reshape3A = vector.shape_cast %add3A_27 : vector<4096x1xf32> to vector<1x4096xf32>
    %add3A_33 = vector.broadcast %reshape3A : vector<1x4096xf32> to vector<512x4096xf32>
    %add3A_34 = arith.addf %sub3A_32, %add3A_33 : vector<512x4096xf32>
    %iota3A = tpu.iota {dimensions = array<i32: 1>} : vector<512x4096xi32>
    %convert_element_type3A = arith.truncf %get3A_8 : vector<4096x3xf32> to vector<4096x3xbf16>
    %convert_element_type3A_35 = arith.extf %convert_element_type3A : vector<4096x3xbf16> to vector<4096x3xf32>
    %sub3A_36 = arith.subf %get3A_8, %convert_element_type3A_35 : vector<4096x3xf32>
    %convert_element_type3A_37 = arith.truncf %sub3A_36 : vector<4096x3xf32> to vector<4096x3xbf16>
    %convert_element_type3A_38 = arith.extf %convert_element_type3A_37 : vector<4096x3xbf16> to vector<4096x3xf32>
    %sub3A_39 = arith.subf %sub3A_36, %convert_element_type3A_38 : vector<4096x3xf32>
    %concatenate3A = tpu.concatenate %convert_element_type3A_35, %convert_element_type3A_38, %sub3A_39 in 1 : vector<4096x3xf32>, vector<4096x3xf32>, vector<4096x3xf32> -> vector<4096x9xf32>
    %convert_element_type3A_40 = arith.truncf %concatenate3A : vector<4096x9xf32> to vector<4096x9xbf16>
    %reduce_min3A = arith.constant dense<0x7F800000> : vector<512xf32>
    %reduce_min3A_41 = vector.multi_reduction <minimumf>, %add3A_34, %reduce_min3A [1] : vector<512x4096xf32> to vector<512xf32>
    %broadcast_in_dim3A = vector.shape_cast %reduce_min3A_41 : vector<512xf32> to vector<512x1xf32>
    %eq3A = vector.broadcast %broadcast_in_dim3A : vector<512x1xf32> to vector<512x4096xf32>
    %eq3A_42 = arith.cmpf oeq, %add3A_34, %eq3A : vector<512x4096xf32>
    %jit3A = arith.constant 4096 : i32
    %broadcast_in_dim3A_43 = vector.broadcast %jit3A : i32 to vector<512x4096xi32>
    %select_n3A = arith.select %eq3A_42, %iota3A, %broadcast_in_dim3A_43 : vector<512x4096xi1>, vector<512x4096xi32>
    %reduce_min3A_44 = arith.constant dense<2147483647> : vector<512xi32>
    %reduce_min3A_45 = vector.multi_reduction <minsi>, %select_n3A, %reduce_min3A_44 [1] : vector<512x4096xi32> to vector<512xi32>
    %broadcast_in_dim3A_46 = vector.shape_cast %reduce_min3A_45 : vector<512xi32> to vector<512x1xi32>
    %eq3A_47 = vector.broadcast %broadcast_in_dim3A_46 : vector<512x1xi32> to vector<512x4096xi32>
    %eq3A_48 = arith.cmpi eq, %iota3A, %eq3A_47 : vector<512x4096xi32>
    %jit3A_49 = arith.constant 0x7F800000 : f32
    %broadcast_in_dim3A_50 = vector.broadcast %jit3A_49 : f32 to vector<512x4096xf32>
    %select_n3A_51 = arith.select %eq3A_48, %broadcast_in_dim3A_50, %add3A_34 : vector<512x4096xi1>, vector<512x4096xf32>
    %convert_element_type3A_52 = arith.extui %eq3A_48 : vector<512x4096xi1> to vector<512x4096xi32>
    %convert_element_type3A_53 = arith.sitofp %convert_element_type3A_52 : vector<512x4096xi32> to vector<512x4096xf32>
    %convert_element_type3A_54 = arith.truncf %convert_element_type3A_53 : vector<512x4096xf32> to vector<512x4096xbf16>
    %dot_general3A_55 = arith.constant dense<0.000000e+00> : vector<512x9xf32>
    %dot_general3A_56 = tpu.matmul %convert_element_type3A_54, %convert_element_type3A_40, %dot_general3A_55 {dimension_numbers = #tpu.dot_dimension_numbers<[1], [0], [0], [1], [0, 0, 1, 1], [], []>, transpose_lhs_hint = false} : vector<512x4096xbf16>, vector<4096x9xbf16>, vector<512x9xf32> -> vector<512x9xf32>
    %slice3A_57 = vector.extract_strided_slice %dot_general3A_56 {offsets = [0, 0], sizes = [512, 3], strides = [1, 1]} : vector<512x9xf32> to vector<512x3xf32>
    %slice3A_58 = vector.extract_strided_slice %dot_general3A_56 {offsets = [0, 3], sizes = [512, 3], strides = [1, 1]} : vector<512x9xf32> to vector<512x3xf32>
    %add3A_59 = arith.addf %slice3A_57, %slice3A_58 : vector<512x3xf32>
    %slice3A_60 = vector.extract_strided_slice %dot_general3A_56 {offsets = [0, 6], sizes = [512, 3], strides = [1, 1]} : vector<512x9xf32> to vector<512x3xf32>
    %add3A_61 = arith.addf %add3A_59, %slice3A_60 : vector<512x3xf32>
    %reduce_min3A_62 = arith.constant dense<0x7F800000> : vector<512xf32>
    %reduce_min3A_63 = vector.multi_reduction <minimumf>, %select_n3A_51, %reduce_min3A_62 [1] : vector<512x4096xf32> to vector<512xf32>
    %broadcast_in_dim3A_64 = vector.shape_cast %reduce_min3A_63 : vector<512xf32> to vector<512x1xf32>
    %eq3A_65 = vector.broadcast %broadcast_in_dim3A_64 : vector<512x1xf32> to vector<512x4096xf32>
    %eq3A_66 = arith.cmpf oeq, %select_n3A_51, %eq3A_65 : vector<512x4096xf32>
    %jit3A_67 = arith.constant 4096 : i32
    %broadcast_in_dim3A_68 = vector.broadcast %jit3A_67 : i32 to vector<512x4096xi32>
    %select_n3A_69 = arith.select %eq3A_66, %iota3A, %broadcast_in_dim3A_68 : vector<512x4096xi1>, vector<512x4096xi32>
    %reduce_min3A_70 = arith.constant dense<2147483647> : vector<512xi32>
    %reduce_min3A_71 = vector.multi_reduction <minsi>, %select_n3A_69, %reduce_min3A_70 [1] : vector<512x4096xi32> to vector<512xi32>
    %broadcast_in_dim3A_72 = vector.shape_cast %reduce_min3A_71 : vector<512xi32> to vector<512x1xi32>
    %eq3A_73 = vector.broadcast %broadcast_in_dim3A_72 : vector<512x1xi32> to vector<512x4096xi32>
    %eq3A_74 = arith.cmpi eq, %iota3A, %eq3A_73 : vector<512x4096xi32>
    %jit3A_75 = arith.constant 0x7F800000 : f32
    %broadcast_in_dim3A_76 = vector.broadcast %jit3A_75 : f32 to vector<512x4096xf32>
    %select_n3A_77 = arith.select %eq3A_74, %broadcast_in_dim3A_76, %select_n3A_51 : vector<512x4096xi1>, vector<512x4096xf32>
    %convert_element_type3A_78 = arith.extui %eq3A_74 : vector<512x4096xi1> to vector<512x4096xi32>
    %convert_element_type3A_79 = arith.sitofp %convert_element_type3A_78 : vector<512x4096xi32> to vector<512x4096xf32>
    %convert_element_type3A_80 = arith.truncf %convert_element_type3A_79 : vector<512x4096xf32> to vector<512x4096xbf16>
    %dot_general3A_81 = arith.constant dense<0.000000e+00> : vector<512x9xf32>
    %dot_general3A_82 = tpu.matmul %convert_element_type3A_80, %convert_element_type3A_40, %dot_general3A_81 {dimension_numbers = #tpu.dot_dimension_numbers<[1], [0], [0], [1], [0, 0, 1, 1], [], []>, transpose_lhs_hint = false} : vector<512x4096xbf16>, vector<4096x9xbf16>, vector<512x9xf32> -> vector<512x9xf32>
    %slice3A_83 = vector.extract_strided_slice %dot_general3A_82 {offsets = [0, 0], sizes = [512, 3], strides = [1, 1]} : vector<512x9xf32> to vector<512x3xf32>
    %slice3A_84 = vector.extract_strided_slice %dot_general3A_82 {offsets = [0, 3], sizes = [512, 3], strides = [1, 1]} : vector<512x9xf32> to vector<512x3xf32>
    %add3A_85 = arith.addf %slice3A_83, %slice3A_84 : vector<512x3xf32>
    %slice3A_86 = vector.extract_strided_slice %dot_general3A_82 {offsets = [0, 6], sizes = [512, 3], strides = [1, 1]} : vector<512x9xf32> to vector<512x3xf32>
    %add3A_87 = arith.addf %add3A_85, %slice3A_86 : vector<512x3xf32>
    %reduce_min3A_88 = arith.constant dense<0x7F800000> : vector<512xf32>
    %reduce_min3A_89 = vector.multi_reduction <minimumf>, %select_n3A_77, %reduce_min3A_88 [1] : vector<512x4096xf32> to vector<512xf32>
    %broadcast_in_dim3A_90 = vector.shape_cast %reduce_min3A_89 : vector<512xf32> to vector<512x1xf32>
    %eq3A_91 = vector.broadcast %broadcast_in_dim3A_90 : vector<512x1xf32> to vector<512x4096xf32>
    %eq3A_92 = arith.cmpf oeq, %select_n3A_77, %eq3A_91 : vector<512x4096xf32>
    %jit3A_93 = arith.constant 4096 : i32
    %broadcast_in_dim3A_94 = vector.broadcast %jit3A_93 : i32 to vector<512x4096xi32>
    %select_n3A_95 = arith.select %eq3A_92, %iota3A, %broadcast_in_dim3A_94 : vector<512x4096xi1>, vector<512x4096xi32>
    %reduce_min3A_96 = arith.constant dense<2147483647> : vector<512xi32>
    %reduce_min3A_97 = vector.multi_reduction <minsi>, %select_n3A_95, %reduce_min3A_96 [1] : vector<512x4096xi32> to vector<512xi32>
    %broadcast_in_dim3A_98 = vector.shape_cast %reduce_min3A_97 : vector<512xi32> to vector<512x1xi32>
    %eq3A_99 = vector.broadcast %broadcast_in_dim3A_98 : vector<512x1xi32> to vector<512x4096xi32>
    %eq3A_100 = arith.cmpi eq, %iota3A, %eq3A_99 : vector<512x4096xi32>
    %jit3A_101 = arith.constant 0x7F800000 : f32
    %broadcast_in_dim3A_102 = vector.broadcast %jit3A_101 : f32 to vector<512x4096xf32>
    %select_n3A_103 = arith.select %eq3A_100, %broadcast_in_dim3A_102, %select_n3A_77 : vector<512x4096xi1>, vector<512x4096xf32>
    %convert_element_type3A_104 = arith.extui %eq3A_100 : vector<512x4096xi1> to vector<512x4096xi32>
    %convert_element_type3A_105 = arith.sitofp %convert_element_type3A_104 : vector<512x4096xi32> to vector<512x4096xf32>
    %convert_element_type3A_106 = arith.truncf %convert_element_type3A_105 : vector<512x4096xf32> to vector<512x4096xbf16>
    %dot_general3A_107 = arith.constant dense<0.000000e+00> : vector<512x9xf32>
    %dot_general3A_108 = tpu.matmul %convert_element_type3A_106, %convert_element_type3A_40, %dot_general3A_107 {dimension_numbers = #tpu.dot_dimension_numbers<[1], [0], [0], [1], [0, 0, 1, 1], [], []>, transpose_lhs_hint = false} : vector<512x4096xbf16>, vector<4096x9xbf16>, vector<512x9xf32> -> vector<512x9xf32>
    %slice3A_109 = vector.extract_strided_slice %dot_general3A_108 {offsets = [0, 0], sizes = [512, 3], strides = [1, 1]} : vector<512x9xf32> to vector<512x3xf32>
    %slice3A_110 = vector.extract_strided_slice %dot_general3A_108 {offsets = [0, 3], sizes = [512, 3], strides = [1, 1]} : vector<512x9xf32> to vector<512x3xf32>
    %add3A_111 = arith.addf %slice3A_109, %slice3A_110 : vector<512x3xf32>
    %slice3A_112 = vector.extract_strided_slice %dot_general3A_108 {offsets = [0, 6], sizes = [512, 3], strides = [1, 1]} : vector<512x9xf32> to vector<512x3xf32>
    %add3A_113 = arith.addf %add3A_111, %slice3A_112 : vector<512x3xf32>
    %reduce_min3A_114 = arith.constant dense<0x7F800000> : vector<512xf32>
    %reduce_min3A_115 = vector.multi_reduction <minimumf>, %select_n3A_103, %reduce_min3A_114 [1] : vector<512x4096xf32> to vector<512xf32>
    %broadcast_in_dim3A_116 = vector.shape_cast %reduce_min3A_115 : vector<512xf32> to vector<512x1xf32>
    %eq3A_117 = vector.broadcast %broadcast_in_dim3A_116 : vector<512x1xf32> to vector<512x4096xf32>
    %eq3A_118 = arith.cmpf oeq, %select_n3A_103, %eq3A_117 : vector<512x4096xf32>
    %jit3A_119 = arith.constant 4096 : i32
    %broadcast_in_dim3A_120 = vector.broadcast %jit3A_119 : i32 to vector<512x4096xi32>
    %select_n3A_121 = arith.select %eq3A_118, %iota3A, %broadcast_in_dim3A_120 : vector<512x4096xi1>, vector<512x4096xi32>
    %reduce_min3A_122 = arith.constant dense<2147483647> : vector<512xi32>
    %reduce_min3A_123 = vector.multi_reduction <minsi>, %select_n3A_121, %reduce_min3A_122 [1] : vector<512x4096xi32> to vector<512xi32>
    %broadcast_in_dim3A_124 = vector.shape_cast %reduce_min3A_123 : vector<512xi32> to vector<512x1xi32>
    %eq3A_125 = vector.broadcast %broadcast_in_dim3A_124 : vector<512x1xi32> to vector<512x4096xi32>
    %eq3A_126 = arith.cmpi eq, %iota3A, %eq3A_125 : vector<512x4096xi32>
    %jit3A_127 = arith.constant 0x7F800000 : f32
    %broadcast_in_dim3A_128 = vector.broadcast %jit3A_127 : f32 to vector<512x4096xf32>
    %select_n3A_129 = arith.select %eq3A_126, %broadcast_in_dim3A_128, %select_n3A_103 : vector<512x4096xi1>, vector<512x4096xf32>
    %convert_element_type3A_130 = arith.extui %eq3A_126 : vector<512x4096xi1> to vector<512x4096xi32>
    %convert_element_type3A_131 = arith.sitofp %convert_element_type3A_130 : vector<512x4096xi32> to vector<512x4096xf32>
    %convert_element_type3A_132 = arith.truncf %convert_element_type3A_131 : vector<512x4096xf32> to vector<512x4096xbf16>
    %dot_general3A_133 = arith.constant dense<0.000000e+00> : vector<512x9xf32>
    %dot_general3A_134 = tpu.matmul %convert_element_type3A_132, %convert_element_type3A_40, %dot_general3A_133 {dimension_numbers = #tpu.dot_dimension_numbers<[1], [0], [0], [1], [0, 0, 1, 1], [], []>, transpose_lhs_hint = false} : vector<512x4096xbf16>, vector<4096x9xbf16>, vector<512x9xf32> -> vector<512x9xf32>
    %slice3A_135 = vector.extract_strided_slice %dot_general3A_134 {offsets = [0, 0], sizes = [512, 3], strides = [1, 1]} : vector<512x9xf32> to vector<512x3xf32>
    %slice3A_136 = vector.extract_strided_slice %dot_general3A_134 {offsets = [0, 3], sizes = [512, 3], strides = [1, 1]} : vector<512x9xf32> to vector<512x3xf32>
    %add3A_137 = arith.addf %slice3A_135, %slice3A_136 : vector<512x3xf32>
    %slice3A_138 = vector.extract_strided_slice %dot_general3A_134 {offsets = [0, 6], sizes = [512, 3], strides = [1, 1]} : vector<512x9xf32> to vector<512x3xf32>
    %add3A_139 = arith.addf %add3A_137, %slice3A_138 : vector<512x3xf32>
    %reduce_min3A_140 = arith.constant dense<0x7F800000> : vector<512xf32>
    %reduce_min3A_141 = vector.multi_reduction <minimumf>, %select_n3A_129, %reduce_min3A_140 [1] : vector<512x4096xf32> to vector<512xf32>
    %broadcast_in_dim3A_142 = vector.shape_cast %reduce_min3A_141 : vector<512xf32> to vector<512x1xf32>
    %eq3A_143 = vector.broadcast %broadcast_in_dim3A_142 : vector<512x1xf32> to vector<512x4096xf32>
    %eq3A_144 = arith.cmpf oeq, %select_n3A_129, %eq3A_143 : vector<512x4096xf32>
    %jit3A_145 = arith.constant 4096 : i32
    %broadcast_in_dim3A_146 = vector.broadcast %jit3A_145 : i32 to vector<512x4096xi32>
    %select_n3A_147 = arith.select %eq3A_144, %iota3A, %broadcast_in_dim3A_146 : vector<512x4096xi1>, vector<512x4096xi32>
    %reduce_min3A_148 = arith.constant dense<2147483647> : vector<512xi32>
    %reduce_min3A_149 = vector.multi_reduction <minsi>, %select_n3A_147, %reduce_min3A_148 [1] : vector<512x4096xi32> to vector<512xi32>
    %broadcast_in_dim3A_150 = vector.shape_cast %reduce_min3A_149 : vector<512xi32> to vector<512x1xi32>
    %eq3A_151 = vector.broadcast %broadcast_in_dim3A_150 : vector<512x1xi32> to vector<512x4096xi32>
    %eq3A_152 = arith.cmpi eq, %iota3A, %eq3A_151 : vector<512x4096xi32>
    %jit3A_153 = arith.constant 0x7F800000 : f32
    %broadcast_in_dim3A_154 = vector.broadcast %jit3A_153 : f32 to vector<512x4096xf32>
    %select_n3A_155 = arith.select %eq3A_152, %broadcast_in_dim3A_154, %select_n3A_129 : vector<512x4096xi1>, vector<512x4096xf32>
    %convert_element_type3A_156 = arith.extui %eq3A_152 : vector<512x4096xi1> to vector<512x4096xi32>
    %convert_element_type3A_157 = arith.sitofp %convert_element_type3A_156 : vector<512x4096xi32> to vector<512x4096xf32>
    %convert_element_type3A_158 = arith.truncf %convert_element_type3A_157 : vector<512x4096xf32> to vector<512x4096xbf16>
    %dot_general3A_159 = arith.constant dense<0.000000e+00> : vector<512x9xf32>
    %dot_general3A_160 = tpu.matmul %convert_element_type3A_158, %convert_element_type3A_40, %dot_general3A_159 {dimension_numbers = #tpu.dot_dimension_numbers<[1], [0], [0], [1], [0, 0, 1, 1], [], []>, transpose_lhs_hint = false} : vector<512x4096xbf16>, vector<4096x9xbf16>, vector<512x9xf32> -> vector<512x9xf32>
    %slice3A_161 = vector.extract_strided_slice %dot_general3A_160 {offsets = [0, 0], sizes = [512, 3], strides = [1, 1]} : vector<512x9xf32> to vector<512x3xf32>
    %slice3A_162 = vector.extract_strided_slice %dot_general3A_160 {offsets = [0, 3], sizes = [512, 3], strides = [1, 1]} : vector<512x9xf32> to vector<512x3xf32>
    %add3A_163 = arith.addf %slice3A_161, %slice3A_162 : vector<512x3xf32>
    %slice3A_164 = vector.extract_strided_slice %dot_general3A_160 {offsets = [0, 6], sizes = [512, 3], strides = [1, 1]} : vector<512x9xf32> to vector<512x3xf32>
    %add3A_165 = arith.addf %add3A_163, %slice3A_164 : vector<512x3xf32>
    %reduce_min3A_166 = arith.constant dense<0x7F800000> : vector<512xf32>
    %reduce_min3A_167 = vector.multi_reduction <minimumf>, %select_n3A_155, %reduce_min3A_166 [1] : vector<512x4096xf32> to vector<512xf32>
    %broadcast_in_dim3A_168 = vector.shape_cast %reduce_min3A_167 : vector<512xf32> to vector<512x1xf32>
    %eq3A_169 = vector.broadcast %broadcast_in_dim3A_168 : vector<512x1xf32> to vector<512x4096xf32>
    %eq3A_170 = arith.cmpf oeq, %select_n3A_155, %eq3A_169 : vector<512x4096xf32>
    %jit3A_171 = arith.constant 4096 : i32
    %broadcast_in_dim3A_172 = vector.broadcast %jit3A_171 : i32 to vector<512x4096xi32>
    %select_n3A_173 = arith.select %eq3A_170, %iota3A, %broadcast_in_dim3A_172 : vector<512x4096xi1>, vector<512x4096xi32>
    %reduce_min3A_174 = arith.constant dense<2147483647> : vector<512xi32>
    %reduce_min3A_175 = vector.multi_reduction <minsi>, %select_n3A_173, %reduce_min3A_174 [1] : vector<512x4096xi32> to vector<512xi32>
    %broadcast_in_dim3A_176 = vector.shape_cast %reduce_min3A_175 : vector<512xi32> to vector<512x1xi32>
    %eq3A_177 = vector.broadcast %broadcast_in_dim3A_176 : vector<512x1xi32> to vector<512x4096xi32>
    %eq3A_178 = arith.cmpi eq, %iota3A, %eq3A_177 : vector<512x4096xi32>
    %jit3A_179 = arith.constant 0x7F800000 : f32
    %broadcast_in_dim3A_180 = vector.broadcast %jit3A_179 : f32 to vector<512x4096xf32>
    %select_n3A_181 = arith.select %eq3A_178, %broadcast_in_dim3A_180, %select_n3A_155 : vector<512x4096xi1>, vector<512x4096xf32>
    %convert_element_type3A_182 = arith.extui %eq3A_178 : vector<512x4096xi1> to vector<512x4096xi32>
    %convert_element_type3A_183 = arith.sitofp %convert_element_type3A_182 : vector<512x4096xi32> to vector<512x4096xf32>
    %convert_element_type3A_184 = arith.truncf %convert_element_type3A_183 : vector<512x4096xf32> to vector<512x4096xbf16>
    %dot_general3A_185 = arith.constant dense<0.000000e+00> : vector<512x9xf32>
    %dot_general3A_186 = tpu.matmul %convert_element_type3A_184, %convert_element_type3A_40, %dot_general3A_185 {dimension_numbers = #tpu.dot_dimension_numbers<[1], [0], [0], [1], [0, 0, 1, 1], [], []>, transpose_lhs_hint = false} : vector<512x4096xbf16>, vector<4096x9xbf16>, vector<512x9xf32> -> vector<512x9xf32>
    %slice3A_187 = vector.extract_strided_slice %dot_general3A_186 {offsets = [0, 0], sizes = [512, 3], strides = [1, 1]} : vector<512x9xf32> to vector<512x3xf32>
    %slice3A_188 = vector.extract_strided_slice %dot_general3A_186 {offsets = [0, 3], sizes = [512, 3], strides = [1, 1]} : vector<512x9xf32> to vector<512x3xf32>
    %add3A_189 = arith.addf %slice3A_187, %slice3A_188 : vector<512x3xf32>
    %slice3A_190 = vector.extract_strided_slice %dot_general3A_186 {offsets = [0, 6], sizes = [512, 3], strides = [1, 1]} : vector<512x9xf32> to vector<512x3xf32>
    %add3A_191 = arith.addf %add3A_189, %slice3A_190 : vector<512x3xf32>
    %reduce_min3A_192 = arith.constant dense<0x7F800000> : vector<512xf32>
    %reduce_min3A_193 = vector.multi_reduction <minimumf>, %select_n3A_181, %reduce_min3A_192 [1] : vector<512x4096xf32> to vector<512xf32>
    %broadcast_in_dim3A_194 = vector.shape_cast %reduce_min3A_193 : vector<512xf32> to vector<512x1xf32>
    %eq3A_195 = vector.broadcast %broadcast_in_dim3A_194 : vector<512x1xf32> to vector<512x4096xf32>
    %eq3A_196 = arith.cmpf oeq, %select_n3A_181, %eq3A_195 : vector<512x4096xf32>
    %jit3A_197 = arith.constant 4096 : i32
    %broadcast_in_dim3A_198 = vector.broadcast %jit3A_197 : i32 to vector<512x4096xi32>
    %select_n3A_199 = arith.select %eq3A_196, %iota3A, %broadcast_in_dim3A_198 : vector<512x4096xi1>, vector<512x4096xi32>
    %reduce_min3A_200 = arith.constant dense<2147483647> : vector<512xi32>
    %reduce_min3A_201 = vector.multi_reduction <minsi>, %select_n3A_199, %reduce_min3A_200 [1] : vector<512x4096xi32> to vector<512xi32>
    %broadcast_in_dim3A_202 = vector.shape_cast %reduce_min3A_201 : vector<512xi32> to vector<512x1xi32>
    %eq3A_203 = vector.broadcast %broadcast_in_dim3A_202 : vector<512x1xi32> to vector<512x4096xi32>
    %eq3A_204 = arith.cmpi eq, %iota3A, %eq3A_203 : vector<512x4096xi32>
    %jit3A_205 = arith.constant 0x7F800000 : f32
    %broadcast_in_dim3A_206 = vector.broadcast %jit3A_205 : f32 to vector<512x4096xf32>
    %select_n3A_207 = arith.select %eq3A_204, %broadcast_in_dim3A_206, %select_n3A_181 : vector<512x4096xi1>, vector<512x4096xf32>
    %convert_element_type3A_208 = arith.extui %eq3A_204 : vector<512x4096xi1> to vector<512x4096xi32>
    %convert_element_type3A_209 = arith.sitofp %convert_element_type3A_208 : vector<512x4096xi32> to vector<512x4096xf32>
    %convert_element_type3A_210 = arith.truncf %convert_element_type3A_209 : vector<512x4096xf32> to vector<512x4096xbf16>
    %dot_general3A_211 = arith.constant dense<0.000000e+00> : vector<512x9xf32>
    %dot_general3A_212 = tpu.matmul %convert_element_type3A_210, %convert_element_type3A_40, %dot_general3A_211 {dimension_numbers = #tpu.dot_dimension_numbers<[1], [0], [0], [1], [0, 0, 1, 1], [], []>, transpose_lhs_hint = false} : vector<512x4096xbf16>, vector<4096x9xbf16>, vector<512x9xf32> -> vector<512x9xf32>
    %slice3A_213 = vector.extract_strided_slice %dot_general3A_212 {offsets = [0, 0], sizes = [512, 3], strides = [1, 1]} : vector<512x9xf32> to vector<512x3xf32>
    %slice3A_214 = vector.extract_strided_slice %dot_general3A_212 {offsets = [0, 3], sizes = [512, 3], strides = [1, 1]} : vector<512x9xf32> to vector<512x3xf32>
    %add3A_215 = arith.addf %slice3A_213, %slice3A_214 : vector<512x3xf32>
    %slice3A_216 = vector.extract_strided_slice %dot_general3A_212 {offsets = [0, 6], sizes = [512, 3], strides = [1, 1]} : vector<512x9xf32> to vector<512x3xf32>
    %add3A_217 = arith.addf %add3A_215, %slice3A_216 : vector<512x3xf32>
    %reduce_min3A_218 = arith.constant dense<0x7F800000> : vector<512xf32>
    %reduce_min3A_219 = vector.multi_reduction <minimumf>, %select_n3A_207, %reduce_min3A_218 [1] : vector<512x4096xf32> to vector<512xf32>
    %broadcast_in_dim3A_220 = vector.shape_cast %reduce_min3A_219 : vector<512xf32> to vector<512x1xf32>
    %eq3A_221 = vector.broadcast %broadcast_in_dim3A_220 : vector<512x1xf32> to vector<512x4096xf32>
    %eq3A_222 = arith.cmpf oeq, %select_n3A_207, %eq3A_221 : vector<512x4096xf32>
    %jit3A_223 = arith.constant 4096 : i32
    %broadcast_in_dim3A_224 = vector.broadcast %jit3A_223 : i32 to vector<512x4096xi32>
    %select_n3A_225 = arith.select %eq3A_222, %iota3A, %broadcast_in_dim3A_224 : vector<512x4096xi1>, vector<512x4096xi32>
    %reduce_min3A_226 = arith.constant dense<2147483647> : vector<512xi32>
    %reduce_min3A_227 = vector.multi_reduction <minsi>, %select_n3A_225, %reduce_min3A_226 [1] : vector<512x4096xi32> to vector<512xi32>
    %broadcast_in_dim3A_228 = vector.shape_cast %reduce_min3A_227 : vector<512xi32> to vector<512x1xi32>
    %eq3A_229 = vector.broadcast %broadcast_in_dim3A_228 : vector<512x1xi32> to vector<512x4096xi32>
    %eq3A_230 = arith.cmpi eq, %iota3A, %eq3A_229 : vector<512x4096xi32>
    %convert_element_type3A_231 = arith.extui %eq3A_230 : vector<512x4096xi1> to vector<512x4096xi32>
    %convert_element_type3A_232 = arith.sitofp %convert_element_type3A_231 : vector<512x4096xi32> to vector<512x4096xf32>
    %convert_element_type3A_233 = arith.truncf %convert_element_type3A_232 : vector<512x4096xf32> to vector<512x4096xbf16>
    %dot_general3A_234 = arith.constant dense<0.000000e+00> : vector<512x9xf32>
    %dot_general3A_235 = tpu.matmul %convert_element_type3A_233, %convert_element_type3A_40, %dot_general3A_234 {dimension_numbers = #tpu.dot_dimension_numbers<[1], [0], [0], [1], [0, 0, 1, 1], [], []>, transpose_lhs_hint = false} : vector<512x4096xbf16>, vector<4096x9xbf16>, vector<512x9xf32> -> vector<512x9xf32>
    %slice3A_236 = vector.extract_strided_slice %dot_general3A_235 {offsets = [0, 0], sizes = [512, 3], strides = [1, 1]} : vector<512x9xf32> to vector<512x3xf32>
    %slice3A_237 = vector.extract_strided_slice %dot_general3A_235 {offsets = [0, 3], sizes = [512, 3], strides = [1, 1]} : vector<512x9xf32> to vector<512x3xf32>
    %add3A_238 = arith.addf %slice3A_236, %slice3A_237 : vector<512x3xf32>
    %slice3A_239 = vector.extract_strided_slice %dot_general3A_235 {offsets = [0, 6], sizes = [512, 3], strides = [1, 1]} : vector<512x9xf32> to vector<512x3xf32>
    %add3A_240 = arith.addf %add3A_238, %slice3A_239 : vector<512x3xf32>
    %mul3A_241 = arith.constant 4096 : i32
    %mul3A_242 = arith.muli %arg0, %mul3A_241 : i32
    %concatenate3A_243 = tpu.concatenate %broadcast_in_dim3A_46, %broadcast_in_dim3A_72, %broadcast_in_dim3A_98, %broadcast_in_dim3A_124, %broadcast_in_dim3A_150, %broadcast_in_dim3A_176, %broadcast_in_dim3A_202, %broadcast_in_dim3A_228 in 1 : vector<512x1xi32>, vector<512x1xi32>, vector<512x1xi32>, vector<512x1xi32>, vector<512x1xi32>, vector<512x1xi32>, vector<512x1xi32>, vector<512x1xi32> -> vector<512x8xi32>
    %add3A_244 = vector.broadcast %mul3A_242 : i32 to vector<512x8xi32>
    %add3A_245 = arith.addi %concatenate3A_243, %add3A_244 : vector<512x8xi32>
    %swap3A = arith.constant 0 : index
    %swap3A_246 = arith.constant 0 : index
    %swap3A_247 = arith.constant 0 : index
    %swap3A_248 = vector.load %arg4[%swap3A, %swap3A_246, %swap3A_247] : memref<1x512x8xi32, #tpu.memory_space<vmem>>, vector<1x512x8xi32>
    %swap3A_249 = vector.shape_cast %swap3A_248 : vector<1x512x8xi32> to vector<512x8xi32>
    %swap3A_250 = vector.shape_cast %add3A_245 : vector<512x8xi32> to vector<1x512x8xi32>
    tpu.vector_store %arg4[%swap3A, %swap3A_246, %swap3A_247], %swap3A_250 {strides = array<i32>} : memref<1x512x8xi32, #tpu.memory_space<vmem>>, vector<1x512x8xi32>,
    %concatenate3A_251 = tpu.concatenate %add3A_61, %add3A_87, %add3A_113, %add3A_139, %add3A_165, %add3A_191, %add3A_217, %add3A_240 in 1 : vector<512x3xf32>, vector<512x3xf32>, vector<512x3xf32>, vector<512x3xf32>, vector<512x3xf32>, vector<512x3xf32>, vector<512x3xf32>, vector<512x3xf32> -> vector<512x24xf32>
    %swap3A_252 = arith.constant 0 : index
    %swap3A_253 = arith.constant 0 : index
    %swap3A_254 = arith.constant 0 : index
    %swap3A_255 = vector.load %arg5[%swap3A_252, %swap3A_253, %swap3A_254] : memref<1x512x24xf32, #tpu.memory_space<vmem>>, vector<1x512x24xf32>
    %swap3A_256 = vector.shape_cast %swap3A_255 : vector<1x512x24xf32> to vector<512x24xf32>
    %swap3A_257 = vector.shape_cast %concatenate3A_251 : vector<512x24xf32> to vector<1x512x24xf32>
    tpu.vector_store %arg5[%swap3A_252, %swap3A_253, %swap3A_254], %swap3A_257 {strides = array<i32>} : memref<1x512x24xf32, #tpu.memory_space<vmem>>, vector<1x512x24xf32>,
    return
  }
  func.func @transform_0(%arg0: i32, %arg1: i32) -> (i32, i32, i32) {
    %c0_i32 = arith.constant 0 : i32
    %c0_i32_0 = arith.constant 0 : i32
    return %arg0, %arg1, %c0_i32 : i32, i32, i32
  }
  func.func @transform_1(%arg0: i32, %arg1: i32) -> (i32, i32, i32) {
    %c0_i32 = arith.constant 0 : i32
    %c0_i32_0 = arith.constant 0 : i32
    %c0_i32_1 = arith.constant 0 : i32
    return %arg0, %c0_i32, %c0_i32_0 : i32, i32, i32
  }
  func.func @transform_2(%arg0: i32, %arg1: i32) -> (i32, i32, i32) {
    %c0_i32 = arith.constant 0 : i32
    %c0_i32_0 = arith.constant 0 : i32
    return %arg0, %arg1, %c0_i32 : i32, i32, i32
  }
  func.func @transform_3(%arg0: i32, %arg1: i32) -> (i32, i32, i32) {
    %c0_i32 = arith.constant 0 : i32
    %c0_i32_0 = arith.constant 0 : i32
    return %arg0, %arg1, %c0_i32 : i32, i32, i32
  }
}

module attributes {stable_mosaic.version = 14 : i64} {
  func.func @stage_b2(%arg0: i32, %arg1: i32, %arg2: memref<1x512x512xf32, #tpu.memory_space<vmem>>, %arg3: memref<1x512x128xf32, #tpu.memory_space<vmem>>, %arg4: memref<128x256xf32, #tpu.memory_space<vmem>>, %arg5: memref<1x256xf32, #tpu.memory_space<vmem>>, %arg6: memref<128x128xf32, #tpu.memory_space<vmem>>, %arg7: memref<1x512x128xf32, #tpu.memory_space<vmem>>, %arg8: memref<1x1xf32, #tpu.memory_space<vmem>>) attributes {dimension_semantics = [#tpu.dimension_semantics<arbitrary>, #tpu.dimension_semantics<arbitrary>], iteration_bounds = array<i64: 2, 8>, scalar_prefetch = 0 : i64, scratch_operands = 0 : i64, tpu.core_type = #tpu.core_type<tc>, window_params = [{transform_indices = @transform_0, window_bounds = array<i64: 1, 512, 512>}, {transform_indices = @transform_1, window_bounds = array<i64: 1, 512, 128>}, {pipeline_mode = #tpu.pipeline_mode<synchronous>, transform_indices = @transform_2, window_bounds = array<i64: 128, 256>}, {pipeline_mode = #tpu.pipeline_mode<synchronous>, transform_indices = @transform_3, window_bounds = array<i64: 1, 256>}, {pipeline_mode = #tpu.pipeline_mode<synchronous>, transform_indices = @transform_4, window_bounds = array<i64: 128, 128>}, {transform_indices = @transform_5, window_bounds = array<i64: 1, 512, 128>}, {pipeline_mode = #tpu.pipeline_mode<synchronous>, transform_indices = @transform_6, window_bounds = array<i64: 1, 1>}]} {
    %get3A = arith.constant 0 : index
    %get3A_0 = arith.constant 0 : index
    %get3A_1 = arith.constant 0 : index
    %get3A_2 = vector.load %arg2[%get3A, %get3A_0, %get3A_1] : memref<1x512x512xf32, #tpu.memory_space<vmem>>, vector<1x512x512xf32>
    %get3A_3 = vector.shape_cast %get3A_2 : vector<1x512x512xf32> to vector<512x512xf32>
    %slice3A = vector.extract_strided_slice %get3A_3 {offsets = [0, 0], sizes = [512, 128], strides = [1, 1]} : vector<512x512xf32> to vector<512x128xf32>
    %slice3A_4 = vector.extract_strided_slice %get3A_3 {offsets = [0, 128], sizes = [512, 128], strides = [1, 1]} : vector<512x512xf32> to vector<512x128xf32>
    %max3A = arith.maximumf %slice3A, %slice3A_4 : vector<512x128xf32>
    %slice3A_5 = vector.extract_strided_slice %get3A_3 {offsets = [0, 256], sizes = [512, 128], strides = [1, 1]} : vector<512x512xf32> to vector<512x128xf32>
    %slice3A_6 = vector.extract_strided_slice %get3A_3 {offsets = [0, 384], sizes = [512, 128], strides = [1, 1]} : vector<512x512xf32> to vector<512x128xf32>
    %max3A_7 = arith.maximumf %slice3A_5, %slice3A_6 : vector<512x128xf32>
    %max3A_8 = arith.maximumf %max3A, %max3A_7 : vector<512x128xf32>
    %get3A_9 = arith.constant 0 : index
    %get3A_10 = arith.constant 0 : index
    %get3A_11 = arith.constant 0 : index
    %get3A_12 = vector.load %arg3[%get3A_9, %get3A_10, %get3A_11] : memref<1x512x128xf32, #tpu.memory_space<vmem>>, vector<1x512x128xf32>
    %get3A_13 = vector.shape_cast %get3A_12 : vector<1x512x128xf32> to vector<512x128xf32>
    %get3A_14 = arith.constant 0 : index
    %get3A_15 = arith.constant 0 : index
    %get3A_16 = vector.load %arg4[%get3A_14, %get3A_15] : memref<128x256xf32, #tpu.memory_space<vmem>>, vector<128x256xf32>
    %dot_general3A = arith.constant dense<0.000000e+00> : vector<512x256xf32>
    %dot_general3A_17 = tpu.matmul %get3A_13, %get3A_16, %dot_general3A {dimension_numbers = #tpu.dot_dimension_numbers<[1], [0], [0], [1], [0, 0, 1, 1], [], []>, transpose_lhs_hint = false} : vector<512x128xf32>, vector<128x256xf32>, vector<512x256xf32> -> vector<512x256xf32>
    %get3A_18 = arith.constant 0 : index
    %get3A_19 = arith.constant 0 : index
    %get3A_20 = vector.load %arg5[%get3A_18, %get3A_19] : memref<1x256xf32, #tpu.memory_space<vmem>>, vector<1x256xf32>
    %add3A = vector.broadcast %get3A_20 : vector<1x256xf32> to vector<512x256xf32>
    %add3A_21 = arith.addf %dot_general3A_17, %add3A : vector<512x256xf32>
    %slice3A_22 = vector.extract_strided_slice %add3A_21 {offsets = [0, 0], sizes = [512, 128], strides = [1, 1]} : vector<512x256xf32> to vector<512x128xf32>
    %slice3A_23 = vector.extract_strided_slice %add3A_21 {offsets = [0, 128], sizes = [512, 128], strides = [1, 1]} : vector<512x256xf32> to vector<512x128xf32>
    %jit3A = arith.constant -8.000000e+00 : f32
    %jit3A_24 = arith.constant 8.000000e+00 : f32
    %max3A_25 = vector.broadcast %jit3A : f32 to vector<512x128xf32>
    %max3A_26 = arith.maximumf %max3A_25, %slice3A_23 : vector<512x128xf32>
    %min3A = vector.broadcast %jit3A_24 : f32 to vector<512x128xf32>
    %min3A_27 = arith.minimumf %min3A, %max3A_26 : vector<512x128xf32>
    %exp3A = math.exp %min3A_27 : vector<512x128xf32>
    %add3A_28 = arith.constant 9.99999997E-7 : f32
    %add3A_29 = vector.broadcast %add3A_28 : f32 to vector<512x128xf32>
    %add3A_30 = arith.addf %exp3A, %add3A_29 : vector<512x128xf32>
    %round3A = math.roundeven %max3A_8 : vector<512x128xf32>
    %add3A_31 = arith.constant 5.000000e-01 : f32
    %add3A_32 = vector.broadcast %add3A_31 : f32 to vector<512x128xf32>
    %add3A_33 = arith.addf %round3A, %add3A_32 : vector<512x128xf32>
    %sub3A = arith.subf %add3A_33, %slice3A_22 : vector<512x128xf32>
    %sign3A = tpu.bitcast %sub3A : vector<512x128xf32> -> vector<512x128xi32>
    %sign3A_34 = arith.constant -2147483648 : i32
    %sign3A_35 = vector.broadcast %sign3A_34 : i32 to vector<512x128xi32>
    %sign3A_36 = arith.andi %sign3A, %sign3A_35 : vector<512x128xi32>
    %sign3A_37 = arith.constant 1065353216 : i32
    %sign3A_38 = vector.broadcast %sign3A_37 : i32 to vector<512x128xi32>
    %sign3A_39 = arith.ori %sign3A_38, %sign3A_36 : vector<512x128xi32>
    %sign3A_40 = tpu.bitcast %sign3A_39 : vector<512x128xi32> -> vector<512x128xf32>
    %sign3A_41 = math.absf %sub3A : vector<512x128xf32>
    %sign3A_42 = arith.constant 0.000000e+00 : f32
    %sign3A_43 = vector.broadcast %sign3A_42 : f32 to vector<512x128xf32>
    %sign3A_44 = arith.cmpf ogt, %sign3A_41, %sign3A_43 : vector<512x128xf32>
    %sign3A_45 = arith.select %sign3A_44, %sign3A_40, %sub3A : vector<512x128xi1>, vector<512x128xf32>
    %mul3A = arith.constant 5.000000e-01 : f32
    %mul3A_46 = vector.broadcast %mul3A : f32 to vector<512x128xf32>
    %mul3A_47 = arith.mulf %mul3A_46, %sign3A_45 : vector<512x128xf32>
    %sub3A_48 = arith.subf %add3A_33, %slice3A_22 : vector<512x128xf32>
    %abs3A = math.absf %sub3A_48 : vector<512x128xf32>
    %neg3A = arith.constant 0.000000e+00 : f32
    %neg3A_49 = vector.broadcast %neg3A : f32 to vector<512x128xf32>
    %neg3A_50 = arith.subf %neg3A_49, %abs3A : vector<512x128xf32>
    %div3A = arith.divf %neg3A_50, %add3A_30 : vector<512x128xf32>
    %exp3A_51 = math.exp %div3A : vector<512x128xf32>
    %sub3A_52 = arith.constant 1.000000e+00 : f32
    %sub3A_53 = vector.broadcast %sub3A_52 : f32 to vector<512x128xf32>
    %sub3A_54 = arith.subf %sub3A_53, %exp3A_51 : vector<512x128xf32>
    %mul3A_55 = arith.mulf %mul3A_47, %sub3A_54 : vector<512x128xf32>
    %add3A_56 = arith.constant 5.000000e-01 : f32
    %add3A_57 = vector.broadcast %add3A_56 : f32 to vector<512x128xf32>
    %add3A_58 = arith.addf %add3A_57, %mul3A_55 : vector<512x128xf32>
    %sub3A_59 = arith.constant 5.000000e-01 : f32
    %sub3A_60 = vector.broadcast %sub3A_59 : f32 to vector<512x128xf32>
    %sub3A_61 = arith.subf %round3A, %sub3A_60 : vector<512x128xf32>
    %sub3A_62 = arith.subf %sub3A_61, %slice3A_22 : vector<512x128xf32>
    %sign3A_63 = tpu.bitcast %sub3A_62 : vector<512x128xf32> -> vector<512x128xi32>
    %sign3A_64 = arith.constant -2147483648 : i32
    %sign3A_65 = vector.broadcast %sign3A_64 : i32 to vector<512x128xi32>
    %sign3A_66 = arith.andi %sign3A_63, %sign3A_65 : vector<512x128xi32>
    %sign3A_67 = arith.constant 1065353216 : i32
    %sign3A_68 = vector.broadcast %sign3A_67 : i32 to vector<512x128xi32>
    %sign3A_69 = arith.ori %sign3A_68, %sign3A_66 : vector<512x128xi32>
    %sign3A_70 = tpu.bitcast %sign3A_69 : vector<512x128xi32> -> vector<512x128xf32>
    %sign3A_71 = math.absf %sub3A_62 : vector<512x128xf32>
    %sign3A_72 = arith.constant 0.000000e+00 : f32
    %sign3A_73 = vector.broadcast %sign3A_72 : f32 to vector<512x128xf32>
    %sign3A_74 = arith.cmpf ogt, %sign3A_71, %sign3A_73 : vector<512x128xf32>
    %sign3A_75 = arith.select %sign3A_74, %sign3A_70, %sub3A_62 : vector<512x128xi1>, vector<512x128xf32>
    %mul3A_76 = arith.constant 5.000000e-01 : f32
    %mul3A_77 = vector.broadcast %mul3A_76 : f32 to vector<512x128xf32>
    %mul3A_78 = arith.mulf %mul3A_77, %sign3A_75 : vector<512x128xf32>
    %sub3A_79 = arith.subf %sub3A_61, %slice3A_22 : vector<512x128xf32>
    %abs3A_80 = math.absf %sub3A_79 : vector<512x128xf32>
    %neg3A_81 = arith.constant 0.000000e+00 : f32
    %neg3A_82 = vector.broadcast %neg3A_81 : f32 to vector<512x128xf32>
    %neg3A_83 = arith.subf %neg3A_82, %abs3A_80 : vector<512x128xf32>
    %div3A_84 = arith.divf %neg3A_83, %add3A_30 : vector<512x128xf32>
    %exp3A_85 = math.exp %div3A_84 : vector<512x128xf32>
    %sub3A_86 = arith.constant 1.000000e+00 : f32
    %sub3A_87 = vector.broadcast %sub3A_86 : f32 to vector<512x128xf32>
    %sub3A_88 = arith.subf %sub3A_87, %exp3A_85 : vector<512x128xf32>
    %mul3A_89 = arith.mulf %mul3A_78, %sub3A_88 : vector<512x128xf32>
    %add3A_90 = arith.constant 5.000000e-01 : f32
    %add3A_91 = vector.broadcast %add3A_90 : f32 to vector<512x128xf32>
    %add3A_92 = arith.addf %add3A_91, %mul3A_89 : vector<512x128xf32>
    %sub3A_93 = arith.subf %add3A_58, %add3A_92 : vector<512x128xf32>
    %jit3A_94 = arith.constant 9.99999971E-10 : f32
    %jit3A_95 = arith.constant 1.000000e+00 : f32
    %max3A_96 = vector.broadcast %jit3A_94 : f32 to vector<512x128xf32>
    %max3A_97 = arith.maximumf %max3A_96, %sub3A_93 : vector<512x128xf32>
    %min3A_98 = vector.broadcast %jit3A_95 : f32 to vector<512x128xf32>
    %min3A_99 = arith.minimumf %min3A_98, %max3A_97 : vector<512x128xf32>
    %log3A = math.log %min3A_99 : vector<512x128xf32>
    %log3A_100 = arith.constant 2.000000e+00 : f32
    %log3A_101 = math.log %log3A_100 : f32
    %div3A_102 = vector.broadcast %log3A_101 : f32 to vector<512x128xf32>
    %div3A_103 = arith.divf %log3A, %div3A_102 : vector<512x128xf32>
    %neg3A_104 = arith.constant 0.000000e+00 : f32
    %neg3A_105 = vector.broadcast %neg3A_104 : f32 to vector<512x128xf32>
    %neg3A_106 = arith.subf %neg3A_105, %div3A_103 : vector<512x128xf32>
    %reduce_sum3A = vector.shape_cast %neg3A_106 : vector<512x128xf32> to vector<1x512x128xf32>
    %reduce_sum3A_107 = arith.constant dense<0.000000e+00> : vector<1xf32>
    %reduce_sum3A_108 = vector.multi_reduction <add>, %reduce_sum3A, %reduce_sum3A_107 [1, 2] : vector<1x512x128xf32> to vector<1xf32>
    %reduce_sum3A_109 = vector.shape_cast %reduce_sum3A_108 : vector<1xf32> to vector<1x1x1xf32>
    %reduce_sum3A_110 = vector.extract %reduce_sum3A_109[0, 0, 0] : f32 from vector<1x1x1xf32>
    %broadcast_in_dim3A = vector.broadcast %reduce_sum3A_110 : f32 to vector<1x1xf32>
    %eq3A = arith.constant 0 : i32
    %eq3A_111 = arith.cmpi eq, %arg0, %eq3A : i32
    %eq3A_112 = arith.constant 0 : i32
    %eq3A_113 = arith.cmpi eq, %arg1, %eq3A_112 : i32
    %and3A = arith.andi %eq3A_111, %eq3A_113 : i1
    %convert_element_type3A = arith.extui %and3A : i1 to i32
    %cond3A = arith.constant 0 : i32
    %cond3A_114 = arith.cmpi ne, %convert_element_type3A, %cond3A : i32
    scf.if %cond3A_114 {
      %broadcast_in_dim3A_132 = arith.constant 0.000000e+00 : f32
      %broadcast_in_dim3A_133 = vector.broadcast %broadcast_in_dim3A_132 : f32 to vector<1x1xf32>
      %swap3A_134 = arith.constant 0 : index
      %swap3A_135 = arith.constant 0 : index
      %swap3A_136 = vector.load %arg8[%swap3A_134, %swap3A_135] : memref<1x1xf32, #tpu.memory_space<vmem>>, vector<1x1xf32>
      tpu.vector_store %arg8[%swap3A_134, %swap3A_135], %broadcast_in_dim3A_133 {strides = array<i32>} : memref<1x1xf32, #tpu.memory_space<vmem>>, vector<1x1xf32>,
    } else {
    }
    %get3A_115 = arith.constant 0 : index
    %get3A_116 = arith.constant 0 : index
    %get3A_117 = vector.load %arg8[%get3A_115, %get3A_116] : memref<1x1xf32, #tpu.memory_space<vmem>>, vector<1x1xf32>
    %add3A_118 = arith.addf %get3A_117, %broadcast_in_dim3A : vector<1x1xf32>
    %swap3A = arith.constant 0 : index
    %swap3A_119 = arith.constant 0 : index
    %swap3A_120 = vector.load %arg8[%swap3A, %swap3A_119] : memref<1x1xf32, #tpu.memory_space<vmem>>, vector<1x1xf32>
    tpu.vector_store %arg8[%swap3A, %swap3A_119], %add3A_118 {strides = array<i32>} : memref<1x1xf32, #tpu.memory_space<vmem>>, vector<1x1xf32>,
    %get3A_121 = arith.constant 0 : index
    %get3A_122 = arith.constant 0 : index
    %get3A_123 = vector.load %arg6[%get3A_121, %get3A_122] : memref<128x128xf32, #tpu.memory_space<vmem>>, vector<128x128xf32>
    %dot_general3A_124 = arith.constant dense<0.000000e+00> : vector<512x128xf32>
    %dot_general3A_125 = tpu.matmul %round3A, %get3A_123, %dot_general3A_124 {dimension_numbers = #tpu.dot_dimension_numbers<[1], [0], [0], [1], [0, 0, 1, 1], [], []>, transpose_lhs_hint = false} : vector<512x128xf32>, vector<128x128xf32>, vector<512x128xf32> -> vector<512x128xf32>
    %swap3A_126 = arith.constant 0 : index
    %swap3A_127 = arith.constant 0 : index
    %swap3A_128 = arith.constant 0 : index
    %swap3A_129 = vector.load %arg7[%swap3A_126, %swap3A_127, %swap3A_128] : memref<1x512x128xf32, #tpu.memory_space<vmem>>, vector<1x512x128xf32>
    %swap3A_130 = vector.shape_cast %swap3A_129 : vector<1x512x128xf32> to vector<512x128xf32>
    %swap3A_131 = vector.shape_cast %dot_general3A_125 : vector<512x128xf32> to vector<1x512x128xf32>
    tpu.vector_store %arg7[%swap3A_126, %swap3A_127, %swap3A_128], %swap3A_131 {strides = array<i32>} : memref<1x512x128xf32, #tpu.memory_space<vmem>>, vector<1x512x128xf32>,
    return
  }
  func.func @transform_0(%arg0: i32, %arg1: i32) -> (i32, i32, i32) {
    %c0_i32 = arith.constant 0 : i32
    %c0_i32_0 = arith.constant 0 : i32
    return %arg0, %arg1, %c0_i32 : i32, i32, i32
  }
  func.func @transform_1(%arg0: i32, %arg1: i32) -> (i32, i32, i32) {
    %c0_i32 = arith.constant 0 : i32
    %c0_i32_0 = arith.constant 0 : i32
    return %arg0, %arg1, %c0_i32 : i32, i32, i32
  }
  func.func @transform_2(%arg0: i32, %arg1: i32) -> (i32, i32) {
    %c0_i32 = arith.constant 0 : i32
    %c0_i32_0 = arith.constant 0 : i32
    %c0_i32_1 = arith.constant 0 : i32
    return %c0_i32, %c0_i32_0 : i32, i32
  }
  func.func @transform_3(%arg0: i32, %arg1: i32) -> (i32, i32) {
    %c0_i32 = arith.constant 0 : i32
    %c0_i32_0 = arith.constant 0 : i32
    %c0_i32_1 = arith.constant 0 : i32
    return %c0_i32, %c0_i32_0 : i32, i32
  }
  func.func @transform_4(%arg0: i32, %arg1: i32) -> (i32, i32) {
    %c0_i32 = arith.constant 0 : i32
    %c0_i32_0 = arith.constant 0 : i32
    %c0_i32_1 = arith.constant 0 : i32
    return %c0_i32, %c0_i32_0 : i32, i32
  }
  func.func @transform_5(%arg0: i32, %arg1: i32) -> (i32, i32, i32) {
    %c0_i32 = arith.constant 0 : i32
    %c0_i32_0 = arith.constant 0 : i32
    return %arg0, %arg1, %c0_i32 : i32, i32, i32
  }
  func.func @transform_6(%arg0: i32, %arg1: i32) -> (i32, i32) {
    %c0_i32 = arith.constant 0 : i32
    %c0_i32_0 = arith.constant 0 : i32
    %c0_i32_1 = arith.constant 0 : i32
    return %c0_i32, %c0_i32_0 : i32, i32
  }
}

module attributes {stable_mosaic.version = 14 : i64} {
  func.func @stage_c2(%arg0: i32, %arg1: i32, %arg2: memref<1x512x3xf32, #tpu.memory_space<vmem>>, %arg3: memref<1x512x1024xf32, #tpu.memory_space<vmem>>, %arg4: memref<1x512x24xf32, #tpu.memory_space<vmem>>, %arg5: memref<10x32xf32, #tpu.memory_space<vmem>>, %arg6: memref<1x32xf32, #tpu.memory_space<vmem>>, %arg7: memref<32x128xf32, #tpu.memory_space<vmem>>, %arg8: memref<1x128xf32, #tpu.memory_space<vmem>>, %arg9: memref<64x3xf32, #tpu.memory_space<vmem>>, %arg10: memref<1x3xf32, #tpu.memory_space<vmem>>, %arg11: memref<1x512x6xf32, #tpu.memory_space<vmem>>, %arg12: memref<1x512x128xf32, #tpu.memory_space<vmem>>) attributes {dimension_semantics = [#tpu.dimension_semantics<arbitrary>, #tpu.dimension_semantics<arbitrary>], iteration_bounds = array<i64: 2, 8>, scalar_prefetch = 0 : i64, scratch_operands = 0 : i64, tpu.core_type = #tpu.core_type<tc>, window_params = [{transform_indices = @transform_0, window_bounds = array<i64: 1, 512, 3>}, {transform_indices = @transform_1, window_bounds = array<i64: 1, 512, 1024>}, {transform_indices = @transform_2, window_bounds = array<i64: 1, 512, 24>}, {pipeline_mode = #tpu.pipeline_mode<synchronous>, transform_indices = @transform_3, window_bounds = array<i64: 10, 32>}, {pipeline_mode = #tpu.pipeline_mode<synchronous>, transform_indices = @transform_4, window_bounds = array<i64: 1, 32>}, {pipeline_mode = #tpu.pipeline_mode<synchronous>, transform_indices = @transform_5, window_bounds = array<i64: 32, 128>}, {pipeline_mode = #tpu.pipeline_mode<synchronous>, transform_indices = @transform_6, window_bounds = array<i64: 1, 128>}, {pipeline_mode = #tpu.pipeline_mode<synchronous>, transform_indices = @transform_7, window_bounds = array<i64: 64, 3>}, {pipeline_mode = #tpu.pipeline_mode<synchronous>, transform_indices = @transform_8, window_bounds = array<i64: 1, 3>}, {transform_indices = @transform_9, window_bounds = array<i64: 1, 512, 6>}, {transform_indices = @transform_10, window_bounds = array<i64: 1, 512, 128>}]} {
    %get3A = arith.constant 0 : index
    %get3A_0 = arith.constant 0 : index
    %get3A_1 = arith.constant 0 : index
    %get3A_2 = vector.load %arg2[%get3A, %get3A_0, %get3A_1] : memref<1x512x3xf32, #tpu.memory_space<vmem>>, vector<1x512x3xf32>
    %get3A_3 = vector.shape_cast %get3A_2 : vector<1x512x3xf32> to vector<512x3xf32>
    %get3A_4 = arith.constant 0 : index
    %get3A_5 = arith.constant 0 : index
    %get3A_6 = arith.constant 0 : index
    %get3A_7 = vector.load %arg3[%get3A_4, %get3A_5, %get3A_6] : memref<1x512x1024xf32, #tpu.memory_space<vmem>>, vector<1x512x1024xf32>
    %get3A_8 = vector.shape_cast %get3A_7 : vector<1x512x1024xf32> to vector<512x1024xf32>
    %get3A_9 = arith.constant 0 : index
    %get3A_10 = arith.constant 0 : index
    %get3A_11 = arith.constant 0 : index
    %get3A_12 = vector.load %arg4[%get3A_9, %get3A_10, %get3A_11] : memref<1x512x24xf32, #tpu.memory_space<vmem>>, vector<1x512x24xf32>
    %get3A_13 = vector.shape_cast %get3A_12 : vector<1x512x24xf32> to vector<512x24xf32>
    %broadcast_in_dim3A = arith.constant 0xFF800000 : f32
    %broadcast_in_dim3A_14 = vector.broadcast %broadcast_in_dim3A : f32 to vector<512x128xf32>
    %slice3A = vector.extract_strided_slice %get3A_8 {offsets = [0, 0], sizes = [512, 128], strides = [1, 1]} : vector<512x1024xf32> to vector<512x128xf32>
    %slice3A_15 = vector.extract_strided_slice %get3A_13 {offsets = [0, 0], sizes = [512, 3], strides = [1, 1]} : vector<512x24xf32> to vector<512x3xf32>
    %sub3A = arith.subf %slice3A_15, %get3A_3 : vector<512x3xf32>
    %slice3A_16 = vector.extract_strided_slice %sub3A {offsets = [0, 0], sizes = [512, 1], strides = [1, 1]} : vector<512x3xf32> to vector<512x1xf32>
    %slice3A_17 = vector.extract_strided_slice %sub3A {offsets = [0, 0], sizes = [512, 1], strides = [1, 1]} : vector<512x3xf32> to vector<512x1xf32>
    %mul3A = arith.mulf %slice3A_16, %slice3A_17 : vector<512x1xf32>
    %slice3A_18 = vector.extract_strided_slice %sub3A {offsets = [0, 1], sizes = [512, 1], strides = [1, 1]} : vector<512x3xf32> to vector<512x1xf32>
    %slice3A_19 = vector.extract_strided_slice %sub3A {offsets = [0, 1], sizes = [512, 1], strides = [1, 1]} : vector<512x3xf32> to vector<512x1xf32>
    %mul3A_20 = arith.mulf %slice3A_18, %slice3A_19 : vector<512x1xf32>
    %slice3A_21 = vector.extract_strided_slice %sub3A {offsets = [0, 2], sizes = [512, 1], strides = [1, 1]} : vector<512x3xf32> to vector<512x1xf32>
    %slice3A_22 = vector.extract_strided_slice %sub3A {offsets = [0, 2], sizes = [512, 1], strides = [1, 1]} : vector<512x3xf32> to vector<512x1xf32>
    %mul3A_23 = arith.mulf %slice3A_21, %slice3A_22 : vector<512x1xf32>
    %add3A = arith.addf %mul3A, %mul3A_23 : vector<512x1xf32>
    %add3A_24 = arith.addf %add3A, %mul3A_20 : vector<512x1xf32>
    %add3A_25 = arith.constant 9.99999996E-13 : f32
    %add3A_26 = vector.broadcast %add3A_25 : f32 to vector<512x1xf32>
    %add3A_27 = arith.addf %add3A_24, %add3A_26 : vector<512x1xf32>
    %sqrt3A = math.sqrt %add3A_27 : vector<512x1xf32>
    %concatenate3A = tpu.concatenate %sub3A, %sqrt3A, %get3A_3, %slice3A_15 in 1 : vector<512x3xf32>, vector<512x1xf32>, vector<512x3xf32>, vector<512x3xf32> -> vector<512x10xf32>
    %get3A_28 = arith.constant 0 : index
    %get3A_29 = arith.constant 0 : index
    %get3A_30 = vector.load %arg5[%get3A_28, %get3A_29] : memref<10x32xf32, #tpu.memory_space<vmem>>, vector<10x32xf32>
    %dot_general3A = arith.constant dense<0.000000e+00> : vector<512x32xf32>
    %dot_general3A_31 = tpu.matmul %concatenate3A, %get3A_30, %dot_general3A {dimension_numbers = #tpu.dot_dimension_numbers<[1], [0], [0], [1], [0, 0, 1, 1], [], []>, transpose_lhs_hint = false} : vector<512x10xf32>, vector<10x32xf32>, vector<512x32xf32> -> vector<512x32xf32>
    %get3A_32 = arith.constant 0 : index
    %get3A_33 = arith.constant 0 : index
    %get3A_34 = vector.load %arg6[%get3A_32, %get3A_33] : memref<1x32xf32, #tpu.memory_space<vmem>>, vector<1x32xf32>
    %add3A_35 = vector.broadcast %get3A_34 : vector<1x32xf32> to vector<512x32xf32>
    %add3A_36 = arith.addf %dot_general3A_31, %add3A_35 : vector<512x32xf32>
    %gt3A = arith.constant 0.000000e+00 : f32
    %gt3A_37 = vector.broadcast %gt3A : f32 to vector<512x32xf32>
    %gt3A_38 = arith.cmpf ogt, %add3A_36, %gt3A_37 : vector<512x32xf32>
    %mul3A_39 = arith.constant 2.000000e-01 : f32
    %mul3A_40 = vector.broadcast %mul3A_39 : f32 to vector<512x32xf32>
    %mul3A_41 = arith.mulf %mul3A_40, %add3A_36 : vector<512x32xf32>
    %select_n3A = arith.select %gt3A_38, %add3A_36, %mul3A_41 : vector<512x32xi1>, vector<512x32xf32>
    %get3A_42 = arith.constant 0 : index
    %get3A_43 = arith.constant 0 : index
    %get3A_44 = vector.load %arg7[%get3A_42, %get3A_43] : memref<32x128xf32, #tpu.memory_space<vmem>>, vector<32x128xf32>
    %dot_general3A_45 = arith.constant dense<0.000000e+00> : vector<512x128xf32>
    %dot_general3A_46 = tpu.matmul %select_n3A, %get3A_44, %dot_general3A_45 {dimension_numbers = #tpu.dot_dimension_numbers<[1], [0], [0], [1], [0, 0, 1, 1], [], []>, transpose_lhs_hint = false} : vector<512x32xf32>, vector<32x128xf32>, vector<512x128xf32> -> vector<512x128xf32>
    %add3A_47 = arith.addf %slice3A, %dot_general3A_46 : vector<512x128xf32>
    %get3A_48 = arith.constant 0 : index
    %get3A_49 = arith.constant 0 : index
    %get3A_50 = vector.load %arg8[%get3A_48, %get3A_49] : memref<1x128xf32, #tpu.memory_space<vmem>>, vector<1x128xf32>
    %add3A_51 = vector.broadcast %get3A_50 : vector<1x128xf32> to vector<512x128xf32>
    %add3A_52 = arith.addf %add3A_47, %add3A_51 : vector<512x128xf32>
    %max3A = arith.maximumf %broadcast_in_dim3A_14, %add3A_52 : vector<512x128xf32>
    %slice3A_53 = vector.extract_strided_slice %get3A_8 {offsets = [0, 128], sizes = [512, 128], strides = [1, 1]} : vector<512x1024xf32> to vector<512x128xf32>
    %slice3A_54 = vector.extract_strided_slice %get3A_13 {offsets = [0, 3], sizes = [512, 3], strides = [1, 1]} : vector<512x24xf32> to vector<512x3xf32>
    %sub3A_55 = arith.subf %slice3A_54, %get3A_3 : vector<512x3xf32>
    %slice3A_56 = vector.extract_strided_slice %sub3A_55 {offsets = [0, 0], sizes = [512, 1], strides = [1, 1]} : vector<512x3xf32> to vector<512x1xf32>
    %slice3A_57 = vector.extract_strided_slice %sub3A_55 {offsets = [0, 0], sizes = [512, 1], strides = [1, 1]} : vector<512x3xf32> to vector<512x1xf32>
    %mul3A_58 = arith.mulf %slice3A_56, %slice3A_57 : vector<512x1xf32>
    %slice3A_59 = vector.extract_strided_slice %sub3A_55 {offsets = [0, 1], sizes = [512, 1], strides = [1, 1]} : vector<512x3xf32> to vector<512x1xf32>
    %slice3A_60 = vector.extract_strided_slice %sub3A_55 {offsets = [0, 1], sizes = [512, 1], strides = [1, 1]} : vector<512x3xf32> to vector<512x1xf32>
    %mul3A_61 = arith.mulf %slice3A_59, %slice3A_60 : vector<512x1xf32>
    %slice3A_62 = vector.extract_strided_slice %sub3A_55 {offsets = [0, 2], sizes = [512, 1], strides = [1, 1]} : vector<512x3xf32> to vector<512x1xf32>
    %slice3A_63 = vector.extract_strided_slice %sub3A_55 {offsets = [0, 2], sizes = [512, 1], strides = [1, 1]} : vector<512x3xf32> to vector<512x1xf32>
    %mul3A_64 = arith.mulf %slice3A_62, %slice3A_63 : vector<512x1xf32>
    %add3A_65 = arith.addf %mul3A_58, %mul3A_64 : vector<512x1xf32>
    %add3A_66 = arith.addf %add3A_65, %mul3A_61 : vector<512x1xf32>
    %add3A_67 = arith.constant 9.99999996E-13 : f32
    %add3A_68 = vector.broadcast %add3A_67 : f32 to vector<512x1xf32>
    %add3A_69 = arith.addf %add3A_66, %add3A_68 : vector<512x1xf32>
    %sqrt3A_70 = math.sqrt %add3A_69 : vector<512x1xf32>
    %concatenate3A_71 = tpu.concatenate %sub3A_55, %sqrt3A_70, %get3A_3, %slice3A_54 in 1 : vector<512x3xf32>, vector<512x1xf32>, vector<512x3xf32>, vector<512x3xf32> -> vector<512x10xf32>
    %get3A_72 = arith.constant 0 : index
    %get3A_73 = arith.constant 0 : index
    %get3A_74 = vector.load %arg5[%get3A_72, %get3A_73] : memref<10x32xf32, #tpu.memory_space<vmem>>, vector<10x32xf32>
    %dot_general3A_75 = arith.constant dense<0.000000e+00> : vector<512x32xf32>
    %dot_general3A_76 = tpu.matmul %concatenate3A_71, %get3A_74, %dot_general3A_75 {dimension_numbers = #tpu.dot_dimension_numbers<[1], [0], [0], [1], [0, 0, 1, 1], [], []>, transpose_lhs_hint = false} : vector<512x10xf32>, vector<10x32xf32>, vector<512x32xf32> -> vector<512x32xf32>
    %get3A_77 = arith.constant 0 : index
    %get3A_78 = arith.constant 0 : index
    %get3A_79 = vector.load %arg6[%get3A_77, %get3A_78] : memref<1x32xf32, #tpu.memory_space<vmem>>, vector<1x32xf32>
    %add3A_80 = vector.broadcast %get3A_79 : vector<1x32xf32> to vector<512x32xf32>
    %add3A_81 = arith.addf %dot_general3A_76, %add3A_80 : vector<512x32xf32>
    %gt3A_82 = arith.constant 0.000000e+00 : f32
    %gt3A_83 = vector.broadcast %gt3A_82 : f32 to vector<512x32xf32>
    %gt3A_84 = arith.cmpf ogt, %add3A_81, %gt3A_83 : vector<512x32xf32>
    %mul3A_85 = arith.constant 2.000000e-01 : f32
    %mul3A_86 = vector.broadcast %mul3A_85 : f32 to vector<512x32xf32>
    %mul3A_87 = arith.mulf %mul3A_86, %add3A_81 : vector<512x32xf32>
    %select_n3A_88 = arith.select %gt3A_84, %add3A_81, %mul3A_87 : vector<512x32xi1>, vector<512x32xf32>
    %get3A_89 = arith.constant 0 : index
    %get3A_90 = arith.constant 0 : index
    %get3A_91 = vector.load %arg7[%get3A_89, %get3A_90] : memref<32x128xf32, #tpu.memory_space<vmem>>, vector<32x128xf32>
    %dot_general3A_92 = arith.constant dense<0.000000e+00> : vector<512x128xf32>
    %dot_general3A_93 = tpu.matmul %select_n3A_88, %get3A_91, %dot_general3A_92 {dimension_numbers = #tpu.dot_dimension_numbers<[1], [0], [0], [1], [0, 0, 1, 1], [], []>, transpose_lhs_hint = false} : vector<512x32xf32>, vector<32x128xf32>, vector<512x128xf32> -> vector<512x128xf32>
    %add3A_94 = arith.addf %slice3A_53, %dot_general3A_93 : vector<512x128xf32>
    %get3A_95 = arith.constant 0 : index
    %get3A_96 = arith.constant 0 : index
    %get3A_97 = vector.load %arg8[%get3A_95, %get3A_96] : memref<1x128xf32, #tpu.memory_space<vmem>>, vector<1x128xf32>
    %add3A_98 = vector.broadcast %get3A_97 : vector<1x128xf32> to vector<512x128xf32>
    %add3A_99 = arith.addf %add3A_94, %add3A_98 : vector<512x128xf32>
    %max3A_100 = arith.maximumf %max3A, %add3A_99 : vector<512x128xf32>
    %slice3A_101 = vector.extract_strided_slice %get3A_8 {offsets = [0, 256], sizes = [512, 128], strides = [1, 1]} : vector<512x1024xf32> to vector<512x128xf32>
    %slice3A_102 = vector.extract_strided_slice %get3A_13 {offsets = [0, 6], sizes = [512, 3], strides = [1, 1]} : vector<512x24xf32> to vector<512x3xf32>
    %sub3A_103 = arith.subf %slice3A_102, %get3A_3 : vector<512x3xf32>
    %slice3A_104 = vector.extract_strided_slice %sub3A_103 {offsets = [0, 0], sizes = [512, 1], strides = [1, 1]} : vector<512x3xf32> to vector<512x1xf32>
    %slice3A_105 = vector.extract_strided_slice %sub3A_103 {offsets = [0, 0], sizes = [512, 1], strides = [1, 1]} : vector<512x3xf32> to vector<512x1xf32>
    %mul3A_106 = arith.mulf %slice3A_104, %slice3A_105 : vector<512x1xf32>
    %slice3A_107 = vector.extract_strided_slice %sub3A_103 {offsets = [0, 1], sizes = [512, 1], strides = [1, 1]} : vector<512x3xf32> to vector<512x1xf32>
    %slice3A_108 = vector.extract_strided_slice %sub3A_103 {offsets = [0, 1], sizes = [512, 1], strides = [1, 1]} : vector<512x3xf32> to vector<512x1xf32>
    %mul3A_109 = arith.mulf %slice3A_107, %slice3A_108 : vector<512x1xf32>
    %slice3A_110 = vector.extract_strided_slice %sub3A_103 {offsets = [0, 2], sizes = [512, 1], strides = [1, 1]} : vector<512x3xf32> to vector<512x1xf32>
    %slice3A_111 = vector.extract_strided_slice %sub3A_103 {offsets = [0, 2], sizes = [512, 1], strides = [1, 1]} : vector<512x3xf32> to vector<512x1xf32>
    %mul3A_112 = arith.mulf %slice3A_110, %slice3A_111 : vector<512x1xf32>
    %add3A_113 = arith.addf %mul3A_106, %mul3A_112 : vector<512x1xf32>
    %add3A_114 = arith.addf %add3A_113, %mul3A_109 : vector<512x1xf32>
    %add3A_115 = arith.constant 9.99999996E-13 : f32
    %add3A_116 = vector.broadcast %add3A_115 : f32 to vector<512x1xf32>
    %add3A_117 = arith.addf %add3A_114, %add3A_116 : vector<512x1xf32>
    %sqrt3A_118 = math.sqrt %add3A_117 : vector<512x1xf32>
    %concatenate3A_119 = tpu.concatenate %sub3A_103, %sqrt3A_118, %get3A_3, %slice3A_102 in 1 : vector<512x3xf32>, vector<512x1xf32>, vector<512x3xf32>, vector<512x3xf32> -> vector<512x10xf32>
    %get3A_120 = arith.constant 0 : index
    %get3A_121 = arith.constant 0 : index
    %get3A_122 = vector.load %arg5[%get3A_120, %get3A_121] : memref<10x32xf32, #tpu.memory_space<vmem>>, vector<10x32xf32>
    %dot_general3A_123 = arith.constant dense<0.000000e+00> : vector<512x32xf32>
    %dot_general3A_124 = tpu.matmul %concatenate3A_119, %get3A_122, %dot_general3A_123 {dimension_numbers = #tpu.dot_dimension_numbers<[1], [0], [0], [1], [0, 0, 1, 1], [], []>, transpose_lhs_hint = false} : vector<512x10xf32>, vector<10x32xf32>, vector<512x32xf32> -> vector<512x32xf32>
    %get3A_125 = arith.constant 0 : index
    %get3A_126 = arith.constant 0 : index
    %get3A_127 = vector.load %arg6[%get3A_125, %get3A_126] : memref<1x32xf32, #tpu.memory_space<vmem>>, vector<1x32xf32>
    %add3A_128 = vector.broadcast %get3A_127 : vector<1x32xf32> to vector<512x32xf32>
    %add3A_129 = arith.addf %dot_general3A_124, %add3A_128 : vector<512x32xf32>
    %gt3A_130 = arith.constant 0.000000e+00 : f32
    %gt3A_131 = vector.broadcast %gt3A_130 : f32 to vector<512x32xf32>
    %gt3A_132 = arith.cmpf ogt, %add3A_129, %gt3A_131 : vector<512x32xf32>
    %mul3A_133 = arith.constant 2.000000e-01 : f32
    %mul3A_134 = vector.broadcast %mul3A_133 : f32 to vector<512x32xf32>
    %mul3A_135 = arith.mulf %mul3A_134, %add3A_129 : vector<512x32xf32>
    %select_n3A_136 = arith.select %gt3A_132, %add3A_129, %mul3A_135 : vector<512x32xi1>, vector<512x32xf32>
    %get3A_137 = arith.constant 0 : index
    %get3A_138 = arith.constant 0 : index
    %get3A_139 = vector.load %arg7[%get3A_137, %get3A_138] : memref<32x128xf32, #tpu.memory_space<vmem>>, vector<32x128xf32>
    %dot_general3A_140 = arith.constant dense<0.000000e+00> : vector<512x128xf32>
    %dot_general3A_141 = tpu.matmul %select_n3A_136, %get3A_139, %dot_general3A_140 {dimension_numbers = #tpu.dot_dimension_numbers<[1], [0], [0], [1], [0, 0, 1, 1], [], []>, transpose_lhs_hint = false} : vector<512x32xf32>, vector<32x128xf32>, vector<512x128xf32> -> vector<512x128xf32>
    %add3A_142 = arith.addf %slice3A_101, %dot_general3A_141 : vector<512x128xf32>
    %get3A_143 = arith.constant 0 : index
    %get3A_144 = arith.constant 0 : index
    %get3A_145 = vector.load %arg8[%get3A_143, %get3A_144] : memref<1x128xf32, #tpu.memory_space<vmem>>, vector<1x128xf32>
    %add3A_146 = vector.broadcast %get3A_145 : vector<1x128xf32> to vector<512x128xf32>
    %add3A_147 = arith.addf %add3A_142, %add3A_146 : vector<512x128xf32>
    %max3A_148 = arith.maximumf %max3A_100, %add3A_147 : vector<512x128xf32>
    %slice3A_149 = vector.extract_strided_slice %get3A_8 {offsets = [0, 384], sizes = [512, 128], strides = [1, 1]} : vector<512x1024xf32> to vector<512x128xf32>
    %slice3A_150 = vector.extract_strided_slice %get3A_13 {offsets = [0, 9], sizes = [512, 3], strides = [1, 1]} : vector<512x24xf32> to vector<512x3xf32>
    %sub3A_151 = arith.subf %slice3A_150, %get3A_3 : vector<512x3xf32>
    %slice3A_152 = vector.extract_strided_slice %sub3A_151 {offsets = [0, 0], sizes = [512, 1], strides = [1, 1]} : vector<512x3xf32> to vector<512x1xf32>
    %slice3A_153 = vector.extract_strided_slice %sub3A_151 {offsets = [0, 0], sizes = [512, 1], strides = [1, 1]} : vector<512x3xf32> to vector<512x1xf32>
    %mul3A_154 = arith.mulf %slice3A_152, %slice3A_153 : vector<512x1xf32>
    %slice3A_155 = vector.extract_strided_slice %sub3A_151 {offsets = [0, 1], sizes = [512, 1], strides = [1, 1]} : vector<512x3xf32> to vector<512x1xf32>
    %slice3A_156 = vector.extract_strided_slice %sub3A_151 {offsets = [0, 1], sizes = [512, 1], strides = [1, 1]} : vector<512x3xf32> to vector<512x1xf32>
    %mul3A_157 = arith.mulf %slice3A_155, %slice3A_156 : vector<512x1xf32>
    %slice3A_158 = vector.extract_strided_slice %sub3A_151 {offsets = [0, 2], sizes = [512, 1], strides = [1, 1]} : vector<512x3xf32> to vector<512x1xf32>
    %slice3A_159 = vector.extract_strided_slice %sub3A_151 {offsets = [0, 2], sizes = [512, 1], strides = [1, 1]} : vector<512x3xf32> to vector<512x1xf32>
    %mul3A_160 = arith.mulf %slice3A_158, %slice3A_159 : vector<512x1xf32>
    %add3A_161 = arith.addf %mul3A_154, %mul3A_160 : vector<512x1xf32>
    %add3A_162 = arith.addf %add3A_161, %mul3A_157 : vector<512x1xf32>
    %add3A_163 = arith.constant 9.99999996E-13 : f32
    %add3A_164 = vector.broadcast %add3A_163 : f32 to vector<512x1xf32>
    %add3A_165 = arith.addf %add3A_162, %add3A_164 : vector<512x1xf32>
    %sqrt3A_166 = math.sqrt %add3A_165 : vector<512x1xf32>
    %concatenate3A_167 = tpu.concatenate %sub3A_151, %sqrt3A_166, %get3A_3, %slice3A_150 in 1 : vector<512x3xf32>, vector<512x1xf32>, vector<512x3xf32>, vector<512x3xf32> -> vector<512x10xf32>
    %get3A_168 = arith.constant 0 : index
    %get3A_169 = arith.constant 0 : index
    %get3A_170 = vector.load %arg5[%get3A_168, %get3A_169] : memref<10x32xf32, #tpu.memory_space<vmem>>, vector<10x32xf32>
    %dot_general3A_171 = arith.constant dense<0.000000e+00> : vector<512x32xf32>
    %dot_general3A_172 = tpu.matmul %concatenate3A_167, %get3A_170, %dot_general3A_171 {dimension_numbers = #tpu.dot_dimension_numbers<[1], [0], [0], [1], [0, 0, 1, 1], [], []>, transpose_lhs_hint = false} : vector<512x10xf32>, vector<10x32xf32>, vector<512x32xf32> -> vector<512x32xf32>
    %get3A_173 = arith.constant 0 : index
    %get3A_174 = arith.constant 0 : index
    %get3A_175 = vector.load %arg6[%get3A_173, %get3A_174] : memref<1x32xf32, #tpu.memory_space<vmem>>, vector<1x32xf32>
    %add3A_176 = vector.broadcast %get3A_175 : vector<1x32xf32> to vector<512x32xf32>
    %add3A_177 = arith.addf %dot_general3A_172, %add3A_176 : vector<512x32xf32>
    %gt3A_178 = arith.constant 0.000000e+00 : f32
    %gt3A_179 = vector.broadcast %gt3A_178 : f32 to vector<512x32xf32>
    %gt3A_180 = arith.cmpf ogt, %add3A_177, %gt3A_179 : vector<512x32xf32>
    %mul3A_181 = arith.constant 2.000000e-01 : f32
    %mul3A_182 = vector.broadcast %mul3A_181 : f32 to vector<512x32xf32>
    %mul3A_183 = arith.mulf %mul3A_182, %add3A_177 : vector<512x32xf32>
    %select_n3A_184 = arith.select %gt3A_180, %add3A_177, %mul3A_183 : vector<512x32xi1>, vector<512x32xf32>
    %get3A_185 = arith.constant 0 : index
    %get3A_186 = arith.constant 0 : index
    %get3A_187 = vector.load %arg7[%get3A_185, %get3A_186] : memref<32x128xf32, #tpu.memory_space<vmem>>, vector<32x128xf32>
    %dot_general3A_188 = arith.constant dense<0.000000e+00> : vector<512x128xf32>
    %dot_general3A_189 = tpu.matmul %select_n3A_184, %get3A_187, %dot_general3A_188 {dimension_numbers = #tpu.dot_dimension_numbers<[1], [0], [0], [1], [0, 0, 1, 1], [], []>, transpose_lhs_hint = false} : vector<512x32xf32>, vector<32x128xf32>, vector<512x128xf32> -> vector<512x128xf32>
    %add3A_190 = arith.addf %slice3A_149, %dot_general3A_189 : vector<512x128xf32>
    %get3A_191 = arith.constant 0 : index
    %get3A_192 = arith.constant 0 : index
    %get3A_193 = vector.load %arg8[%get3A_191, %get3A_192] : memref<1x128xf32, #tpu.memory_space<vmem>>, vector<1x128xf32>
    %add3A_194 = vector.broadcast %get3A_193 : vector<1x128xf32> to vector<512x128xf32>
    %add3A_195 = arith.addf %add3A_190, %add3A_194 : vector<512x128xf32>
    %max3A_196 = arith.maximumf %max3A_148, %add3A_195 : vector<512x128xf32>
    %slice3A_197 = vector.extract_strided_slice %get3A_8 {offsets = [0, 512], sizes = [512, 128], strides = [1, 1]} : vector<512x1024xf32> to vector<512x128xf32>
    %slice3A_198 = vector.extract_strided_slice %get3A_13 {offsets = [0, 12], sizes = [512, 3], strides = [1, 1]} : vector<512x24xf32> to vector<512x3xf32>
    %sub3A_199 = arith.subf %slice3A_198, %get3A_3 : vector<512x3xf32>
    %slice3A_200 = vector.extract_strided_slice %sub3A_199 {offsets = [0, 0], sizes = [512, 1], strides = [1, 1]} : vector<512x3xf32> to vector<512x1xf32>
    %slice3A_201 = vector.extract_strided_slice %sub3A_199 {offsets = [0, 0], sizes = [512, 1], strides = [1, 1]} : vector<512x3xf32> to vector<512x1xf32>
    %mul3A_202 = arith.mulf %slice3A_200, %slice3A_201 : vector<512x1xf32>
    %slice3A_203 = vector.extract_strided_slice %sub3A_199 {offsets = [0, 1], sizes = [512, 1], strides = [1, 1]} : vector<512x3xf32> to vector<512x1xf32>
    %slice3A_204 = vector.extract_strided_slice %sub3A_199 {offsets = [0, 1], sizes = [512, 1], strides = [1, 1]} : vector<512x3xf32> to vector<512x1xf32>
    %mul3A_205 = arith.mulf %slice3A_203, %slice3A_204 : vector<512x1xf32>
    %slice3A_206 = vector.extract_strided_slice %sub3A_199 {offsets = [0, 2], sizes = [512, 1], strides = [1, 1]} : vector<512x3xf32> to vector<512x1xf32>
    %slice3A_207 = vector.extract_strided_slice %sub3A_199 {offsets = [0, 2], sizes = [512, 1], strides = [1, 1]} : vector<512x3xf32> to vector<512x1xf32>
    %mul3A_208 = arith.mulf %slice3A_206, %slice3A_207 : vector<512x1xf32>
    %add3A_209 = arith.addf %mul3A_202, %mul3A_208 : vector<512x1xf32>
    %add3A_210 = arith.addf %add3A_209, %mul3A_205 : vector<512x1xf32>
    %add3A_211 = arith.constant 9.99999996E-13 : f32
    %add3A_212 = vector.broadcast %add3A_211 : f32 to vector<512x1xf32>
    %add3A_213 = arith.addf %add3A_210, %add3A_212 : vector<512x1xf32>
    %sqrt3A_214 = math.sqrt %add3A_213 : vector<512x1xf32>
    %concatenate3A_215 = tpu.concatenate %sub3A_199, %sqrt3A_214, %get3A_3, %slice3A_198 in 1 : vector<512x3xf32>, vector<512x1xf32>, vector<512x3xf32>, vector<512x3xf32> -> vector<512x10xf32>
    %get3A_216 = arith.constant 0 : index
    %get3A_217 = arith.constant 0 : index
    %get3A_218 = vector.load %arg5[%get3A_216, %get3A_217] : memref<10x32xf32, #tpu.memory_space<vmem>>, vector<10x32xf32>
    %dot_general3A_219 = arith.constant dense<0.000000e+00> : vector<512x32xf32>
    %dot_general3A_220 = tpu.matmul %concatenate3A_215, %get3A_218, %dot_general3A_219 {dimension_numbers = #tpu.dot_dimension_numbers<[1], [0], [0], [1], [0, 0, 1, 1], [], []>, transpose_lhs_hint = false} : vector<512x10xf32>, vector<10x32xf32>, vector<512x32xf32> -> vector<512x32xf32>
    %get3A_221 = arith.constant 0 : index
    %get3A_222 = arith.constant 0 : index
    %get3A_223 = vector.load %arg6[%get3A_221, %get3A_222] : memref<1x32xf32, #tpu.memory_space<vmem>>, vector<1x32xf32>
    %add3A_224 = vector.broadcast %get3A_223 : vector<1x32xf32> to vector<512x32xf32>
    %add3A_225 = arith.addf %dot_general3A_220, %add3A_224 : vector<512x32xf32>
    %gt3A_226 = arith.constant 0.000000e+00 : f32
    %gt3A_227 = vector.broadcast %gt3A_226 : f32 to vector<512x32xf32>
    %gt3A_228 = arith.cmpf ogt, %add3A_225, %gt3A_227 : vector<512x32xf32>
    %mul3A_229 = arith.constant 2.000000e-01 : f32
    %mul3A_230 = vector.broadcast %mul3A_229 : f32 to vector<512x32xf32>
    %mul3A_231 = arith.mulf %mul3A_230, %add3A_225 : vector<512x32xf32>
    %select_n3A_232 = arith.select %gt3A_228, %add3A_225, %mul3A_231 : vector<512x32xi1>, vector<512x32xf32>
    %get3A_233 = arith.constant 0 : index
    %get3A_234 = arith.constant 0 : index
    %get3A_235 = vector.load %arg7[%get3A_233, %get3A_234] : memref<32x128xf32, #tpu.memory_space<vmem>>, vector<32x128xf32>
    %dot_general3A_236 = arith.constant dense<0.000000e+00> : vector<512x128xf32>
    %dot_general3A_237 = tpu.matmul %select_n3A_232, %get3A_235, %dot_general3A_236 {dimension_numbers = #tpu.dot_dimension_numbers<[1], [0], [0], [1], [0, 0, 1, 1], [], []>, transpose_lhs_hint = false} : vector<512x32xf32>, vector<32x128xf32>, vector<512x128xf32> -> vector<512x128xf32>
    %add3A_238 = arith.addf %slice3A_197, %dot_general3A_237 : vector<512x128xf32>
    %get3A_239 = arith.constant 0 : index
    %get3A_240 = arith.constant 0 : index
    %get3A_241 = vector.load %arg8[%get3A_239, %get3A_240] : memref<1x128xf32, #tpu.memory_space<vmem>>, vector<1x128xf32>
    %add3A_242 = vector.broadcast %get3A_241 : vector<1x128xf32> to vector<512x128xf32>
    %add3A_243 = arith.addf %add3A_238, %add3A_242 : vector<512x128xf32>
    %max3A_244 = arith.maximumf %max3A_196, %add3A_243 : vector<512x128xf32>
    %slice3A_245 = vector.extract_strided_slice %get3A_8 {offsets = [0, 640], sizes = [512, 128], strides = [1, 1]} : vector<512x1024xf32> to vector<512x128xf32>
    %slice3A_246 = vector.extract_strided_slice %get3A_13 {offsets = [0, 15], sizes = [512, 3], strides = [1, 1]} : vector<512x24xf32> to vector<512x3xf32>
    %sub3A_247 = arith.subf %slice3A_246, %get3A_3 : vector<512x3xf32>
    %slice3A_248 = vector.extract_strided_slice %sub3A_247 {offsets = [0, 0], sizes = [512, 1], strides = [1, 1]} : vector<512x3xf32> to vector<512x1xf32>
    %slice3A_249 = vector.extract_strided_slice %sub3A_247 {offsets = [0, 0], sizes = [512, 1], strides = [1, 1]} : vector<512x3xf32> to vector<512x1xf32>
    %mul3A_250 = arith.mulf %slice3A_248, %slice3A_249 : vector<512x1xf32>
    %slice3A_251 = vector.extract_strided_slice %sub3A_247 {offsets = [0, 1], sizes = [512, 1], strides = [1, 1]} : vector<512x3xf32> to vector<512x1xf32>
    %slice3A_252 = vector.extract_strided_slice %sub3A_247 {offsets = [0, 1], sizes = [512, 1], strides = [1, 1]} : vector<512x3xf32> to vector<512x1xf32>
    %mul3A_253 = arith.mulf %slice3A_251, %slice3A_252 : vector<512x1xf32>
    %slice3A_254 = vector.extract_strided_slice %sub3A_247 {offsets = [0, 2], sizes = [512, 1], strides = [1, 1]} : vector<512x3xf32> to vector<512x1xf32>
    %slice3A_255 = vector.extract_strided_slice %sub3A_247 {offsets = [0, 2], sizes = [512, 1], strides = [1, 1]} : vector<512x3xf32> to vector<512x1xf32>
    %mul3A_256 = arith.mulf %slice3A_254, %slice3A_255 : vector<512x1xf32>
    %add3A_257 = arith.addf %mul3A_250, %mul3A_256 : vector<512x1xf32>
    %add3A_258 = arith.addf %add3A_257, %mul3A_253 : vector<512x1xf32>
    %add3A_259 = arith.constant 9.99999996E-13 : f32
    %add3A_260 = vector.broadcast %add3A_259 : f32 to vector<512x1xf32>
    %add3A_261 = arith.addf %add3A_258, %add3A_260 : vector<512x1xf32>
    %sqrt3A_262 = math.sqrt %add3A_261 : vector<512x1xf32>
    %concatenate3A_263 = tpu.concatenate %sub3A_247, %sqrt3A_262, %get3A_3, %slice3A_246 in 1 : vector<512x3xf32>, vector<512x1xf32>, vector<512x3xf32>, vector<512x3xf32> -> vector<512x10xf32>
    %get3A_264 = arith.constant 0 : index
    %get3A_265 = arith.constant 0 : index
    %get3A_266 = vector.load %arg5[%get3A_264, %get3A_265] : memref<10x32xf32, #tpu.memory_space<vmem>>, vector<10x32xf32>
    %dot_general3A_267 = arith.constant dense<0.000000e+00> : vector<512x32xf32>
    %dot_general3A_268 = tpu.matmul %concatenate3A_263, %get3A_266, %dot_general3A_267 {dimension_numbers = #tpu.dot_dimension_numbers<[1], [0], [0], [1], [0, 0, 1, 1], [], []>, transpose_lhs_hint = false} : vector<512x10xf32>, vector<10x32xf32>, vector<512x32xf32> -> vector<512x32xf32>
    %get3A_269 = arith.constant 0 : index
    %get3A_270 = arith.constant 0 : index
    %get3A_271 = vector.load %arg6[%get3A_269, %get3A_270] : memref<1x32xf32, #tpu.memory_space<vmem>>, vector<1x32xf32>
    %add3A_272 = vector.broadcast %get3A_271 : vector<1x32xf32> to vector<512x32xf32>
    %add3A_273 = arith.addf %dot_general3A_268, %add3A_272 : vector<512x32xf32>
    %gt3A_274 = arith.constant 0.000000e+00 : f32
    %gt3A_275 = vector.broadcast %gt3A_274 : f32 to vector<512x32xf32>
    %gt3A_276 = arith.cmpf ogt, %add3A_273, %gt3A_275 : vector<512x32xf32>
    %mul3A_277 = arith.constant 2.000000e-01 : f32
    %mul3A_278 = vector.broadcast %mul3A_277 : f32 to vector<512x32xf32>
    %mul3A_279 = arith.mulf %mul3A_278, %add3A_273 : vector<512x32xf32>
    %select_n3A_280 = arith.select %gt3A_276, %add3A_273, %mul3A_279 : vector<512x32xi1>, vector<512x32xf32>
    %get3A_281 = arith.constant 0 : index
    %get3A_282 = arith.constant 0 : index
    %get3A_283 = vector.load %arg7[%get3A_281, %get3A_282] : memref<32x128xf32, #tpu.memory_space<vmem>>, vector<32x128xf32>
    %dot_general3A_284 = arith.constant dense<0.000000e+00> : vector<512x128xf32>
    %dot_general3A_285 = tpu.matmul %select_n3A_280, %get3A_283, %dot_general3A_284 {dimension_numbers = #tpu.dot_dimension_numbers<[1], [0], [0], [1], [0, 0, 1, 1], [], []>, transpose_lhs_hint = false} : vector<512x32xf32>, vector<32x128xf32>, vector<512x128xf32> -> vector<512x128xf32>
    %add3A_286 = arith.addf %slice3A_245, %dot_general3A_285 : vector<512x128xf32>
    %get3A_287 = arith.constant 0 : index
    %get3A_288 = arith.constant 0 : index
    %get3A_289 = vector.load %arg8[%get3A_287, %get3A_288] : memref<1x128xf32, #tpu.memory_space<vmem>>, vector<1x128xf32>
    %add3A_290 = vector.broadcast %get3A_289 : vector<1x128xf32> to vector<512x128xf32>
    %add3A_291 = arith.addf %add3A_286, %add3A_290 : vector<512x128xf32>
    %max3A_292 = arith.maximumf %max3A_244, %add3A_291 : vector<512x128xf32>
    %slice3A_293 = vector.extract_strided_slice %get3A_8 {offsets = [0, 768], sizes = [512, 128], strides = [1, 1]} : vector<512x1024xf32> to vector<512x128xf32>
    %slice3A_294 = vector.extract_strided_slice %get3A_13 {offsets = [0, 18], sizes = [512, 3], strides = [1, 1]} : vector<512x24xf32> to vector<512x3xf32>
    %sub3A_295 = arith.subf %slice3A_294, %get3A_3 : vector<512x3xf32>
    %slice3A_296 = vector.extract_strided_slice %sub3A_295 {offsets = [0, 0], sizes = [512, 1], strides = [1, 1]} : vector<512x3xf32> to vector<512x1xf32>
    %slice3A_297 = vector.extract_strided_slice %sub3A_295 {offsets = [0, 0], sizes = [512, 1], strides = [1, 1]} : vector<512x3xf32> to vector<512x1xf32>
    %mul3A_298 = arith.mulf %slice3A_296, %slice3A_297 : vector<512x1xf32>
    %slice3A_299 = vector.extract_strided_slice %sub3A_295 {offsets = [0, 1], sizes = [512, 1], strides = [1, 1]} : vector<512x3xf32> to vector<512x1xf32>
    %slice3A_300 = vector.extract_strided_slice %sub3A_295 {offsets = [0, 1], sizes = [512, 1], strides = [1, 1]} : vector<512x3xf32> to vector<512x1xf32>
    %mul3A_301 = arith.mulf %slice3A_299, %slice3A_300 : vector<512x1xf32>
    %slice3A_302 = vector.extract_strided_slice %sub3A_295 {offsets = [0, 2], sizes = [512, 1], strides = [1, 1]} : vector<512x3xf32> to vector<512x1xf32>
    %slice3A_303 = vector.extract_strided_slice %sub3A_295 {offsets = [0, 2], sizes = [512, 1], strides = [1, 1]} : vector<512x3xf32> to vector<512x1xf32>
    %mul3A_304 = arith.mulf %slice3A_302, %slice3A_303 : vector<512x1xf32>
    %add3A_305 = arith.addf %mul3A_298, %mul3A_304 : vector<512x1xf32>
    %add3A_306 = arith.addf %add3A_305, %mul3A_301 : vector<512x1xf32>
    %add3A_307 = arith.constant 9.99999996E-13 : f32
    %add3A_308 = vector.broadcast %add3A_307 : f32 to vector<512x1xf32>
    %add3A_309 = arith.addf %add3A_306, %add3A_308 : vector<512x1xf32>
    %sqrt3A_310 = math.sqrt %add3A_309 : vector<512x1xf32>
    %concatenate3A_311 = tpu.concatenate %sub3A_295, %sqrt3A_310, %get3A_3, %slice3A_294 in 1 : vector<512x3xf32>, vector<512x1xf32>, vector<512x3xf32>, vector<512x3xf32> -> vector<512x10xf32>
    %get3A_312 = arith.constant 0 : index
    %get3A_313 = arith.constant 0 : index
    %get3A_314 = vector.load %arg5[%get3A_312, %get3A_313] : memref<10x32xf32, #tpu.memory_space<vmem>>, vector<10x32xf32>
    %dot_general3A_315 = arith.constant dense<0.000000e+00> : vector<512x32xf32>
    %dot_general3A_316 = tpu.matmul %concatenate3A_311, %get3A_314, %dot_general3A_315 {dimension_numbers = #tpu.dot_dimension_numbers<[1], [0], [0], [1], [0, 0, 1, 1], [], []>, transpose_lhs_hint = false} : vector<512x10xf32>, vector<10x32xf32>, vector<512x32xf32> -> vector<512x32xf32>
    %get3A_317 = arith.constant 0 : index
    %get3A_318 = arith.constant 0 : index
    %get3A_319 = vector.load %arg6[%get3A_317, %get3A_318] : memref<1x32xf32, #tpu.memory_space<vmem>>, vector<1x32xf32>
    %add3A_320 = vector.broadcast %get3A_319 : vector<1x32xf32> to vector<512x32xf32>
    %add3A_321 = arith.addf %dot_general3A_316, %add3A_320 : vector<512x32xf32>
    %gt3A_322 = arith.constant 0.000000e+00 : f32
    %gt3A_323 = vector.broadcast %gt3A_322 : f32 to vector<512x32xf32>
    %gt3A_324 = arith.cmpf ogt, %add3A_321, %gt3A_323 : vector<512x32xf32>
    %mul3A_325 = arith.constant 2.000000e-01 : f32
    %mul3A_326 = vector.broadcast %mul3A_325 : f32 to vector<512x32xf32>
    %mul3A_327 = arith.mulf %mul3A_326, %add3A_321 : vector<512x32xf32>
    %select_n3A_328 = arith.select %gt3A_324, %add3A_321, %mul3A_327 : vector<512x32xi1>, vector<512x32xf32>
    %get3A_329 = arith.constant 0 : index
    %get3A_330 = arith.constant 0 : index
    %get3A_331 = vector.load %arg7[%get3A_329, %get3A_330] : memref<32x128xf32, #tpu.memory_space<vmem>>, vector<32x128xf32>
    %dot_general3A_332 = arith.constant dense<0.000000e+00> : vector<512x128xf32>
    %dot_general3A_333 = tpu.matmul %select_n3A_328, %get3A_331, %dot_general3A_332 {dimension_numbers = #tpu.dot_dimension_numbers<[1], [0], [0], [1], [0, 0, 1, 1], [], []>, transpose_lhs_hint = false} : vector<512x32xf32>, vector<32x128xf32>, vector<512x128xf32> -> vector<512x128xf32>
    %add3A_334 = arith.addf %slice3A_293, %dot_general3A_333 : vector<512x128xf32>
    %get3A_335 = arith.constant 0 : index
    %get3A_336 = arith.constant 0 : index
    %get3A_337 = vector.load %arg8[%get3A_335, %get3A_336] : memref<1x128xf32, #tpu.memory_space<vmem>>, vector<1x128xf32>
    %add3A_338 = vector.broadcast %get3A_337 : vector<1x128xf32> to vector<512x128xf32>
    %add3A_339 = arith.addf %add3A_334, %add3A_338 : vector<512x128xf32>
    %max3A_340 = arith.maximumf %max3A_292, %add3A_339 : vector<512x128xf32>
    %slice3A_341 = vector.extract_strided_slice %get3A_8 {offsets = [0, 896], sizes = [512, 128], strides = [1, 1]} : vector<512x1024xf32> to vector<512x128xf32>
    %slice3A_342 = vector.extract_strided_slice %get3A_13 {offsets = [0, 21], sizes = [512, 3], strides = [1, 1]} : vector<512x24xf32> to vector<512x3xf32>
    %sub3A_343 = arith.subf %slice3A_342, %get3A_3 : vector<512x3xf32>
    %slice3A_344 = vector.extract_strided_slice %sub3A_343 {offsets = [0, 0], sizes = [512, 1], strides = [1, 1]} : vector<512x3xf32> to vector<512x1xf32>
    %slice3A_345 = vector.extract_strided_slice %sub3A_343 {offsets = [0, 0], sizes = [512, 1], strides = [1, 1]} : vector<512x3xf32> to vector<512x1xf32>
    %mul3A_346 = arith.mulf %slice3A_344, %slice3A_345 : vector<512x1xf32>
    %slice3A_347 = vector.extract_strided_slice %sub3A_343 {offsets = [0, 1], sizes = [512, 1], strides = [1, 1]} : vector<512x3xf32> to vector<512x1xf32>
    %slice3A_348 = vector.extract_strided_slice %sub3A_343 {offsets = [0, 1], sizes = [512, 1], strides = [1, 1]} : vector<512x3xf32> to vector<512x1xf32>
    %mul3A_349 = arith.mulf %slice3A_347, %slice3A_348 : vector<512x1xf32>
    %slice3A_350 = vector.extract_strided_slice %sub3A_343 {offsets = [0, 2], sizes = [512, 1], strides = [1, 1]} : vector<512x3xf32> to vector<512x1xf32>
    %slice3A_351 = vector.extract_strided_slice %sub3A_343 {offsets = [0, 2], sizes = [512, 1], strides = [1, 1]} : vector<512x3xf32> to vector<512x1xf32>
    %mul3A_352 = arith.mulf %slice3A_350, %slice3A_351 : vector<512x1xf32>
    %add3A_353 = arith.addf %mul3A_346, %mul3A_352 : vector<512x1xf32>
    %add3A_354 = arith.addf %add3A_353, %mul3A_349 : vector<512x1xf32>
    %add3A_355 = arith.constant 9.99999996E-13 : f32
    %add3A_356 = vector.broadcast %add3A_355 : f32 to vector<512x1xf32>
    %add3A_357 = arith.addf %add3A_354, %add3A_356 : vector<512x1xf32>
    %sqrt3A_358 = math.sqrt %add3A_357 : vector<512x1xf32>
    %concatenate3A_359 = tpu.concatenate %sub3A_343, %sqrt3A_358, %get3A_3, %slice3A_342 in 1 : vector<512x3xf32>, vector<512x1xf32>, vector<512x3xf32>, vector<512x3xf32> -> vector<512x10xf32>
    %get3A_360 = arith.constant 0 : index
    %get3A_361 = arith.constant 0 : index
    %get3A_362 = vector.load %arg5[%get3A_360, %get3A_361] : memref<10x32xf32, #tpu.memory_space<vmem>>, vector<10x32xf32>
    %dot_general3A_363 = arith.constant dense<0.000000e+00> : vector<512x32xf32>
    %dot_general3A_364 = tpu.matmul %concatenate3A_359, %get3A_362, %dot_general3A_363 {dimension_numbers = #tpu.dot_dimension_numbers<[1], [0], [0], [1], [0, 0, 1, 1], [], []>, transpose_lhs_hint = false} : vector<512x10xf32>, vector<10x32xf32>, vector<512x32xf32> -> vector<512x32xf32>
    %get3A_365 = arith.constant 0 : index
    %get3A_366 = arith.constant 0 : index
    %get3A_367 = vector.load %arg6[%get3A_365, %get3A_366] : memref<1x32xf32, #tpu.memory_space<vmem>>, vector<1x32xf32>
    %add3A_368 = vector.broadcast %get3A_367 : vector<1x32xf32> to vector<512x32xf32>
    %add3A_369 = arith.addf %dot_general3A_364, %add3A_368 : vector<512x32xf32>
    %gt3A_370 = arith.constant 0.000000e+00 : f32
    %gt3A_371 = vector.broadcast %gt3A_370 : f32 to vector<512x32xf32>
    %gt3A_372 = arith.cmpf ogt, %add3A_369, %gt3A_371 : vector<512x32xf32>
    %mul3A_373 = arith.constant 2.000000e-01 : f32
    %mul3A_374 = vector.broadcast %mul3A_373 : f32 to vector<512x32xf32>
    %mul3A_375 = arith.mulf %mul3A_374, %add3A_369 : vector<512x32xf32>
    %select_n3A_376 = arith.select %gt3A_372, %add3A_369, %mul3A_375 : vector<512x32xi1>, vector<512x32xf32>
    %get3A_377 = arith.constant 0 : index
    %get3A_378 = arith.constant 0 : index
    %get3A_379 = vector.load %arg7[%get3A_377, %get3A_378] : memref<32x128xf32, #tpu.memory_space<vmem>>, vector<32x128xf32>
    %dot_general3A_380 = arith.constant dense<0.000000e+00> : vector<512x128xf32>
    %dot_general3A_381 = tpu.matmul %select_n3A_376, %get3A_379, %dot_general3A_380 {dimension_numbers = #tpu.dot_dimension_numbers<[1], [0], [0], [1], [0, 0, 1, 1], [], []>, transpose_lhs_hint = false} : vector<512x32xf32>, vector<32x128xf32>, vector<512x128xf32> -> vector<512x128xf32>
    %add3A_382 = arith.addf %slice3A_341, %dot_general3A_381 : vector<512x128xf32>
    %get3A_383 = arith.constant 0 : index
    %get3A_384 = arith.constant 0 : index
    %get3A_385 = vector.load %arg8[%get3A_383, %get3A_384] : memref<1x128xf32, #tpu.memory_space<vmem>>, vector<1x128xf32>
    %add3A_386 = vector.broadcast %get3A_385 : vector<1x128xf32> to vector<512x128xf32>
    %add3A_387 = arith.addf %add3A_382, %add3A_386 : vector<512x128xf32>
    %max3A_388 = arith.maximumf %max3A_340, %add3A_387 : vector<512x128xf32>
    %gt3A_389 = arith.constant 0.000000e+00 : f32
    %gt3A_390 = vector.broadcast %gt3A_389 : f32 to vector<512x128xf32>
    %gt3A_391 = arith.cmpf ogt, %max3A_388, %gt3A_390 : vector<512x128xf32>
    %mul3A_392 = arith.constant 2.000000e-01 : f32
    %mul3A_393 = vector.broadcast %mul3A_392 : f32 to vector<512x128xf32>
    %mul3A_394 = arith.mulf %mul3A_393, %max3A_388 : vector<512x128xf32>
    %select_n3A_395 = arith.select %gt3A_391, %max3A_388, %mul3A_394 : vector<512x128xi1>, vector<512x128xf32>
    %swap3A = arith.constant 0 : index
    %swap3A_396 = arith.constant 0 : index
    %swap3A_397 = arith.constant 0 : index
    %swap3A_398 = vector.load %arg12[%swap3A, %swap3A_396, %swap3A_397] : memref<1x512x128xf32, #tpu.memory_space<vmem>>, vector<1x512x128xf32>
    %swap3A_399 = vector.shape_cast %swap3A_398 : vector<1x512x128xf32> to vector<512x128xf32>
    %swap3A_400 = vector.shape_cast %select_n3A_395 : vector<512x128xf32> to vector<1x512x128xf32>
    tpu.vector_store %arg12[%swap3A, %swap3A_396, %swap3A_397], %swap3A_400 {strides = array<i32>} : memref<1x512x128xf32, #tpu.memory_space<vmem>>, vector<1x512x128xf32>,
    %slice3A_401 = vector.extract_strided_slice %select_n3A_395 {offsets = [0, 0], sizes = [512, 64], strides = [1, 1]} : vector<512x128xf32> to vector<512x64xf32>
    %get3A_402 = arith.constant 0 : index
    %get3A_403 = arith.constant 0 : index
    %get3A_404 = vector.load %arg9[%get3A_402, %get3A_403] : memref<64x3xf32, #tpu.memory_space<vmem>>, vector<64x3xf32>
    %dot_general3A_405 = arith.constant dense<0.000000e+00> : vector<512x3xf32>
    %dot_general3A_406 = tpu.matmul %slice3A_401, %get3A_404, %dot_general3A_405 {dimension_numbers = #tpu.dot_dimension_numbers<[1], [0], [0], [1], [0, 0, 1, 1], [], []>, transpose_lhs_hint = false} : vector<512x64xf32>, vector<64x3xf32>, vector<512x3xf32> -> vector<512x3xf32>
    %get3A_407 = arith.constant 0 : index
    %get3A_408 = arith.constant 0 : index
    %get3A_409 = vector.load %arg10[%get3A_407, %get3A_408] : memref<1x3xf32, #tpu.memory_space<vmem>>, vector<1x3xf32>
    %add3A_410 = vector.broadcast %get3A_409 : vector<1x3xf32> to vector<512x3xf32>
    %add3A_411 = arith.addf %dot_general3A_406, %add3A_410 : vector<512x3xf32>
    %slice3A_412 = vector.extract_strided_slice %select_n3A_395 {offsets = [0, 64], sizes = [512, 64], strides = [1, 1]} : vector<512x128xf32> to vector<512x64xf32>
    %get3A_413 = arith.constant 0 : index
    %get3A_414 = arith.constant 0 : index
    %get3A_415 = vector.load %arg9[%get3A_413, %get3A_414] : memref<64x3xf32, #tpu.memory_space<vmem>>, vector<64x3xf32>
    %dot_general3A_416 = arith.constant dense<0.000000e+00> : vector<512x3xf32>
    %dot_general3A_417 = tpu.matmul %slice3A_412, %get3A_415, %dot_general3A_416 {dimension_numbers = #tpu.dot_dimension_numbers<[1], [0], [0], [1], [0, 0, 1, 1], [], []>, transpose_lhs_hint = false} : vector<512x64xf32>, vector<64x3xf32>, vector<512x3xf32> -> vector<512x3xf32>
    %get3A_418 = arith.constant 0 : index
    %get3A_419 = arith.constant 0 : index
    %get3A_420 = vector.load %arg10[%get3A_418, %get3A_419] : memref<1x3xf32, #tpu.memory_space<vmem>>, vector<1x3xf32>
    %add3A_421 = vector.broadcast %get3A_420 : vector<1x3xf32> to vector<512x3xf32>
    %add3A_422 = arith.addf %dot_general3A_417, %add3A_421 : vector<512x3xf32>
    %add3A_423 = arith.addf %get3A_3, %add3A_411 : vector<512x3xf32>
    %add3A_424 = arith.addf %get3A_3, %add3A_422 : vector<512x3xf32>
    %concatenate3A_425 = tpu.concatenate %add3A_423, %add3A_424 in 1 : vector<512x3xf32>, vector<512x3xf32> -> vector<512x6xf32>
    %swap3A_426 = arith.constant 0 : index
    %swap3A_427 = arith.constant 0 : index
    %swap3A_428 = arith.constant 0 : index
    %swap3A_429 = vector.load %arg11[%swap3A_426, %swap3A_427, %swap3A_428] : memref<1x512x6xf32, #tpu.memory_space<vmem>>, vector<1x512x6xf32>
    %swap3A_430 = vector.shape_cast %swap3A_429 : vector<1x512x6xf32> to vector<512x6xf32>
    %swap3A_431 = vector.shape_cast %concatenate3A_425 : vector<512x6xf32> to vector<1x512x6xf32>
    tpu.vector_store %arg11[%swap3A_426, %swap3A_427, %swap3A_428], %swap3A_431 {strides = array<i32>} : memref<1x512x6xf32, #tpu.memory_space<vmem>>, vector<1x512x6xf32>,
    return
  }
  func.func @transform_0(%arg0: i32, %arg1: i32) -> (i32, i32, i32) {
    %c0_i32 = arith.constant 0 : i32
    %c0_i32_0 = arith.constant 0 : i32
    return %arg0, %arg1, %c0_i32 : i32, i32, i32
  }
  func.func @transform_1(%arg0: i32, %arg1: i32) -> (i32, i32, i32) {
    %c0_i32 = arith.constant 0 : i32
    %c0_i32_0 = arith.constant 0 : i32
    return %arg0, %arg1, %c0_i32 : i32, i32, i32
  }
  func.func @transform_2(%arg0: i32, %arg1: i32) -> (i32, i32, i32) {
    %c0_i32 = arith.constant 0 : i32
    %c0_i32_0 = arith.constant 0 : i32
    return %arg0, %arg1, %c0_i32 : i32, i32, i32
  }
  func.func @transform_3(%arg0: i32, %arg1: i32) -> (i32, i32) {
    %c0_i32 = arith.constant 0 : i32
    %c0_i32_0 = arith.constant 0 : i32
    %c0_i32_1 = arith.constant 0 : i32
    return %c0_i32, %c0_i32_0 : i32, i32
  }
  func.func @transform_4(%arg0: i32, %arg1: i32) -> (i32, i32) {
    %c0_i32 = arith.constant 0 : i32
    %c0_i32_0 = arith.constant 0 : i32
    %c0_i32_1 = arith.constant 0 : i32
    return %c0_i32, %c0_i32_0 : i32, i32
  }
  func.func @transform_5(%arg0: i32, %arg1: i32) -> (i32, i32) {
    %c0_i32 = arith.constant 0 : i32
    %c0_i32_0 = arith.constant 0 : i32
    %c0_i32_1 = arith.constant 0 : i32
    return %c0_i32, %c0_i32_0 : i32, i32
  }
  func.func @transform_6(%arg0: i32, %arg1: i32) -> (i32, i32) {
    %c0_i32 = arith.constant 0 : i32
    %c0_i32_0 = arith.constant 0 : i32
    %c0_i32_1 = arith.constant 0 : i32
    return %c0_i32, %c0_i32_0 : i32, i32
  }
  func.func @transform_7(%arg0: i32, %arg1: i32) -> (i32, i32) {
    %c0_i32 = arith.constant 0 : i32
    %c0_i32_0 = arith.constant 0 : i32
    %c0_i32_1 = arith.constant 0 : i32
    return %c0_i32, %c0_i32_0 : i32, i32
  }
  func.func @transform_8(%arg0: i32, %arg1: i32) -> (i32, i32) {
    %c0_i32 = arith.constant 0 : i32
    %c0_i32_0 = arith.constant 0 : i32
    %c0_i32_1 = arith.constant 0 : i32
    return %c0_i32, %c0_i32_0 : i32, i32
  }
  func.func @transform_9(%arg0: i32, %arg1: i32) -> (i32, i32, i32) {
    %c0_i32 = arith.constant 0 : i32
    %c0_i32_0 = arith.constant 0 : i32
    return %arg0, %arg1, %c0_i32 : i32, i32, i32
  }
  func.func @transform_10(%arg0: i32, %arg1: i32) -> (i32, i32, i32) {
    %c0_i32 = arith.constant 0 : i32
    %c0_i32_0 = arith.constant 0 : i32
    return %arg0, %arg1, %c0_i32 : i32, i32, i32
  }
}

</mosaic_0001>

<sc_bundles>
// kernel: kernel.12.cloned.1.call-start
scs
__scs_entry_jumppad:
0x0: {  	(pc) =	sbr.rel $0x88, $3  }
0x1: {  	(tag) =	ssettag $0x0;
	lr =	simm.s32 $0x1  }
0x2: {  	[smem:$0x3F8F] =	sst lr;
	_ =	strace $0xD0000000  }
0x3: {  	_ = 	snop  }
0x4: {  	_ = 	snop  }
0x5: {  	_ = 	snop  }
0x6: {  	_ = 	snop  }
0x7: {  	_ = 	snop  }
__scs_overlays_trampoline_lowered:
0x8: {  	[smem:$0x3F9E] =	sst s0  }
0x9: {  	[smem:$0x3F9F] =	sst s1  }
0xa: {  	[smem:$0x3FA0] =	sst s2  }
0xb: {  	[smem:$0x3FA1] =	sst s3  }
0xc: {  	[smem:$0x3FA2] =	sst s4  }
0xd: {  	[smem:$0x3FA3] =	sst s5  }
0xe: {  	[smem:$0x3FA4] =	sst s6  }
0xf: {  	[smem:$0x3FA5] =	sst s7  }
0x10: {  	[smem:$0x3FA6] =	sst s8  }
0x11: {  	[smem:$0x3FA7] =	sst s9;
	s0 =	simm.s32 @!p0 $0x0  }
0x12: {  	s1 =	sld [smem:$0x3F8D];
	s0 =	simm.s32 @p0 $0x1  }
0x13: {  	[smem:$0x3FA8] =	sst s0;
	s0 =	simm.s32 @!p1 $0x0  }
0x14: {  	s2 =	sld [smem:$0x3F8C];
	s0 =	simm.s32 @p1 $0x1  }
0x15: {  	[smem:$0x3FA9] =	sst s0;
	s0 =	simm.s32 @!p2 $0x0  }
0x16: {  	s3 =	sld [smem:$0x3FDB];
	s0 =	simm.s32 @p2 $0x1  }
0x17: {  	s4 =	simm.s32 $0x1BF5;
	[smem:$0x3FAB] =	sst s0  }
0x18: {  	s0 =	sld [smem:$0x3F8E];
	_ =	swait.ge [sflag:s4], $0x0  }
0x19: {  	s7 =	sld [smem:$0x3F8F]  }
0x1a: {  	s8 =	sadd.s32 $0xFFFFE003, lr  }
0x1b: {  	s9 =	sadd.s32 $0xFFFFFEF7, lr;
	s5 =	simm.s32 $0xFFFFFFFF;
	p2 =	slt.u32 s8, $0xFFFFF086  }
0x1c: {  	p1 =	slt.u32 s9, $0xF7A;
	s5 =	simm.s32 @!p2 $0x0  }
0x1d: {  	s5 =	simm.s32 @p1 $0x1;
	p0 =	seq.s32 s7, s2  }
0x1e: {  	s7 =	smul.u32 @!p0 $0xF7A, s2;
	p2 =	seq.s32 @!p0 s5, $0x0  }
0x1f: {  	s9 =	smul.u32 $0xF7A, s1;
	s8 =	simm.s32 @!p0 $0x1BF5;
	p2 =	por !p2, p0  }
0x20: {  	[sflag:s8] =	ssyncset.s32 @!p0 $0xFFFFF086;
	s6 =	sadd.s32 @!p0 s3, s7;
	s7 =	simm.s32 @!p0 $0x108  }
0x21: {  	s3 =	sadd.s32 s3, s9;
	s6 =	sadd.s32 @!p0 $0x88, s6;
	s7 =	simm.s32 @p2 $0x1082  }
0x22: {  	[simem:s7], [sflag:s8] =	dma.local @!p0 [hbm:s6], $0xF7A  }
0x23: {  	s9 =	sor.u32 $0xD0000000, s2;
	s6 =	simm.s32 $0x108;
	_ =	swait.ge @!p0 [sflag:s8], $0x0  }
0x24: {  	s3 =	sadd.s32 $0x88, s3;
	s6 =	simm.s32 @!p1 $0x1082;
	[sflag:s4] =	ssyncset.s32 $0xFFFFF086  }
0x25: {  	[simem:s6], [sflag:s4] =	dma.local [hbm:s3], $0xF7A  }
0x26: {  	[smem:$0x3F8F] =	sst s1;
	(tag) =	ssettag s2;
	_ =	strace s9  }
0x27: {  	s1 =	sld [smem:$0x3F9F]  }
0x28: {  	s2 =	sld [smem:$0x3FA0]  }
0x29: {  	s4 =	sld [smem:$0x3FA2]  }
0x2a: {  	p0 =	seq.s32 s5, $0x0;
	s5 =	sld [smem:$0x3FA3]  }
0x2b: {  	s6 =	sld [smem:$0x3FA4]  }
0x2c: {  	s7 =	sld [smem:$0x3FA5]  }
0x2d: {  	s3 =	simm.s32 $0x108;
	s8 =	sld [smem:$0x3FA6]  }
0x2e: {  	s3 =	simm.s32 @!p0 $0x1082;
	s9 =	sld [smem:$0x3FA7]  }
0x2f: {  	lr =	sadd.s32 s0, s3;
	s0 =	sld [smem:$0x3F9E]  }
0x30: {  	s3 =	sld [smem:$0x3FA1]  }
0x31: {  	[smem:$0x3FAA] =	sst s10  }
0x32: {  	s10 =	sld [smem:$0x3FA8];
	_ =	sdelay $0x3  }
0x33: {  	p0 =	seq.s32 s10, $0x1;
	s10 =	sld [smem:$0x3FAA];
	_ =	sdelay $0x3  }
0x34: {  	[smem:$0x3FAA] =	sst s10  }
0x35: {  	s10 =	sld [smem:$0x3FA9];
	_ =	sdelay $0x3  }
0x36: {  	p1 =	seq.s32 s10, $0x1;
	s10 =	sld [smem:$0x3FAA];
	_ =	sdelay $0x3  }
0x37: {  	[smem:$0x3FAA] =	sst s10  }
0x38: {  	s10 =	sld [smem:$0x3FAB]  }
0x39: {  	_ = 	snop;
	(pc) =	sbr.ind lr, $3  }
0x3a: {  	_ = 	snop  }
0x3b: {  	_ = 	snop  }
0x3c: {  	p2 =	seq.s32 s10, $0x1;
	s10 =	sld [smem:$0x3FAA]  }
0x3d: {  	_ =	shalt  }
0x3e: {  	_ =	shalt  }
0x3f: {  	_ =	shalt  }
0x40: {  	_ =	shalt  }
0x41: {  	_ =	shalt  }
0x42: {  	_ =	shalt  }
0x43: {  	_ =	shalt  }
0x44: {  	_ =	shalt  }
0x45: {  	_ =	shalt  }
0x46: {  	_ =	shalt  }
0x47: {  	_ =	shalt  }
0x48: {  	_ =	shalt  }
0x49: {  	_ =	shalt  }
0x4a: {  	_ =	shalt  }
0x4b: {  	_ =	shalt  }
0x4c: {  	_ =	shalt  }
0x4d: {  	_ =	shalt  }
0x4e: {  	_ =	shalt  }
0x4f: {  	_ =	shalt  }
0x50: {  	_ =	shalt  }
0x51: {  	_ =	shalt  }
0x52: {  	_ =	shalt  }
0x53: {  	_ =	shalt  }
0x54: {  	_ =	shalt  }
0x55: {  	_ =	shalt  }
0x56: {  	_ =	shalt  }
0x57: {  	_ =	shalt  }
0x58: {  	_ =	shalt  }
0x59: {  	_ =	shalt  }
0x5a: {  	_ =	shalt  }
0x5b: {  	_ =	shalt  }
0x5c: {  	_ =	shalt  }
0x5d: {  	_ =	shalt  }
0x5e: {  	_ =	shalt  }
0x5f: {  	_ =	shalt  }
0x60: {  	_ =	shalt  }
0x61: {  	_ =	shalt  }
0x62: {  	_ =	shalt  }
0x63: {  	_ =	shalt  }
0x64: {  	_ =	shalt  }
0x65: {  	_ =	shalt  }
0x66: {  	_ =	shalt  }
0x67: {  	_ =	shalt  }
0x68: {  	_ =	shalt  }
0x69: {  	_ =	shalt  }
0x6a: {  	_ =	shalt  }
0x6b: {  	_ =	shalt  }
0x6c: {  	_ =	shalt  }
0x6d: {  	_ =	shalt  }
0x6e: {  	_ =	shalt  }
0x6f: {  	_ =	shalt  }
0x70: {  	_ =	shalt  }
0x71: {  	_ =	shalt  }
0x72: {  	_ =	shalt  }
0x73: {  	_ =	shalt  }
0x74: {  	_ =	shalt  }
0x75: {  	_ =	shalt  }
0x76: {  	_ =	shalt  }
0x77: {  	_ =	shalt  }
0x78: {  	_ =	shalt  }
0x79: {  	_ =	shalt  }
0x7a: {  	_ =	shalt  }
0x7b: {  	_ =	shalt  }
0x7c: {  	_ =	shalt  }
0x7d: {  	_ =	shalt  }
0x7e: {  	_ =	shalt  }
0x7f: {  	_ =	shalt  }
0x80: {  	_ =	shalt  }
0x81: {  	_ =	shalt  }
0x82: {  	_ =	shalt  }
0x83: {  	_ =	shalt  }
0x84: {  	_ =	shalt  }
0x85: {  	_ =	shalt  }
0x86: {  	_ =	shalt  }
0x87: {  	_ =	shalt  }
.Lfunc_end0:
.L_simem_size_0:
called_computation.1_lowered:
.L_overlay_start_0:
0x88: {  	s2 =	sld [smem:$0x3FD9]  }
0x89: {  	s3 =	sld [smem:$0x3FFE];
	_ =	sdelay $0x1  }
0x8a: {  	s1 =	srdreg.scid  }
0x8b: {  	s0 =	sand.u32 $0x1, s1  }
0x8c: {  	s14 =	sshll.u32 s0, $0xA;
	s2 =	sadd.s32 s3, s2  }
0x8d: {  	s2 =	sadd.s32 s2, s14  }
0x8e: {  	[smem:$0x3FB6] =	sst s2  }
0x8f: {  	_ = 	snop  }
0x90: {  	s2 =	sld [smem:$0x3FD0];
	_ =	sdelay $0x2  }
0x91: {  	s15 =	simm.s32 $0xA;
	s4 =	simm.s32 $0x10  }
0x92: {  	[smem:s4], [sflag:s15] =	dma.local [hbm:s2], $0x1  }
0x93: {  	_ =	swait.eq [sflag:s15], $0x1  }
0x94: {  	[sflag:s15] =	ssyncset.done $0x0  }
0x95: {  	[sflag:s15] =	ssyncadd.s32 $0xFFFFFFFF  }
0x96: {  	s16 =	sld [smem:$0x11];
	(tm) =	ssettm $0x1  }
0x97: {  	s17 =	sld [smem:$0x3FFB];
	_ =	sdelay $0x3  }
0x98: {  	_ =	strace s17  }
0x99: {  	s3 =	sld [smem:$0x3FFC];
	_ =	sdelay $0x3  }
0x9a: {  	_ =	strace s3  }
0x9b: {  	s3 =	sld [smem:$0x3FFD];
	_ =	sdelay $0x3  }
0x9c: {  	_ =	strace s3  }
0x9d: {  	_ =	strace $0x8FFFFFFF  }
0x9e: {  	s18 =	sld [smem:$0x3FDB];
	_ =	sdelay $0x1  }
0x9f: {  	s19 =	simm.s32 $_scs_section_size  }
0xa0: {  	s5 =	simm.s32 $_size__tile_overlayer_lowered;
	s6 =	simm.s32 $_tile_overlayer_lowered  }
0xa1: {  	s22 =	simm.s32 $0x1BFF;
	s21 =	sshll.u32 s6, $0x1;
	s3 =	sadd.s32 s19, s18  }
0xa2: {  	s7 =	simm.s32 $0x0;
	s20 =	sshll.u32 s5, $0x1;
	s5 =	sadd.s32 s21, s3  }
0xa3: {  	[timem:s7], [sflag:s22] =	dma.local [hbm:s5], s20  }
0xa4: {  	_ =	swait.ge [sflag:s22], s20  }
0xa5: {  	s4 =	ssub.s32 $0x0, s20;
	[sflag:s22] =	ssyncset.done $0x0  }
0xa6: {  	[sflag:s22] =	ssyncadd.s32 s4;
	_ =	sdelay $0x1  }
0xa7: {  	s23 =	simm.s32 $0x1B8B  }
0xa8: {  	_ =	swait.ge [sflag:s23], $0x1  }
0xa9: {  	[sflag:s23] =	ssyncset.done $0x0  }
0xaa: {  	s25 =	simm.s32 $0x1B8E;
	s24 =	sld [smem:$0x3FFE];
	[sflag:s23] =	ssyncadd.s32 $0xFFFFFFFF  }
0xab: {  	s26 =	simm.s32 $execute0_lowered;
	[smem:$0x3FD2] =	sst s25  }
0xac: {  	s5 =	sshll.u32 s26, $0x1;
	_ =	strace $0x80000049;
	[dreg:$0x1] =	wrdreg $0xFFFFFFFF  }
0xad: {  	s28 =	simm.s32 $_size_execute0_lowered;
	s3 =	sadd.s32 s3, s5;
	[dreg:$0x0] =	wrdreg $0x0  }
0xae: {  	s5 =	sshll.u32 s28, $0x1;
	[dreg:$0x2] =	wrdreg s3  }
0xaf: {  	[dreg:$0x3] =	wrdreg s5  }
0xb0: {  	[dreg:$0x4] =	wrdreg $0xC0  }
0xb1: {  	_ =	task [dreg:s7], $0x5FFFF  }
0xb2: {  	[dreg:$0x1] =	wrdreg $0xFFFFFFFF  }
0xb3: {  	[dreg:$0x0] =	wrdreg $0x60  }
0xb4: {  	[dreg:$0x2] =	wrdreg s16  }
0xb5: {  	[dreg:$0x3] =	wrdreg s24  }
0xb6: {  	[dreg:$0x4] =	wrdreg $0x9  }
0xb7: {  	_ =	task.clear_ibuf [dreg:s7], $0x5FFFF;
	_ =	strace $0x90000049  }
0xb8: {  	s29 =	simm.s32 $0x9;
	_ =	strace $0x8000004B  }
0xb9: {  	_ =	swait.ge [sflag:s29], $0x1  }
0xba: {  	[sflag:s29] =	ssyncadd.s32 $0xFFFFFFFF  }
0xbb: {  	_ =	strace $0x9000004B  }
0xbc: {  	_ =	sfence  }
0xbd: {  	s30 =	sld [smem:$0x0];
	_ =	sdelay $0x2  }
0xbe: {  	s31 =	sshll.u32 s1, $0xD;
	s1 =	sshrl.u32 s1, $0x2  }
0xbf: {  	s3 =	sand.u32 $0x4000, s31;
	s1 =	sadd.s32 s1, s30  }
0xc0: {  	s0 =	sor.u32 s3, s0;
	s1 =	sshll.u32 s1, $0x11  }
0xc1: {  	s0 =	sor.u32 s1, s0  }
0xc2: {  	s0 =	sadd.s32 $0x8F2B, s0  }
0xc3: {  	[sflag:s0] =	ssyncadd.remote.s32 $0x1  }
0xc4: {  	_ =	sfence.sel $0xFFFF  }
0xc5: {  	[dreg:$0x0] =	wrdreg $0xFFFFFFFF;
	(pc) =	sbr.abs _section_cstart, $3  }
0xc6: {  	[dreg:$0x1] =	wrdreg $0xFFFFFFFF  }
0xc7: {  	_ =	task.clear_ibuf [dreg:s7], $0x2FFFF;
	_ =	strace $0x9FFFFFFF  }
0xc8: {  	(tm) =	ssettm $0x7FFFFFFF  }
0xc9: {  	_ =	shalt  }
tec
execute0_lowered:
.L_overlay_start_1:
0x0: {  	(tag) =	ssettag $0x1  }
0x1: {  	s2 =	rddreg [dreg:$0x0];
	s0 =	srdreg.scid  }
0x2: {  	s4 =	rddreg [dreg:$0x1];
	s1 =	stileid.u32;
	s31 =	sand.u32 $0x1, s0  }
0x3: {  	s3 =	simm.s32 $0x0;
	s1 =	sshll.u32 s1, $0xC;
	s5 =	sshll.u32 s31, $0xB  }
0x4: {  	[smem:$0x7FF] =	sst s3;
	s30 =	sadd.s32 $0x82E00, s4;
	s1 =	sor.u32 s5, s1  }
0x5: {  	s0 =	sadd.s32 $0x84E00, s4;
	_ =	strace $0x8000004A;
	s5 =	sshrl.u32 s1, $0x3  }
0x6: {  	s7 =	sshll.u32 s1, $0x4;
	s9 =	sor.u32 $0x80, s1;
	s6 =	sadd.s32 s30, s5  }
0x7: {  	s8 =	sadd.s32 s0, s7;
	s10 =	sshrl.u32 s9, $0x3;
	[dreg:$0x3] =	wrdreg s6  }
0x8: {  	s5 =	sshll.u32 s9, $0x4;
	[dreg:$0x4] =	wrdreg s8;
	s4 =	sadd.s32 s30, s10  }
0x9: {  	s16 =	sor.u32 $0x180, s1;
	s11 =	sadd.s32 s0, s5;
	[dreg:$0x5] =	wrdreg s4  }
0xa: {  	s17 =	sshrl.u32 s16, $0x3;
	s6 =	sor.u32 $0x100, s1;
	[dreg:$0x6] =	wrdreg s11  }
0xb: {  	s5 =	sshll.u32 s16, $0x4;
	s4 =	sadd.s32 s30, s17;
	s18 =	rddreg [dreg:$0x3]  }
0xc: {  	s12 =	sshrl.u32 s6, $0x3;
	s19 =	sadd.s32 s0, s5;
	[dreg:$0x9] =	wrdreg s4  }
0xd: {  	s14 =	sshll.u32 s6, $0x4;
	s13 =	sadd.s32 s30, s12;
	[dreg:$0xa] =	wrdreg s19  }
0xe: {  	[tilespmem:s3], [sflag:$0x2] =	stream.linear.gather [hbm4b:s18+s3], $0x80, $0x38;
	[tilespmem:$0x4080] =	vst v63  }
0xf: {  	s15 =	sadd.s32 s0, s14;
	[dreg:$0x7] =	wrdreg s13  }
0x10: {  	s4 =	simm.s32 $0x2;
	[dreg:$0x8] =	wrdreg s15  }
0x11: {  	_ =	swait.ge [sflag:s4], $0x80  }
0x12: {  	[sflag:s4] =	ssyncset.done $0x0  }
0x13: {  	s5 =	simm.s32 $0x80;
	s6 =	simm.s32 $0x1;
	[sflag:s4] =	ssyncadd.s32 $0xFFFFFF80  }
0x14: {  	[tilespmem:s5], [sflag:$0x1] =	stream.indirect.gather [hbm4b:s2+s5], $0x80, s3, s5, $0xb8;
	[tilespmem:$0x4080] =	vst v63  }
0x15: {  	_ =	swait.ge [sflag:s6], $0x4000  }
0x16: {  	[sflag:s6] =	ssyncset.done $0x0  }
0x17: {  	s7 =	rddreg [dreg:$0x4];
	[sflag:s6] =	ssyncadd.s32 $0xFFFFC000  }
0x18: {  	[hbm4b:s7+s3] =	stream.linear.scatter [tilespmem:s5], [sflag:$0x2], $0x4000, $0x38;
	[tilespmem:$0x4080] =	vst v63  }
0x19: {  	_ =	swait.ge [sflag:s4], $0x4000  }
0x1a: {  	[sflag:s4] =	ssyncset.done $0x0  }
0x1b: {  	s20 =	rddreg [dreg:$0x5];
	[sflag:s4] =	ssyncadd.s32 $0xFFFFC000  }
0x1c: {  	[tilespmem:s3], [sflag:$0x2] =	stream.linear.gather [hbm4b:s20+s3], $0x80, $0x38;
	[tilespmem:$0x4080] =	vst v63  }
0x1d: {  	_ =	swait.ge [sflag:s4], $0x80  }
0x1e: {  	[sflag:s4] =	ssyncset.done $0x0  }
0x1f: {  	[sflag:s4] =	ssyncadd.s32 $0xFFFFFF80  }
0x20: {  	[tilespmem:s5], [sflag:$0x1] =	stream.indirect.gather [hbm4b:s2+s5], $0x80, s3, s5, $0xb8;
	[tilespmem:$0x4080] =	vst v63  }
0x21: {  	_ =	swait.ge [sflag:s6], $0x4000  }
0x22: {  	[sflag:s6] =	ssyncset.done $0x0  }
0x23: {  	s21 =	rddreg [dreg:$0x6];
	[sflag:s6] =	ssyncadd.s32 $0xFFFFC000  }
0x24: {  	[hbm4b:s21+s3] =	stream.linear.scatter [tilespmem:s5], [sflag:$0x2], $0x4000, $0x38;
	[tilespmem:$0x4080] =	vst v63  }
0x25: {  	_ =	swait.ge [sflag:s4], $0x4000  }
0x26: {  	[sflag:s4] =	ssyncset.done $0x0  }
0x27: {  	s22 =	rddreg [dreg:$0x7];
	[sflag:s4] =	ssyncadd.s32 $0xFFFFC000  }
0x28: {  	[tilespmem:s3], [sflag:$0x2] =	stream.linear.gather [hbm4b:s22+s3], $0x80, $0x38;
	[tilespmem:$0x4080] =	vst v63  }
0x29: {  	_ =	swait.ge [sflag:s4], $0x80  }
0x2a: {  	[sflag:s4] =	ssyncset.done $0x0  }
0x2b: {  	[sflag:s4] =	ssyncadd.s32 $0xFFFFFF80  }
0x2c: {  	[tilespmem:s5], [sflag:$0x1] =	stream.indirect.gather [hbm4b:s2+s5], $0x80, s3, s5, $0xb8;
	[tilespmem:$0x4080] =	vst v63  }
0x2d: {  	_ =	swait.ge [sflag:s6], $0x4000  }
0x2e: {  	[sflag:s6] =	ssyncset.done $0x0  }
0x2f: {  	s23 =	rddreg [dreg:$0x8];
	[sflag:s6] =	ssyncadd.s32 $0xFFFFC000  }
0x30: {  	[hbm4b:s23+s3] =	stream.linear.scatter [tilespmem:s5], [sflag:$0x2], $0x4000, $0x38;
	[tilespmem:$0x4080] =	vst v63  }
0x31: {  	_ =	swait.ge [sflag:s4], $0x4000  }
0x32: {  	[sflag:s4] =	ssyncset.done $0x0  }
0x33: {  	s24 =	rddreg [dreg:$0x9];
	[sflag:s4] =	ssyncadd.s32 $0xFFFFC000  }
0x34: {  	[tilespmem:s3], [sflag:$0x2] =	stream.linear.gather [hbm4b:s24+s3], $0x80, $0x38;
	[tilespmem:$0x4080] =	vst v63  }
0x35: {  	_ =	swait.ge [sflag:s4], $0x80  }
0x36: {  	[sflag:s4] =	ssyncset.done $0x0  }
0x37: {  	[sflag:s4] =	ssyncadd.s32 $0xFFFFFF80  }
0x38: {  	[tilespmem:s5], [sflag:$0x1] =	stream.indirect.gather [hbm4b:s2+s5], $0x80, s3, s5, $0xb8;
	[tilespmem:$0x4080] =	vst v63  }
0x39: {  	_ =	swait.ge [sflag:s6], $0x4000  }
0x3a: {  	[sflag:s6] =	ssyncset.done $0x0  }
0x3b: {  	s25 =	rddreg [dreg:$0xa];
	[sflag:s6] =	ssyncadd.s32 $0xFFFFC000  }
0x3c: {  	[hbm4b:s25+s3] =	stream.linear.scatter [tilespmem:s5], [sflag:$0x2], $0x4000, $0x38;
	[tilespmem:$0x4080] =	vst v63  }
0x3d: {  	s8 =	sor.u32 $0x200, s1;
	_ =	swait.ge [sflag:s4], $0x4000  }
0x3e: {  	s26 =	sshrl.u32 s8, $0x3;
	[sflag:s4] =	ssyncset.done $0x0  }
0x3f: {  	s7 =	sadd.s32 s30, s26;
	[sflag:s4] =	ssyncadd.s32 $0xFFFFC000  }
0x40: {  	[tilespmem:s3], [sflag:$0x2] =	stream.linear.gather [hbm4b:s7+s3], $0x80, $0x38;
	[tilespmem:$0x4080] =	vst v63  }
0x41: {  	_ =	swait.ge [sflag:s4], $0x80  }
0x42: {  	[sflag:s4] =	ssyncset.done $0x0  }
0x43: {  	[sflag:s4] =	ssyncadd.s32 $0xFFFFFF80  }
0x44: {  	[tilespmem:s5], [sflag:$0x1] =	stream.indirect.gather [hbm4b:s2+s5], $0x80, s3, s5, $0xb8;
	[tilespmem:$0x4080] =	vst v63  }
0x45: {  	_ =	swait.ge [sflag:s6], $0x4000  }
0x46: {  	s8 =	sshll.u32 s8, $0x4;
	[sflag:s6] =	ssyncset.done $0x0  }
0x47: {  	s8 =	sadd.s32 s0, s8;
	[sflag:s6] =	ssyncadd.s32 $0xFFFFC000  }
0x48: {  	[hbm4b:s8+s3] =	stream.linear.scatter [tilespmem:s5], [sflag:$0x2], $0x4000, $0x38;
	[tilespmem:$0x4080] =	vst v63  }
0x49: {  	s10 =	sor.u32 $0x280, s1;
	_ =	swait.ge [sflag:s4], $0x4000  }
0x4a: {  	s9 =	sshrl.u32 s10, $0x3;
	[sflag:s4] =	ssyncset.done $0x0  }
0x4b: {  	s9 =	sadd.s32 s30, s9;
	[sflag:s4] =	ssyncadd.s32 $0xFFFFC000  }
0x4c: {  	[tilespmem:s3], [sflag:$0x2] =	stream.linear.gather [hbm4b:s9+s3], $0x80, $0x38;
	[tilespmem:$0x4080] =	vst v63  }
0x4d: {  	_ =	swait.ge [sflag:s4], $0x80  }
0x4e: {  	[sflag:s4] =	ssyncset.done $0x0  }
0x4f: {  	[sflag:s4] =	ssyncadd.s32 $0xFFFFFF80  }
0x50: {  	[tilespmem:s5], [sflag:$0x1] =	stream.indirect.gather [hbm4b:s2+s5], $0x80, s3, s5, $0xb8;
	[tilespmem:$0x4080] =	vst v63  }
0x51: {  	_ =	swait.ge [sflag:s6], $0x4000  }
0x52: {  	s10 =	sshll.u32 s10, $0x4;
	[sflag:s6] =	ssyncset.done $0x0  }
0x53: {  	s10 =	sadd.s32 s0, s10;
	[sflag:s6] =	ssyncadd.s32 $0xFFFFC000  }
0x54: {  	[hbm4b:s10+s3] =	stream.linear.scatter [tilespmem:s5], [sflag:$0x2], $0x4000, $0x38;
	[tilespmem:$0x4080] =	vst v63  }
0x55: {  	s12 =	sor.u32 $0x300, s1;
	_ =	swait.ge [sflag:s4], $0x4000  }
0x56: {  	s11 =	sshrl.u32 s12, $0x3;
	[sflag:s4] =	ssyncset.done $0x0  }
0x57: {  	s11 =	sadd.s32 s30, s11;
	[sflag:s4] =	ssyncadd.s32 $0xFFFFC000  }
0x58: {  	[tilespmem:s3], [sflag:$0x2] =	stream.linear.gather [hbm4b:s11+s3], $0x80, $0x38;
	[tilespmem:$0x4080] =	vst v63  }
0x59: {  	_ =	swait.ge [sflag:s4], $0x80  }
0x5a: {  	[sflag:s4] =	ssyncset.done $0x0  }
0x5b: {  	[sflag:s4] =	ssyncadd.s32 $0xFFFFFF80  }
0x5c: {  	[tilespmem:s5], [sflag:$0x1] =	stream.indirect.gather [hbm4b:s2+s5], $0x80, s3, s5, $0xb8;
	[tilespmem:$0x4080] =	vst v63  }
0x5d: {  	_ =	swait.ge [sflag:s6], $0x4000  }
0x5e: {  	s12 =	sshll.u32 s12, $0x4;
	[sflag:s6] =	ssyncset.done $0x0  }
0x5f: {  	s12 =	sadd.s32 s0, s12;
	[sflag:s6] =	ssyncadd.s32 $0xFFFFC000  }
0x60: {  	[hbm4b:s12+s3] =	stream.linear.scatter [tilespmem:s5], [sflag:$0x2], $0x4000, $0x38;
	[tilespmem:$0x4080] =	vst v63  }
0x61: {  	s14 =	sor.u32 $0x380, s1;
	_ =	swait.ge [sflag:s4], $0x4000  }
0x62: {  	s13 =	sshrl.u32 s14, $0x3;
	[sflag:s4] =	ssyncset.done $0x0  }
0x63: {  	s13 =	sadd.s32 s30, s13;
	[sflag:s4] =	ssyncadd.s32 $0xFFFFC000  }
0x64: {  	[tilespmem:s3], [sflag:$0x2] =	stream.linear.gather [hbm4b:s13+s3], $0x80, $0x38;
	[tilespmem:$0x4080] =	vst v63  }
0x65: {  	_ =	swait.ge [sflag:s4], $0x80  }
0x66: {  	[sflag:s4] =	ssyncset.done $0x0  }
0x67: {  	[sflag:s4] =	ssyncadd.s32 $0xFFFFFF80  }
0x68: {  	[tilespmem:s5], [sflag:$0x1] =	stream.indirect.gather [hbm4b:s2+s5], $0x80, s3, s5, $0xb8;
	[tilespmem:$0x4080] =	vst v63  }
0x69: {  	_ =	swait.ge [sflag:s6], $0x4000  }
0x6a: {  	s14 =	sshll.u32 s14, $0x4;
	[sflag:s6] =	ssyncset.done $0x0  }
0x6b: {  	s14 =	sadd.s32 s0, s14;
	[sflag:s6] =	ssyncadd.s32 $0xFFFFC000  }
0x6c: {  	[hbm4b:s14+s3] =	stream.linear.scatter [tilespmem:s5], [sflag:$0x2], $0x4000, $0x38;
	[tilespmem:$0x4080] =	vst v63  }
0x6d: {  	s16 =	sor.u32 $0x400, s1;
	_ =	swait.ge [sflag:s4], $0x4000  }
0x6e: {  	s15 =	sshrl.u32 s16, $0x3;
	[sflag:s4] =	ssyncset.done $0x0  }
0x6f: {  	s15 =	sadd.s32 s30, s15;
	[sflag:s4] =	ssyncadd.s32 $0xFFFFC000  }
0x70: {  	[tilespmem:s3], [sflag:$0x2] =	stream.linear.gather [hbm4b:s15+s3], $0x80, $0x38;
	[tilespmem:$0x4080] =	vst v63  }
0x71: {  	_ =	swait.ge [sflag:s4], $0x80  }
0x72: {  	[sflag:s4] =	ssyncset.done $0x0  }
0x73: {  	[sflag:s4] =	ssyncadd.s32 $0xFFFFFF80  }
0x74: {  	[tilespmem:s5], [sflag:$0x1] =	stream.indirect.gather [hbm4b:s2+s5], $0x80, s3, s5, $0xb8;
	[tilespmem:$0x4080] =	vst v63  }
0x75: {  	_ =	swait.ge [sflag:s6], $0x4000  }
0x76: {  	s16 =	sshll.u32 s16, $0x4;
	[sflag:s6] =	ssyncset.done $0x0  }
0x77: {  	s16 =	sadd.s32 s0, s16;
	[sflag:s6] =	ssyncadd.s32 $0xFFFFC000  }
0x78: {  	[hbm4b:s16+s3] =	stream.linear.scatter [tilespmem:s5], [sflag:$0x2], $0x4000, $0x38;
	[tilespmem:$0x4080] =	vst v63  }
0x79: {  	s18 =	sor.u32 $0x480, s1;
	_ =	swait.ge [sflag:s4], $0x4000  }
0x7a: {  	s17 =	sshrl.u32 s18, $0x3;
	[sflag:s4] =	ssyncset.done $0x0  }
0x7b: {  	s17 =	sadd.s32 s30, s17;
	[sflag:s4] =	ssyncadd.s32 $0xFFFFC000  }
0x7c: {  	[tilespmem:s3], [sflag:$0x2] =	stream.linear.gather [hbm4b:s17+s3], $0x80, $0x38;
	[tilespmem:$0x4080] =	vst v63  }
0x7d: {  	_ =	swait.ge [sflag:s4], $0x80  }
0x7e: {  	[sflag:s4] =	ssyncset.done $0x0  }
0x7f: {  	[sflag:s4] =	ssyncadd.s32 $0xFFFFFF80  }
0x80: {  	[tilespmem:s5], [sflag:$0x1] =	stream.indirect.gather [hbm4b:s2+s5], $0x80, s3, s5, $0xb8;
	[tilespmem:$0x4080] =	vst v63  }
0x81: {  	_ =	swait.ge [sflag:s6], $0x4000  }
0x82: {  	s18 =	sshll.u32 s18, $0x4;
	[sflag:s6] =	ssyncset.done $0x0  }
0x83: {  	s18 =	sadd.s32 s0, s18;
	[sflag:s6] =	ssyncadd.s32 $0xFFFFC000  }
0x84: {  	[hbm4b:s18+s3] =	stream.linear.scatter [tilespmem:s5], [sflag:$0x2], $0x4000, $0x38;
	[tilespmem:$0x4080] =	vst v63  }
0x85: {  	s20 =	sor.u32 $0x500, s1;
	_ =	swait.ge [sflag:s4], $0x4000  }
0x86: {  	s19 =	sshrl.u32 s20, $0x3;
	[sflag:s4] =	ssyncset.done $0x0  }
0x87: {  	s19 =	sadd.s32 s30, s19;
	[sflag:s4] =	ssyncadd.s32 $0xFFFFC000  }
0x88: {  	[tilespmem:s3], [sflag:$0x2] =	stream.linear.gather [hbm4b:s19+s3], $0x80, $0x38;
	[tilespmem:$0x4080] =	vst v63  }
0x89: {  	_ =	swait.ge [sflag:s4], $0x80  }
0x8a: {  	[sflag:s4] =	ssyncset.done $0x0  }
0x8b: {  	[sflag:s4] =	ssyncadd.s32 $0xFFFFFF80  }
0x8c: {  	[tilespmem:s5], [sflag:$0x1] =	stream.indirect.gather [hbm4b:s2+s5], $0x80, s3, s5, $0xb8;
	[tilespmem:$0x4080] =	vst v63  }
0x8d: {  	_ =	swait.ge [sflag:s6], $0x4000  }
0x8e: {  	s20 =	sshll.u32 s20, $0x4;
	[sflag:s6] =	ssyncset.done $0x0  }
0x8f: {  	s20 =	sadd.s32 s0, s20;
	[sflag:s6] =	ssyncadd.s32 $0xFFFFC000  }
0x90: {  	[hbm4b:s20+s3] =	stream.linear.scatter [tilespmem:s5], [sflag:$0x2], $0x4000, $0x38;
	[tilespmem:$0x4080] =	vst v63  }
0x91: {  	s22 =	sor.u32 $0x580, s1;
	_ =	swait.ge [sflag:s4], $0x4000  }
0x92: {  	s21 =	sshrl.u32 s22, $0x3;
	[sflag:s4] =	ssyncset.done $0x0  }
0x93: {  	s21 =	sadd.s32 s30, s21;
	[sflag:s4] =	ssyncadd.s32 $0xFFFFC000  }
0x94: {  	[tilespmem:s3], [sflag:$0x2] =	stream.linear.gather [hbm4b:s21+s3], $0x80, $0x38;
	[tilespmem:$0x4080] =	vst v63  }
0x95: {  	_ =	swait.ge [sflag:s4], $0x80  }
0x96: {  	[sflag:s4] =	ssyncset.done $0x0  }
0x97: {  	[sflag:s4] =	ssyncadd.s32 $0xFFFFFF80  }
0x98: {  	[tilespmem:s5], [sflag:$0x1] =	stream.indirect.gather [hbm4b:s2+s5], $0x80, s3, s5, $0xb8;
	[tilespmem:$0x4080] =	vst v63  }
0x99: {  	_ =	swait.ge [sflag:s6], $0x4000  }
0x9a: {  	s22 =	sshll.u32 s22, $0x4;
	[sflag:s6] =	ssyncset.done $0x0  }
0x9b: {  	s22 =	sadd.s32 s0, s22;
	[sflag:s6] =	ssyncadd.s32 $0xFFFFC000  }
0x9c: {  	[hbm4b:s22+s3] =	stream.linear.scatter [tilespmem:s5], [sflag:$0x2], $0x4000, $0x38;
	[tilespmem:$0x4080] =	vst v63  }
0x9d: {  	s24 =	sor.u32 $0x600, s1;
	_ =	swait.ge [sflag:s4], $0x4000  }
0x9e: {  	s23 =	sshrl.u32 s24, $0x3;
	[sflag:s4] =	ssyncset.done $0x0  }
0x9f: {  	s23 =	sadd.s32 s30, s23;
	[sflag:s4] =	ssyncadd.s32 $0xFFFFC000  }
0xa0: {  	[tilespmem:s3], [sflag:$0x2] =	stream.linear.gather [hbm4b:s23+s3], $0x80, $0x38;
	[tilespmem:$0x4080] =	vst v63  }
0xa1: {  	_ =	swait.ge [sflag:s4], $0x80  }
0xa2: {  	[sflag:s4] =	ssyncset.done $0x0  }
0xa3: {  	[sflag:s4] =	ssyncadd.s32 $0xFFFFFF80  }
0xa4: {  	[tilespmem:s5], [sflag:$0x1] =	stream.indirect.gather [hbm4b:s2+s5], $0x80, s3, s5, $0xb8;
	[tilespmem:$0x4080] =	vst v63  }
0xa5: {  	_ =	swait.ge [sflag:s6], $0x4000  }
0xa6: {  	s24 =	sshll.u32 s24, $0x4;
	[sflag:s6] =	ssyncset.done $0x0  }
0xa7: {  	s24 =	sadd.s32 s0, s24;
	[sflag:s6] =	ssyncadd.s32 $0xFFFFC000  }
0xa8: {  	[hbm4b:s24+s3] =	stream.linear.scatter [tilespmem:s5], [sflag:$0x2], $0x4000, $0x38;
	[tilespmem:$0x4080] =	vst v63  }
0xa9: {  	s26 =	sor.u32 $0x680, s1;
	_ =	swait.ge [sflag:s4], $0x4000  }
0xaa: {  	s25 =	sshrl.u32 s26, $0x3;
	[sflag:s4] =	ssyncset.done $0x0  }
0xab: {  	s25 =	sadd.s32 s30, s25;
	[sflag:s4] =	ssyncadd.s32 $0xFFFFC000  }
0xac: {  	[tilespmem:s3], [sflag:$0x2] =	stream.linear.gather [hbm4b:s25+s3], $0x80, $0x38;
	[tilespmem:$0x4080] =	vst v63  }
0xad: {  	_ =	swait.ge [sflag:s4], $0x80  }
0xae: {  	[sflag:s4] =	ssyncset.done $0x0  }
0xaf: {  	[sflag:s4] =	ssyncadd.s32 $0xFFFFFF80  }
0xb0: {  	[tilespmem:s5], [sflag:$0x1] =	stream.indirect.gather [hbm4b:s2+s5], $0x80, s3, s5, $0xb8;
	[tilespmem:$0x4080] =	vst v63  }
0xb1: {  	_ =	swait.ge [sflag:s6], $0x4000  }
0xb2: {  	s26 =	sshll.u32 s26, $0x4;
	[sflag:s6] =	ssyncset.done $0x0  }
0xb3: {  	s26 =	sadd.s32 s0, s26;
	[dreg:$0xb] =	wrdreg s0;
	[sflag:s6] =	ssyncadd.s32 $0xFFFFC000  }
0xb4: {  	[hbm4b:s26+s3] =	stream.linear.scatter [tilespmem:s5], [sflag:$0x2], $0x4000, $0x38;
	[tilespmem:$0x4080] =	vst v63  }
0xb5: {  	s29 =	sor.u32 $0x700, s1;
	_ =	swait.ge [sflag:s4], $0x4000  }
0xb6: {  	s28 =	sshrl.u32 s29, $0x3;
	[sflag:s4] =	ssyncset.done $0x0  }
0xb7: {  	s28 =	sadd.s32 s30, s28;
	[sflag:s4] =	ssyncadd.s32 $0xFFFFC000  }
0xb8: {  	[tilespmem:s3], [sflag:$0x2] =	stream.linear.gather [hbm4b:s28+s3], $0x80, $0x38;
	[tilespmem:$0x4080] =	vst v63  }
0xb9: {  	_ =	swait.ge [sflag:s4], $0x80  }
0xba: {  	[sflag:s4] =	ssyncset.done $0x0  }
0xbb: {  	[sflag:s4] =	ssyncadd.s32 $0xFFFFFF80  }
0xbc: {  	[tilespmem:s5], [sflag:$0x1] =	stream.indirect.gather [hbm4b:s2+s5], $0x80, s3, s5, $0xb8;
	[tilespmem:$0x4080] =	vst v63  }
0xbd: {  	_ =	swait.ge [sflag:s6], $0x4000  }
0xbe: {  	s29 =	sshll.u32 s29, $0x4;
	[sflag:s6] =	ssyncset.done $0x0  }
0xbf: {  	s29 =	sadd.s32 s0, s29;
	s1 =	sor.u32 $0x780, s1;
	[sflag:s6] =	ssyncadd.s32 $0xFFFFC000  }
0xc0: {  	[hbm4b:s29+s3] =	stream.linear.scatter [tilespmem:s5], [sflag:$0x2], $0x4000, $0x38;
	[tilespmem:$0x4080] =	vst v63  }
0xc1: {  	s0 =	sshrl.u32 s1, $0x3;
	_ =	swait.ge [sflag:s4], $0x4000  }
0xc2: {  	s30 =	sadd.s32 s30, s0;
	s0 =	ssub.s32 $0x2, s31;
	[sflag:s4] =	ssyncset.done $0x0  }
0xc3: {  	s31 =	sshrl.u32 s0, $0x1;
	[sflag:s4] =	ssyncadd.s32 $0xFFFFC000  }
0xc4: {  	[tilespmem:s3], [sflag:$0x2] =	stream.linear.gather [hbm4b:s30+s3], $0x80, $0x38;
	[tilespmem:$0x4080] =	vst v63  }
0xc5: {  	s0 =	ssub.s32 s0, s31;
	_ =	swait.ge [sflag:s4], $0x80  }
0xc6: {  	s0 =	smax.u32 s0, $0x1;
	[sflag:s4] =	ssyncset.done $0x0  }
0xc7: {  	p0 =	sne.s32 s0, $0x1;
	[sflag:s4] =	ssyncadd.s32 $0xFFFFFF80  }
0xc8: {  	[tilespmem:s5], [sflag:$0x1] =	stream.indirect.gather [hbm4b:s2+s5], $0x80, s3, s5, $0xb8;
	[tilespmem:$0x4080] =	vst v63  }
.Ltmp0:
0xc9: {  	_ =	swait.ge [sflag:s6], $0x4000;
	(pc) =	sbr.rel @!p0 .LBB2_2-.Ltmp0, $4  }
0xca: {  	s1 =	sshll.u32 s1, $0x4;
	[sflag:s6] =	ssyncset.done $0x0;
	s31 =	rddreg [dreg:$0xb]  }
0xcb: {  	s31 =	sadd.s32 s31, s1;
	[sflag:s6] =	ssyncadd.s32 $0xFFFFC000  }
0xcc: {  	[hbm4b:s31+s3] =	stream.linear.scatter [tilespmem:s5], [sflag:$0x2], $0x4000, $0x38;
	[tilespmem:$0x4080] =	vst v63  }
0xcd: {  	s0 =	sadd.s32 $0xFFFFFFFF, s0;
	_ =	swait.ge [sflag:s4], $0x4000  }
.LBB2_1:
0xce: {  	[sflag:s4] =	ssyncset.done $0x0  }
0xcf: {  	s1 =	rddreg [dreg:$0x3];
	[sflag:s4] =	ssyncadd.s32 $0xFFFFC000  }
0xd0: {  	[tilespmem:s3], [sflag:$0x2] =	stream.linear.gather [hbm4b:s1+s3], $0x80, $0x38;
	[tilespmem:$0x4080] =	vst v63  }
0xd1: {  	_ =	swait.ge [sflag:s4], $0x80  }
0xd2: {  	[sflag:s4] =	ssyncset.done $0x0  }
0xd3: {  	[sflag:s4] =	ssyncadd.s32 $0xFFFFFF80  }
0xd4: {  	[tilespmem:s5], [sflag:$0x1] =	stream.indirect.gather [hbm4b:s2+s5], $0x80, s3, s5, $0xb8;
	[tilespmem:$0x4080] =	vst v63  }
0xd5: {  	_ =	swait.ge [sflag:s6], $0x4000  }
0xd6: {  	[sflag:s6] =	ssyncset.done $0x0  }
0xd7: {  	s1 =	rddreg [dreg:$0x4];
	[sflag:s6] =	ssyncadd.s32 $0xFFFFC000  }
0xd8: {  	[hbm4b:s1+s3] =	stream.linear.scatter [tilespmem:s5], [sflag:$0x2], $0x4000, $0x38;
	[tilespmem:$0x4080] =	vst v63  }
0xd9: {  	_ =	swait.ge [sflag:s4], $0x4000  }
0xda: {  	[sflag:s4] =	ssyncset.done $0x0  }
0xdb: {  	s1 =	rddreg [dreg:$0x5];
	[sflag:s4] =	ssyncadd.s32 $0xFFFFC000  }
0xdc: {  	[tilespmem:s3], [sflag:$0x2] =	stream.linear.gather [hbm4b:s1+s3], $0x80, $0x38;
	[tilespmem:$0x4080] =	vst v63  }
0xdd: {  	_ =	swait.ge [sflag:s4], $0x80  }
0xde: {  	[sflag:s4] =	ssyncset.done $0x0  }
0xdf: {  	[sflag:s4] =	ssyncadd.s32 $0xFFFFFF80  }
0xe0: {  	[tilespmem:s5], [sflag:$0x1] =	stream.indirect.gather [hbm4b:s2+s5], $0x80, s3, s5, $0xb8;
	[tilespmem:$0x4080] =	vst v63  }
0xe1: {  	_ =	swait.ge [sflag:s6], $0x4000  }
0xe2: {  	[sflag:s6] =	ssyncset.done $0x0  }
0xe3: {  	s1 =	rddreg [dreg:$0x6];
	[sflag:s6] =	ssyncadd.s32 $0xFFFFC000  }
0xe4: {  	[hbm4b:s1+s3] =	stream.linear.scatter [tilespmem:s5], [sflag:$0x2], $0x4000, $0x38;
	[tilespmem:$0x4080] =	vst v63  }
0xe5: {  	_ =	swait.ge [sflag:s4], $0x4000  }
0xe6: {  	[sflag:s4] =	ssyncset.done $0x0  }
0xe7: {  	s1 =	rddreg [dreg:$0x7];
	[sflag:s4] =	ssyncadd.s32 $0xFFFFC000  }
0xe8: {  	[tilespmem:s3], [sflag:$0x2] =	stream.linear.gather [hbm4b:s1+s3], $0x80, $0x38;
	[tilespmem:$0x4080] =	vst v63  }
0xe9: {  	_ =	swait.ge [sflag:s4], $0x80  }
0xea: {  	[sflag:s4] =	ssyncset.done $0x0  }
0xeb: {  	[sflag:s4] =	ssyncadd.s32 $0xFFFFFF80  }
0xec: {  	[tilespmem:s5], [sflag:$0x1] =	stream.indirect.gather [hbm4b:s2+s5], $0x80, s3, s5, $0xb8;
	[tilespmem:$0x4080] =	vst v63  }
0xed: {  	_ =	swait.ge [sflag:s6], $0x4000  }
0xee: {  	[sflag:s6] =	ssyncset.done $0x0  }
0xef: {  	s1 =	rddreg [dreg:$0x8];
	[sflag:s6] =	ssyncadd.s32 $0xFFFFC000  }
0xf0: {  	[hbm4b:s1+s3] =	stream.linear.scatter [tilespmem:s5], [sflag:$0x2], $0x4000, $0x38;
	[tilespmem:$0x4080] =	vst v63  }
0xf1: {  	_ =	swait.ge [sflag:s4], $0x4000  }
0xf2: {  	[sflag:s4] =	ssyncset.done $0x0  }
0xf3: {  	s1 =	rddreg [dreg:$0x9];
	[sflag:s4] =	ssyncadd.s32 $0xFFFFC000  }
0xf4: {  	[tilespmem:s3], [sflag:$0x2] =	stream.linear.gather [hbm4b:s1+s3], $0x80, $0x38;
	[tilespmem:$0x4080] =	vst v63  }
0xf5: {  	_ =	swait.ge [sflag:s4], $0x80  }
0xf6: {  	[sflag:s4] =	ssyncset.done $0x0  }
0xf7: {  	[sflag:s4] =	ssyncadd.s32 $0xFFFFFF80  }
0xf8: {  	[tilespmem:s5], [sflag:$0x1] =	stream.indirect.gather [hbm4b:s2+s5], $0x80, s3, s5, $0xb8;
	[tilespmem:$0x4080] =	vst v63  }
0xf9: {  	_ =	swait.ge [sflag:s6], $0x4000  }
0xfa: {  	[sflag:s6] =	ssyncset.done $0x0  }
0xfb: {  	s1 =	rddreg [dreg:$0xa];
	[sflag:s6] =	ssyncadd.s32 $0xFFFFC000  }
0xfc: {  	[hbm4b:s1+s3] =	stream.linear.scatter [tilespmem:s5], [sflag:$0x2], $0x4000, $0x38;
	[tilespmem:$0x4080] =	vst v63  }
0xfd: {  	_ =	swait.ge [sflag:s4], $0x4000  }
0xfe: {  	[sflag:s4] =	ssyncset.done $0x0  }
0xff: {  	[sflag:s4] =	ssyncadd.s32 $0xFFFFC000  }
0x100: {  	[tilespmem:s3], [sflag:$0x2] =	stream.linear.gather [hbm4b:s7+s3], $0x80, $0x38;
	[tilespmem:$0x4080] =	vst v63  }
0x101: {  	_ =	swait.ge [sflag:s4], $0x80  }
0x102: {  	[sflag:s4] =	ssyncset.done $0x0  }
0x103: {  	[sflag:s4] =	ssyncadd.s32 $0xFFFFFF80  }
0x104: {  	[tilespmem:s5], [sflag:$0x1] =	stream.indirect.gather [hbm4b:s2+s5], $0x80, s3, s5, $0xb8;
	[tilespmem:$0x4080] =	vst v63  }
0x105: {  	_ =	swait.ge [sflag:s6], $0x4000  }
0x106: {  	[sflag:s6] =	ssyncset.done $0x0  }
0x107: {  	[sflag:s6] =	ssyncadd.s32 $0xFFFFC000  }
0x108: {  	[hbm4b:s8+s3] =	stream.linear.scatter [tilespmem:s5], [sflag:$0x2], $0x4000, $0x38;
	[tilespmem:$0x4080] =	vst v63  }
0x109: {  	_ =	swait.ge [sflag:s4], $0x4000  }
0x10a: {  	[sflag:s4] =	ssyncset.done $0x0  }
0x10b: {  	[sflag:s4] =	ssyncadd.s32 $0xFFFFC000  }
0x10c: {  	[tilespmem:s3], [sflag:$0x2] =	stream.linear.gather [hbm4b:s9+s3], $0x80, $0x38;
	[tilespmem:$0x4080] =	vst v63  }
0x10d: {  	_ =	swait.ge [sflag:s4], $0x80  }
0x10e: {  	[sflag:s4] =	ssyncset.done $0x0  }
0x10f: {  	[sflag:s4] =	ssyncadd.s32 $0xFFFFFF80  }
0x110: {  	[tilespmem:s5], [sflag:$0x1] =	stream.indirect.gather [hbm4b:s2+s5], $0x80, s3, s5, $0xb8;
	[tilespmem:$0x4080] =	vst v63  }
0x111: {  	_ =	swait.ge [sflag:s6], $0x4000  }
0x112: {  	[sflag:s6] =	ssyncset.done $0x0  }
0x113: {  	[sflag:s6] =	ssyncadd.s32 $0xFFFFC000  }
0x114: {  	[hbm4b:s10+s3] =	stream.linear.scatter [tilespmem:s5], [sflag:$0x2], $0x4000, $0x38;
	[tilespmem:$0x4080] =	vst v63  }
0x115: {  	_ =	swait.ge [sflag:s4], $0x4000  }
0x116: {  	[sflag:s4] =	ssyncset.done $0x0  }
0x117: {  	[sflag:s4] =	ssyncadd.s32 $0xFFFFC000  }
0x118: {  	[tilespmem:s3], [sflag:$0x2] =	stream.linear.gather [hbm4b:s11+s3], $0x80, $0x38;
	[tilespmem:$0x4080] =	vst v63  }
0x119: {  	_ =	swait.ge [sflag:s4], $0x80  }
0x11a: {  	[sflag:s4] =	ssyncset.done $0x0  }
0x11b: {  	[sflag:s4] =	ssyncadd.s32 $0xFFFFFF80  }
0x11c: {  	[tilespmem:s5], [sflag:$0x1] =	stream.indirect.gather [hbm4b:s2+s5], $0x80, s3, s5, $0xb8;
	[tilespmem:$0x4080] =	vst v63  }
0x11d: {  	_ =	swait.ge [sflag:s6], $0x4000  }
0x11e: {  	[sflag:s6] =	ssyncset.done $0x0  }
0x11f: {  	[sflag:s6] =	ssyncadd.s32 $0xFFFFC000  }
0x120: {  	[hbm4b:s12+s3] =	stream.linear.scatter [tilespmem:s5], [sflag:$0x2], $0x4000, $0x38;
	[tilespmem:$0x4080] =	vst v63  }
0x121: {  	_ =	swait.ge [sflag:s4], $0x4000  }
0x122: {  	[sflag:s4] =	ssyncset.done $0x0  }
0x123: {  	[sflag:s4] =	ssyncadd.s32 $0xFFFFC000  }
0x124: {  	[tilespmem:s3], [sflag:$0x2] =	stream.linear.gather [hbm4b:s13+s3], $0x80, $0x38;
	[tilespmem:$0x4080] =	vst v63  }
0x125: {  	_ =	swait.ge [sflag:s4], $0x80  }
0x126: {  	[sflag:s4] =	ssyncset.done $0x0  }
0x127: {  	[sflag:s4] =	ssyncadd.s32 $0xFFFFFF80  }
0x128: {  	[tilespmem:s5], [sflag:$0x1] =	stream.indirect.gather [hbm4b:s2+s5], $0x80, s3, s5, $0xb8;
	[tilespmem:$0x4080] =	vst v63  }
0x129: {  	_ =	swait.ge [sflag:s6], $0x4000  }
0x12a: {  	[sflag:s6] =	ssyncset.done $0x0  }
0x12b: {  	[sflag:s6] =	ssyncadd.s32 $0xFFFFC000  }
0x12c: {  	[hbm4b:s14+s3] =	stream.linear.scatter [tilespmem:s5], [sflag:$0x2], $0x4000, $0x38;
	[tilespmem:$0x4080] =	vst v63  }
0x12d: {  	_ =	swait.ge [sflag:s4], $0x4000  }
0x12e: {  	[sflag:s4] =	ssyncset.done $0x0  }
0x12f: {  	[sflag:s4] =	ssyncadd.s32 $0xFFFFC000  }
0x130: {  	[tilespmem:s3], [sflag:$0x2] =	stream.linear.gather [hbm4b:s15+s3], $0x80, $0x38;
	[tilespmem:$0x4080] =	vst v63  }
0x131: {  	_ =	swait.ge [sflag:s4], $0x80  }
0x132: {  	[sflag:s4] =	ssyncset.done $0x0  }
0x133: {  	[sflag:s4] =	ssyncadd.s32 $0xFFFFFF80  }
0x134: {  	[tilespmem:s5], [sflag:$0x1] =	stream.indirect.gather [hbm4b:s2+s5], $0x80, s3, s5, $0xb8;
	[tilespmem:$0x4080] =	vst v63  }
0x135: {  	_ =	swait.ge [sflag:s6], $0x4000  }
0x136: {  	[sflag:s6] =	ssyncset.done $0x0  }
0x137: {  	[sflag:s6] =	ssyncadd.s32 $0xFFFFC000  }
0x138: {  	[hbm4b:s16+s3] =	stream.linear.scatter [tilespmem:s5], [sflag:$0x2], $0x4000, $0x38;
	[tilespmem:$0x4080] =	vst v63  }
0x139: {  	_ =	swait.ge [sflag:s4], $0x4000  }
0x13a: {  	[sflag:s4] =	ssyncset.done $0x0  }
0x13b: {  	[sflag:s4] =	ssyncadd.s32 $0xFFFFC000  }
0x13c: {  	[tilespmem:s3], [sflag:$0x2] =	stream.linear.gather [hbm4b:s17+s3], $0x80, $0x38;
	[tilespmem:$0x4080] =	vst v63  }
0x13d: {  	_ =	swait.ge [sflag:s4], $0x80  }
0x13e: {  	[sflag:s4] =	ssyncset.done $0x0  }
0x13f: {  	[sflag:s4] =	ssyncadd.s32 $0xFFFFFF80  }
0x140: {  	[tilespmem:s5], [sflag:$0x1] =	stream.indirect.gather [hbm4b:s2+s5], $0x80, s3, s5, $0xb8;
	[tilespmem:$0x4080] =	vst v63  }
0x141: {  	_ =	swait.ge [sflag:s6], $0x4000  }
0x142: {  	[sflag:s6] =	ssyncset.done $0x0  }
0x143: {  	[sflag:s6] =	ssyncadd.s32 $0xFFFFC000  }
0x144: {  	[hbm4b:s18+s3] =	stream.linear.scatter [tilespmem:s5], [sflag:$0x2], $0x4000, $0x38;
	[tilespmem:$0x4080] =	vst v63  }
0x145: {  	_ =	swait.ge [sflag:s4], $0x4000  }
0x146: {  	[sflag:s4] =	ssyncset.done $0x0  }
0x147: {  	[sflag:s4] =	ssyncadd.s32 $0xFFFFC000  }
0x148: {  	[tilespmem:s3], [sflag:$0x2] =	stream.linear.gather [hbm4b:s19+s3], $0x80, $0x38;
	[tilespmem:$0x4080] =	vst v63  }
0x149: {  	_ =	swait.ge [sflag:s4], $0x80  }
0x14a: {  	[sflag:s4] =	ssyncset.done $0x0  }
0x14b: {  	[sflag:s4] =	ssyncadd.s32 $0xFFFFFF80  }
0x14c: {  	[tilespmem:s5], [sflag:$0x1] =	stream.indirect.gather [hbm4b:s2+s5], $0x80, s3, s5, $0xb8;
	[tilespmem:$0x4080] =	vst v63  }
0x14d: {  	_ =	swait.ge [sflag:s6], $0x4000  }
0x14e: {  	[sflag:s6] =	ssyncset.done $0x0  }
0x14f: {  	[sflag:s6] =	ssyncadd.s32 $0xFFFFC000  }
0x150: {  	[hbm4b:s20+s3] =	stream.linear.scatter [tilespmem:s5], [sflag:$0x2], $0x4000, $0x38;
	[tilespmem:$0x4080] =	vst v63  }
0x151: {  	_ =	swait.ge [sflag:s4], $0x4000  }
0x152: {  	[sflag:s4] =	ssyncset.done $0x0  }
0x153: {  	[sflag:s4] =	ssyncadd.s32 $0xFFFFC000  }
0x154: {  	[tilespmem:s3], [sflag:$0x2] =	stream.linear.gather [hbm4b:s21+s3], $0x80, $0x38;
	[tilespmem:$0x4080] =	vst v63  }
0x155: {  	_ =	swait.ge [sflag:s4], $0x80  }
0x156: {  	[sflag:s4] =	ssyncset.done $0x0  }
0x157: {  	[sflag:s4] =	ssyncadd.s32 $0xFFFFFF80  }
0x158: {  	[tilespmem:s5], [sflag:$0x1] =	stream.indirect.gather [hbm4b:s2+s5], $0x80, s3, s5, $0xb8;
	[tilespmem:$0x4080] =	vst v63  }
0x159: {  	_ =	swait.ge [sflag:s6], $0x4000  }
0x15a: {  	[sflag:s6] =	ssyncset.done $0x0  }
0x15b: {  	[sflag:s6] =	ssyncadd.s32 $0xFFFFC000  }
0x15c: {  	[hbm4b:s22+s3] =	stream.linear.scatter [tilespmem:s5], [sflag:$0x2], $0x4000, $0x38;
	[tilespmem:$0x4080] =	vst v63  }
0x15d: {  	_ =	swait.ge [sflag:s4], $0x4000  }
0x15e: {  	[sflag:s4] =	ssyncset.done $0x0  }
0x15f: {  	[sflag:s4] =	ssyncadd.s32 $0xFFFFC000  }
0x160: {  	[tilespmem:s3], [sflag:$0x2] =	stream.linear.gather [hbm4b:s23+s3], $0x80, $0x38;
	[tilespmem:$0x4080] =	vst v63  }
0x161: {  	_ =	swait.ge [sflag:s4], $0x80  }
0x162: {  	[sflag:s4] =	ssyncset.done $0x0  }
0x163: {  	[sflag:s4] =	ssyncadd.s32 $0xFFFFFF80  }
0x164: {  	[tilespmem:s5], [sflag:$0x1] =	stream.indirect.gather [hbm4b:s2+s5], $0x80, s3, s5, $0xb8;
	[tilespmem:$0x4080] =	vst v63  }
0x165: {  	_ =	swait.ge [sflag:s6], $0x4000  }
0x166: {  	[sflag:s6] =	ssyncset.done $0x0  }
0x167: {  	[sflag:s6] =	ssyncadd.s32 $0xFFFFC000  }
0x168: {  	[hbm4b:s24+s3] =	stream.linear.scatter [tilespmem:s5], [sflag:$0x2], $0x4000, $0x38;
	[tilespmem:$0x4080] =	vst v63  }
0x169: {  	_ =	swait.ge [sflag:s4], $0x4000  }
0x16a: {  	[sflag:s4] =	ssyncset.done $0x0  }
0x16b: {  	[sflag:s4] =	ssyncadd.s32 $0xFFFFC000  }
0x16c: {  	[tilespmem:s3], [sflag:$0x2] =	stream.linear.gather [hbm4b:s25+s3], $0x80, $0x38;
	[tilespmem:$0x4080] =	vst v63  }
0x16d: {  	_ =	swait.ge [sflag:s4], $0x80  }
0x16e: {  	[sflag:s4] =	ssyncset.done $0x0  }
0x16f: {  	[sflag:s4] =	ssyncadd.s32 $0xFFFFFF80  }
0x170: {  	[tilespmem:s5], [sflag:$0x1] =	stream.indirect.gather [hbm4b:s2+s5], $0x80, s3, s5, $0xb8;
	[tilespmem:$0x4080] =	vst v63  }
0x171: {  	_ =	swait.ge [sflag:s6], $0x4000  }
0x172: {  	[sflag:s6] =	ssyncset.done $0x0  }
0x173: {  	[sflag:s6] =	ssyncadd.s32 $0xFFFFC000  }
0x174: {  	[hbm4b:s26+s3] =	stream.linear.scatter [tilespmem:s5], [sflag:$0x2], $0x4000, $0x38;
	[tilespmem:$0x4080] =	vst v63  }
0x175: {  	_ =	swait.ge [sflag:s4], $0x4000  }
0x176: {  	[sflag:s4] =	ssyncset.done $0x0  }
0x177: {  	[sflag:s4] =	ssyncadd.s32 $0xFFFFC000  }
0x178: {  	[tilespmem:s3], [sflag:$0x2] =	stream.linear.gather [hbm4b:s28+s3], $0x80, $0x38;
	[tilespmem:$0x4080] =	vst v63  }
0x179: {  	_ =	swait.ge [sflag:s4], $0x80  }
0x17a: {  	[sflag:s4] =	ssyncset.done $0x0  }
0x17b: {  	[sflag:s4] =	ssyncadd.s32 $0xFFFFFF80  }
0x17c: {  	[tilespmem:s5], [sflag:$0x1] =	stream.indirect.gather [hbm4b:s2+s5], $0x80, s3, s5, $0xb8;
	[tilespmem:$0x4080] =	vst v63  }
0x17d: {  	_ =	swait.ge [sflag:s6], $0x4000  }
0x17e: {  	[sflag:s6] =	ssyncset.done $0x0  }
0x17f: {  	[sflag:s6] =	ssyncadd.s32 $0xFFFFC000  }
0x180: {  	[hbm4b:s29+s3] =	stream.linear.scatter [tilespmem:s5], [sflag:$0x2], $0x4000, $0x38;
	[tilespmem:$0x4080] =	vst v63  }
0x181: {  	_ =	swait.ge [sflag:s4], $0x4000  }
0x182: {  	[sflag:s4] =	ssyncset.done $0x0  }
0x183: {  	[sflag:s4] =	ssyncadd.s32 $0xFFFFC000  }
0x184: {  	[tilespmem:s3], [sflag:$0x2] =	stream.linear.gather [hbm4b:s30+s3], $0x80, $0x38;
	[tilespmem:$0x4080] =	vst v63  }
0x185: {  	_ =	swait.ge [sflag:s4], $0x80  }
0x186: {  	[sflag:s4] =	ssyncset.done $0x0  }
0x187: {  	p0 =	sne.s32 s0, $0x1;
	[sflag:s4] =	ssyncadd.s32 $0xFFFFFF80  }
0x188: {  	[tilespmem:s5], [sflag:$0x1] =	stream.indirect.gather [hbm4b:s2+s5], $0x80, s3, s5, $0xb8;
	[tilespmem:$0x4080] =	vst v63  }
.Ltmp1:
0x189: {  	_ =	swait.ge [sflag:s6], $0x4000;
	(pc) =	sbr.rel @p0 .LBB2_1-.Ltmp1, $4  }
0x18a: {  	[sflag:s6] =	ssyncset.done $0x0  }
0x18b: {  	[sflag:s6] =	ssyncadd.s32 $0xFFFFC000  }
0x18c: {  	[hbm4b:s31+s3] =	stream.linear.scatter [tilespmem:s5], [sflag:$0x2], $0x4000, $0x38;
	[tilespmem:$0x4080] =	vst v63  }
0x18d: {  	s0 =	sadd.s32 $0xFFFFFFFF, s0;
	_ =	swait.ge [sflag:s4], $0x4000  }
.LBB2_2:
0x18e: {  	[sflag:s4] =	ssyncset.done $0x0  }
0x18f: {  	[sflag:s4] =	ssyncadd.s32 $0xFFFFC000  }
0x190: {  	_ =	sfence.sel $0x180000  }
0x191: {  	[bflag:$0x0] =	sbarrier.arrive $0xFFFF  }
0x192: {  	_ =	strace $0x9000004A  }
0x193: {  	s0 =	stileid.u32;
	[bflag:$0x2] =	sbarrier.arrive $0xFFFF  }
0x194: {  	p0 =	sne.s32 s0, $0x0;
	s0 =	rddreg [dreg:$0x2]  }
0x195: {  	s0 =	sadd.s32 @!p0 $0x100000, s0  }
0x196: {  	[sflag:s0] =	ssyncadd.tile.s32 @!p0 $0x1;
	_ =	shalt  }
.Lfunc_end2:
_tile_overlayer_lowered:
.L_overlay_start_2:
0x197: {  	(tag) =	ssettag $0x2  }
0x198: {  	s0 =	rddreg [dreg:$0x0];
	s2 =	stileid.u32  }
0x199: {  	s1 =	rddreg [dreg:$0x1];
	p0 =	sne.s32 s2, $0x0  }
0x19a: {  	s3 =	rddreg [dreg:$0x2];
	[bflag:$0x3] =	sbarrier.arrive $0xFFFF;
	s2 =	simm.s32 @!p0 $0x1C02  }
0x19b: {  	[timem:s3], [sflag:s2] =	dma.local @!p0 [hbm:s0], s1  }
0x19c: {  	s0 =	simm.s32 @!p0 $0x2  }
0x19d: {  	_ =	swait.ge @!p0 [sflag:s0], s1  }
0x19e: {  	s1 =	ssub.s32 @!p0 $0x0, s1;
	[sflag:s0] =	ssyncset.done @!p0 $0x0  }
0x19f: {  	[sflag:s0] =	ssyncadd.s32 @!p0 s1  }
0x1a0: {  	[bflag:$0x3] =	sbarrier.arrive $0xFFFF  }
0x1a1: {  	_ =	shalt  }

// kernel: kernel.9.cloned.1.call-start
scs
__scs_entry_jumppad:
0x0: {  	(pc) =	sbr.rel $0x88, $3  }
0x1: {  	(tag) =	ssettag $0x0;
	lr =	simm.s32 $0x1  }
0x2: {  	[smem:$0x3F8F] =	sst lr;
	_ =	strace $0xD0000000  }
0x3: {  	_ = 	snop  }
0x4: {  	_ = 	snop  }
0x5: {  	_ = 	snop  }
0x6: {  	_ = 	snop  }
0x7: {  	_ = 	snop  }
__scs_overlays_trampoline_lowered:
0x8: {  	[smem:$0x3F9E] =	sst s0  }
0x9: {  	[smem:$0x3F9F] =	sst s1  }
0xa: {  	[smem:$0x3FA0] =	sst s2  }
0xb: {  	[smem:$0x3FA1] =	sst s3  }
0xc: {  	[smem:$0x3FA2] =	sst s4  }
0xd: {  	[smem:$0x3FA3] =	sst s5  }
0xe: {  	[smem:$0x3FA4] =	sst s6  }
0xf: {  	[smem:$0x3FA5] =	sst s7  }
0x10: {  	[smem:$0x3FA6] =	sst s8  }
0x11: {  	[smem:$0x3FA7] =	sst s9;
	s0 =	simm.s32 @!p0 $0x0  }
0x12: {  	s1 =	sld [smem:$0x3F8D];
	s0 =	simm.s32 @p0 $0x1  }
0x13: {  	[smem:$0x3FA8] =	sst s0;
	s0 =	simm.s32 @!p1 $0x0  }
0x14: {  	s2 =	sld [smem:$0x3F8C];
	s0 =	simm.s32 @p1 $0x1  }
0x15: {  	[smem:$0x3FA9] =	sst s0;
	s0 =	simm.s32 @!p2 $0x0  }
0x16: {  	s3 =	sld [smem:$0x3FDB];
	s0 =	simm.s32 @p2 $0x1  }
0x17: {  	s4 =	simm.s32 $0x1BF5;
	[smem:$0x3FAB] =	sst s0  }
0x18: {  	s0 =	sld [smem:$0x3F8E];
	_ =	swait.ge [sflag:s4], $0x0  }
0x19: {  	s7 =	sld [smem:$0x3F8F]  }
0x1a: {  	s8 =	sadd.s32 $0xFFFFE003, lr  }
0x1b: {  	s9 =	sadd.s32 $0xFFFFFEF7, lr;
	s5 =	simm.s32 $0xFFFFFFFF;
	p2 =	slt.u32 s8, $0xFFFFF086  }
0x1c: {  	p1 =	slt.u32 s9, $0xF7A;
	s5 =	simm.s32 @!p2 $0x0  }
0x1d: {  	s5 =	simm.s32 @p1 $0x1;
	p0 =	seq.s32 s7, s2  }
0x1e: {  	s7 =	smul.u32 @!p0 $0xF7A, s2;
	p2 =	seq.s32 @!p0 s5, $0x0  }
0x1f: {  	s9 =	smul.u32 $0xF7A, s1;
	s8 =	simm.s32 @!p0 $0x1BF5;
	p2 =	por !p2, p0  }
0x20: {  	[sflag:s8] =	ssyncset.s32 @!p0 $0xFFFFF086;
	s6 =	sadd.s32 @!p0 s3, s7;
	s7 =	simm.s32 @!p0 $0x108  }
0x21: {  	s3 =	sadd.s32 s3, s9;
	s6 =	sadd.s32 @!p0 $0x88, s6;
	s7 =	simm.s32 @p2 $0x1082  }
0x22: {  	[simem:s7], [sflag:s8] =	dma.local @!p0 [hbm:s6], $0xF7A  }
0x23: {  	s9 =	sor.u32 $0xD0000000, s2;
	s6 =	simm.s32 $0x108;
	_ =	swait.ge @!p0 [sflag:s8], $0x0  }
0x24: {  	s3 =	sadd.s32 $0x88, s3;
	s6 =	simm.s32 @!p1 $0x1082;
	[sflag:s4] =	ssyncset.s32 $0xFFFFF086  }
0x25: {  	[simem:s6], [sflag:s4] =	dma.local [hbm:s3], $0xF7A  }
0x26: {  	[smem:$0x3F8F] =	sst s1;
	(tag) =	ssettag s2;
	_ =	strace s9  }
0x27: {  	s1 =	sld [smem:$0x3F9F]  }
0x28: {  	s2 =	sld [smem:$0x3FA0]  }
0x29: {  	s4 =	sld [smem:$0x3FA2]  }
0x2a: {  	p0 =	seq.s32 s5, $0x0;
	s5 =	sld [smem:$0x3FA3]  }
0x2b: {  	s6 =	sld [smem:$0x3FA4]  }
0x2c: {  	s7 =	sld [smem:$0x3FA5]  }
0x2d: {  	s3 =	simm.s32 $0x108;
	s8 =	sld [smem:$0x3FA6]  }
0x2e: {  	s3 =	simm.s32 @!p0 $0x1082;
	s9 =	sld [smem:$0x3FA7]  }
0x2f: {  	lr =	sadd.s32 s0, s3;
	s0 =	sld [smem:$0x3F9E]  }
0x30: {  	s3 =	sld [smem:$0x3FA1]  }
0x31: {  	[smem:$0x3FAA] =	sst s10  }
0x32: {  	s10 =	sld [smem:$0x3FA8];
	_ =	sdelay $0x3  }
0x33: {  	p0 =	seq.s32 s10, $0x1;
	s10 =	sld [smem:$0x3FAA];
	_ =	sdelay $0x3  }
0x34: {  	[smem:$0x3FAA] =	sst s10  }
0x35: {  	s10 =	sld [smem:$0x3FA9];
	_ =	sdelay $0x3  }
0x36: {  	p1 =	seq.s32 s10, $0x1;
	s10 =	sld [smem:$0x3FAA];
	_ =	sdelay $0x3  }
0x37: {  	[smem:$0x3FAA] =	sst s10  }
0x38: {  	s10 =	sld [smem:$0x3FAB]  }
0x39: {  	_ = 	snop;
	(pc) =	sbr.ind lr, $3  }
0x3a: {  	_ = 	snop  }
0x3b: {  	_ = 	snop  }
0x3c: {  	p2 =	seq.s32 s10, $0x1;
	s10 =	sld [smem:$0x3FAA]  }
0x3d: {  	_ =	shalt  }
0x3e: {  	_ =	shalt  }
0x3f: {  	_ =	shalt  }
0x40: {  	_ =	shalt  }
0x41: {  	_ =	shalt  }
0x42: {  	_ =	shalt  }
0x43: {  	_ =	shalt  }
0x44: {  	_ =	shalt  }
0x45: {  	_ =	shalt  }
0x46: {  	_ =	shalt  }
0x47: {  	_ =	shalt  }
0x48: {  	_ =	shalt  }
0x49: {  	_ =	shalt  }
0x4a: {  	_ =	shalt  }
0x4b: {  	_ =	shalt  }
0x4c: {  	_ =	shalt  }
0x4d: {  	_ =	shalt  }
0x4e: {  	_ =	shalt  }
0x4f: {  	_ =	shalt  }
0x50: {  	_ =	shalt  }
0x51: {  	_ =	shalt  }
0x52: {  	_ =	shalt  }
0x53: {  	_ =	shalt  }
0x54: {  	_ =	shalt  }
0x55: {  	_ =	shalt  }
0x56: {  	_ =	shalt  }
0x57: {  	_ =	shalt  }
0x58: {  	_ =	shalt  }
0x59: {  	_ =	shalt  }
0x5a: {  	_ =	shalt  }
0x5b: {  	_ =	shalt  }
0x5c: {  	_ =	shalt  }
0x5d: {  	_ =	shalt  }
0x5e: {  	_ =	shalt  }
0x5f: {  	_ =	shalt  }
0x60: {  	_ =	shalt  }
0x61: {  	_ =	shalt  }
0x62: {  	_ =	shalt  }
0x63: {  	_ =	shalt  }
0x64: {  	_ =	shalt  }
0x65: {  	_ =	shalt  }
0x66: {  	_ =	shalt  }
0x67: {  	_ =	shalt  }
0x68: {  	_ =	shalt  }
0x69: {  	_ =	shalt  }
0x6a: {  	_ =	shalt  }
0x6b: {  	_ =	shalt  }
0x6c: {  	_ =	shalt  }
0x6d: {  	_ =	shalt  }
0x6e: {  	_ =	shalt  }
0x6f: {  	_ =	shalt  }
0x70: {  	_ =	shalt  }
0x71: {  	_ =	shalt  }
0x72: {  	_ =	shalt  }
0x73: {  	_ =	shalt  }
0x74: {  	_ =	shalt  }
0x75: {  	_ =	shalt  }
0x76: {  	_ =	shalt  }
0x77: {  	_ =	shalt  }
0x78: {  	_ =	shalt  }
0x79: {  	_ =	shalt  }
0x7a: {  	_ =	shalt  }
0x7b: {  	_ =	shalt  }
0x7c: {  	_ =	shalt  }
0x7d: {  	_ =	shalt  }
0x7e: {  	_ =	shalt  }
0x7f: {  	_ =	shalt  }
0x80: {  	_ =	shalt  }
0x81: {  	_ =	shalt  }
0x82: {  	_ =	shalt  }
0x83: {  	_ =	shalt  }
0x84: {  	_ =	shalt  }
0x85: {  	_ =	shalt  }
0x86: {  	_ =	shalt  }
0x87: {  	_ =	shalt  }
.Lfunc_end0:
.L_simem_size_0:
called_computation_lowered:
.L_overlay_start_0:
0x88: {  	s2 =	sld [smem:$0x3FD9]  }
0x89: {  	s3 =	sld [smem:$0x3FFE];
	_ =	sdelay $0x1  }
0x8a: {  	s1 =	srdreg.scid  }
0x8b: {  	s0 =	sand.u32 $0x1, s1  }
0x8c: {  	s14 =	sshll.u32 s0, $0xA;
	s2 =	sadd.s32 s3, s2  }
0x8d: {  	s2 =	sadd.s32 s2, s14  }
0x8e: {  	[smem:$0x3FB6] =	sst s2  }
0x8f: {  	_ = 	snop  }
0x90: {  	s2 =	sld [smem:$0x3FD0];
	_ =	sdelay $0x2  }
0x91: {  	s4 =	simm.s32 $0xA;
	s5 =	simm.s32 $0x10;
	s15 =	sld [smem:$0x3FC6]  }
0x92: {  	[smem:s5], [sflag:s4] =	dma.local [hbm:s2], $0x1  }
0x93: {  	_ =	swait.eq [sflag:s4], $0x1  }
0x94: {  	[sflag:s4] =	ssyncset.done $0x0  }
0x95: {  	[sflag:s4] =	ssyncadd.s32 $0xFFFFFFFF  }
0x96: {  	s16 =	sld [smem:$0x10];
	(tm) =	ssettm $0x1  }
0x97: {  	s17 =	sld [smem:$0x3FFB];
	_ =	sdelay $0x3  }
0x98: {  	_ =	strace s17  }
0x99: {  	s4 =	sld [smem:$0x3FFC];
	_ =	sdelay $0x3  }
0x9a: {  	_ =	strace s4  }
0x9b: {  	s4 =	sld [smem:$0x3FFD];
	_ =	sdelay $0x3  }
0x9c: {  	_ =	strace s4  }
0x9d: {  	_ =	strace $0x8FFFFFFF  }
0x9e: {  	s18 =	sld [smem:$0x3FDB];
	_ =	sdelay $0x1  }
0x9f: {  	s19 =	simm.s32 $_scs_section_size  }
0xa0: {  	s6 =	simm.s32 $_size__tile_overlayer_lowered;
	s7 =	simm.s32 $_tile_overlayer_lowered  }
0xa1: {  	s22 =	simm.s32 $0x1BFF;
	s21 =	sshll.u32 s7, $0x1;
	s4 =	sadd.s32 s19, s18  }
0xa2: {  	s8 =	simm.s32 $0x0;
	s20 =	sshll.u32 s6, $0x1;
	s6 =	sadd.s32 s21, s4  }
0xa3: {  	[timem:s8], [sflag:s22] =	dma.local [hbm:s6], s20  }
0xa4: {  	_ =	swait.ge [sflag:s22], s20  }
0xa5: {  	s5 =	ssub.s32 $0x0, s20;
	[sflag:s22] =	ssyncset.done $0x0  }
0xa6: {  	[sflag:s22] =	ssyncadd.s32 s5;
	_ =	sdelay $0x1  }
0xa7: {  	s23 =	simm.s32 $0x1B8B  }
0xa8: {  	_ =	swait.ge [sflag:s23], $0x1  }
0xa9: {  	[sflag:s23] =	ssyncset.done $0x0  }
0xaa: {  	s25 =	simm.s32 $0x1B8E;
	s24 =	sld [smem:$0x3FFE];
	[sflag:s23] =	ssyncadd.s32 $0xFFFFFFFF  }
0xab: {  	s26 =	simm.s32 $execute0_lowered;
	[smem:$0x3FD2] =	sst s25  }
0xac: {  	s6 =	sshll.u32 s26, $0x1;
	_ =	strace $0x80000046;
	[dreg:$0x1] =	wrdreg $0xFFFFFFFF  }
0xad: {  	s28 =	simm.s32 $_size_execute0_lowered;
	s4 =	sadd.s32 s4, s6;
	[dreg:$0x0] =	wrdreg $0x0  }
0xae: {  	s6 =	sshll.u32 s28, $0x1;
	[dreg:$0x2] =	wrdreg s4  }
0xaf: {  	[dreg:$0x3] =	wrdreg s6  }
0xb0: {  	[dreg:$0x4] =	wrdreg $0xC0  }
0xb1: {  	_ =	task [dreg:s8], $0x5FFFF  }
0xb2: {  	[dreg:$0x1] =	wrdreg $0xFFFFFFFF  }
0xb3: {  	[dreg:$0x0] =	wrdreg $0x60  }
0xb4: {  	[dreg:$0x2] =	wrdreg s15  }
0xb5: {  	[dreg:$0x3] =	wrdreg s16  }
0xb6: {  	[dreg:$0x4] =	wrdreg s24  }
0xb7: {  	[dreg:$0x5] =	wrdreg $0x9  }
0xb8: {  	_ =	task.clear_ibuf [dreg:s8], $0x6FFFF;
	_ =	strace $0x90000046  }
0xb9: {  	s29 =	simm.s32 $0x9;
	_ =	strace $0x80000048  }
0xba: {  	_ =	swait.ge [sflag:s29], $0x1  }
0xbb: {  	[sflag:s29] =	ssyncadd.s32 $0xFFFFFFFF  }
0xbc: {  	_ =	strace $0x90000048  }
0xbd: {  	_ =	sfence  }
0xbe: {  	s30 =	sld [smem:$0x0];
	_ =	sdelay $0x2  }
0xbf: {  	s31 =	sshll.u32 s1, $0xD;
	s1 =	sshrl.u32 s1, $0x2  }
0xc0: {  	s3 =	sand.u32 $0x4000, s31;
	s1 =	sadd.s32 s1, s30  }
0xc1: {  	s0 =	sor.u32 s3, s0;
	s1 =	sshll.u32 s1, $0x11  }
0xc2: {  	s0 =	sor.u32 s1, s0  }
0xc3: {  	s0 =	sadd.s32 $0x8F2B, s0  }
0xc4: {  	[sflag:s0] =	ssyncadd.remote.s32 $0x1  }
0xc5: {  	_ =	sfence.sel $0xFFFF  }
0xc6: {  	[dreg:$0x0] =	wrdreg $0xFFFFFFFF;
	(pc) =	sbr.abs _section_cstart, $3  }
0xc7: {  	[dreg:$0x1] =	wrdreg $0xFFFFFFFF  }
0xc8: {  	_ =	task.clear_ibuf [dreg:s8], $0x2FFFF;
	_ =	strace $0x9FFFFFFF  }
0xc9: {  	(tm) =	ssettm $0x7FFFFFFF  }
tec
execute0_lowered:
.L_overlay_start_1:
0x0: {  	(tag) =	ssettag $0x1  }
0x1: {  	s1 =	rddreg [dreg:$0x0];
	s2 =	srdreg.scid  }
0x2: {  	s21 =	rddreg [dreg:$0x1];
	s0 =	stileid.u32;
	s22 =	sand.u32 $0x1, s2  }
0x3: {  	s8 =	rddreg [dreg:$0x2];
	s4 =	sshll.u32 s0, $0xB;
	s5 =	sshll.u32 s22, $0xA  }
0x4: {  	s3 =	simm.s32 $0x0;
	s2 =	rddreg [dreg:$0x3];
	s24 =	sor.u32 s5, s4  }
0x5: {  	[smem:$0x7FF] =	sst s3;
	s4 =	sshrl.u32 s24, $0x3  }
0x6: {  	_ =	strace $0x80000047;
	s5 =	sadd.s32 s21, s4;
	s4 =	simm.s32 $0x2  }
0x7: {  	[tilespmem:s3], [sflag:$0x2] =	stream.linear.gather [hbm4b:s5+s3], $0x80, $0x38;
	[tilespmem:$0x4080] =	vst v63  }
0x8: {  	_ =	swait.ge [sflag:s4], $0x80  }
0x9: {  	[sflag:s4] =	ssyncset.done $0x0  }
0xa: {  	s6 =	simm.s32 $0x80;
	s7 =	simm.s32 $0x1;
	[sflag:s4] =	ssyncadd.s32 $0xFFFFFF80  }
0xb: {  	[tilespmem:s6], [sflag:$0x1] =	stream.indirect.gather [hbm4b:s1+s6], $0x80, s3, s6, $0xb8;
	[tilespmem:$0x4080] =	vst v63  }
0xc: {  	_ =	swait.ge [sflag:s7], $0x4000  }
0xd: {  	s23 =	sadd.s32 $0x2E00, s8;
	s28 =	sshll.u32 s24, $0x4;
	[sflag:s7] =	ssyncset.done $0x0  }
0xe: {  	s8 =	sadd.s32 s23, s28;
	[sflag:s7] =	ssyncadd.s32 $0xFFFFC000  }
0xf: {  	[hbm4b:s8+s3] =	stream.linear.scatter [tilespmem:s6], [sflag:$0x2], $0x4000, $0x38;
	[tilespmem:$0x4080] =	vst v63  }
0x10: {  	s10 =	sor.u32 $0x80, s24;
	_ =	swait.ge [sflag:s4], $0x4000  }
0x11: {  	s9 =	sshrl.u32 s10, $0x3;
	[sflag:s4] =	ssyncset.done $0x0  }
0x12: {  	s9 =	sadd.s32 s21, s9;
	[sflag:s4] =	ssyncadd.s32 $0xFFFFC000  }
0x13: {  	[tilespmem:s3], [sflag:$0x2] =	stream.linear.gather [hbm4b:s9+s3], $0x80, $0x38;
	[tilespmem:$0x4080] =	vst v63  }
0x14: {  	_ =	swait.ge [sflag:s4], $0x80  }
0x15: {  	[sflag:s4] =	ssyncset.done $0x0  }
0x16: {  	[sflag:s4] =	ssyncadd.s32 $0xFFFFFF80  }
0x17: {  	[tilespmem:s6], [sflag:$0x1] =	stream.indirect.gather [hbm4b:s1+s6], $0x80, s3, s6, $0xb8;
	[tilespmem:$0x4080] =	vst v63  }
0x18: {  	_ =	swait.ge [sflag:s7], $0x4000  }
0x19: {  	s10 =	sshll.u32 s10, $0x4;
	[sflag:s7] =	ssyncset.done $0x0  }
0x1a: {  	s10 =	sadd.s32 s23, s10;
	[sflag:s7] =	ssyncadd.s32 $0xFFFFC000  }
0x1b: {  	[hbm4b:s10+s3] =	stream.linear.scatter [tilespmem:s6], [sflag:$0x2], $0x4000, $0x38;
	[tilespmem:$0x4080] =	vst v63  }
0x1c: {  	s12 =	sor.u32 $0x100, s24;
	_ =	swait.ge [sflag:s4], $0x4000  }
0x1d: {  	s11 =	sshrl.u32 s12, $0x3;
	[sflag:s4] =	ssyncset.done $0x0  }
0x1e: {  	s11 =	sadd.s32 s21, s11;
	[sflag:s4] =	ssyncadd.s32 $0xFFFFC000  }
0x1f: {  	[tilespmem:s3], [sflag:$0x2] =	stream.linear.gather [hbm4b:s11+s3], $0x80, $0x38;
	[tilespmem:$0x4080] =	vst v63  }
0x20: {  	_ =	swait.ge [sflag:s4], $0x80  }
0x21: {  	[sflag:s4] =	ssyncset.done $0x0  }
0x22: {  	[sflag:s4] =	ssyncadd.s32 $0xFFFFFF80  }
0x23: {  	[tilespmem:s6], [sflag:$0x1] =	stream.indirect.gather [hbm4b:s1+s6], $0x80, s3, s6, $0xb8;
	[tilespmem:$0x4080] =	vst v63  }
0x24: {  	_ =	swait.ge [sflag:s7], $0x4000  }
0x25: {  	s12 =	sshll.u32 s12, $0x4;
	[sflag:s7] =	ssyncset.done $0x0  }
0x26: {  	s12 =	sadd.s32 s23, s12;
	[sflag:s7] =	ssyncadd.s32 $0xFFFFC000  }
0x27: {  	[hbm4b:s12+s3] =	stream.linear.scatter [tilespmem:s6], [sflag:$0x2], $0x4000, $0x38;
	[tilespmem:$0x4080] =	vst v63  }
0x28: {  	s14 =	sor.u32 $0x180, s24;
	_ =	swait.ge [sflag:s4], $0x4000  }
0x29: {  	s13 =	sshrl.u32 s14, $0x3;
	[sflag:s4] =	ssyncset.done $0x0  }
0x2a: {  	s13 =	sadd.s32 s21, s13;
	[sflag:s4] =	ssyncadd.s32 $0xFFFFC000  }
0x2b: {  	[tilespmem:s3], [sflag:$0x2] =	stream.linear.gather [hbm4b:s13+s3], $0x80, $0x38;
	[tilespmem:$0x4080] =	vst v63  }
0x2c: {  	_ =	swait.ge [sflag:s4], $0x80  }
0x2d: {  	[sflag:s4] =	ssyncset.done $0x0  }
0x2e: {  	[sflag:s4] =	ssyncadd.s32 $0xFFFFFF80  }
0x2f: {  	[tilespmem:s6], [sflag:$0x1] =	stream.indirect.gather [hbm4b:s1+s6], $0x80, s3, s6, $0xb8;
	[tilespmem:$0x4080] =	vst v63  }
0x30: {  	_ =	swait.ge [sflag:s7], $0x4000  }
0x31: {  	s14 =	sshll.u32 s14, $0x4;
	[sflag:s7] =	ssyncset.done $0x0  }
0x32: {  	s14 =	sadd.s32 s23, s14;
	[sflag:s7] =	ssyncadd.s32 $0xFFFFC000  }
0x33: {  	[hbm4b:s14+s3] =	stream.linear.scatter [tilespmem:s6], [sflag:$0x2], $0x4000, $0x38;
	[tilespmem:$0x4080] =	vst v63  }
0x34: {  	s16 =	sor.u32 $0x200, s24;
	_ =	swait.ge [sflag:s4], $0x4000  }
0x35: {  	s15 =	sshrl.u32 s16, $0x3;
	[sflag:s4] =	ssyncset.done $0x0  }
0x36: {  	s15 =	sadd.s32 s21, s15;
	[sflag:s4] =	ssyncadd.s32 $0xFFFFC000  }
0x37: {  	[tilespmem:s3], [sflag:$0x2] =	stream.linear.gather [hbm4b:s15+s3], $0x80, $0x38;
	[tilespmem:$0x4080] =	vst v63  }
0x38: {  	_ =	swait.ge [sflag:s4], $0x80  }
0x39: {  	[sflag:s4] =	ssyncset.done $0x0  }
0x3a: {  	[sflag:s4] =	ssyncadd.s32 $0xFFFFFF80  }
0x3b: {  	[tilespmem:s6], [sflag:$0x1] =	stream.indirect.gather [hbm4b:s1+s6], $0x80, s3, s6, $0xb8;
	[tilespmem:$0x4080] =	vst v63  }
0x3c: {  	_ =	swait.ge [sflag:s7], $0x4000  }
0x3d: {  	s16 =	sshll.u32 s16, $0x4;
	[sflag:s7] =	ssyncset.done $0x0  }
0x3e: {  	s16 =	sadd.s32 s23, s16;
	[sflag:s7] =	ssyncadd.s32 $0xFFFFC000  }
0x3f: {  	[hbm4b:s16+s3] =	stream.linear.scatter [tilespmem:s6], [sflag:$0x2], $0x4000, $0x38;
	[tilespmem:$0x4080] =	vst v63  }
0x40: {  	s18 =	sor.u32 $0x280, s24;
	_ =	swait.ge [sflag:s4], $0x4000  }
0x41: {  	s17 =	sshrl.u32 s18, $0x3;
	[sflag:s4] =	ssyncset.done $0x0  }
0x42: {  	s17 =	sadd.s32 s21, s17;
	[sflag:s4] =	ssyncadd.s32 $0xFFFFC000  }
0x43: {  	[tilespmem:s3], [sflag:$0x2] =	stream.linear.gather [hbm4b:s17+s3], $0x80, $0x38;
	[tilespmem:$0x4080] =	vst v63  }
0x44: {  	_ =	swait.ge [sflag:s4], $0x80  }
0x45: {  	[sflag:s4] =	ssyncset.done $0x0  }
0x46: {  	[sflag:s4] =	ssyncadd.s32 $0xFFFFFF80  }
0x47: {  	[tilespmem:s6], [sflag:$0x1] =	stream.indirect.gather [hbm4b:s1+s6], $0x80, s3, s6, $0xb8;
	[tilespmem:$0x4080] =	vst v63  }
0x48: {  	_ =	swait.ge [sflag:s7], $0x4000  }
0x49: {  	s18 =	sshll.u32 s18, $0x4;
	[sflag:s7] =	ssyncset.done $0x0  }
0x4a: {  	s18 =	sadd.s32 s23, s18;
	[sflag:s7] =	ssyncadd.s32 $0xFFFFC000  }
0x4b: {  	[hbm4b:s18+s3] =	stream.linear.scatter [tilespmem:s6], [sflag:$0x2], $0x4000, $0x38;
	[tilespmem:$0x4080] =	vst v63  }
0x4c: {  	s20 =	sor.u32 $0x300, s24;
	_ =	swait.ge [sflag:s4], $0x4000  }
0x4d: {  	s19 =	sshrl.u32 s20, $0x3;
	[sflag:s4] =	ssyncset.done $0x0  }
0x4e: {  	s19 =	sadd.s32 s21, s19;
	[sflag:s4] =	ssyncadd.s32 $0xFFFFC000  }
0x4f: {  	[tilespmem:s3], [sflag:$0x2] =	stream.linear.gather [hbm4b:s19+s3], $0x80, $0x38;
	[tilespmem:$0x4080] =	vst v63  }
0x50: {  	_ =	swait.ge [sflag:s4], $0x80  }
0x51: {  	[sflag:s4] =	ssyncset.done $0x0  }
0x52: {  	[sflag:s4] =	ssyncadd.s32 $0xFFFFFF80  }
0x53: {  	[tilespmem:s6], [sflag:$0x1] =	stream.indirect.gather [hbm4b:s1+s6], $0x80, s3, s6, $0xb8;
	[tilespmem:$0x4080] =	vst v63  }
0x54: {  	_ =	swait.ge [sflag:s7], $0x4000  }
0x55: {  	s20 =	sshll.u32 s20, $0x4;
	[sflag:s7] =	ssyncset.done $0x0  }
0x56: {  	s20 =	sadd.s32 s23, s20;
	[sflag:s7] =	ssyncadd.s32 $0xFFFFC000  }
0x57: {  	[hbm4b:s20+s3] =	stream.linear.scatter [tilespmem:s6], [sflag:$0x2], $0x4000, $0x38;
	[tilespmem:$0x4080] =	vst v63  }
0x58: {  	s24 =	sor.u32 $0x380, s24;
	_ =	swait.ge [sflag:s4], $0x4000  }
0x59: {  	s25 =	sshrl.u32 s24, $0x3;
	[sflag:s4] =	ssyncset.done $0x0  }
0x5a: {  	s22 =	ssub.s32 $0x2, s22;
	s21 =	sadd.s32 s21, s25;
	[sflag:s4] =	ssyncadd.s32 $0xFFFFC000  }
0x5b: {  	[tilespmem:s3], [sflag:$0x2] =	stream.linear.gather [hbm4b:s21+s3], $0x80, $0x38;
	[tilespmem:$0x4080] =	vst v63  }
0x5c: {  	s29 =	sshrl.u32 s22, $0x1;
	_ =	swait.ge [sflag:s4], $0x80  }
0x5d: {  	s25 =	ssub.s32 s22, s29;
	[sflag:s4] =	ssyncset.done $0x0  }
0x5e: {  	s31 =	smax.u32 s25, $0x1;
	[sflag:s4] =	ssyncadd.s32 $0xFFFFFF80  }
0x5f: {  	[tilespmem:s6], [sflag:$0x1] =	stream.indirect.gather [hbm4b:s1+s6], $0x80, s3, s6, $0xb8;
	[tilespmem:$0x4080] =	vst v63  }
0x60: {  	p0 =	sne.s32 s31, $0x1;
	_ =	swait.ge [sflag:s7], $0x4000  }
.Ltmp0:
0x61: {  	s30 =	sshll.u32 s24, $0x4;
	[sflag:s7] =	ssyncset.done $0x0;
	(pc) =	sbr.rel @!p0 .LBB2_2-.Ltmp0, $4  }
0x62: {  	s22 =	sadd.s32 s23, s30;
	[sflag:s7] =	ssyncadd.s32 $0xFFFFC000  }
0x63: {  	[hbm4b:s22+s3] =	stream.linear.scatter [tilespmem:s6], [sflag:$0x2], $0x4000, $0x38;
	[tilespmem:$0x4080] =	vst v63  }
0x64: {  	_ =	swait.ge [sflag:s4], $0x4000  }
0x65: {  	s23 =	sadd.s32 $0xFFFFFFFF, s31;
	[sflag:s4] =	ssyncset.done $0x0  }
.LBB2_1:
0x66: {  	p0 =	sne.s32 s23, $0x1;
	s23 =	sadd.s32 $0xFFFFFFFF, s23;
	[sflag:s4] =	ssyncadd.s32 $0xFFFFC000  }
0x67: {  	[tilespmem:s3], [sflag:$0x2] =	stream.linear.gather [hbm4b:s5+s3], $0x80, $0x38;
	[tilespmem:$0x4080] =	vst v63  }
0x68: {  	_ =	swait.ge [sflag:s4], $0x80  }
0x69: {  	[sflag:s4] =	ssyncset.done $0x0  }
0x6a: {  	[sflag:s4] =	ssyncadd.s32 $0xFFFFFF80  }
0x6b: {  	[tilespmem:s6], [sflag:$0x1] =	stream.indirect.gather [hbm4b:s1+s6], $0x80, s3, s6, $0xb8;
	[tilespmem:$0x4080] =	vst v63  }
0x6c: {  	_ =	swait.ge [sflag:s7], $0x4000  }
0x6d: {  	[sflag:s7] =	ssyncset.done $0x0  }
0x6e: {  	[sflag:s7] =	ssyncadd.s32 $0xFFFFC000  }
0x6f: {  	[hbm4b:s8+s3] =	stream.linear.scatter [tilespmem:s6], [sflag:$0x2], $0x4000, $0x38;
	[tilespmem:$0x4080] =	vst v63  }
0x70: {  	_ =	swait.ge [sflag:s4], $0x4000  }
0x71: {  	[sflag:s4] =	ssyncset.done $0x0  }
0x72: {  	[sflag:s4] =	ssyncadd.s32 $0xFFFFC000  }
0x73: {  	[tilespmem:s3], [sflag:$0x2] =	stream.linear.gather [hbm4b:s9+s3], $0x80, $0x38;
	[tilespmem:$0x4080] =	vst v63  }
0x74: {  	_ =	swait.ge [sflag:s4], $0x80  }
0x75: {  	[sflag:s4] =	ssyncset.done $0x0  }
0x76: {  	[sflag:s4] =	ssyncadd.s32 $0xFFFFFF80  }
0x77: {  	[tilespmem:s6], [sflag:$0x1] =	stream.indirect.gather [hbm4b:s1+s6], $0x80, s3, s6, $0xb8;
	[tilespmem:$0x4080] =	vst v63  }
0x78: {  	_ =	swait.ge [sflag:s7], $0x4000  }
0x79: {  	[sflag:s7] =	ssyncset.done $0x0  }
0x7a: {  	[sflag:s7] =	ssyncadd.s32 $0xFFFFC000  }
0x7b: {  	[hbm4b:s10+s3] =	stream.linear.scatter [tilespmem:s6], [sflag:$0x2], $0x4000, $0x38;
	[tilespmem:$0x4080] =	vst v63  }
0x7c: {  	_ =	swait.ge [sflag:s4], $0x4000  }
0x7d: {  	[sflag:s4] =	ssyncset.done $0x0  }
0x7e: {  	[sflag:s4] =	ssyncadd.s32 $0xFFFFC000  }
0x7f: {  	[tilespmem:s3], [sflag:$0x2] =	stream.linear.gather [hbm4b:s11+s3], $0x80, $0x38;
	[tilespmem:$0x4080] =	vst v63  }
0x80: {  	_ =	swait.ge [sflag:s4], $0x80  }
0x81: {  	[sflag:s4] =	ssyncset.done $0x0  }
0x82: {  	[sflag:s4] =	ssyncadd.s32 $0xFFFFFF80  }
0x83: {  	[tilespmem:s6], [sflag:$0x1] =	stream.indirect.gather [hbm4b:s1+s6], $0x80, s3, s6, $0xb8;
	[tilespmem:$0x4080] =	vst v63  }
0x84: {  	_ =	swait.ge [sflag:s7], $0x4000  }
0x85: {  	[sflag:s7] =	ssyncset.done $0x0  }
0x86: {  	[sflag:s7] =	ssyncadd.s32 $0xFFFFC000  }
0x87: {  	[hbm4b:s12+s3] =	stream.linear.scatter [tilespmem:s6], [sflag:$0x2], $0x4000, $0x38;
	[tilespmem:$0x4080] =	vst v63  }
0x88: {  	_ =	swait.ge [sflag:s4], $0x4000  }
0x89: {  	[sflag:s4] =	ssyncset.done $0x0  }
0x8a: {  	[sflag:s4] =	ssyncadd.s32 $0xFFFFC000  }
0x8b: {  	[tilespmem:s3], [sflag:$0x2] =	stream.linear.gather [hbm4b:s13+s3], $0x80, $0x38;
	[tilespmem:$0x4080] =	vst v63  }
0x8c: {  	_ =	swait.ge [sflag:s4], $0x80  }
0x8d: {  	[sflag:s4] =	ssyncset.done $0x0  }
0x8e: {  	[sflag:s4] =	ssyncadd.s32 $0xFFFFFF80  }
0x8f: {  	[tilespmem:s6], [sflag:$0x1] =	stream.indirect.gather [hbm4b:s1+s6], $0x80, s3, s6, $0xb8;
	[tilespmem:$0x4080] =	vst v63  }
0x90: {  	_ =	swait.ge [sflag:s7], $0x4000  }
0x91: {  	[sflag:s7] =	ssyncset.done $0x0  }
0x92: {  	[sflag:s7] =	ssyncadd.s32 $0xFFFFC000  }
0x93: {  	[hbm4b:s14+s3] =	stream.linear.scatter [tilespmem:s6], [sflag:$0x2], $0x4000, $0x38;
	[tilespmem:$0x4080] =	vst v63  }
0x94: {  	_ =	swait.ge [sflag:s4], $0x4000  }
0x95: {  	[sflag:s4] =	ssyncset.done $0x0  }
0x96: {  	[sflag:s4] =	ssyncadd.s32 $0xFFFFC000  }
0x97: {  	[tilespmem:s3], [sflag:$0x2] =	stream.linear.gather [hbm4b:s15+s3], $0x80, $0x38;
	[tilespmem:$0x4080] =	vst v63  }
0x98: {  	_ =	swait.ge [sflag:s4], $0x80  }
0x99: {  	[sflag:s4] =	ssyncset.done $0x0  }
0x9a: {  	[sflag:s4] =	ssyncadd.s32 $0xFFFFFF80  }
0x9b: {  	[tilespmem:s6], [sflag:$0x1] =	stream.indirect.gather [hbm4b:s1+s6], $0x80, s3, s6, $0xb8;
	[tilespmem:$0x4080] =	vst v63  }
0x9c: {  	_ =	swait.ge [sflag:s7], $0x4000  }
0x9d: {  	[sflag:s7] =	ssyncset.done $0x0  }
0x9e: {  	[sflag:s7] =	ssyncadd.s32 $0xFFFFC000  }
0x9f: {  	[hbm4b:s16+s3] =	stream.linear.scatter [tilespmem:s6], [sflag:$0x2], $0x4000, $0x38;
	[tilespmem:$0x4080] =	vst v63  }
0xa0: {  	_ =	swait.ge [sflag:s4], $0x4000  }
0xa1: {  	[sflag:s4] =	ssyncset.done $0x0  }
0xa2: {  	[sflag:s4] =	ssyncadd.s32 $0xFFFFC000  }
0xa3: {  	[tilespmem:s3], [sflag:$0x2] =	stream.linear.gather [hbm4b:s17+s3], $0x80, $0x38;
	[tilespmem:$0x4080] =	vst v63  }
0xa4: {  	_ =	swait.ge [sflag:s4], $0x80  }
0xa5: {  	[sflag:s4] =	ssyncset.done $0x0  }
0xa6: {  	[sflag:s4] =	ssyncadd.s32 $0xFFFFFF80  }
0xa7: {  	[tilespmem:s6], [sflag:$0x1] =	stream.indirect.gather [hbm4b:s1+s6], $0x80, s3, s6, $0xb8;
	[tilespmem:$0x4080] =	vst v63  }
0xa8: {  	_ =	swait.ge [sflag:s7], $0x4000  }
0xa9: {  	[sflag:s7] =	ssyncset.done $0x0  }
0xaa: {  	[sflag:s7] =	ssyncadd.s32 $0xFFFFC000  }
0xab: {  	[hbm4b:s18+s3] =	stream.linear.scatter [tilespmem:s6], [sflag:$0x2], $0x4000, $0x38;
	[tilespmem:$0x4080] =	vst v63  }
0xac: {  	_ =	swait.ge [sflag:s4], $0x4000  }
0xad: {  	[sflag:s4] =	ssyncset.done $0x0  }
0xae: {  	[sflag:s4] =	ssyncadd.s32 $0xFFFFC000  }
0xaf: {  	[tilespmem:s3], [sflag:$0x2] =	stream.linear.gather [hbm4b:s19+s3], $0x80, $0x38;
	[tilespmem:$0x4080] =	vst v63  }
0xb0: {  	_ =	swait.ge [sflag:s4], $0x80  }
0xb1: {  	[sflag:s4] =	ssyncset.done $0x0  }
0xb2: {  	[sflag:s4] =	ssyncadd.s32 $0xFFFFFF80  }
0xb3: {  	[tilespmem:s6], [sflag:$0x1] =	stream.indirect.gather [hbm4b:s1+s6], $0x80, s3, s6, $0xb8;
	[tilespmem:$0x4080] =	vst v63  }
0xb4: {  	_ =	swait.ge [sflag:s7], $0x4000  }
0xb5: {  	[sflag:s7] =	ssyncset.done $0x0  }
0xb6: {  	[sflag:s7] =	ssyncadd.s32 $0xFFFFC000  }
0xb7: {  	[hbm4b:s20+s3] =	stream.linear.scatter [tilespmem:s6], [sflag:$0x2], $0x4000, $0x38;
	[tilespmem:$0x4080] =	vst v63  }
0xb8: {  	_ =	swait.ge [sflag:s4], $0x4000  }
0xb9: {  	[sflag:s4] =	ssyncset.done $0x0  }
0xba: {  	[sflag:s4] =	ssyncadd.s32 $0xFFFFC000  }
0xbb: {  	[tilespmem:s3], [sflag:$0x2] =	stream.linear.gather [hbm4b:s21+s3], $0x80, $0x38;
	[tilespmem:$0x4080] =	vst v63  }
0xbc: {  	_ =	swait.ge [sflag:s4], $0x80  }
0xbd: {  	[sflag:s4] =	ssyncset.done $0x0  }
0xbe: {  	[sflag:s4] =	ssyncadd.s32 $0xFFFFFF80  }
0xbf: {  	[tilespmem:s6], [sflag:$0x1] =	stream.indirect.gather [hbm4b:s1+s6], $0x80, s3, s6, $0xb8;
	[tilespmem:$0x4080] =	vst v63  }
0xc0: {  	_ =	swait.ge [sflag:s7], $0x4000  }
.Ltmp1:
0xc1: {  	[sflag:s7] =	ssyncset.done $0x0;
	(pc) =	sbr.rel @p0 .LBB2_1-.Ltmp1, $4  }
0xc2: {  	[sflag:s7] =	ssyncadd.s32 $0xFFFFC000  }
0xc3: {  	[hbm4b:s22+s3] =	stream.linear.scatter [tilespmem:s6], [sflag:$0x2], $0x4000, $0x38;
	[tilespmem:$0x4080] =	vst v63  }
0xc4: {  	_ =	swait.ge [sflag:s4], $0x4000  }
0xc5: {  	[sflag:s4] =	ssyncset.done $0x0  }
.LBB2_2:
0xc6: {  	[sflag:s4] =	ssyncadd.s32 $0xFFFFC000  }
0xc7: {  	_ =	sfence.sel $0x180000  }
0xc8: {  	[bflag:$0x0] =	sbarrier.arrive $0xFFFF  }
0xc9: {  	p0 =	sne.s32 s0, $0x0;
	_ =	strace $0x90000047  }
0xca: {  	s0 =	sadd.s32 @!p0 $0x100000, s2;
	[bflag:$0x2] =	sbarrier.arrive $0xFFFF  }
0xcb: {  	[sflag:s0] =	ssyncadd.tile.s32 @!p0 $0x1;
	_ =	shalt  }
.Lfunc_end2:
_tile_overlayer_lowered:
.L_overlay_start_2:
0xcc: {  	(tag) =	ssettag $0x2  }
0xcd: {  	s0 =	rddreg [dreg:$0x0];
	s2 =	stileid.u32  }
0xce: {  	s1 =	rddreg [dreg:$0x1];
	p0 =	sne.s32 s2, $0x0  }
0xcf: {  	s3 =	rddreg [dreg:$0x2];
	[bflag:$0x3] =	sbarrier.arrive $0xFFFF;
	s2 =	simm.s32 @!p0 $0x1C02  }
0xd0: {  	[timem:s3], [sflag:s2] =	dma.local @!p0 [hbm:s0], s1  }
0xd1: {  	s0 =	simm.s32 @!p0 $0x2  }
0xd2: {  	_ =	swait.ge @!p0 [sflag:s0], s1  }
0xd3: {  	s1 =	ssub.s32 @!p0 $0x0, s1;
	[sflag:s0] =	ssyncset.done @!p0 $0x0  }
0xd4: {  	[sflag:s0] =	ssyncadd.s32 @!p0 s1  }
0xd5: {  	[bflag:$0x3] =	sbarrier.arrive $0xFFFF  }
0xd6: {  	_ =	shalt  }

</sc_bundles>
